<compile_context>
chip_gen: v7x
topology: tpu7x:2x2x1
jax: 0.10.2.dev20260603
libtpu: 0.0.44.dev20260713+nightly
codegen_flags: <defaults>
</compile_context>

<pallas_src>
import functools

import jax
import jax.numpy as jnp
from jax import lax
from jax.experimental import pallas as pl
from jax.experimental.pallas import tpu as pltpu
from jax.experimental.pallas import tpu_sc as plsc

CHUNK = 128
NBUF = 8
H = 2


@functools.lru_cache(maxsize=None)
def _build_gather(nchunks: int, nrows: int, d: int):
    info = plsc.get_sparse_core_info()
    nc, ns = info.num_cores, info.num_subcores
    nw = nc * ns
    assert nchunks % (nw * NBUF) == 0
    cpw = nchunks // nw
    ngrp = cpw // NBUF

    mesh = plsc.VectorSubcoreMesh(core_axis_name="c", subcore_axis_name="s")

    @functools.partial(
        pl.kernel,
        mesh=mesh,
        compiler_params=pltpu.CompilerParams(use_tc_tiling_on_sc=False),
        out_type=jax.ShapeDtypeStruct((nchunks * CHUNK, d), jnp.float32),
        scratch_types=[
            pltpu.VMEM((cpw, CHUNK), jnp.int32),
            pltpu.VMEM((NBUF, CHUNK, d), jnp.float32),
        ]
        + [pltpu.SemaphoreType.DMA] * NBUF
        + [pltpu.SemaphoreType.DMA] * NBUF,
    )
    def emb(idx_hbm, table_hbm, out_hbm, idx_v, rows_v, *sems):
        gsem, osem = sems[:NBUF], sems[NBUF:]
        wid = lax.axis_index("s") * nc + lax.axis_index("c")
        base = wid * cpw

        def gather(c, b):
            return pltpu.make_async_copy(
                table_hbm.at[idx_v.at[c]], rows_v.at[b], gsem[b])

        def out_copy(s, b):
            return pltpu.make_async_copy(
                rows_v.at[b], out_hbm.at[pl.ds((base + s) * CHUNK, CHUNK)],
                osem[b])

        pltpu.sync_copy(idx_hbm.at[pl.ds(base, cpw)], idx_v)

        def dbl(c, carry):
            for j in range(CHUNK // 16):
                v = idx_v[c, pl.ds(j * 16, 16)]
                idx_v[c, pl.ds(j * 16, 16)] = v + v
            return carry

        lax.fori_loop(0, cpw, dbl, 0)
        for c in range(NBUF - H):
            gather(c, c).start()

        def group(g, first, last):
            for b in range(NBUF):
                s = g * NBUF + b
                gather(s, b).wait()
                out_copy(s, b).start()
                if not (last and b >= H):
                    br = (b - H) % NBUF
                    if not (first and b < H):
                        out_copy(s - H, br).wait()
                    gather(s + NBUF - H, br).start()

        group(0, True, False)
        lax.fori_loop(
            1, ngrp - 1,
            lambda g, carry: (group(g, False, False), carry)[1], 0)
        group(ngrp - 1, False, True)
        for b in range(NBUF):
            out_copy((ngrp - 1) * NBUF + b, b).wait()

    return emb


def _tc_transpose(g2, batch, hist, d):
    tpr = 128 // d
    qn = hist // tpr
    bblk = 512
    nblk = batch // bblk

    def body(in_ref, out_ref):
        v = in_ref[...]
        vv = v.reshape(bblk, qn, 128)
        for q in range(qn):
            out_ref[pl.ds(q * 128, 128), :] = jnp.transpose(vv[:, q, :])

    return pl.pallas_call(
        body,
        grid=(nblk,),
        in_specs=[pl.BlockSpec((bblk * qn, 128), lambda i: (i, 0))],
        out_specs=pl.BlockSpec((hist * d, bblk), lambda i: (0, i)),
        out_shape=jax.ShapeDtypeStruct((hist * d, batch), jnp.float32),
    )(g2)


def kernel(x, rev_x, table):
    batch, hist = x.shape
    ncodes, d = table.shape
    n = batch * hist
    assert n % CHUNK == 0

    tabp = jnp.pad(table, ((0, 0), (0, 128 - d)))
    tab2 = tabp.reshape(2 * ncodes, d)

    xf = x.astype(jnp.int32).reshape(n // CHUNK, CHUNK)
    rf = rev_x.astype(jnp.int32).reshape(n // CHUNK, CHUNK)
    xf, rf = jax.lax.optimization_barrier((xf, rf))

    gfn = _build_gather(n // CHUNK, 2 * ncodes, d)
    outs = []
    for idx in (xf, rf):
        g = gfn(idx, tab2)
        g2 = g.reshape(n * d // 128, 128)
        p2 = _tc_transpose(g2, batch, hist, d)
        outs.append(p2.reshape(hist, d, batch).transpose(2, 0, 1))
    return outs[0], outs[1]

# --- scband reference (transcript-rebuilt; emitter-appended) ---
"""Pipeline reference for scband-cemb-embed-10711648436598 (READ-ONLY COPY).

The authoritative reference and input builder live on the scoring server;
editing this copy changes nothing except your own understanding.
"""

import jax, jax.numpy as jnp
import numpy as np

NUM_CODES = 1000000
EMB_DIM = 64
BATCH = 16384
HIST = 50

def setup_inputs(seed: int = 0) -> dict:
    key = jax.random.key(seed)
    k1, k2, k3 = jax.random.split(key, 3)
    x = jax.random.randint(k1, (BATCH, HIST), 0, NUM_CODES, dtype=jnp.int64 if jax.config.jax_enable_x64 else jnp.int32)
    rev_x = jax.random.randint(k2, (BATCH, HIST), 0, NUM_CODES, dtype=jnp.int64 if jax.config.jax_enable_x64 else jnp.int32)
    # Embedding table (learned parameter), initialized like nn.Embedding (N(0,1))
    table = jax.random.normal(k3, (NUM_CODES, EMB_DIM), dtype=jnp.float32)
    return {"x": x, "rev_x": rev_x, "table": table}

def reference(x, rev_x, table):
    # CembEmbed.forward: returns (embedding(x), embedding(rev_x))
    emb_x = jnp.take(table, x, axis=0)
    emb_rev = jnp.take(table, rev_x, axis=0)
    return (emb_x, emb_rev)

if __name__ == "__main__":
    import jax
    _d = setup_inputs()
    print(jax.jit(kernel)(*tuple(_d.values())))

</pallas_src>

<mosaic_0001>
#map = affine_map<(d0, d1) -> (0, 0)>
module attributes {stable_mosaic.version = 14 : i64} {
  func.func @emb(%arg0: i32, %arg1: i32, %arg2: memref<6400x128xi32, #tpu.memory_space<hbm>>, %arg3: memref<2000000x64xf32, #tpu.memory_space<hbm>>, %arg4: memref<819200x64xf32, #tpu.memory_space<hbm>>, %arg5: memref<200x128xi32, #tpu.memory_space<vmem>>, %arg6: memref<8x128x64xf32, #tpu.memory_space<vmem>>, %arg7: memref<!tpu.dma_semaphore, #tpu.memory_space<semaphore_mem>>, %arg8: memref<!tpu.dma_semaphore, #tpu.memory_space<semaphore_mem>>, %arg9: memref<!tpu.dma_semaphore, #tpu.memory_space<semaphore_mem>>, %arg10: memref<!tpu.dma_semaphore, #tpu.memory_space<semaphore_mem>>, %arg11: memref<!tpu.dma_semaphore, #tpu.memory_space<semaphore_mem>>, %arg12: memref<!tpu.dma_semaphore, #tpu.memory_space<semaphore_mem>>, %arg13: memref<!tpu.dma_semaphore, #tpu.memory_space<semaphore_mem>>, %arg14: memref<!tpu.dma_semaphore, #tpu.memory_space<semaphore_mem>>, %arg15: memref<!tpu.dma_semaphore, #tpu.memory_space<semaphore_mem>>, %arg16: memref<!tpu.dma_semaphore, #tpu.memory_space<semaphore_mem>>, %arg17: memref<!tpu.dma_semaphore, #tpu.memory_space<semaphore_mem>>, %arg18: memref<!tpu.dma_semaphore, #tpu.memory_space<semaphore_mem>>, %arg19: memref<!tpu.dma_semaphore, #tpu.memory_space<semaphore_mem>>, %arg20: memref<!tpu.dma_semaphore, #tpu.memory_space<semaphore_mem>>, %arg21: memref<!tpu.dma_semaphore, #tpu.memory_space<semaphore_mem>>, %arg22: memref<!tpu.dma_semaphore, #tpu.memory_space<semaphore_mem>>) attributes {dimension_semantics = [#tpu.dimension_semantics<core_parallel>, #tpu.dimension_semantics<subcore_parallel>], iteration_bounds = array<i64: 2, 16>, scalar_prefetch = 0 : i64, scratch_operands = 18 : i64, tpu.core_type = #tpu.core_type<sc_vector_subcore>, window_params = [{transform_indices = #map}, {transform_indices = #map}, {transform_indices = #map}]} {
    %mul3A = arith.constant 2 : i32
    %mul3A_0 = arith.muli %arg1, %mul3A : i32
    %add3A = arith.addi %mul3A_0, %arg0 : i32
    %mul3A_1 = arith.constant 200 : i32
    %mul3A_2 = arith.muli %add3A, %mul3A_1 : i32
    "tpu.region"() ({
      %run_scoped3A = tpu.sem_alloc : memref<!tpu.dma_semaphore, #tpu.memory_space<semaphore_mem>>
      %dma_start3A_940 = arith.constant 0 : i32
      %dma_start3A_941 = tpu.memref_slice %arg2[%mul3A_2, %dma_start3A_940] : memref<6400x128xi32, #tpu.memory_space<hbm>> -> memref<200x128xi32, #tpu.memory_space<hbm>>
      %dma_start3A_942 = arith.constant 0 : i32
      %dma_start3A_943 = tpu.memref_slice %arg2[%mul3A_2, %dma_start3A_942] : memref<6400x128xi32, #tpu.memory_space<hbm>> -> memref<200x128xi32, #tpu.memory_space<hbm>>
      tpu.enqueue_dma source(%dma_start3A_943 : memref<200x128xi32, #tpu.memory_space<hbm>>) target(%arg5 : memref<200x128xi32, #tpu.memory_space<vmem>>) target_semaphore(%run_scoped3A : memref<!tpu.dma_semaphore, #tpu.memory_space<semaphore_mem>>)
      %dma_wait3A_944 = arith.constant 0 : i32
      %dma_wait3A_945 = tpu.memref_slice %arg2[%mul3A_2, %dma_wait3A_944] : memref<6400x128xi32, #tpu.memory_space<hbm>> -> memref<200x128xi32, #tpu.memory_space<hbm>>
      %dma_wait3A_946 = arith.constant 0 : i32
      %dma_wait3A_947 = tpu.memref_slice %arg2[%mul3A_2, %dma_wait3A_946] : memref<6400x128xi32, #tpu.memory_space<hbm>> -> memref<200x128xi32, #tpu.memory_space<hbm>>
      tpu.wait_dma2 semaphore(%run_scoped3A : memref<!tpu.dma_semaphore, #tpu.memory_space<semaphore_mem>>) src(%dma_wait3A_947 : memref<200x128xi32, #tpu.memory_space<hbm>>) dst(%arg5 : memref<200x128xi32, #tpu.memory_space<vmem>>)
      tpu.yield
    }) : () -> ()
    %scan3A = arith.constant 0 : i32
    %scan3A_3 = arith.constant 0 : i32
    %scan3A_4 = arith.constant 200 : i32
    %scan3A_5 = arith.addi %scan3A_3, %scan3A_4 : i32
    %scan3A_6 = arith.constant 1 : i32
    scf.for %scan3A_940 = %scan3A_3 to %scan3A_5 step %scan3A_6  : i32 {
      %get3A = arith.index_cast %scan3A_940 : i32 to index
      %get3A_941 = arith.constant 0 : index
      %get3A_942 = tpu.vector_load %arg5[%get3A, %get3A_941] {strides = array<i32>} : memref<200x128xi32, #tpu.memory_space<vmem>>, vector<1x16xi32>,
      %get3A_943 = vector.shape_cast %get3A_942 : vector<1x16xi32> to vector<16xi32>
      %add3A_944 = arith.addi %get3A_943, %get3A_943 : vector<16xi32>
      %swap3A = arith.index_cast %scan3A_940 : i32 to index
      %swap3A_945 = arith.constant 0 : index
      %swap3A_946 = tpu.vector_load %arg5[%swap3A, %swap3A_945] {strides = array<i32>} : memref<200x128xi32, #tpu.memory_space<vmem>>, vector<1x16xi32>,
      %swap3A_947 = vector.shape_cast %swap3A_946 : vector<1x16xi32> to vector<16xi32>
      %swap3A_948 = vector.shape_cast %add3A_944 : vector<16xi32> to vector<1x16xi32>
      tpu.vector_store %arg5[%swap3A, %swap3A_945], %swap3A_948 {strides = array<i32>} : memref<200x128xi32, #tpu.memory_space<vmem>>, vector<1x16xi32>,
      %get3A_949 = arith.index_cast %scan3A_940 : i32 to index
      %get3A_950 = arith.constant 16 : index
      %get3A_951 = tpu.vector_load %arg5[%get3A_949, %get3A_950] {strides = array<i32>} : memref<200x128xi32, #tpu.memory_space<vmem>>, vector<1x16xi32>,
      %get3A_952 = vector.shape_cast %get3A_951 : vector<1x16xi32> to vector<16xi32>
      %add3A_953 = arith.addi %get3A_952, %get3A_952 : vector<16xi32>
      %swap3A_954 = arith.index_cast %scan3A_940 : i32 to index
      %swap3A_955 = arith.constant 16 : index
      %swap3A_956 = tpu.vector_load %arg5[%swap3A_954, %swap3A_955] {strides = array<i32>} : memref<200x128xi32, #tpu.memory_space<vmem>>, vector<1x16xi32>,
      %swap3A_957 = vector.shape_cast %swap3A_956 : vector<1x16xi32> to vector<16xi32>
      %swap3A_958 = vector.shape_cast %add3A_953 : vector<16xi32> to vector<1x16xi32>
      tpu.vector_store %arg5[%swap3A_954, %swap3A_955], %swap3A_958 {strides = array<i32>} : memref<200x128xi32, #tpu.memory_space<vmem>>, vector<1x16xi32>,
      %get3A_959 = arith.index_cast %scan3A_940 : i32 to index
      %get3A_960 = arith.constant 32 : index
      %get3A_961 = tpu.vector_load %arg5[%get3A_959, %get3A_960] {strides = array<i32>} : memref<200x128xi32, #tpu.memory_space<vmem>>, vector<1x16xi32>,
      %get3A_962 = vector.shape_cast %get3A_961 : vector<1x16xi32> to vector<16xi32>
      %add3A_963 = arith.addi %get3A_962, %get3A_962 : vector<16xi32>
      %swap3A_964 = arith.index_cast %scan3A_940 : i32 to index
      %swap3A_965 = arith.constant 32 : index
      %swap3A_966 = tpu.vector_load %arg5[%swap3A_964, %swap3A_965] {strides = array<i32>} : memref<200x128xi32, #tpu.memory_space<vmem>>, vector<1x16xi32>,
      %swap3A_967 = vector.shape_cast %swap3A_966 : vector<1x16xi32> to vector<16xi32>
      %swap3A_968 = vector.shape_cast %add3A_963 : vector<16xi32> to vector<1x16xi32>
      tpu.vector_store %arg5[%swap3A_964, %swap3A_965], %swap3A_968 {strides = array<i32>} : memref<200x128xi32, #tpu.memory_space<vmem>>, vector<1x16xi32>,
      %get3A_969 = arith.index_cast %scan3A_940 : i32 to index
      %get3A_970 = arith.constant 48 : index
      %get3A_971 = tpu.vector_load %arg5[%get3A_969, %get3A_970] {strides = array<i32>} : memref<200x128xi32, #tpu.memory_space<vmem>>, vector<1x16xi32>,
      %get3A_972 = vector.shape_cast %get3A_971 : vector<1x16xi32> to vector<16xi32>
      %add3A_973 = arith.addi %get3A_972, %get3A_972 : vector<16xi32>
      %swap3A_974 = arith.index_cast %scan3A_940 : i32 to index
      %swap3A_975 = arith.constant 48 : index
      %swap3A_976 = tpu.vector_load %arg5[%swap3A_974, %swap3A_975] {strides = array<i32>} : memref<200x128xi32, #tpu.memory_space<vmem>>, vector<1x16xi32>,
      %swap3A_977 = vector.shape_cast %swap3A_976 : vector<1x16xi32> to vector<16xi32>
      %swap3A_978 = vector.shape_cast %add3A_973 : vector<16xi32> to vector<1x16xi32>
      tpu.vector_store %arg5[%swap3A_974, %swap3A_975], %swap3A_978 {strides = array<i32>} : memref<200x128xi32, #tpu.memory_space<vmem>>, vector<1x16xi32>,
      %get3A_979 = arith.index_cast %scan3A_940 : i32 to index
      %get3A_980 = arith.constant 64 : index
      %get3A_981 = tpu.vector_load %arg5[%get3A_979, %get3A_980] {strides = array<i32>} : memref<200x128xi32, #tpu.memory_space<vmem>>, vector<1x16xi32>,
      %get3A_982 = vector.shape_cast %get3A_981 : vector<1x16xi32> to vector<16xi32>
      %add3A_983 = arith.addi %get3A_982, %get3A_982 : vector<16xi32>
      %swap3A_984 = arith.index_cast %scan3A_940 : i32 to index
      %swap3A_985 = arith.constant 64 : index
      %swap3A_986 = tpu.vector_load %arg5[%swap3A_984, %swap3A_985] {strides = array<i32>} : memref<200x128xi32, #tpu.memory_space<vmem>>, vector<1x16xi32>,
      %swap3A_987 = vector.shape_cast %swap3A_986 : vector<1x16xi32> to vector<16xi32>
      %swap3A_988 = vector.shape_cast %add3A_983 : vector<16xi32> to vector<1x16xi32>
      tpu.vector_store %arg5[%swap3A_984, %swap3A_985], %swap3A_988 {strides = array<i32>} : memref<200x128xi32, #tpu.memory_space<vmem>>, vector<1x16xi32>,
      %get3A_989 = arith.index_cast %scan3A_940 : i32 to index
      %get3A_990 = arith.constant 80 : index
      %get3A_991 = tpu.vector_load %arg5[%get3A_989, %get3A_990] {strides = array<i32>} : memref<200x128xi32, #tpu.memory_space<vmem>>, vector<1x16xi32>,
      %get3A_992 = vector.shape_cast %get3A_991 : vector<1x16xi32> to vector<16xi32>
      %add3A_993 = arith.addi %get3A_992, %get3A_992 : vector<16xi32>
      %swap3A_994 = arith.index_cast %scan3A_940 : i32 to index
      %swap3A_995 = arith.constant 80 : index
      %swap3A_996 = tpu.vector_load %arg5[%swap3A_994, %swap3A_995] {strides = array<i32>} : memref<200x128xi32, #tpu.memory_space<vmem>>, vector<1x16xi32>,
      %swap3A_997 = vector.shape_cast %swap3A_996 : vector<1x16xi32> to vector<16xi32>
      %swap3A_998 = vector.shape_cast %add3A_993 : vector<16xi32> to vector<1x16xi32>
      tpu.vector_store %arg5[%swap3A_994, %swap3A_995], %swap3A_998 {strides = array<i32>} : memref<200x128xi32, #tpu.memory_space<vmem>>, vector<1x16xi32>,
      %get3A_999 = arith.index_cast %scan3A_940 : i32 to index
      %get3A_1000 = arith.constant 96 : index
      %get3A_1001 = tpu.vector_load %arg5[%get3A_999, %get3A_1000] {strides = array<i32>} : memref<200x128xi32, #tpu.memory_space<vmem>>, vector<1x16xi32>,
      %get3A_1002 = vector.shape_cast %get3A_1001 : vector<1x16xi32> to vector<16xi32>
      %add3A_1003 = arith.addi %get3A_1002, %get3A_1002 : vector<16xi32>
      %swap3A_1004 = arith.index_cast %scan3A_940 : i32 to index
      %swap3A_1005 = arith.constant 96 : index
      %swap3A_1006 = tpu.vector_load %arg5[%swap3A_1004, %swap3A_1005] {strides = array<i32>} : memref<200x128xi32, #tpu.memory_space<vmem>>, vector<1x16xi32>,
      %swap3A_1007 = vector.shape_cast %swap3A_1006 : vector<1x16xi32> to vector<16xi32>
      %swap3A_1008 = vector.shape_cast %add3A_1003 : vector<16xi32> to vector<1x16xi32>
      tpu.vector_store %arg5[%swap3A_1004, %swap3A_1005], %swap3A_1008 {strides = array<i32>} : memref<200x128xi32, #tpu.memory_space<vmem>>, vector<1x16xi32>,
      %get3A_1009 = arith.index_cast %scan3A_940 : i32 to index
      %get3A_1010 = arith.constant 112 : index
      %get3A_1011 = tpu.vector_load %arg5[%get3A_1009, %get3A_1010] {strides = array<i32>} : memref<200x128xi32, #tpu.memory_space<vmem>>, vector<1x16xi32>,
      %get3A_1012 = vector.shape_cast %get3A_1011 : vector<1x16xi32> to vector<16xi32>
      %add3A_1013 = arith.addi %get3A_1012, %get3A_1012 : vector<16xi32>
      %swap3A_1014 = arith.index_cast %scan3A_940 : i32 to index
      %swap3A_1015 = arith.constant 112 : index
      %swap3A_1016 = tpu.vector_load %arg5[%swap3A_1014, %swap3A_1015] {strides = array<i32>} : memref<200x128xi32, #tpu.memory_space<vmem>>, vector<1x16xi32>,
      %swap3A_1017 = vector.shape_cast %swap3A_1016 : vector<1x16xi32> to vector<16xi32>
      %swap3A_1018 = vector.shape_cast %add3A_1013 : vector<16xi32> to vector<1x16xi32>
      tpu.vector_store %arg5[%swap3A_1014, %swap3A_1015], %swap3A_1018 {strides = array<i32>} : memref<200x128xi32, #tpu.memory_space<vmem>>, vector<1x16xi32>,
    }
    %scan3A_7 = arith.constant 200 : i32
    %dma_start3A = arith.constant 0 : i32
    %dma_start3A_8 = arith.constant 0 : i32
    %dma_start3A_9 = arith.constant 0 : i32
    %dma_start3A_10 = arith.constant 0 : i32
    %dma_start3A_11 = tpu.memref_slice %arg6[%dma_start3A_8, %dma_start3A_9, %dma_start3A_10] : memref<8x128x64xf32, #tpu.memory_space<vmem>> -> memref<1x128x64xf32, #tpu.memory_space<vmem>>
    %dma_start3A_12 = tpu.memref_squeeze %dma_start3A_11 : memref<1x128x64xf32, #tpu.memory_space<vmem>> -> memref<128x64xf32, #tpu.memory_space<vmem>>
    %dma_start3A_13 = arith.constant 0 : i32
    %dma_start3A_14 = tpu.memref_slice %arg5[%dma_start3A, %dma_start3A_13] : memref<200x128xi32, #tpu.memory_space<vmem>> -> memref<1x128xi32, #tpu.memory_space<vmem>>
    %dma_start3A_15 = tpu.memref_squeeze %dma_start3A_14 : memref<1x128xi32, #tpu.memory_space<vmem>> -> memref<128xi32, #tpu.memory_space<vmem>>
    %dma_start3A_16 = arith.constant 0 : i32
    %dma_start3A_17 = arith.constant 0 : i32
    %dma_start3A_18 = tpu.memref_slice %arg3[%dma_start3A_16, %dma_start3A_17] : memref<2000000x64xf32, #tpu.memory_space<hbm>> -> memref<2000000x64xf32, #tpu.memory_space<hbm>>
    tpu.enqueue_indirect_dma source(%dma_start3A_18 : memref<2000000x64xf32, #tpu.memory_space<hbm>>) target(%dma_start3A_12 : memref<128x64xf32, #tpu.memory_space<vmem>>) offsets(%dma_start3A_15 : memref<128xi32, #tpu.memory_space<vmem>>) semaphore(%arg7 : memref<!tpu.dma_semaphore, #tpu.memory_space<semaphore_mem>>)
    %dma_start3A_19 = arith.constant 1 : i32
    %dma_start3A_20 = arith.constant 1 : i32
    %dma_start3A_21 = arith.constant 0 : i32
    %dma_start3A_22 = arith.constant 0 : i32
    %dma_start3A_23 = tpu.memref_slice %arg6[%dma_start3A_20, %dma_start3A_21, %dma_start3A_22] : memref<8x128x64xf32, #tpu.memory_space<vmem>> -> memref<1x128x64xf32, #tpu.memory_space<vmem>>
    %dma_start3A_24 = tpu.memref_squeeze %dma_start3A_23 : memref<1x128x64xf32, #tpu.memory_space<vmem>> -> memref<128x64xf32, #tpu.memory_space<vmem>>
    %dma_start3A_25 = arith.constant 0 : i32
    %dma_start3A_26 = tpu.memref_slice %arg5[%dma_start3A_19, %dma_start3A_25] : memref<200x128xi32, #tpu.memory_space<vmem>> -> memref<1x128xi32, #tpu.memory_space<vmem>>
    %dma_start3A_27 = tpu.memref_squeeze %dma_start3A_26 : memref<1x128xi32, #tpu.memory_space<vmem>> -> memref<128xi32, #tpu.memory_space<vmem>>
    %dma_start3A_28 = arith.constant 0 : i32
    %dma_start3A_29 = arith.constant 0 : i32
    %dma_start3A_30 = tpu.memref_slice %arg3[%dma_start3A_28, %dma_start3A_29] : memref<2000000x64xf32, #tpu.memory_space<hbm>> -> memref<2000000x64xf32, #tpu.memory_space<hbm>>
    tpu.enqueue_indirect_dma source(%dma_start3A_30 : memref<2000000x64xf32, #tpu.memory_space<hbm>>) target(%dma_start3A_24 : memref<128x64xf32, #tpu.memory_space<vmem>>) offsets(%dma_start3A_27 : memref<128xi32, #tpu.memory_space<vmem>>) semaphore(%arg8 : memref<!tpu.dma_semaphore, #tpu.memory_space<semaphore_mem>>)
    %dma_start3A_31 = arith.constant 2 : i32
    %dma_start3A_32 = arith.constant 2 : i32
    %dma_start3A_33 = arith.constant 0 : i32
    %dma_start3A_34 = arith.constant 0 : i32
    %dma_start3A_35 = tpu.memref_slice %arg6[%dma_start3A_32, %dma_start3A_33, %dma_start3A_34] : memref<8x128x64xf32, #tpu.memory_space<vmem>> -> memref<1x128x64xf32, #tpu.memory_space<vmem>>
    %dma_start3A_36 = tpu.memref_squeeze %dma_start3A_35 : memref<1x128x64xf32, #tpu.memory_space<vmem>> -> memref<128x64xf32, #tpu.memory_space<vmem>>
    %dma_start3A_37 = arith.constant 0 : i32
    %dma_start3A_38 = tpu.memref_slice %arg5[%dma_start3A_31, %dma_start3A_37] : memref<200x128xi32, #tpu.memory_space<vmem>> -> memref<1x128xi32, #tpu.memory_space<vmem>>
    %dma_start3A_39 = tpu.memref_squeeze %dma_start3A_38 : memref<1x128xi32, #tpu.memory_space<vmem>> -> memref<128xi32, #tpu.memory_space<vmem>>
    %dma_start3A_40 = arith.constant 0 : i32
    %dma_start3A_41 = arith.constant 0 : i32
    %dma_start3A_42 = tpu.memref_slice %arg3[%dma_start3A_40, %dma_start3A_41] : memref<2000000x64xf32, #tpu.memory_space<hbm>> -> memref<2000000x64xf32, #tpu.memory_space<hbm>>
    tpu.enqueue_indirect_dma source(%dma_start3A_42 : memref<2000000x64xf32, #tpu.memory_space<hbm>>) target(%dma_start3A_36 : memref<128x64xf32, #tpu.memory_space<vmem>>) offsets(%dma_start3A_39 : memref<128xi32, #tpu.memory_space<vmem>>) semaphore(%arg9 : memref<!tpu.dma_semaphore, #tpu.memory_space<semaphore_mem>>)
    %dma_start3A_43 = arith.constant 3 : i32
    %dma_start3A_44 = arith.constant 3 : i32
    %dma_start3A_45 = arith.constant 0 : i32
    %dma_start3A_46 = arith.constant 0 : i32
    %dma_start3A_47 = tpu.memref_slice %arg6[%dma_start3A_44, %dma_start3A_45, %dma_start3A_46] : memref<8x128x64xf32, #tpu.memory_space<vmem>> -> memref<1x128x64xf32, #tpu.memory_space<vmem>>
    %dma_start3A_48 = tpu.memref_squeeze %dma_start3A_47 : memref<1x128x64xf32, #tpu.memory_space<vmem>> -> memref<128x64xf32, #tpu.memory_space<vmem>>
    %dma_start3A_49 = arith.constant 0 : i32
    %dma_start3A_50 = tpu.memref_slice %arg5[%dma_start3A_43, %dma_start3A_49] : memref<200x128xi32, #tpu.memory_space<vmem>> -> memref<1x128xi32, #tpu.memory_space<vmem>>
    %dma_start3A_51 = tpu.memref_squeeze %dma_start3A_50 : memref<1x128xi32, #tpu.memory_space<vmem>> -> memref<128xi32, #tpu.memory_space<vmem>>
    %dma_start3A_52 = arith.constant 0 : i32
    %dma_start3A_53 = arith.constant 0 : i32
    %dma_start3A_54 = tpu.memref_slice %arg3[%dma_start3A_52, %dma_start3A_53] : memref<2000000x64xf32, #tpu.memory_space<hbm>> -> memref<2000000x64xf32, #tpu.memory_space<hbm>>
    tpu.enqueue_indirect_dma source(%dma_start3A_54 : memref<2000000x64xf32, #tpu.memory_space<hbm>>) target(%dma_start3A_48 : memref<128x64xf32, #tpu.memory_space<vmem>>) offsets(%dma_start3A_51 : memref<128xi32, #tpu.memory_space<vmem>>) semaphore(%arg10 : memref<!tpu.dma_semaphore, #tpu.memory_space<semaphore_mem>>)
    %dma_start3A_55 = arith.constant 4 : i32
    %dma_start3A_56 = arith.constant 4 : i32
    %dma_start3A_57 = arith.constant 0 : i32
    %dma_start3A_58 = arith.constant 0 : i32
    %dma_start3A_59 = tpu.memref_slice %arg6[%dma_start3A_56, %dma_start3A_57, %dma_start3A_58] : memref<8x128x64xf32, #tpu.memory_space<vmem>> -> memref<1x128x64xf32, #tpu.memory_space<vmem>>
    %dma_start3A_60 = tpu.memref_squeeze %dma_start3A_59 : memref<1x128x64xf32, #tpu.memory_space<vmem>> -> memref<128x64xf32, #tpu.memory_space<vmem>>
    %dma_start3A_61 = arith.constant 0 : i32
    %dma_start3A_62 = tpu.memref_slice %arg5[%dma_start3A_55, %dma_start3A_61] : memref<200x128xi32, #tpu.memory_space<vmem>> -> memref<1x128xi32, #tpu.memory_space<vmem>>
    %dma_start3A_63 = tpu.memref_squeeze %dma_start3A_62 : memref<1x128xi32, #tpu.memory_space<vmem>> -> memref<128xi32, #tpu.memory_space<vmem>>
    %dma_start3A_64 = arith.constant 0 : i32
    %dma_start3A_65 = arith.constant 0 : i32
    %dma_start3A_66 = tpu.memref_slice %arg3[%dma_start3A_64, %dma_start3A_65] : memref<2000000x64xf32, #tpu.memory_space<hbm>> -> memref<2000000x64xf32, #tpu.memory_space<hbm>>
    tpu.enqueue_indirect_dma source(%dma_start3A_66 : memref<2000000x64xf32, #tpu.memory_space<hbm>>) target(%dma_start3A_60 : memref<128x64xf32, #tpu.memory_space<vmem>>) offsets(%dma_start3A_63 : memref<128xi32, #tpu.memory_space<vmem>>) semaphore(%arg11 : memref<!tpu.dma_semaphore, #tpu.memory_space<semaphore_mem>>)
    %dma_start3A_67 = arith.constant 5 : i32
    %dma_start3A_68 = arith.constant 5 : i32
    %dma_start3A_69 = arith.constant 0 : i32
    %dma_start3A_70 = arith.constant 0 : i32
    %dma_start3A_71 = tpu.memref_slice %arg6[%dma_start3A_68, %dma_start3A_69, %dma_start3A_70] : memref<8x128x64xf32, #tpu.memory_space<vmem>> -> memref<1x128x64xf32, #tpu.memory_space<vmem>>
    %dma_start3A_72 = tpu.memref_squeeze %dma_start3A_71 : memref<1x128x64xf32, #tpu.memory_space<vmem>> -> memref<128x64xf32, #tpu.memory_space<vmem>>
    %dma_start3A_73 = arith.constant 0 : i32
    %dma_start3A_74 = tpu.memref_slice %arg5[%dma_start3A_67, %dma_start3A_73] : memref<200x128xi32, #tpu.memory_space<vmem>> -> memref<1x128xi32, #tpu.memory_space<vmem>>
    %dma_start3A_75 = tpu.memref_squeeze %dma_start3A_74 : memref<1x128xi32, #tpu.memory_space<vmem>> -> memref<128xi32, #tpu.memory_space<vmem>>
    %dma_start3A_76 = arith.constant 0 : i32
    %dma_start3A_77 = arith.constant 0 : i32
    %dma_start3A_78 = tpu.memref_slice %arg3[%dma_start3A_76, %dma_start3A_77] : memref<2000000x64xf32, #tpu.memory_space<hbm>> -> memref<2000000x64xf32, #tpu.memory_space<hbm>>
    tpu.enqueue_indirect_dma source(%dma_start3A_78 : memref<2000000x64xf32, #tpu.memory_space<hbm>>) target(%dma_start3A_72 : memref<128x64xf32, #tpu.memory_space<vmem>>) offsets(%dma_start3A_75 : memref<128xi32, #tpu.memory_space<vmem>>) semaphore(%arg12 : memref<!tpu.dma_semaphore, #tpu.memory_space<semaphore_mem>>)
    %dma_wait3A = arith.constant 0 : i32
    %dma_wait3A_79 = arith.constant 0 : i32
    %dma_wait3A_80 = arith.constant 0 : i32
    %dma_wait3A_81 = arith.constant 0 : i32
    %dma_wait3A_82 = tpu.memref_slice %arg6[%dma_wait3A_79, %dma_wait3A_80, %dma_wait3A_81] : memref<8x128x64xf32, #tpu.memory_space<vmem>> -> memref<1x128x64xf32, #tpu.memory_space<vmem>>
    %dma_wait3A_83 = tpu.memref_squeeze %dma_wait3A_82 : memref<1x128x64xf32, #tpu.memory_space<vmem>> -> memref<128x64xf32, #tpu.memory_space<vmem>>
    %dma_wait3A_84 = arith.constant 0 : i32
    %dma_wait3A_85 = tpu.memref_slice %arg5[%dma_wait3A, %dma_wait3A_84] : memref<200x128xi32, #tpu.memory_space<vmem>> -> memref<1x128xi32, #tpu.memory_space<vmem>>
    %dma_wait3A_86 = tpu.memref_squeeze %dma_wait3A_85 : memref<1x128xi32, #tpu.memory_space<vmem>> -> memref<128xi32, #tpu.memory_space<vmem>>
    %dma_wait3A_87 = arith.constant 0 : i32
    %dma_wait3A_88 = arith.constant 0 : i32
    %dma_wait3A_89 = tpu.memref_slice %arg3[%dma_wait3A_87, %dma_wait3A_88] : memref<2000000x64xf32, #tpu.memory_space<hbm>> -> memref<2000000x64xf32, #tpu.memory_space<hbm>>
    tpu.wait_indirect_dma semaphore(%arg7 : memref<!tpu.dma_semaphore, #tpu.memory_space<semaphore_mem>>) src(%dma_wait3A_89 : memref<2000000x64xf32, #tpu.memory_space<hbm>>) dst(%dma_wait3A_83 : memref<128x64xf32, #tpu.memory_space<vmem>>)
    %add3A_90 = arith.constant 0 : i32
    %add3A_91 = arith.addi %mul3A_2, %add3A_90 : i32
    %mul3A_92 = arith.constant 128 : i32
    %mul3A_93 = arith.muli %add3A_91, %mul3A_92 : i32
    %dma_start3A_94 = arith.constant 0 : i32
    %dma_start3A_95 = arith.constant 0 : i32
    %dma_start3A_96 = arith.constant 0 : i32
    %dma_start3A_97 = tpu.memref_slice %arg6[%dma_start3A_94, %dma_start3A_95, %dma_start3A_96] : memref<8x128x64xf32, #tpu.memory_space<vmem>> -> memref<1x128x64xf32, #tpu.memory_space<vmem>>
    %dma_start3A_98 = tpu.memref_squeeze %dma_start3A_97 : memref<1x128x64xf32, #tpu.memory_space<vmem>> -> memref<128x64xf32, #tpu.memory_space<vmem>>
    %dma_start3A_99 = arith.constant 0 : i32
    %dma_start3A_100 = tpu.memref_slice %arg4[%mul3A_93, %dma_start3A_99] : memref<819200x64xf32, #tpu.memory_space<hbm>> -> memref<128x64xf32, #tpu.memory_space<hbm>>
    %dma_start3A_101 = arith.constant 0 : i32
    %dma_start3A_102 = tpu.memref_slice %arg4[%mul3A_93, %dma_start3A_101] : memref<819200x64xf32, #tpu.memory_space<hbm>> -> memref<128x64xf32, #tpu.memory_space<hbm>>
    %dma_start3A_103 = arith.constant 0 : i32
    %dma_start3A_104 = arith.constant 0 : i32
    %dma_start3A_105 = tpu.memref_slice %arg6[%dma_start3A_94, %dma_start3A_103, %dma_start3A_104] : memref<8x128x64xf32, #tpu.memory_space<vmem>> -> memref<1x128x64xf32, #tpu.memory_space<vmem>>
    %dma_start3A_106 = tpu.memref_squeeze %dma_start3A_105 : memref<1x128x64xf32, #tpu.memory_space<vmem>> -> memref<128x64xf32, #tpu.memory_space<vmem>>
    tpu.enqueue_dma source(%dma_start3A_106 : memref<128x64xf32, #tpu.memory_space<vmem>>) target(%dma_start3A_102 : memref<128x64xf32, #tpu.memory_space<hbm>>) target_semaphore(%arg15 : memref<!tpu.dma_semaphore, #tpu.memory_space<semaphore_mem>>)
    %dma_start3A_107 = arith.constant 6 : i32
    %dma_start3A_108 = arith.constant 6 : i32
    %dma_start3A_109 = arith.constant 0 : i32
    %dma_start3A_110 = arith.constant 0 : i32
    %dma_start3A_111 = tpu.memref_slice %arg6[%dma_start3A_108, %dma_start3A_109, %dma_start3A_110] : memref<8x128x64xf32, #tpu.memory_space<vmem>> -> memref<1x128x64xf32, #tpu.memory_space<vmem>>
    %dma_start3A_112 = tpu.memref_squeeze %dma_start3A_111 : memref<1x128x64xf32, #tpu.memory_space<vmem>> -> memref<128x64xf32, #tpu.memory_space<vmem>>
    %dma_start3A_113 = arith.constant 0 : i32
    %dma_start3A_114 = tpu.memref_slice %arg5[%dma_start3A_107, %dma_start3A_113] : memref<200x128xi32, #tpu.memory_space<vmem>> -> memref<1x128xi32, #tpu.memory_space<vmem>>
    %dma_start3A_115 = tpu.memref_squeeze %dma_start3A_114 : memref<1x128xi32, #tpu.memory_space<vmem>> -> memref<128xi32, #tpu.memory_space<vmem>>
    %dma_start3A_116 = arith.constant 0 : i32
    %dma_start3A_117 = arith.constant 0 : i32
    %dma_start3A_118 = tpu.memref_slice %arg3[%dma_start3A_116, %dma_start3A_117] : memref<2000000x64xf32, #tpu.memory_space<hbm>> -> memref<2000000x64xf32, #tpu.memory_space<hbm>>
    tpu.enqueue_indirect_dma source(%dma_start3A_118 : memref<2000000x64xf32, #tpu.memory_space<hbm>>) target(%dma_start3A_112 : memref<128x64xf32, #tpu.memory_space<vmem>>) offsets(%dma_start3A_115 : memref<128xi32, #tpu.memory_space<vmem>>) semaphore(%arg13 : memref<!tpu.dma_semaphore, #tpu.memory_space<semaphore_mem>>)
    %dma_wait3A_119 = arith.constant 1 : i32
    %dma_wait3A_120 = arith.constant 1 : i32
    %dma_wait3A_121 = arith.constant 0 : i32
    %dma_wait3A_122 = arith.constant 0 : i32
    %dma_wait3A_123 = tpu.memref_slice %arg6[%dma_wait3A_120, %dma_wait3A_121, %dma_wait3A_122] : memref<8x128x64xf32, #tpu.memory_space<vmem>> -> memref<1x128x64xf32, #tpu.memory_space<vmem>>
    %dma_wait3A_124 = tpu.memref_squeeze %dma_wait3A_123 : memref<1x128x64xf32, #tpu.memory_space<vmem>> -> memref<128x64xf32, #tpu.memory_space<vmem>>
    %dma_wait3A_125 = arith.constant 0 : i32
    %dma_wait3A_126 = tpu.memref_slice %arg5[%dma_wait3A_119, %dma_wait3A_125] : memref<200x128xi32, #tpu.memory_space<vmem>> -> memref<1x128xi32, #tpu.memory_space<vmem>>
    %dma_wait3A_127 = tpu.memref_squeeze %dma_wait3A_126 : memref<1x128xi32, #tpu.memory_space<vmem>> -> memref<128xi32, #tpu.memory_space<vmem>>
    %dma_wait3A_128 = arith.constant 0 : i32
    %dma_wait3A_129 = arith.constant 0 : i32
    %dma_wait3A_130 = tpu.memref_slice %arg3[%dma_wait3A_128, %dma_wait3A_129] : memref<2000000x64xf32, #tpu.memory_space<hbm>> -> memref<2000000x64xf32, #tpu.memory_space<hbm>>
    tpu.wait_indirect_dma semaphore(%arg8 : memref<!tpu.dma_semaphore, #tpu.memory_space<semaphore_mem>>) src(%dma_wait3A_130 : memref<2000000x64xf32, #tpu.memory_space<hbm>>) dst(%dma_wait3A_124 : memref<128x64xf32, #tpu.memory_space<vmem>>)
    %add3A_131 = arith.constant 1 : i32
    %add3A_132 = arith.addi %mul3A_2, %add3A_131 : i32
    %mul3A_133 = arith.constant 128 : i32
    %mul3A_134 = arith.muli %add3A_132, %mul3A_133 : i32
    %dma_start3A_135 = arith.constant 1 : i32
    %dma_start3A_136 = arith.constant 0 : i32
    %dma_start3A_137 = arith.constant 0 : i32
    %dma_start3A_138 = tpu.memref_slice %arg6[%dma_start3A_135, %dma_start3A_136, %dma_start3A_137] : memref<8x128x64xf32, #tpu.memory_space<vmem>> -> memref<1x128x64xf32, #tpu.memory_space<vmem>>
    %dma_start3A_139 = tpu.memref_squeeze %dma_start3A_138 : memref<1x128x64xf32, #tpu.memory_space<vmem>> -> memref<128x64xf32, #tpu.memory_space<vmem>>
    %dma_start3A_140 = arith.constant 0 : i32
    %dma_start3A_141 = tpu.memref_slice %arg4[%mul3A_134, %dma_start3A_140] : memref<819200x64xf32, #tpu.memory_space<hbm>> -> memref<128x64xf32, #tpu.memory_space<hbm>>
    %dma_start3A_142 = arith.constant 0 : i32
    %dma_start3A_143 = tpu.memref_slice %arg4[%mul3A_134, %dma_start3A_142] : memref<819200x64xf32, #tpu.memory_space<hbm>> -> memref<128x64xf32, #tpu.memory_space<hbm>>
    %dma_start3A_144 = arith.constant 0 : i32
    %dma_start3A_145 = arith.constant 0 : i32
    %dma_start3A_146 = tpu.memref_slice %arg6[%dma_start3A_135, %dma_start3A_144, %dma_start3A_145] : memref<8x128x64xf32, #tpu.memory_space<vmem>> -> memref<1x128x64xf32, #tpu.memory_space<vmem>>
    %dma_start3A_147 = tpu.memref_squeeze %dma_start3A_146 : memref<1x128x64xf32, #tpu.memory_space<vmem>> -> memref<128x64xf32, #tpu.memory_space<vmem>>
    tpu.enqueue_dma source(%dma_start3A_147 : memref<128x64xf32, #tpu.memory_space<vmem>>) target(%dma_start3A_143 : memref<128x64xf32, #tpu.memory_space<hbm>>) target_semaphore(%arg16 : memref<!tpu.dma_semaphore, #tpu.memory_space<semaphore_mem>>)
    %dma_start3A_148 = arith.constant 7 : i32
    %dma_start3A_149 = arith.constant 7 : i32
    %dma_start3A_150 = arith.constant 0 : i32
    %dma_start3A_151 = arith.constant 0 : i32
    %dma_start3A_152 = tpu.memref_slice %arg6[%dma_start3A_149, %dma_start3A_150, %dma_start3A_151] : memref<8x128x64xf32, #tpu.memory_space<vmem>> -> memref<1x128x64xf32, #tpu.memory_space<vmem>>
    %dma_start3A_153 = tpu.memref_squeeze %dma_start3A_152 : memref<1x128x64xf32, #tpu.memory_space<vmem>> -> memref<128x64xf32, #tpu.memory_space<vmem>>
    %dma_start3A_154 = arith.constant 0 : i32
    %dma_start3A_155 = tpu.memref_slice %arg5[%dma_start3A_148, %dma_start3A_154] : memref<200x128xi32, #tpu.memory_space<vmem>> -> memref<1x128xi32, #tpu.memory_space<vmem>>
    %dma_start3A_156 = tpu.memref_squeeze %dma_start3A_155 : memref<1x128xi32, #tpu.memory_space<vmem>> -> memref<128xi32, #tpu.memory_space<vmem>>
    %dma_start3A_157 = arith.constant 0 : i32
    %dma_start3A_158 = arith.constant 0 : i32
    %dma_start3A_159 = tpu.memref_slice %arg3[%dma_start3A_157, %dma_start3A_158] : memref<2000000x64xf32, #tpu.memory_space<hbm>> -> memref<2000000x64xf32, #tpu.memory_space<hbm>>
    tpu.enqueue_indirect_dma source(%dma_start3A_159 : memref<2000000x64xf32, #tpu.memory_space<hbm>>) target(%dma_start3A_153 : memref<128x64xf32, #tpu.memory_space<vmem>>) offsets(%dma_start3A_156 : memref<128xi32, #tpu.memory_space<vmem>>) semaphore(%arg14 : memref<!tpu.dma_semaphore, #tpu.memory_space<semaphore_mem>>)
    %dma_wait3A_160 = arith.constant 2 : i32
    %dma_wait3A_161 = arith.constant 2 : i32
    %dma_wait3A_162 = arith.constant 0 : i32
    %dma_wait3A_163 = arith.constant 0 : i32
    %dma_wait3A_164 = tpu.memref_slice %arg6[%dma_wait3A_161, %dma_wait3A_162, %dma_wait3A_163] : memref<8x128x64xf32, #tpu.memory_space<vmem>> -> memref<1x128x64xf32, #tpu.memory_space<vmem>>
    %dma_wait3A_165 = tpu.memref_squeeze %dma_wait3A_164 : memref<1x128x64xf32, #tpu.memory_space<vmem>> -> memref<128x64xf32, #tpu.memory_space<vmem>>
    %dma_wait3A_166 = arith.constant 0 : i32
    %dma_wait3A_167 = tpu.memref_slice %arg5[%dma_wait3A_160, %dma_wait3A_166] : memref<200x128xi32, #tpu.memory_space<vmem>> -> memref<1x128xi32, #tpu.memory_space<vmem>>
    %dma_wait3A_168 = tpu.memref_squeeze %dma_wait3A_167 : memref<1x128xi32, #tpu.memory_space<vmem>> -> memref<128xi32, #tpu.memory_space<vmem>>
    %dma_wait3A_169 = arith.constant 0 : i32
    %dma_wait3A_170 = arith.constant 0 : i32
    %dma_wait3A_171 = tpu.memref_slice %arg3[%dma_wait3A_169, %dma_wait3A_170] : memref<2000000x64xf32, #tpu.memory_space<hbm>> -> memref<2000000x64xf32, #tpu.memory_space<hbm>>
    tpu.wait_indirect_dma semaphore(%arg9 : memref<!tpu.dma_semaphore, #tpu.memory_space<semaphore_mem>>) src(%dma_wait3A_171 : memref<2000000x64xf32, #tpu.memory_space<hbm>>) dst(%dma_wait3A_165 : memref<128x64xf32, #tpu.memory_space<vmem>>)
    %add3A_172 = arith.constant 2 : i32
    %add3A_173 = arith.addi %mul3A_2, %add3A_172 : i32
    %mul3A_174 = arith.constant 128 : i32
    %mul3A_175 = arith.muli %add3A_173, %mul3A_174 : i32
    %dma_start3A_176 = arith.constant 2 : i32
    %dma_start3A_177 = arith.constant 0 : i32
    %dma_start3A_178 = arith.constant 0 : i32
    %dma_start3A_179 = tpu.memref_slice %arg6[%dma_start3A_176, %dma_start3A_177, %dma_start3A_178] : memref<8x128x64xf32, #tpu.memory_space<vmem>> -> memref<1x128x64xf32, #tpu.memory_space<vmem>>
    %dma_start3A_180 = tpu.memref_squeeze %dma_start3A_179 : memref<1x128x64xf32, #tpu.memory_space<vmem>> -> memref<128x64xf32, #tpu.memory_space<vmem>>
    %dma_start3A_181 = arith.constant 0 : i32
    %dma_start3A_182 = tpu.memref_slice %arg4[%mul3A_175, %dma_start3A_181] : memref<819200x64xf32, #tpu.memory_space<hbm>> -> memref<128x64xf32, #tpu.memory_space<hbm>>
    %dma_start3A_183 = arith.constant 0 : i32
    %dma_start3A_184 = tpu.memref_slice %arg4[%mul3A_175, %dma_start3A_183] : memref<819200x64xf32, #tpu.memory_space<hbm>> -> memref<128x64xf32, #tpu.memory_space<hbm>>
    %dma_start3A_185 = arith.constant 0 : i32
    %dma_start3A_186 = arith.constant 0 : i32
    %dma_start3A_187 = tpu.memref_slice %arg6[%dma_start3A_176, %dma_start3A_185, %dma_start3A_186] : memref<8x128x64xf32, #tpu.memory_space<vmem>> -> memref<1x128x64xf32, #tpu.memory_space<vmem>>
    %dma_start3A_188 = tpu.memref_squeeze %dma_start3A_187 : memref<1x128x64xf32, #tpu.memory_space<vmem>> -> memref<128x64xf32, #tpu.memory_space<vmem>>
    tpu.enqueue_dma source(%dma_start3A_188 : memref<128x64xf32, #tpu.memory_space<vmem>>) target(%dma_start3A_184 : memref<128x64xf32, #tpu.memory_space<hbm>>) target_semaphore(%arg17 : memref<!tpu.dma_semaphore, #tpu.memory_space<semaphore_mem>>)
    %add3A_189 = arith.constant 0 : i32
    %add3A_190 = arith.addi %mul3A_2, %add3A_189 : i32
    %mul3A_191 = arith.constant 128 : i32
    %mul3A_192 = arith.muli %add3A_190, %mul3A_191 : i32
    %dma_wait3A_193 = arith.constant 0 : i32
    %dma_wait3A_194 = arith.constant 0 : i32
    %dma_wait3A_195 = arith.constant 0 : i32
    %dma_wait3A_196 = tpu.memref_slice %arg6[%dma_wait3A_193, %dma_wait3A_194, %dma_wait3A_195] : memref<8x128x64xf32, #tpu.memory_space<vmem>> -> memref<1x128x64xf32, #tpu.memory_space<vmem>>
    %dma_wait3A_197 = tpu.memref_squeeze %dma_wait3A_196 : memref<1x128x64xf32, #tpu.memory_space<vmem>> -> memref<128x64xf32, #tpu.memory_space<vmem>>
    %dma_wait3A_198 = arith.constant 0 : i32
    %dma_wait3A_199 = tpu.memref_slice %arg4[%mul3A_192, %dma_wait3A_198] : memref<819200x64xf32, #tpu.memory_space<hbm>> -> memref<128x64xf32, #tpu.memory_space<hbm>>
    %dma_wait3A_200 = arith.constant 0 : i32
    %dma_wait3A_201 = tpu.memref_slice %arg4[%mul3A_192, %dma_wait3A_200] : memref<819200x64xf32, #tpu.memory_space<hbm>> -> memref<128x64xf32, #tpu.memory_space<hbm>>
    %dma_wait3A_202 = arith.constant 0 : i32
    %dma_wait3A_203 = arith.constant 0 : i32
    %dma_wait3A_204 = tpu.memref_slice %arg6[%dma_wait3A_193, %dma_wait3A_202, %dma_wait3A_203] : memref<8x128x64xf32, #tpu.memory_space<vmem>> -> memref<1x128x64xf32, #tpu.memory_space<vmem>>
    %dma_wait3A_205 = tpu.memref_squeeze %dma_wait3A_204 : memref<1x128x64xf32, #tpu.memory_space<vmem>> -> memref<128x64xf32, #tpu.memory_space<vmem>>
    tpu.wait_dma2 semaphore(%arg15 : memref<!tpu.dma_semaphore, #tpu.memory_space<semaphore_mem>>) src(%dma_wait3A_205 : memref<128x64xf32, #tpu.memory_space<vmem>>) dst(%dma_wait3A_201 : memref<128x64xf32, #tpu.memory_space<hbm>>)
    %dma_start3A_206 = arith.constant 8 : i32
    %dma_start3A_207 = arith.constant 0 : i32
    %dma_start3A_208 = arith.constant 0 : i32
    %dma_start3A_209 = arith.constant 0 : i32
    %dma_start3A_210 = tpu.memref_slice %arg6[%dma_start3A_207, %dma_start3A_208, %dma_start3A_209] : memref<8x128x64xf32, #tpu.memory_space<vmem>> -> memref<1x128x64xf32, #tpu.memory_space<vmem>>
    %dma_start3A_211 = tpu.memref_squeeze %dma_start3A_210 : memref<1x128x64xf32, #tpu.memory_space<vmem>> -> memref<128x64xf32, #tpu.memory_space<vmem>>
    %dma_start3A_212 = arith.constant 0 : i32
    %dma_start3A_213 = tpu.memref_slice %arg5[%dma_start3A_206, %dma_start3A_212] : memref<200x128xi32, #tpu.memory_space<vmem>> -> memref<1x128xi32, #tpu.memory_space<vmem>>
    %dma_start3A_214 = tpu.memref_squeeze %dma_start3A_213 : memref<1x128xi32, #tpu.memory_space<vmem>> -> memref<128xi32, #tpu.memory_space<vmem>>
    %dma_start3A_215 = arith.constant 0 : i32
    %dma_start3A_216 = arith.constant 0 : i32
    %dma_start3A_217 = tpu.memref_slice %arg3[%dma_start3A_215, %dma_start3A_216] : memref<2000000x64xf32, #tpu.memory_space<hbm>> -> memref<2000000x64xf32, #tpu.memory_space<hbm>>
    tpu.enqueue_indirect_dma source(%dma_start3A_217 : memref<2000000x64xf32, #tpu.memory_space<hbm>>) target(%dma_start3A_211 : memref<128x64xf32, #tpu.memory_space<vmem>>) offsets(%dma_start3A_214 : memref<128xi32, #tpu.memory_space<vmem>>) semaphore(%arg7 : memref<!tpu.dma_semaphore, #tpu.memory_space<semaphore_mem>>)
    %dma_wait3A_218 = arith.constant 3 : i32
    %dma_wait3A_219 = arith.constant 3 : i32
    %dma_wait3A_220 = arith.constant 0 : i32
    %dma_wait3A_221 = arith.constant 0 : i32
    %dma_wait3A_222 = tpu.memref_slice %arg6[%dma_wait3A_219, %dma_wait3A_220, %dma_wait3A_221] : memref<8x128x64xf32, #tpu.memory_space<vmem>> -> memref<1x128x64xf32, #tpu.memory_space<vmem>>
    %dma_wait3A_223 = tpu.memref_squeeze %dma_wait3A_222 : memref<1x128x64xf32, #tpu.memory_space<vmem>> -> memref<128x64xf32, #tpu.memory_space<vmem>>
    %dma_wait3A_224 = arith.constant 0 : i32
    %dma_wait3A_225 = tpu.memref_slice %arg5[%dma_wait3A_218, %dma_wait3A_224] : memref<200x128xi32, #tpu.memory_space<vmem>> -> memref<1x128xi32, #tpu.memory_space<vmem>>
    %dma_wait3A_226 = tpu.memref_squeeze %dma_wait3A_225 : memref<1x128xi32, #tpu.memory_space<vmem>> -> memref<128xi32, #tpu.memory_space<vmem>>
    %dma_wait3A_227 = arith.constant 0 : i32
    %dma_wait3A_228 = arith.constant 0 : i32
    %dma_wait3A_229 = tpu.memref_slice %arg3[%dma_wait3A_227, %dma_wait3A_228] : memref<2000000x64xf32, #tpu.memory_space<hbm>> -> memref<2000000x64xf32, #tpu.memory_space<hbm>>
    tpu.wait_indirect_dma semaphore(%arg10 : memref<!tpu.dma_semaphore, #tpu.memory_space<semaphore_mem>>) src(%dma_wait3A_229 : memref<2000000x64xf32, #tpu.memory_space<hbm>>) dst(%dma_wait3A_223 : memref<128x64xf32, #tpu.memory_space<vmem>>)
    %add3A_230 = arith.constant 3 : i32
    %add3A_231 = arith.addi %mul3A_2, %add3A_230 : i32
    %mul3A_232 = arith.constant 128 : i32
    %mul3A_233 = arith.muli %add3A_231, %mul3A_232 : i32
    %dma_start3A_234 = arith.constant 3 : i32
    %dma_start3A_235 = arith.constant 0 : i32
    %dma_start3A_236 = arith.constant 0 : i32
    %dma_start3A_237 = tpu.memref_slice %arg6[%dma_start3A_234, %dma_start3A_235, %dma_start3A_236] : memref<8x128x64xf32, #tpu.memory_space<vmem>> -> memref<1x128x64xf32, #tpu.memory_space<vmem>>
    %dma_start3A_238 = tpu.memref_squeeze %dma_start3A_237 : memref<1x128x64xf32, #tpu.memory_space<vmem>> -> memref<128x64xf32, #tpu.memory_space<vmem>>
    %dma_start3A_239 = arith.constant 0 : i32
    %dma_start3A_240 = tpu.memref_slice %arg4[%mul3A_233, %dma_start3A_239] : memref<819200x64xf32, #tpu.memory_space<hbm>> -> memref<128x64xf32, #tpu.memory_space<hbm>>
    %dma_start3A_241 = arith.constant 0 : i32
    %dma_start3A_242 = tpu.memref_slice %arg4[%mul3A_233, %dma_start3A_241] : memref<819200x64xf32, #tpu.memory_space<hbm>> -> memref<128x64xf32, #tpu.memory_space<hbm>>
    %dma_start3A_243 = arith.constant 0 : i32
    %dma_start3A_244 = arith.constant 0 : i32
    %dma_start3A_245 = tpu.memref_slice %arg6[%dma_start3A_234, %dma_start3A_243, %dma_start3A_244] : memref<8x128x64xf32, #tpu.memory_space<vmem>> -> memref<1x128x64xf32, #tpu.memory_space<vmem>>
    %dma_start3A_246 = tpu.memref_squeeze %dma_start3A_245 : memref<1x128x64xf32, #tpu.memory_space<vmem>> -> memref<128x64xf32, #tpu.memory_space<vmem>>
    tpu.enqueue_dma source(%dma_start3A_246 : memref<128x64xf32, #tpu.memory_space<vmem>>) target(%dma_start3A_242 : memref<128x64xf32, #tpu.memory_space<hbm>>) target_semaphore(%arg18 : memref<!tpu.dma_semaphore, #tpu.memory_space<semaphore_mem>>)
    %add3A_247 = arith.constant 1 : i32
    %add3A_248 = arith.addi %mul3A_2, %add3A_247 : i32
    %mul3A_249 = arith.constant 128 : i32
    %mul3A_250 = arith.muli %add3A_248, %mul3A_249 : i32
    %dma_wait3A_251 = arith.constant 1 : i32
    %dma_wait3A_252 = arith.constant 0 : i32
    %dma_wait3A_253 = arith.constant 0 : i32
    %dma_wait3A_254 = tpu.memref_slice %arg6[%dma_wait3A_251, %dma_wait3A_252, %dma_wait3A_253] : memref<8x128x64xf32, #tpu.memory_space<vmem>> -> memref<1x128x64xf32, #tpu.memory_space<vmem>>
    %dma_wait3A_255 = tpu.memref_squeeze %dma_wait3A_254 : memref<1x128x64xf32, #tpu.memory_space<vmem>> -> memref<128x64xf32, #tpu.memory_space<vmem>>
    %dma_wait3A_256 = arith.constant 0 : i32
    %dma_wait3A_257 = tpu.memref_slice %arg4[%mul3A_250, %dma_wait3A_256] : memref<819200x64xf32, #tpu.memory_space<hbm>> -> memref<128x64xf32, #tpu.memory_space<hbm>>
    %dma_wait3A_258 = arith.constant 0 : i32
    %dma_wait3A_259 = tpu.memref_slice %arg4[%mul3A_250, %dma_wait3A_258] : memref<819200x64xf32, #tpu.memory_space<hbm>> -> memref<128x64xf32, #tpu.memory_space<hbm>>
    %dma_wait3A_260 = arith.constant 0 : i32
    %dma_wait3A_261 = arith.constant 0 : i32
    %dma_wait3A_262 = tpu.memref_slice %arg6[%dma_wait3A_251, %dma_wait3A_260, %dma_wait3A_261] : memref<8x128x64xf32, #tpu.memory_space<vmem>> -> memref<1x128x64xf32, #tpu.memory_space<vmem>>
    %dma_wait3A_263 = tpu.memref_squeeze %dma_wait3A_262 : memref<1x128x64xf32, #tpu.memory_space<vmem>> -> memref<128x64xf32, #tpu.memory_space<vmem>>
    tpu.wait_dma2 semaphore(%arg16 : memref<!tpu.dma_semaphore, #tpu.memory_space<semaphore_mem>>) src(%dma_wait3A_263 : memref<128x64xf32, #tpu.memory_space<vmem>>) dst(%dma_wait3A_259 : memref<128x64xf32, #tpu.memory_space<hbm>>)
    %dma_start3A_264 = arith.constant 9 : i32
    %dma_start3A_265 = arith.constant 1 : i32
    %dma_start3A_266 = arith.constant 0 : i32
    %dma_start3A_267 = arith.constant 0 : i32
    %dma_start3A_268 = tpu.memref_slice %arg6[%dma_start3A_265, %dma_start3A_266, %dma_start3A_267] : memref<8x128x64xf32, #tpu.memory_space<vmem>> -> memref<1x128x64xf32, #tpu.memory_space<vmem>>
    %dma_start3A_269 = tpu.memref_squeeze %dma_start3A_268 : memref<1x128x64xf32, #tpu.memory_space<vmem>> -> memref<128x64xf32, #tpu.memory_space<vmem>>
    %dma_start3A_270 = arith.constant 0 : i32
    %dma_start3A_271 = tpu.memref_slice %arg5[%dma_start3A_264, %dma_start3A_270] : memref<200x128xi32, #tpu.memory_space<vmem>> -> memref<1x128xi32, #tpu.memory_space<vmem>>
    %dma_start3A_272 = tpu.memref_squeeze %dma_start3A_271 : memref<1x128xi32, #tpu.memory_space<vmem>> -> memref<128xi32, #tpu.memory_space<vmem>>
    %dma_start3A_273 = arith.constant 0 : i32
    %dma_start3A_274 = arith.constant 0 : i32
    %dma_start3A_275 = tpu.memref_slice %arg3[%dma_start3A_273, %dma_start3A_274] : memref<2000000x64xf32, #tpu.memory_space<hbm>> -> memref<2000000x64xf32, #tpu.memory_space<hbm>>
    tpu.enqueue_indirect_dma source(%dma_start3A_275 : memref<2000000x64xf32, #tpu.memory_space<hbm>>) target(%dma_start3A_269 : memref<128x64xf32, #tpu.memory_space<vmem>>) offsets(%dma_start3A_272 : memref<128xi32, #tpu.memory_space<vmem>>) semaphore(%arg8 : memref<!tpu.dma_semaphore, #tpu.memory_space<semaphore_mem>>)
    %dma_wait3A_276 = arith.constant 4 : i32
    %dma_wait3A_277 = arith.constant 4 : i32
    %dma_wait3A_278 = arith.constant 0 : i32
    %dma_wait3A_279 = arith.constant 0 : i32
    %dma_wait3A_280 = tpu.memref_slice %arg6[%dma_wait3A_277, %dma_wait3A_278, %dma_wait3A_279] : memref<8x128x64xf32, #tpu.memory_space<vmem>> -> memref<1x128x64xf32, #tpu.memory_space<vmem>>
    %dma_wait3A_281 = tpu.memref_squeeze %dma_wait3A_280 : memref<1x128x64xf32, #tpu.memory_space<vmem>> -> memref<128x64xf32, #tpu.memory_space<vmem>>
    %dma_wait3A_282 = arith.constant 0 : i32
    %dma_wait3A_283 = tpu.memref_slice %arg5[%dma_wait3A_276, %dma_wait3A_282] : memref<200x128xi32, #tpu.memory_space<vmem>> -> memref<1x128xi32, #tpu.memory_space<vmem>>
    %dma_wait3A_284 = tpu.memref_squeeze %dma_wait3A_283 : memref<1x128xi32, #tpu.memory_space<vmem>> -> memref<128xi32, #tpu.memory_space<vmem>>
    %dma_wait3A_285 = arith.constant 0 : i32
    %dma_wait3A_286 = arith.constant 0 : i32
    %dma_wait3A_287 = tpu.memref_slice %arg3[%dma_wait3A_285, %dma_wait3A_286] : memref<2000000x64xf32, #tpu.memory_space<hbm>> -> memref<2000000x64xf32, #tpu.memory_space<hbm>>
    tpu.wait_indirect_dma semaphore(%arg11 : memref<!tpu.dma_semaphore, #tpu.memory_space<semaphore_mem>>) src(%dma_wait3A_287 : memref<2000000x64xf32, #tpu.memory_space<hbm>>) dst(%dma_wait3A_281 : memref<128x64xf32, #tpu.memory_space<vmem>>)
    %add3A_288 = arith.constant 4 : i32
    %add3A_289 = arith.addi %mul3A_2, %add3A_288 : i32
    %mul3A_290 = arith.constant 128 : i32
    %mul3A_291 = arith.muli %add3A_289, %mul3A_290 : i32
    %dma_start3A_292 = arith.constant 4 : i32
    %dma_start3A_293 = arith.constant 0 : i32
    %dma_start3A_294 = arith.constant 0 : i32
    %dma_start3A_295 = tpu.memref_slice %arg6[%dma_start3A_292, %dma_start3A_293, %dma_start3A_294] : memref<8x128x64xf32, #tpu.memory_space<vmem>> -> memref<1x128x64xf32, #tpu.memory_space<vmem>>
    %dma_start3A_296 = tpu.memref_squeeze %dma_start3A_295 : memref<1x128x64xf32, #tpu.memory_space<vmem>> -> memref<128x64xf32, #tpu.memory_space<vmem>>
    %dma_start3A_297 = arith.constant 0 : i32
    %dma_start3A_298 = tpu.memref_slice %arg4[%mul3A_291, %dma_start3A_297] : memref<819200x64xf32, #tpu.memory_space<hbm>> -> memref<128x64xf32, #tpu.memory_space<hbm>>
    %dma_start3A_299 = arith.constant 0 : i32
    %dma_start3A_300 = tpu.memref_slice %arg4[%mul3A_291, %dma_start3A_299] : memref<819200x64xf32, #tpu.memory_space<hbm>> -> memref<128x64xf32, #tpu.memory_space<hbm>>
    %dma_start3A_301 = arith.constant 0 : i32
    %dma_start3A_302 = arith.constant 0 : i32
    %dma_start3A_303 = tpu.memref_slice %arg6[%dma_start3A_292, %dma_start3A_301, %dma_start3A_302] : memref<8x128x64xf32, #tpu.memory_space<vmem>> -> memref<1x128x64xf32, #tpu.memory_space<vmem>>
    %dma_start3A_304 = tpu.memref_squeeze %dma_start3A_303 : memref<1x128x64xf32, #tpu.memory_space<vmem>> -> memref<128x64xf32, #tpu.memory_space<vmem>>
    tpu.enqueue_dma source(%dma_start3A_304 : memref<128x64xf32, #tpu.memory_space<vmem>>) target(%dma_start3A_300 : memref<128x64xf32, #tpu.memory_space<hbm>>) target_semaphore(%arg19 : memref<!tpu.dma_semaphore, #tpu.memory_space<semaphore_mem>>)
    %add3A_305 = arith.constant 2 : i32
    %add3A_306 = arith.addi %mul3A_2, %add3A_305 : i32
    %mul3A_307 = arith.constant 128 : i32
    %mul3A_308 = arith.muli %add3A_306, %mul3A_307 : i32
    %dma_wait3A_309 = arith.constant 2 : i32
    %dma_wait3A_310 = arith.constant 0 : i32
    %dma_wait3A_311 = arith.constant 0 : i32
    %dma_wait3A_312 = tpu.memref_slice %arg6[%dma_wait3A_309, %dma_wait3A_310, %dma_wait3A_311] : memref<8x128x64xf32, #tpu.memory_space<vmem>> -> memref<1x128x64xf32, #tpu.memory_space<vmem>>
    %dma_wait3A_313 = tpu.memref_squeeze %dma_wait3A_312 : memref<1x128x64xf32, #tpu.memory_space<vmem>> -> memref<128x64xf32, #tpu.memory_space<vmem>>
    %dma_wait3A_314 = arith.constant 0 : i32
    %dma_wait3A_315 = tpu.memref_slice %arg4[%mul3A_308, %dma_wait3A_314] : memref<819200x64xf32, #tpu.memory_space<hbm>> -> memref<128x64xf32, #tpu.memory_space<hbm>>
    %dma_wait3A_316 = arith.constant 0 : i32
    %dma_wait3A_317 = tpu.memref_slice %arg4[%mul3A_308, %dma_wait3A_316] : memref<819200x64xf32, #tpu.memory_space<hbm>> -> memref<128x64xf32, #tpu.memory_space<hbm>>
    %dma_wait3A_318 = arith.constant 0 : i32
    %dma_wait3A_319 = arith.constant 0 : i32
    %dma_wait3A_320 = tpu.memref_slice %arg6[%dma_wait3A_309, %dma_wait3A_318, %dma_wait3A_319] : memref<8x128x64xf32, #tpu.memory_space<vmem>> -> memref<1x128x64xf32, #tpu.memory_space<vmem>>
    %dma_wait3A_321 = tpu.memref_squeeze %dma_wait3A_320 : memref<1x128x64xf32, #tpu.memory_space<vmem>> -> memref<128x64xf32, #tpu.memory_space<vmem>>
    tpu.wait_dma2 semaphore(%arg17 : memref<!tpu.dma_semaphore, #tpu.memory_space<semaphore_mem>>) src(%dma_wait3A_321 : memref<128x64xf32, #tpu.memory_space<vmem>>) dst(%dma_wait3A_317 : memref<128x64xf32, #tpu.memory_space<hbm>>)
    %dma_start3A_322 = arith.constant 10 : i32
    %dma_start3A_323 = arith.constant 2 : i32
    %dma_start3A_324 = arith.constant 0 : i32
    %dma_start3A_325 = arith.constant 0 : i32
    %dma_start3A_326 = tpu.memref_slice %arg6[%dma_start3A_323, %dma_start3A_324, %dma_start3A_325] : memref<8x128x64xf32, #tpu.memory_space<vmem>> -> memref<1x128x64xf32, #tpu.memory_space<vmem>>
    %dma_start3A_327 = tpu.memref_squeeze %dma_start3A_326 : memref<1x128x64xf32, #tpu.memory_space<vmem>> -> memref<128x64xf32, #tpu.memory_space<vmem>>
    %dma_start3A_328 = arith.constant 0 : i32
    %dma_start3A_329 = tpu.memref_slice %arg5[%dma_start3A_322, %dma_start3A_328] : memref<200x128xi32, #tpu.memory_space<vmem>> -> memref<1x128xi32, #tpu.memory_space<vmem>>
    %dma_start3A_330 = tpu.memref_squeeze %dma_start3A_329 : memref<1x128xi32, #tpu.memory_space<vmem>> -> memref<128xi32, #tpu.memory_space<vmem>>
    %dma_start3A_331 = arith.constant 0 : i32
    %dma_start3A_332 = arith.constant 0 : i32
    %dma_start3A_333 = tpu.memref_slice %arg3[%dma_start3A_331, %dma_start3A_332] : memref<2000000x64xf32, #tpu.memory_space<hbm>> -> memref<2000000x64xf32, #tpu.memory_space<hbm>>
    tpu.enqueue_indirect_dma source(%dma_start3A_333 : memref<2000000x64xf32, #tpu.memory_space<hbm>>) target(%dma_start3A_327 : memref<128x64xf32, #tpu.memory_space<vmem>>) offsets(%dma_start3A_330 : memref<128xi32, #tpu.memory_space<vmem>>) semaphore(%arg9 : memref<!tpu.dma_semaphore, #tpu.memory_space<semaphore_mem>>)
    %dma_wait3A_334 = arith.constant 5 : i32
    %dma_wait3A_335 = arith.constant 5 : i32
    %dma_wait3A_336 = arith.constant 0 : i32
    %dma_wait3A_337 = arith.constant 0 : i32
    %dma_wait3A_338 = tpu.memref_slice %arg6[%dma_wait3A_335, %dma_wait3A_336, %dma_wait3A_337] : memref<8x128x64xf32, #tpu.memory_space<vmem>> -> memref<1x128x64xf32, #tpu.memory_space<vmem>>
    %dma_wait3A_339 = tpu.memref_squeeze %dma_wait3A_338 : memref<1x128x64xf32, #tpu.memory_space<vmem>> -> memref<128x64xf32, #tpu.memory_space<vmem>>
    %dma_wait3A_340 = arith.constant 0 : i32
    %dma_wait3A_341 = tpu.memref_slice %arg5[%dma_wait3A_334, %dma_wait3A_340] : memref<200x128xi32, #tpu.memory_space<vmem>> -> memref<1x128xi32, #tpu.memory_space<vmem>>
    %dma_wait3A_342 = tpu.memref_squeeze %dma_wait3A_341 : memref<1x128xi32, #tpu.memory_space<vmem>> -> memref<128xi32, #tpu.memory_space<vmem>>
    %dma_wait3A_343 = arith.constant 0 : i32
    %dma_wait3A_344 = arith.constant 0 : i32
    %dma_wait3A_345 = tpu.memref_slice %arg3[%dma_wait3A_343, %dma_wait3A_344] : memref<2000000x64xf32, #tpu.memory_space<hbm>> -> memref<2000000x64xf32, #tpu.memory_space<hbm>>
    tpu.wait_indirect_dma semaphore(%arg12 : memref<!tpu.dma_semaphore, #tpu.memory_space<semaphore_mem>>) src(%dma_wait3A_345 : memref<2000000x64xf32, #tpu.memory_space<hbm>>) dst(%dma_wait3A_339 : memref<128x64xf32, #tpu.memory_space<vmem>>)
    %add3A_346 = arith.constant 5 : i32
    %add3A_347 = arith.addi %mul3A_2, %add3A_346 : i32
    %mul3A_348 = arith.constant 128 : i32
    %mul3A_349 = arith.muli %add3A_347, %mul3A_348 : i32
    %dma_start3A_350 = arith.constant 5 : i32
    %dma_start3A_351 = arith.constant 0 : i32
    %dma_start3A_352 = arith.constant 0 : i32
    %dma_start3A_353 = tpu.memref_slice %arg6[%dma_start3A_350, %dma_start3A_351, %dma_start3A_352] : memref<8x128x64xf32, #tpu.memory_space<vmem>> -> memref<1x128x64xf32, #tpu.memory_space<vmem>>
    %dma_start3A_354 = tpu.memref_squeeze %dma_start3A_353 : memref<1x128x64xf32, #tpu.memory_space<vmem>> -> memref<128x64xf32, #tpu.memory_space<vmem>>
    %dma_start3A_355 = arith.constant 0 : i32
    %dma_start3A_356 = tpu.memref_slice %arg4[%mul3A_349, %dma_start3A_355] : memref<819200x64xf32, #tpu.memory_space<hbm>> -> memref<128x64xf32, #tpu.memory_space<hbm>>
    %dma_start3A_357 = arith.constant 0 : i32
    %dma_start3A_358 = tpu.memref_slice %arg4[%mul3A_349, %dma_start3A_357] : memref<819200x64xf32, #tpu.memory_space<hbm>> -> memref<128x64xf32, #tpu.memory_space<hbm>>
    %dma_start3A_359 = arith.constant 0 : i32
    %dma_start3A_360 = arith.constant 0 : i32
    %dma_start3A_361 = tpu.memref_slice %arg6[%dma_start3A_350, %dma_start3A_359, %dma_start3A_360] : memref<8x128x64xf32, #tpu.memory_space<vmem>> -> memref<1x128x64xf32, #tpu.memory_space<vmem>>
    %dma_start3A_362 = tpu.memref_squeeze %dma_start3A_361 : memref<1x128x64xf32, #tpu.memory_space<vmem>> -> memref<128x64xf32, #tpu.memory_space<vmem>>
    tpu.enqueue_dma source(%dma_start3A_362 : memref<128x64xf32, #tpu.memory_space<vmem>>) target(%dma_start3A_358 : memref<128x64xf32, #tpu.memory_space<hbm>>) target_semaphore(%arg20 : memref<!tpu.dma_semaphore, #tpu.memory_space<semaphore_mem>>)
    %add3A_363 = arith.constant 3 : i32
    %add3A_364 = arith.addi %mul3A_2, %add3A_363 : i32
    %mul3A_365 = arith.constant 128 : i32
    %mul3A_366 = arith.muli %add3A_364, %mul3A_365 : i32
    %dma_wait3A_367 = arith.constant 3 : i32
    %dma_wait3A_368 = arith.constant 0 : i32
    %dma_wait3A_369 = arith.constant 0 : i32
    %dma_wait3A_370 = tpu.memref_slice %arg6[%dma_wait3A_367, %dma_wait3A_368, %dma_wait3A_369] : memref<8x128x64xf32, #tpu.memory_space<vmem>> -> memref<1x128x64xf32, #tpu.memory_space<vmem>>
    %dma_wait3A_371 = tpu.memref_squeeze %dma_wait3A_370 : memref<1x128x64xf32, #tpu.memory_space<vmem>> -> memref<128x64xf32, #tpu.memory_space<vmem>>
    %dma_wait3A_372 = arith.constant 0 : i32
    %dma_wait3A_373 = tpu.memref_slice %arg4[%mul3A_366, %dma_wait3A_372] : memref<819200x64xf32, #tpu.memory_space<hbm>> -> memref<128x64xf32, #tpu.memory_space<hbm>>
    %dma_wait3A_374 = arith.constant 0 : i32
    %dma_wait3A_375 = tpu.memref_slice %arg4[%mul3A_366, %dma_wait3A_374] : memref<819200x64xf32, #tpu.memory_space<hbm>> -> memref<128x64xf32, #tpu.memory_space<hbm>>
    %dma_wait3A_376 = arith.constant 0 : i32
    %dma_wait3A_377 = arith.constant 0 : i32
    %dma_wait3A_378 = tpu.memref_slice %arg6[%dma_wait3A_367, %dma_wait3A_376, %dma_wait3A_377] : memref<8x128x64xf32, #tpu.memory_space<vmem>> -> memref<1x128x64xf32, #tpu.memory_space<vmem>>
    %dma_wait3A_379 = tpu.memref_squeeze %dma_wait3A_378 : memref<1x128x64xf32, #tpu.memory_space<vmem>> -> memref<128x64xf32, #tpu.memory_space<vmem>>
    tpu.wait_dma2 semaphore(%arg18 : memref<!tpu.dma_semaphore, #tpu.memory_space<semaphore_mem>>) src(%dma_wait3A_379 : memref<128x64xf32, #tpu.memory_space<vmem>>) dst(%dma_wait3A_375 : memref<128x64xf32, #tpu.memory_space<hbm>>)
    %dma_start3A_380 = arith.constant 11 : i32
    %dma_start3A_381 = arith.constant 3 : i32
    %dma_start3A_382 = arith.constant 0 : i32
    %dma_start3A_383 = arith.constant 0 : i32
    %dma_start3A_384 = tpu.memref_slice %arg6[%dma_start3A_381, %dma_start3A_382, %dma_start3A_383] : memref<8x128x64xf32, #tpu.memory_space<vmem>> -> memref<1x128x64xf32, #tpu.memory_space<vmem>>
    %dma_start3A_385 = tpu.memref_squeeze %dma_start3A_384 : memref<1x128x64xf32, #tpu.memory_space<vmem>> -> memref<128x64xf32, #tpu.memory_space<vmem>>
    %dma_start3A_386 = arith.constant 0 : i32
    %dma_start3A_387 = tpu.memref_slice %arg5[%dma_start3A_380, %dma_start3A_386] : memref<200x128xi32, #tpu.memory_space<vmem>> -> memref<1x128xi32, #tpu.memory_space<vmem>>
    %dma_start3A_388 = tpu.memref_squeeze %dma_start3A_387 : memref<1x128xi32, #tpu.memory_space<vmem>> -> memref<128xi32, #tpu.memory_space<vmem>>
    %dma_start3A_389 = arith.constant 0 : i32
    %dma_start3A_390 = arith.constant 0 : i32
    %dma_start3A_391 = tpu.memref_slice %arg3[%dma_start3A_389, %dma_start3A_390] : memref<2000000x64xf32, #tpu.memory_space<hbm>> -> memref<2000000x64xf32, #tpu.memory_space<hbm>>
    tpu.enqueue_indirect_dma source(%dma_start3A_391 : memref<2000000x64xf32, #tpu.memory_space<hbm>>) target(%dma_start3A_385 : memref<128x64xf32, #tpu.memory_space<vmem>>) offsets(%dma_start3A_388 : memref<128xi32, #tpu.memory_space<vmem>>) semaphore(%arg10 : memref<!tpu.dma_semaphore, #tpu.memory_space<semaphore_mem>>)
    %dma_wait3A_392 = arith.constant 6 : i32
    %dma_wait3A_393 = arith.constant 6 : i32
    %dma_wait3A_394 = arith.constant 0 : i32
    %dma_wait3A_395 = arith.constant 0 : i32
    %dma_wait3A_396 = tpu.memref_slice %arg6[%dma_wait3A_393, %dma_wait3A_394, %dma_wait3A_395] : memref<8x128x64xf32, #tpu.memory_space<vmem>> -> memref<1x128x64xf32, #tpu.memory_space<vmem>>
    %dma_wait3A_397 = tpu.memref_squeeze %dma_wait3A_396 : memref<1x128x64xf32, #tpu.memory_space<vmem>> -> memref<128x64xf32, #tpu.memory_space<vmem>>
    %dma_wait3A_398 = arith.constant 0 : i32
    %dma_wait3A_399 = tpu.memref_slice %arg5[%dma_wait3A_392, %dma_wait3A_398] : memref<200x128xi32, #tpu.memory_space<vmem>> -> memref<1x128xi32, #tpu.memory_space<vmem>>
    %dma_wait3A_400 = tpu.memref_squeeze %dma_wait3A_399 : memref<1x128xi32, #tpu.memory_space<vmem>> -> memref<128xi32, #tpu.memory_space<vmem>>
    %dma_wait3A_401 = arith.constant 0 : i32
    %dma_wait3A_402 = arith.constant 0 : i32
    %dma_wait3A_403 = tpu.memref_slice %arg3[%dma_wait3A_401, %dma_wait3A_402] : memref<2000000x64xf32, #tpu.memory_space<hbm>> -> memref<2000000x64xf32, #tpu.memory_space<hbm>>
    tpu.wait_indirect_dma semaphore(%arg13 : memref<!tpu.dma_semaphore, #tpu.memory_space<semaphore_mem>>) src(%dma_wait3A_403 : memref<2000000x64xf32, #tpu.memory_space<hbm>>) dst(%dma_wait3A_397 : memref<128x64xf32, #tpu.memory_space<vmem>>)
    %add3A_404 = arith.constant 6 : i32
    %add3A_405 = arith.addi %mul3A_2, %add3A_404 : i32
    %mul3A_406 = arith.constant 128 : i32
    %mul3A_407 = arith.muli %add3A_405, %mul3A_406 : i32
    %dma_start3A_408 = arith.constant 6 : i32
    %dma_start3A_409 = arith.constant 0 : i32
    %dma_start3A_410 = arith.constant 0 : i32
    %dma_start3A_411 = tpu.memref_slice %arg6[%dma_start3A_408, %dma_start3A_409, %dma_start3A_410] : memref<8x128x64xf32, #tpu.memory_space<vmem>> -> memref<1x128x64xf32, #tpu.memory_space<vmem>>
    %dma_start3A_412 = tpu.memref_squeeze %dma_start3A_411 : memref<1x128x64xf32, #tpu.memory_space<vmem>> -> memref<128x64xf32, #tpu.memory_space<vmem>>
    %dma_start3A_413 = arith.constant 0 : i32
    %dma_start3A_414 = tpu.memref_slice %arg4[%mul3A_407, %dma_start3A_413] : memref<819200x64xf32, #tpu.memory_space<hbm>> -> memref<128x64xf32, #tpu.memory_space<hbm>>
    %dma_start3A_415 = arith.constant 0 : i32
    %dma_start3A_416 = tpu.memref_slice %arg4[%mul3A_407, %dma_start3A_415] : memref<819200x64xf32, #tpu.memory_space<hbm>> -> memref<128x64xf32, #tpu.memory_space<hbm>>
    %dma_start3A_417 = arith.constant 0 : i32
    %dma_start3A_418 = arith.constant 0 : i32
    %dma_start3A_419 = tpu.memref_slice %arg6[%dma_start3A_408, %dma_start3A_417, %dma_start3A_418] : memref<8x128x64xf32, #tpu.memory_space<vmem>> -> memref<1x128x64xf32, #tpu.memory_space<vmem>>
    %dma_start3A_420 = tpu.memref_squeeze %dma_start3A_419 : memref<1x128x64xf32, #tpu.memory_space<vmem>> -> memref<128x64xf32, #tpu.memory_space<vmem>>
    tpu.enqueue_dma source(%dma_start3A_420 : memref<128x64xf32, #tpu.memory_space<vmem>>) target(%dma_start3A_416 : memref<128x64xf32, #tpu.memory_space<hbm>>) target_semaphore(%arg21 : memref<!tpu.dma_semaphore, #tpu.memory_space<semaphore_mem>>)
    %add3A_421 = arith.constant 4 : i32
    %add3A_422 = arith.addi %mul3A_2, %add3A_421 : i32
    %mul3A_423 = arith.constant 128 : i32
    %mul3A_424 = arith.muli %add3A_422, %mul3A_423 : i32
    %dma_wait3A_425 = arith.constant 4 : i32
    %dma_wait3A_426 = arith.constant 0 : i32
    %dma_wait3A_427 = arith.constant 0 : i32
    %dma_wait3A_428 = tpu.memref_slice %arg6[%dma_wait3A_425, %dma_wait3A_426, %dma_wait3A_427] : memref<8x128x64xf32, #tpu.memory_space<vmem>> -> memref<1x128x64xf32, #tpu.memory_space<vmem>>
    %dma_wait3A_429 = tpu.memref_squeeze %dma_wait3A_428 : memref<1x128x64xf32, #tpu.memory_space<vmem>> -> memref<128x64xf32, #tpu.memory_space<vmem>>
    %dma_wait3A_430 = arith.constant 0 : i32
    %dma_wait3A_431 = tpu.memref_slice %arg4[%mul3A_424, %dma_wait3A_430] : memref<819200x64xf32, #tpu.memory_space<hbm>> -> memref<128x64xf32, #tpu.memory_space<hbm>>
    %dma_wait3A_432 = arith.constant 0 : i32
    %dma_wait3A_433 = tpu.memref_slice %arg4[%mul3A_424, %dma_wait3A_432] : memref<819200x64xf32, #tpu.memory_space<hbm>> -> memref<128x64xf32, #tpu.memory_space<hbm>>
    %dma_wait3A_434 = arith.constant 0 : i32
    %dma_wait3A_435 = arith.constant 0 : i32
    %dma_wait3A_436 = tpu.memref_slice %arg6[%dma_wait3A_425, %dma_wait3A_434, %dma_wait3A_435] : memref<8x128x64xf32, #tpu.memory_space<vmem>> -> memref<1x128x64xf32, #tpu.memory_space<vmem>>
    %dma_wait3A_437 = tpu.memref_squeeze %dma_wait3A_436 : memref<1x128x64xf32, #tpu.memory_space<vmem>> -> memref<128x64xf32, #tpu.memory_space<vmem>>
    tpu.wait_dma2 semaphore(%arg19 : memref<!tpu.dma_semaphore, #tpu.memory_space<semaphore_mem>>) src(%dma_wait3A_437 : memref<128x64xf32, #tpu.memory_space<vmem>>) dst(%dma_wait3A_433 : memref<128x64xf32, #tpu.memory_space<hbm>>)
    %dma_start3A_438 = arith.constant 12 : i32
    %dma_start3A_439 = arith.constant 4 : i32
    %dma_start3A_440 = arith.constant 0 : i32
    %dma_start3A_441 = arith.constant 0 : i32
    %dma_start3A_442 = tpu.memref_slice %arg6[%dma_start3A_439, %dma_start3A_440, %dma_start3A_441] : memref<8x128x64xf32, #tpu.memory_space<vmem>> -> memref<1x128x64xf32, #tpu.memory_space<vmem>>
    %dma_start3A_443 = tpu.memref_squeeze %dma_start3A_442 : memref<1x128x64xf32, #tpu.memory_space<vmem>> -> memref<128x64xf32, #tpu.memory_space<vmem>>
    %dma_start3A_444 = arith.constant 0 : i32
    %dma_start3A_445 = tpu.memref_slice %arg5[%dma_start3A_438, %dma_start3A_444] : memref<200x128xi32, #tpu.memory_space<vmem>> -> memref<1x128xi32, #tpu.memory_space<vmem>>
    %dma_start3A_446 = tpu.memref_squeeze %dma_start3A_445 : memref<1x128xi32, #tpu.memory_space<vmem>> -> memref<128xi32, #tpu.memory_space<vmem>>
    %dma_start3A_447 = arith.constant 0 : i32
    %dma_start3A_448 = arith.constant 0 : i32
    %dma_start3A_449 = tpu.memref_slice %arg3[%dma_start3A_447, %dma_start3A_448] : memref<2000000x64xf32, #tpu.memory_space<hbm>> -> memref<2000000x64xf32, #tpu.memory_space<hbm>>
    tpu.enqueue_indirect_dma source(%dma_start3A_449 : memref<2000000x64xf32, #tpu.memory_space<hbm>>) target(%dma_start3A_443 : memref<128x64xf32, #tpu.memory_space<vmem>>) offsets(%dma_start3A_446 : memref<128xi32, #tpu.memory_space<vmem>>) semaphore(%arg11 : memref<!tpu.dma_semaphore, #tpu.memory_space<semaphore_mem>>)
    %dma_wait3A_450 = arith.constant 7 : i32
    %dma_wait3A_451 = arith.constant 7 : i32
    %dma_wait3A_452 = arith.constant 0 : i32
    %dma_wait3A_453 = arith.constant 0 : i32
    %dma_wait3A_454 = tpu.memref_slice %arg6[%dma_wait3A_451, %dma_wait3A_452, %dma_wait3A_453] : memref<8x128x64xf32, #tpu.memory_space<vmem>> -> memref<1x128x64xf32, #tpu.memory_space<vmem>>
    %dma_wait3A_455 = tpu.memref_squeeze %dma_wait3A_454 : memref<1x128x64xf32, #tpu.memory_space<vmem>> -> memref<128x64xf32, #tpu.memory_space<vmem>>
    %dma_wait3A_456 = arith.constant 0 : i32
    %dma_wait3A_457 = tpu.memref_slice %arg5[%dma_wait3A_450, %dma_wait3A_456] : memref<200x128xi32, #tpu.memory_space<vmem>> -> memref<1x128xi32, #tpu.memory_space<vmem>>
    %dma_wait3A_458 = tpu.memref_squeeze %dma_wait3A_457 : memref<1x128xi32, #tpu.memory_space<vmem>> -> memref<128xi32, #tpu.memory_space<vmem>>
    %dma_wait3A_459 = arith.constant 0 : i32
    %dma_wait3A_460 = arith.constant 0 : i32
    %dma_wait3A_461 = tpu.memref_slice %arg3[%dma_wait3A_459, %dma_wait3A_460] : memref<2000000x64xf32, #tpu.memory_space<hbm>> -> memref<2000000x64xf32, #tpu.memory_space<hbm>>
    tpu.wait_indirect_dma semaphore(%arg14 : memref<!tpu.dma_semaphore, #tpu.memory_space<semaphore_mem>>) src(%dma_wait3A_461 : memref<2000000x64xf32, #tpu.memory_space<hbm>>) dst(%dma_wait3A_455 : memref<128x64xf32, #tpu.memory_space<vmem>>)
    %add3A_462 = arith.constant 7 : i32
    %add3A_463 = arith.addi %mul3A_2, %add3A_462 : i32
    %mul3A_464 = arith.constant 128 : i32
    %mul3A_465 = arith.muli %add3A_463, %mul3A_464 : i32
    %dma_start3A_466 = arith.constant 7 : i32
    %dma_start3A_467 = arith.constant 0 : i32
    %dma_start3A_468 = arith.constant 0 : i32
    %dma_start3A_469 = tpu.memref_slice %arg6[%dma_start3A_466, %dma_start3A_467, %dma_start3A_468] : memref<8x128x64xf32, #tpu.memory_space<vmem>> -> memref<1x128x64xf32, #tpu.memory_space<vmem>>
    %dma_start3A_470 = tpu.memref_squeeze %dma_start3A_469 : memref<1x128x64xf32, #tpu.memory_space<vmem>> -> memref<128x64xf32, #tpu.memory_space<vmem>>
    %dma_start3A_471 = arith.constant 0 : i32
    %dma_start3A_472 = tpu.memref_slice %arg4[%mul3A_465, %dma_start3A_471] : memref<819200x64xf32, #tpu.memory_space<hbm>> -> memref<128x64xf32, #tpu.memory_space<hbm>>
    %dma_start3A_473 = arith.constant 0 : i32
    %dma_start3A_474 = tpu.memref_slice %arg4[%mul3A_465, %dma_start3A_473] : memref<819200x64xf32, #tpu.memory_space<hbm>> -> memref<128x64xf32, #tpu.memory_space<hbm>>
    %dma_start3A_475 = arith.constant 0 : i32
    %dma_start3A_476 = arith.constant 0 : i32
    %dma_start3A_477 = tpu.memref_slice %arg6[%dma_start3A_466, %dma_start3A_475, %dma_start3A_476] : memref<8x128x64xf32, #tpu.memory_space<vmem>> -> memref<1x128x64xf32, #tpu.memory_space<vmem>>
    %dma_start3A_478 = tpu.memref_squeeze %dma_start3A_477 : memref<1x128x64xf32, #tpu.memory_space<vmem>> -> memref<128x64xf32, #tpu.memory_space<vmem>>
    tpu.enqueue_dma source(%dma_start3A_478 : memref<128x64xf32, #tpu.memory_space<vmem>>) target(%dma_start3A_474 : memref<128x64xf32, #tpu.memory_space<hbm>>) target_semaphore(%arg22 : memref<!tpu.dma_semaphore, #tpu.memory_space<semaphore_mem>>)
    %add3A_479 = arith.constant 5 : i32
    %add3A_480 = arith.addi %mul3A_2, %add3A_479 : i32
    %mul3A_481 = arith.constant 128 : i32
    %mul3A_482 = arith.muli %add3A_480, %mul3A_481 : i32
    %dma_wait3A_483 = arith.constant 5 : i32
    %dma_wait3A_484 = arith.constant 0 : i32
    %dma_wait3A_485 = arith.constant 0 : i32
    %dma_wait3A_486 = tpu.memref_slice %arg6[%dma_wait3A_483, %dma_wait3A_484, %dma_wait3A_485] : memref<8x128x64xf32, #tpu.memory_space<vmem>> -> memref<1x128x64xf32, #tpu.memory_space<vmem>>
    %dma_wait3A_487 = tpu.memref_squeeze %dma_wait3A_486 : memref<1x128x64xf32, #tpu.memory_space<vmem>> -> memref<128x64xf32, #tpu.memory_space<vmem>>
    %dma_wait3A_488 = arith.constant 0 : i32
    %dma_wait3A_489 = tpu.memref_slice %arg4[%mul3A_482, %dma_wait3A_488] : memref<819200x64xf32, #tpu.memory_space<hbm>> -> memref<128x64xf32, #tpu.memory_space<hbm>>
    %dma_wait3A_490 = arith.constant 0 : i32
    %dma_wait3A_491 = tpu.memref_slice %arg4[%mul3A_482, %dma_wait3A_490] : memref<819200x64xf32, #tpu.memory_space<hbm>> -> memref<128x64xf32, #tpu.memory_space<hbm>>
    %dma_wait3A_492 = arith.constant 0 : i32
    %dma_wait3A_493 = arith.constant 0 : i32
    %dma_wait3A_494 = tpu.memref_slice %arg6[%dma_wait3A_483, %dma_wait3A_492, %dma_wait3A_493] : memref<8x128x64xf32, #tpu.memory_space<vmem>> -> memref<1x128x64xf32, #tpu.memory_space<vmem>>
    %dma_wait3A_495 = tpu.memref_squeeze %dma_wait3A_494 : memref<1x128x64xf32, #tpu.memory_space<vmem>> -> memref<128x64xf32, #tpu.memory_space<vmem>>
    tpu.wait_dma2 semaphore(%arg20 : memref<!tpu.dma_semaphore, #tpu.memory_space<semaphore_mem>>) src(%dma_wait3A_495 : memref<128x64xf32, #tpu.memory_space<vmem>>) dst(%dma_wait3A_491 : memref<128x64xf32, #tpu.memory_space<hbm>>)
    %dma_start3A_496 = arith.constant 13 : i32
    %dma_start3A_497 = arith.constant 5 : i32
    %dma_start3A_498 = arith.constant 0 : i32
    %dma_start3A_499 = arith.constant 0 : i32
    %dma_start3A_500 = tpu.memref_slice %arg6[%dma_start3A_497, %dma_start3A_498, %dma_start3A_499] : memref<8x128x64xf32, #tpu.memory_space<vmem>> -> memref<1x128x64xf32, #tpu.memory_space<vmem>>
    %dma_start3A_501 = tpu.memref_squeeze %dma_start3A_500 : memref<1x128x64xf32, #tpu.memory_space<vmem>> -> memref<128x64xf32, #tpu.memory_space<vmem>>
    %dma_start3A_502 = arith.constant 0 : i32
    %dma_start3A_503 = tpu.memref_slice %arg5[%dma_start3A_496, %dma_start3A_502] : memref<200x128xi32, #tpu.memory_space<vmem>> -> memref<1x128xi32, #tpu.memory_space<vmem>>
    %dma_start3A_504 = tpu.memref_squeeze %dma_start3A_503 : memref<1x128xi32, #tpu.memory_space<vmem>> -> memref<128xi32, #tpu.memory_space<vmem>>
    %dma_start3A_505 = arith.constant 0 : i32
    %dma_start3A_506 = arith.constant 0 : i32
    %dma_start3A_507 = tpu.memref_slice %arg3[%dma_start3A_505, %dma_start3A_506] : memref<2000000x64xf32, #tpu.memory_space<hbm>> -> memref<2000000x64xf32, #tpu.memory_space<hbm>>
    tpu.enqueue_indirect_dma source(%dma_start3A_507 : memref<2000000x64xf32, #tpu.memory_space<hbm>>) target(%dma_start3A_501 : memref<128x64xf32, #tpu.memory_space<vmem>>) offsets(%dma_start3A_504 : memref<128xi32, #tpu.memory_space<vmem>>) semaphore(%arg12 : memref<!tpu.dma_semaphore, #tpu.memory_space<semaphore_mem>>)
    %scan3A_508 = arith.constant 0 : i32
    %scan3A_509 = arith.constant 1 : i32
    %scan3A_510 = arith.constant 23 : i32
    %scan3A_511 = arith.addi %scan3A_509, %scan3A_510 : i32
    %scan3A_512 = arith.constant 1 : i32
    scf.for %scan3A_940 = %scan3A_509 to %scan3A_511 step %scan3A_512  : i32 {
      %mul3A_941 = arith.constant 8 : i32
      %mul3A_942 = arith.muli %scan3A_940, %mul3A_941 : i32
      %add3A_943 = arith.constant 0 : i32
      %add3A_944 = arith.addi %mul3A_942, %add3A_943 : i32
      %dma_wait3A_945 = arith.constant 0 : i32
      %dma_wait3A_946 = arith.constant 0 : i32
      %dma_wait3A_947 = arith.constant 0 : i32
      %dma_wait3A_948 = tpu.memref_slice %arg6[%dma_wait3A_945, %dma_wait3A_946, %dma_wait3A_947] : memref<8x128x64xf32, #tpu.memory_space<vmem>> -> memref<1x128x64xf32, #tpu.memory_space<vmem>>
      %dma_wait3A_949 = tpu.memref_squeeze %dma_wait3A_948 : memref<1x128x64xf32, #tpu.memory_space<vmem>> -> memref<128x64xf32, #tpu.memory_space<vmem>>
      %dma_wait3A_950 = arith.constant 0 : i32
      %dma_wait3A_951 = tpu.memref_slice %arg5[%add3A_944, %dma_wait3A_950] : memref<200x128xi32, #tpu.memory_space<vmem>> -> memref<1x128xi32, #tpu.memory_space<vmem>>
      %dma_wait3A_952 = tpu.memref_squeeze %dma_wait3A_951 : memref<1x128xi32, #tpu.memory_space<vmem>> -> memref<128xi32, #tpu.memory_space<vmem>>
      %dma_wait3A_953 = arith.constant 0 : i32
      %dma_wait3A_954 = arith.constant 0 : i32
      %dma_wait3A_955 = tpu.memref_slice %arg3[%dma_wait3A_953, %dma_wait3A_954] : memref<2000000x64xf32, #tpu.memory_space<hbm>> -> memref<2000000x64xf32, #tpu.memory_space<hbm>>
      tpu.wait_indirect_dma semaphore(%arg7 : memref<!tpu.dma_semaphore, #tpu.memory_space<semaphore_mem>>) src(%dma_wait3A_955 : memref<2000000x64xf32, #tpu.memory_space<hbm>>) dst(%dma_wait3A_949 : memref<128x64xf32, #tpu.memory_space<vmem>>)
      %add3A_956 = arith.addi %mul3A_2, %add3A_944 : i32
      %mul3A_957 = arith.constant 128 : i32
      %mul3A_958 = arith.muli %add3A_956, %mul3A_957 : i32
      %dma_start3A_959 = arith.constant 0 : i32
      %dma_start3A_960 = arith.constant 0 : i32
      %dma_start3A_961 = arith.constant 0 : i32
      %dma_start3A_962 = tpu.memref_slice %arg6[%dma_start3A_959, %dma_start3A_960, %dma_start3A_961] : memref<8x128x64xf32, #tpu.memory_space<vmem>> -> memref<1x128x64xf32, #tpu.memory_space<vmem>>
      %dma_start3A_963 = tpu.memref_squeeze %dma_start3A_962 : memref<1x128x64xf32, #tpu.memory_space<vmem>> -> memref<128x64xf32, #tpu.memory_space<vmem>>
      %dma_start3A_964 = arith.constant 0 : i32
      %dma_start3A_965 = tpu.memref_slice %arg4[%mul3A_958, %dma_start3A_964] : memref<819200x64xf32, #tpu.memory_space<hbm>> -> memref<128x64xf32, #tpu.memory_space<hbm>>
      %dma_start3A_966 = arith.constant 0 : i32
      %dma_start3A_967 = tpu.memref_slice %arg4[%mul3A_958, %dma_start3A_966] : memref<819200x64xf32, #tpu.memory_space<hbm>> -> memref<128x64xf32, #tpu.memory_space<hbm>>
      %dma_start3A_968 = arith.constant 0 : i32
      %dma_start3A_969 = arith.constant 0 : i32
      %dma_start3A_970 = tpu.memref_slice %arg6[%dma_start3A_959, %dma_start3A_968, %dma_start3A_969] : memref<8x128x64xf32, #tpu.memory_space<vmem>> -> memref<1x128x64xf32, #tpu.memory_space<vmem>>
      %dma_start3A_971 = tpu.memref_squeeze %dma_start3A_970 : memref<1x128x64xf32, #tpu.memory_space<vmem>> -> memref<128x64xf32, #tpu.memory_space<vmem>>
      tpu.enqueue_dma source(%dma_start3A_971 : memref<128x64xf32, #tpu.memory_space<vmem>>) target(%dma_start3A_967 : memref<128x64xf32, #tpu.memory_space<hbm>>) target_semaphore(%arg15 : memref<!tpu.dma_semaphore, #tpu.memory_space<semaphore_mem>>)
      %sub3A = arith.constant 2 : i32
      %sub3A_972 = arith.subi %add3A_944, %sub3A : i32
      %add3A_973 = arith.addi %mul3A_2, %sub3A_972 : i32
      %mul3A_974 = arith.constant 128 : i32
      %mul3A_975 = arith.muli %add3A_973, %mul3A_974 : i32
      %dma_wait3A_976 = arith.constant 6 : i32
      %dma_wait3A_977 = arith.constant 0 : i32
      %dma_wait3A_978 = arith.constant 0 : i32
      %dma_wait3A_979 = tpu.memref_slice %arg6[%dma_wait3A_976, %dma_wait3A_977, %dma_wait3A_978] : memref<8x128x64xf32, #tpu.memory_space<vmem>> -> memref<1x128x64xf32, #tpu.memory_space<vmem>>
      %dma_wait3A_980 = tpu.memref_squeeze %dma_wait3A_979 : memref<1x128x64xf32, #tpu.memory_space<vmem>> -> memref<128x64xf32, #tpu.memory_space<vmem>>
      %dma_wait3A_981 = arith.constant 0 : i32
      %dma_wait3A_982 = tpu.memref_slice %arg4[%mul3A_975, %dma_wait3A_981] : memref<819200x64xf32, #tpu.memory_space<hbm>> -> memref<128x64xf32, #tpu.memory_space<hbm>>
      %dma_wait3A_983 = arith.constant 0 : i32
      %dma_wait3A_984 = tpu.memref_slice %arg4[%mul3A_975, %dma_wait3A_983] : memref<819200x64xf32, #tpu.memory_space<hbm>> -> memref<128x64xf32, #tpu.memory_space<hbm>>
      %dma_wait3A_985 = arith.constant 0 : i32
      %dma_wait3A_986 = arith.constant 0 : i32
      %dma_wait3A_987 = tpu.memref_slice %arg6[%dma_wait3A_976, %dma_wait3A_985, %dma_wait3A_986] : memref<8x128x64xf32, #tpu.memory_space<vmem>> -> memref<1x128x64xf32, #tpu.memory_space<vmem>>
      %dma_wait3A_988 = tpu.memref_squeeze %dma_wait3A_987 : memref<1x128x64xf32, #tpu.memory_space<vmem>> -> memref<128x64xf32, #tpu.memory_space<vmem>>
      tpu.wait_dma2 semaphore(%arg21 : memref<!tpu.dma_semaphore, #tpu.memory_space<semaphore_mem>>) src(%dma_wait3A_988 : memref<128x64xf32, #tpu.memory_space<vmem>>) dst(%dma_wait3A_984 : memref<128x64xf32, #tpu.memory_space<hbm>>)
      %add3A_989 = arith.constant 8 : i32
      %add3A_990 = arith.addi %add3A_944, %add3A_989 : i32
      %sub3A_991 = arith.constant 2 : i32
      %sub3A_992 = arith.subi %add3A_990, %sub3A_991 : i32
      %dma_start3A_993 = arith.constant 6 : i32
      %dma_start3A_994 = arith.constant 0 : i32
      %dma_start3A_995 = arith.constant 0 : i32
      %dma_start3A_996 = tpu.memref_slice %arg6[%dma_start3A_993, %dma_start3A_994, %dma_start3A_995] : memref<8x128x64xf32, #tpu.memory_space<vmem>> -> memref<1x128x64xf32, #tpu.memory_space<vmem>>
      %dma_start3A_997 = tpu.memref_squeeze %dma_start3A_996 : memref<1x128x64xf32, #tpu.memory_space<vmem>> -> memref<128x64xf32, #tpu.memory_space<vmem>>
      %dma_start3A_998 = arith.constant 0 : i32
      %dma_start3A_999 = tpu.memref_slice %arg5[%sub3A_992, %dma_start3A_998] : memref<200x128xi32, #tpu.memory_space<vmem>> -> memref<1x128xi32, #tpu.memory_space<vmem>>
      %dma_start3A_1000 = tpu.memref_squeeze %dma_start3A_999 : memref<1x128xi32, #tpu.memory_space<vmem>> -> memref<128xi32, #tpu.memory_space<vmem>>
      %dma_start3A_1001 = arith.constant 0 : i32
      %dma_start3A_1002 = arith.constant 0 : i32
      %dma_start3A_1003 = tpu.memref_slice %arg3[%dma_start3A_1001, %dma_start3A_1002] : memref<2000000x64xf32, #tpu.memory_space<hbm>> -> memref<2000000x64xf32, #tpu.memory_space<hbm>>
      tpu.enqueue_indirect_dma source(%dma_start3A_1003 : memref<2000000x64xf32, #tpu.memory_space<hbm>>) target(%dma_start3A_997 : memref<128x64xf32, #tpu.memory_space<vmem>>) offsets(%dma_start3A_1000 : memref<128xi32, #tpu.memory_space<vmem>>) semaphore(%arg13 : memref<!tpu.dma_semaphore, #tpu.memory_space<semaphore_mem>>)
      %mul3A_1004 = arith.constant 8 : i32
      %mul3A_1005 = arith.muli %scan3A_940, %mul3A_1004 : i32
      %add3A_1006 = arith.constant 1 : i32
      %add3A_1007 = arith.addi %mul3A_1005, %add3A_1006 : i32
      %dma_wait3A_1008 = arith.constant 1 : i32
      %dma_wait3A_1009 = arith.constant 0 : i32
      %dma_wait3A_1010 = arith.constant 0 : i32
      %dma_wait3A_1011 = tpu.memref_slice %arg6[%dma_wait3A_1008, %dma_wait3A_1009, %dma_wait3A_1010] : memref<8x128x64xf32, #tpu.memory_space<vmem>> -> memref<1x128x64xf32, #tpu.memory_space<vmem>>
      %dma_wait3A_1012 = tpu.memref_squeeze %dma_wait3A_1011 : memref<1x128x64xf32, #tpu.memory_space<vmem>> -> memref<128x64xf32, #tpu.memory_space<vmem>>
      %dma_wait3A_1013 = arith.constant 0 : i32
      %dma_wait3A_1014 = tpu.memref_slice %arg5[%add3A_1007, %dma_wait3A_1013] : memref<200x128xi32, #tpu.memory_space<vmem>> -> memref<1x128xi32, #tpu.memory_space<vmem>>
      %dma_wait3A_1015 = tpu.memref_squeeze %dma_wait3A_1014 : memref<1x128xi32, #tpu.memory_space<vmem>> -> memref<128xi32, #tpu.memory_space<vmem>>
      %dma_wait3A_1016 = arith.constant 0 : i32
      %dma_wait3A_1017 = arith.constant 0 : i32
      %dma_wait3A_1018 = tpu.memref_slice %arg3[%dma_wait3A_1016, %dma_wait3A_1017] : memref<2000000x64xf32, #tpu.memory_space<hbm>> -> memref<2000000x64xf32, #tpu.memory_space<hbm>>
      tpu.wait_indirect_dma semaphore(%arg8 : memref<!tpu.dma_semaphore, #tpu.memory_space<semaphore_mem>>) src(%dma_wait3A_1018 : memref<2000000x64xf32, #tpu.memory_space<hbm>>) dst(%dma_wait3A_1012 : memref<128x64xf32, #tpu.memory_space<vmem>>)
      %add3A_1019 = arith.addi %mul3A_2, %add3A_1007 : i32
      %mul3A_1020 = arith.constant 128 : i32
      %mul3A_1021 = arith.muli %add3A_1019, %mul3A_1020 : i32
      %dma_start3A_1022 = arith.constant 1 : i32
      %dma_start3A_1023 = arith.constant 0 : i32
      %dma_start3A_1024 = arith.constant 0 : i32
      %dma_start3A_1025 = tpu.memref_slice %arg6[%dma_start3A_1022, %dma_start3A_1023, %dma_start3A_1024] : memref<8x128x64xf32, #tpu.memory_space<vmem>> -> memref<1x128x64xf32, #tpu.memory_space<vmem>>
      %dma_start3A_1026 = tpu.memref_squeeze %dma_start3A_1025 : memref<1x128x64xf32, #tpu.memory_space<vmem>> -> memref<128x64xf32, #tpu.memory_space<vmem>>
      %dma_start3A_1027 = arith.constant 0 : i32
      %dma_start3A_1028 = tpu.memref_slice %arg4[%mul3A_1021, %dma_start3A_1027] : memref<819200x64xf32, #tpu.memory_space<hbm>> -> memref<128x64xf32, #tpu.memory_space<hbm>>
      %dma_start3A_1029 = arith.constant 0 : i32
      %dma_start3A_1030 = tpu.memref_slice %arg4[%mul3A_1021, %dma_start3A_1029] : memref<819200x64xf32, #tpu.memory_space<hbm>> -> memref<128x64xf32, #tpu.memory_space<hbm>>
      %dma_start3A_1031 = arith.constant 0 : i32
      %dma_start3A_1032 = arith.constant 0 : i32
      %dma_start3A_1033 = tpu.memref_slice %arg6[%dma_start3A_1022, %dma_start3A_1031, %dma_start3A_1032] : memref<8x128x64xf32, #tpu.memory_space<vmem>> -> memref<1x128x64xf32, #tpu.memory_space<vmem>>
      %dma_start3A_1034 = tpu.memref_squeeze %dma_start3A_1033 : memref<1x128x64xf32, #tpu.memory_space<vmem>> -> memref<128x64xf32, #tpu.memory_space<vmem>>
      tpu.enqueue_dma source(%dma_start3A_1034 : memref<128x64xf32, #tpu.memory_space<vmem>>) target(%dma_start3A_1030 : memref<128x64xf32, #tpu.memory_space<hbm>>) target_semaphore(%arg16 : memref<!tpu.dma_semaphore, #tpu.memory_space<semaphore_mem>>)
      %sub3A_1035 = arith.constant 2 : i32
      %sub3A_1036 = arith.subi %add3A_1007, %sub3A_1035 : i32
      %add3A_1037 = arith.addi %mul3A_2, %sub3A_1036 : i32
      %mul3A_1038 = arith.constant 128 : i32
      %mul3A_1039 = arith.muli %add3A_1037, %mul3A_1038 : i32
      %dma_wait3A_1040 = arith.constant 7 : i32
      %dma_wait3A_1041 = arith.constant 0 : i32
      %dma_wait3A_1042 = arith.constant 0 : i32
      %dma_wait3A_1043 = tpu.memref_slice %arg6[%dma_wait3A_1040, %dma_wait3A_1041, %dma_wait3A_1042] : memref<8x128x64xf32, #tpu.memory_space<vmem>> -> memref<1x128x64xf32, #tpu.memory_space<vmem>>
      %dma_wait3A_1044 = tpu.memref_squeeze %dma_wait3A_1043 : memref<1x128x64xf32, #tpu.memory_space<vmem>> -> memref<128x64xf32, #tpu.memory_space<vmem>>
      %dma_wait3A_1045 = arith.constant 0 : i32
      %dma_wait3A_1046 = tpu.memref_slice %arg4[%mul3A_1039, %dma_wait3A_1045] : memref<819200x64xf32, #tpu.memory_space<hbm>> -> memref<128x64xf32, #tpu.memory_space<hbm>>
      %dma_wait3A_1047 = arith.constant 0 : i32
      %dma_wait3A_1048 = tpu.memref_slice %arg4[%mul3A_1039, %dma_wait3A_1047] : memref<819200x64xf32, #tpu.memory_space<hbm>> -> memref<128x64xf32, #tpu.memory_space<hbm>>
      %dma_wait3A_1049 = arith.constant 0 : i32
      %dma_wait3A_1050 = arith.constant 0 : i32
      %dma_wait3A_1051 = tpu.memref_slice %arg6[%dma_wait3A_1040, %dma_wait3A_1049, %dma_wait3A_1050] : memref<8x128x64xf32, #tpu.memory_space<vmem>> -> memref<1x128x64xf32, #tpu.memory_space<vmem>>
      %dma_wait3A_1052 = tpu.memref_squeeze %dma_wait3A_1051 : memref<1x128x64xf32, #tpu.memory_space<vmem>> -> memref<128x64xf32, #tpu.memory_space<vmem>>
      tpu.wait_dma2 semaphore(%arg22 : memref<!tpu.dma_semaphore, #tpu.memory_space<semaphore_mem>>) src(%dma_wait3A_1052 : memref<128x64xf32, #tpu.memory_space<vmem>>) dst(%dma_wait3A_1048 : memref<128x64xf32, #tpu.memory_space<hbm>>)
      %add3A_1053 = arith.constant 8 : i32
      %add3A_1054 = arith.addi %add3A_1007, %add3A_1053 : i32
      %sub3A_1055 = arith.constant 2 : i32
      %sub3A_1056 = arith.subi %add3A_1054, %sub3A_1055 : i32
      %dma_start3A_1057 = arith.constant 7 : i32
      %dma_start3A_1058 = arith.constant 0 : i32
      %dma_start3A_1059 = arith.constant 0 : i32
      %dma_start3A_1060 = tpu.memref_slice %arg6[%dma_start3A_1057, %dma_start3A_1058, %dma_start3A_1059] : memref<8x128x64xf32, #tpu.memory_space<vmem>> -> memref<1x128x64xf32, #tpu.memory_space<vmem>>
      %dma_start3A_1061 = tpu.memref_squeeze %dma_start3A_1060 : memref<1x128x64xf32, #tpu.memory_space<vmem>> -> memref<128x64xf32, #tpu.memory_space<vmem>>
      %dma_start3A_1062 = arith.constant 0 : i32
      %dma_start3A_1063 = tpu.memref_slice %arg5[%sub3A_1056, %dma_start3A_1062] : memref<200x128xi32, #tpu.memory_space<vmem>> -> memref<1x128xi32, #tpu.memory_space<vmem>>
      %dma_start3A_1064 = tpu.memref_squeeze %dma_start3A_1063 : memref<1x128xi32, #tpu.memory_space<vmem>> -> memref<128xi32, #tpu.memory_space<vmem>>
      %dma_start3A_1065 = arith.constant 0 : i32
      %dma_start3A_1066 = arith.constant 0 : i32
      %dma_start3A_1067 = tpu.memref_slice %arg3[%dma_start3A_1065, %dma_start3A_1066] : memref<2000000x64xf32, #tpu.memory_space<hbm>> -> memref<2000000x64xf32, #tpu.memory_space<hbm>>
      tpu.enqueue_indirect_dma source(%dma_start3A_1067 : memref<2000000x64xf32, #tpu.memory_space<hbm>>) target(%dma_start3A_1061 : memref<128x64xf32, #tpu.memory_space<vmem>>) offsets(%dma_start3A_1064 : memref<128xi32, #tpu.memory_space<vmem>>) semaphore(%arg14 : memref<!tpu.dma_semaphore, #tpu.memory_space<semaphore_mem>>)
      %mul3A_1068 = arith.constant 8 : i32
      %mul3A_1069 = arith.muli %scan3A_940, %mul3A_1068 : i32
      %add3A_1070 = arith.constant 2 : i32
      %add3A_1071 = arith.addi %mul3A_1069, %add3A_1070 : i32
      %dma_wait3A_1072 = arith.constant 2 : i32
      %dma_wait3A_1073 = arith.constant 0 : i32
      %dma_wait3A_1074 = arith.constant 0 : i32
      %dma_wait3A_1075 = tpu.memref_slice %arg6[%dma_wait3A_1072, %dma_wait3A_1073, %dma_wait3A_1074] : memref<8x128x64xf32, #tpu.memory_space<vmem>> -> memref<1x128x64xf32, #tpu.memory_space<vmem>>
      %dma_wait3A_1076 = tpu.memref_squeeze %dma_wait3A_1075 : memref<1x128x64xf32, #tpu.memory_space<vmem>> -> memref<128x64xf32, #tpu.memory_space<vmem>>
      %dma_wait3A_1077 = arith.constant 0 : i32
      %dma_wait3A_1078 = tpu.memref_slice %arg5[%add3A_1071, %dma_wait3A_1077] : memref<200x128xi32, #tpu.memory_space<vmem>> -> memref<1x128xi32, #tpu.memory_space<vmem>>
      %dma_wait3A_1079 = tpu.memref_squeeze %dma_wait3A_1078 : memref<1x128xi32, #tpu.memory_space<vmem>> -> memref<128xi32, #tpu.memory_space<vmem>>
      %dma_wait3A_1080 = arith.constant 0 : i32
      %dma_wait3A_1081 = arith.constant 0 : i32
      %dma_wait3A_1082 = tpu.memref_slice %arg3[%dma_wait3A_1080, %dma_wait3A_1081] : memref<2000000x64xf32, #tpu.memory_space<hbm>> -> memref<2000000x64xf32, #tpu.memory_space<hbm>>
      tpu.wait_indirect_dma semaphore(%arg9 : memref<!tpu.dma_semaphore, #tpu.memory_space<semaphore_mem>>) src(%dma_wait3A_1082 : memref<2000000x64xf32, #tpu.memory_space<hbm>>) dst(%dma_wait3A_1076 : memref<128x64xf32, #tpu.memory_space<vmem>>)
      %add3A_1083 = arith.addi %mul3A_2, %add3A_1071 : i32
      %mul3A_1084 = arith.constant 128 : i32
      %mul3A_1085 = arith.muli %add3A_1083, %mul3A_1084 : i32
      %dma_start3A_1086 = arith.constant 2 : i32
      %dma_start3A_1087 = arith.constant 0 : i32
      %dma_start3A_1088 = arith.constant 0 : i32
      %dma_start3A_1089 = tpu.memref_slice %arg6[%dma_start3A_1086, %dma_start3A_1087, %dma_start3A_1088] : memref<8x128x64xf32, #tpu.memory_space<vmem>> -> memref<1x128x64xf32, #tpu.memory_space<vmem>>
      %dma_start3A_1090 = tpu.memref_squeeze %dma_start3A_1089 : memref<1x128x64xf32, #tpu.memory_space<vmem>> -> memref<128x64xf32, #tpu.memory_space<vmem>>
      %dma_start3A_1091 = arith.constant 0 : i32
      %dma_start3A_1092 = tpu.memref_slice %arg4[%mul3A_1085, %dma_start3A_1091] : memref<819200x64xf32, #tpu.memory_space<hbm>> -> memref<128x64xf32, #tpu.memory_space<hbm>>
      %dma_start3A_1093 = arith.constant 0 : i32
      %dma_start3A_1094 = tpu.memref_slice %arg4[%mul3A_1085, %dma_start3A_1093] : memref<819200x64xf32, #tpu.memory_space<hbm>> -> memref<128x64xf32, #tpu.memory_space<hbm>>
      %dma_start3A_1095 = arith.constant 0 : i32
      %dma_start3A_1096 = arith.constant 0 : i32
      %dma_start3A_1097 = tpu.memref_slice %arg6[%dma_start3A_1086, %dma_start3A_1095, %dma_start3A_1096] : memref<8x128x64xf32, #tpu.memory_space<vmem>> -> memref<1x128x64xf32, #tpu.memory_space<vmem>>
      %dma_start3A_1098 = tpu.memref_squeeze %dma_start3A_1097 : memref<1x128x64xf32, #tpu.memory_space<vmem>> -> memref<128x64xf32, #tpu.memory_space<vmem>>
      tpu.enqueue_dma source(%dma_start3A_1098 : memref<128x64xf32, #tpu.memory_space<vmem>>) target(%dma_start3A_1094 : memref<128x64xf32, #tpu.memory_space<hbm>>) target_semaphore(%arg17 : memref<!tpu.dma_semaphore, #tpu.memory_space<semaphore_mem>>)
      %sub3A_1099 = arith.constant 2 : i32
      %sub3A_1100 = arith.subi %add3A_1071, %sub3A_1099 : i32
      %add3A_1101 = arith.addi %mul3A_2, %sub3A_1100 : i32
      %mul3A_1102 = arith.constant 128 : i32
      %mul3A_1103 = arith.muli %add3A_1101, %mul3A_1102 : i32
      %dma_wait3A_1104 = arith.constant 0 : i32
      %dma_wait3A_1105 = arith.constant 0 : i32
      %dma_wait3A_1106 = arith.constant 0 : i32
      %dma_wait3A_1107 = tpu.memref_slice %arg6[%dma_wait3A_1104, %dma_wait3A_1105, %dma_wait3A_1106] : memref<8x128x64xf32, #tpu.memory_space<vmem>> -> memref<1x128x64xf32, #tpu.memory_space<vmem>>
      %dma_wait3A_1108 = tpu.memref_squeeze %dma_wait3A_1107 : memref<1x128x64xf32, #tpu.memory_space<vmem>> -> memref<128x64xf32, #tpu.memory_space<vmem>>
      %dma_wait3A_1109 = arith.constant 0 : i32
      %dma_wait3A_1110 = tpu.memref_slice %arg4[%mul3A_1103, %dma_wait3A_1109] : memref<819200x64xf32, #tpu.memory_space<hbm>> -> memref<128x64xf32, #tpu.memory_space<hbm>>
      %dma_wait3A_1111 = arith.constant 0 : i32
      %dma_wait3A_1112 = tpu.memref_slice %arg4[%mul3A_1103, %dma_wait3A_1111] : memref<819200x64xf32, #tpu.memory_space<hbm>> -> memref<128x64xf32, #tpu.memory_space<hbm>>
      %dma_wait3A_1113 = arith.constant 0 : i32
      %dma_wait3A_1114 = arith.constant 0 : i32
      %dma_wait3A_1115 = tpu.memref_slice %arg6[%dma_wait3A_1104, %dma_wait3A_1113, %dma_wait3A_1114] : memref<8x128x64xf32, #tpu.memory_space<vmem>> -> memref<1x128x64xf32, #tpu.memory_space<vmem>>
      %dma_wait3A_1116 = tpu.memref_squeeze %dma_wait3A_1115 : memref<1x128x64xf32, #tpu.memory_space<vmem>> -> memref<128x64xf32, #tpu.memory_space<vmem>>
      tpu.wait_dma2 semaphore(%arg15 : memref<!tpu.dma_semaphore, #tpu.memory_space<semaphore_mem>>) src(%dma_wait3A_1116 : memref<128x64xf32, #tpu.memory_space<vmem>>) dst(%dma_wait3A_1112 : memref<128x64xf32, #tpu.memory_space<hbm>>)
      %add3A_1117 = arith.constant 8 : i32
      %add3A_1118 = arith.addi %add3A_1071, %add3A_1117 : i32
      %sub3A_1119 = arith.constant 2 : i32
      %sub3A_1120 = arith.subi %add3A_1118, %sub3A_1119 : i32
      %dma_start3A_1121 = arith.constant 0 : i32
      %dma_start3A_1122 = arith.constant 0 : i32
      %dma_start3A_1123 = arith.constant 0 : i32
      %dma_start3A_1124 = tpu.memref_slice %arg6[%dma_start3A_1121, %dma_start3A_1122, %dma_start3A_1123] : memref<8x128x64xf32, #tpu.memory_space<vmem>> -> memref<1x128x64xf32, #tpu.memory_space<vmem>>
      %dma_start3A_1125 = tpu.memref_squeeze %dma_start3A_1124 : memref<1x128x64xf32, #tpu.memory_space<vmem>> -> memref<128x64xf32, #tpu.memory_space<vmem>>
      %dma_start3A_1126 = arith.constant 0 : i32
      %dma_start3A_1127 = tpu.memref_slice %arg5[%sub3A_1120, %dma_start3A_1126] : memref<200x128xi32, #tpu.memory_space<vmem>> -> memref<1x128xi32, #tpu.memory_space<vmem>>
      %dma_start3A_1128 = tpu.memref_squeeze %dma_start3A_1127 : memref<1x128xi32, #tpu.memory_space<vmem>> -> memref<128xi32, #tpu.memory_space<vmem>>
      %dma_start3A_1129 = arith.constant 0 : i32
      %dma_start3A_1130 = arith.constant 0 : i32
      %dma_start3A_1131 = tpu.memref_slice %arg3[%dma_start3A_1129, %dma_start3A_1130] : memref<2000000x64xf32, #tpu.memory_space<hbm>> -> memref<2000000x64xf32, #tpu.memory_space<hbm>>
      tpu.enqueue_indirect_dma source(%dma_start3A_1131 : memref<2000000x64xf32, #tpu.memory_space<hbm>>) target(%dma_start3A_1125 : memref<128x64xf32, #tpu.memory_space<vmem>>) offsets(%dma_start3A_1128 : memref<128xi32, #tpu.memory_space<vmem>>) semaphore(%arg7 : memref<!tpu.dma_semaphore, #tpu.memory_space<semaphore_mem>>)
      %mul3A_1132 = arith.constant 8 : i32
      %mul3A_1133 = arith.muli %scan3A_940, %mul3A_1132 : i32
      %add3A_1134 = arith.constant 3 : i32
      %add3A_1135 = arith.addi %mul3A_1133, %add3A_1134 : i32
      %dma_wait3A_1136 = arith.constant 3 : i32
      %dma_wait3A_1137 = arith.constant 0 : i32
      %dma_wait3A_1138 = arith.constant 0 : i32
      %dma_wait3A_1139 = tpu.memref_slice %arg6[%dma_wait3A_1136, %dma_wait3A_1137, %dma_wait3A_1138] : memref<8x128x64xf32, #tpu.memory_space<vmem>> -> memref<1x128x64xf32, #tpu.memory_space<vmem>>
      %dma_wait3A_1140 = tpu.memref_squeeze %dma_wait3A_1139 : memref<1x128x64xf32, #tpu.memory_space<vmem>> -> memref<128x64xf32, #tpu.memory_space<vmem>>
      %dma_wait3A_1141 = arith.constant 0 : i32
      %dma_wait3A_1142 = tpu.memref_slice %arg5[%add3A_1135, %dma_wait3A_1141] : memref<200x128xi32, #tpu.memory_space<vmem>> -> memref<1x128xi32, #tpu.memory_space<vmem>>
      %dma_wait3A_1143 = tpu.memref_squeeze %dma_wait3A_1142 : memref<1x128xi32, #tpu.memory_space<vmem>> -> memref<128xi32, #tpu.memory_space<vmem>>
      %dma_wait3A_1144 = arith.constant 0 : i32
      %dma_wait3A_1145 = arith.constant 0 : i32
      %dma_wait3A_1146 = tpu.memref_slice %arg3[%dma_wait3A_1144, %dma_wait3A_1145] : memref<2000000x64xf32, #tpu.memory_space<hbm>> -> memref<2000000x64xf32, #tpu.memory_space<hbm>>
      tpu.wait_indirect_dma semaphore(%arg10 : memref<!tpu.dma_semaphore, #tpu.memory_space<semaphore_mem>>) src(%dma_wait3A_1146 : memref<2000000x64xf32, #tpu.memory_space<hbm>>) dst(%dma_wait3A_1140 : memref<128x64xf32, #tpu.memory_space<vmem>>)
      %add3A_1147 = arith.addi %mul3A_2, %add3A_1135 : i32
      %mul3A_1148 = arith.constant 128 : i32
      %mul3A_1149 = arith.muli %add3A_1147, %mul3A_1148 : i32
      %dma_start3A_1150 = arith.constant 3 : i32
      %dma_start3A_1151 = arith.constant 0 : i32
      %dma_start3A_1152 = arith.constant 0 : i32
      %dma_start3A_1153 = tpu.memref_slice %arg6[%dma_start3A_1150, %dma_start3A_1151, %dma_start3A_1152] : memref<8x128x64xf32, #tpu.memory_space<vmem>> -> memref<1x128x64xf32, #tpu.memory_space<vmem>>
      %dma_start3A_1154 = tpu.memref_squeeze %dma_start3A_1153 : memref<1x128x64xf32, #tpu.memory_space<vmem>> -> memref<128x64xf32, #tpu.memory_space<vmem>>
      %dma_start3A_1155 = arith.constant 0 : i32
      %dma_start3A_1156 = tpu.memref_slice %arg4[%mul3A_1149, %dma_start3A_1155] : memref<819200x64xf32, #tpu.memory_space<hbm>> -> memref<128x64xf32, #tpu.memory_space<hbm>>
      %dma_start3A_1157 = arith.constant 0 : i32
      %dma_start3A_1158 = tpu.memref_slice %arg4[%mul3A_1149, %dma_start3A_1157] : memref<819200x64xf32, #tpu.memory_space<hbm>> -> memref<128x64xf32, #tpu.memory_space<hbm>>
      %dma_start3A_1159 = arith.constant 0 : i32
      %dma_start3A_1160 = arith.constant 0 : i32
      %dma_start3A_1161 = tpu.memref_slice %arg6[%dma_start3A_1150, %dma_start3A_1159, %dma_start3A_1160] : memref<8x128x64xf32, #tpu.memory_space<vmem>> -> memref<1x128x64xf32, #tpu.memory_space<vmem>>
      %dma_start3A_1162 = tpu.memref_squeeze %dma_start3A_1161 : memref<1x128x64xf32, #tpu.memory_space<vmem>> -> memref<128x64xf32, #tpu.memory_space<vmem>>
      tpu.enqueue_dma source(%dma_start3A_1162 : memref<128x64xf32, #tpu.memory_space<vmem>>) target(%dma_start3A_1158 : memref<128x64xf32, #tpu.memory_space<hbm>>) target_semaphore(%arg18 : memref<!tpu.dma_semaphore, #tpu.memory_space<semaphore_mem>>)
      %sub3A_1163 = arith.constant 2 : i32
      %sub3A_1164 = arith.subi %add3A_1135, %sub3A_1163 : i32
      %add3A_1165 = arith.addi %mul3A_2, %sub3A_1164 : i32
      %mul3A_1166 = arith.constant 128 : i32
      %mul3A_1167 = arith.muli %add3A_1165, %mul3A_1166 : i32
      %dma_wait3A_1168 = arith.constant 1 : i32
      %dma_wait3A_1169 = arith.constant 0 : i32
      %dma_wait3A_1170 = arith.constant 0 : i32
      %dma_wait3A_1171 = tpu.memref_slice %arg6[%dma_wait3A_1168, %dma_wait3A_1169, %dma_wait3A_1170] : memref<8x128x64xf32, #tpu.memory_space<vmem>> -> memref<1x128x64xf32, #tpu.memory_space<vmem>>
      %dma_wait3A_1172 = tpu.memref_squeeze %dma_wait3A_1171 : memref<1x128x64xf32, #tpu.memory_space<vmem>> -> memref<128x64xf32, #tpu.memory_space<vmem>>
      %dma_wait3A_1173 = arith.constant 0 : i32
      %dma_wait3A_1174 = tpu.memref_slice %arg4[%mul3A_1167, %dma_wait3A_1173] : memref<819200x64xf32, #tpu.memory_space<hbm>> -> memref<128x64xf32, #tpu.memory_space<hbm>>
      %dma_wait3A_1175 = arith.constant 0 : i32
      %dma_wait3A_1176 = tpu.memref_slice %arg4[%mul3A_1167, %dma_wait3A_1175] : memref<819200x64xf32, #tpu.memory_space<hbm>> -> memref<128x64xf32, #tpu.memory_space<hbm>>
      %dma_wait3A_1177 = arith.constant 0 : i32
      %dma_wait3A_1178 = arith.constant 0 : i32
      %dma_wait3A_1179 = tpu.memref_slice %arg6[%dma_wait3A_1168, %dma_wait3A_1177, %dma_wait3A_1178] : memref<8x128x64xf32, #tpu.memory_space<vmem>> -> memref<1x128x64xf32, #tpu.memory_space<vmem>>
      %dma_wait3A_1180 = tpu.memref_squeeze %dma_wait3A_1179 : memref<1x128x64xf32, #tpu.memory_space<vmem>> -> memref<128x64xf32, #tpu.memory_space<vmem>>
      tpu.wait_dma2 semaphore(%arg16 : memref<!tpu.dma_semaphore, #tpu.memory_space<semaphore_mem>>) src(%dma_wait3A_1180 : memref<128x64xf32, #tpu.memory_space<vmem>>) dst(%dma_wait3A_1176 : memref<128x64xf32, #tpu.memory_space<hbm>>)
      %add3A_1181 = arith.constant 8 : i32
      %add3A_1182 = arith.addi %add3A_1135, %add3A_1181 : i32
      %sub3A_1183 = arith.constant 2 : i32
      %sub3A_1184 = arith.subi %add3A_1182, %sub3A_1183 : i32
      %dma_start3A_1185 = arith.constant 1 : i32
      %dma_start3A_1186 = arith.constant 0 : i32
      %dma_start3A_1187 = arith.constant 0 : i32
      %dma_start3A_1188 = tpu.memref_slice %arg6[%dma_start3A_1185, %dma_start3A_1186, %dma_start3A_1187] : memref<8x128x64xf32, #tpu.memory_space<vmem>> -> memref<1x128x64xf32, #tpu.memory_space<vmem>>
      %dma_start3A_1189 = tpu.memref_squeeze %dma_start3A_1188 : memref<1x128x64xf32, #tpu.memory_space<vmem>> -> memref<128x64xf32, #tpu.memory_space<vmem>>
      %dma_start3A_1190 = arith.constant 0 : i32
      %dma_start3A_1191 = tpu.memref_slice %arg5[%sub3A_1184, %dma_start3A_1190] : memref<200x128xi32, #tpu.memory_space<vmem>> -> memref<1x128xi32, #tpu.memory_space<vmem>>
      %dma_start3A_1192 = tpu.memref_squeeze %dma_start3A_1191 : memref<1x128xi32, #tpu.memory_space<vmem>> -> memref<128xi32, #tpu.memory_space<vmem>>
      %dma_start3A_1193 = arith.constant 0 : i32
      %dma_start3A_1194 = arith.constant 0 : i32
      %dma_start3A_1195 = tpu.memref_slice %arg3[%dma_start3A_1193, %dma_start3A_1194] : memref<2000000x64xf32, #tpu.memory_space<hbm>> -> memref<2000000x64xf32, #tpu.memory_space<hbm>>
      tpu.enqueue_indirect_dma source(%dma_start3A_1195 : memref<2000000x64xf32, #tpu.memory_space<hbm>>) target(%dma_start3A_1189 : memref<128x64xf32, #tpu.memory_space<vmem>>) offsets(%dma_start3A_1192 : memref<128xi32, #tpu.memory_space<vmem>>) semaphore(%arg8 : memref<!tpu.dma_semaphore, #tpu.memory_space<semaphore_mem>>)
      %mul3A_1196 = arith.constant 8 : i32
      %mul3A_1197 = arith.muli %scan3A_940, %mul3A_1196 : i32
      %add3A_1198 = arith.constant 4 : i32
      %add3A_1199 = arith.addi %mul3A_1197, %add3A_1198 : i32
      %dma_wait3A_1200 = arith.constant 4 : i32
      %dma_wait3A_1201 = arith.constant 0 : i32
      %dma_wait3A_1202 = arith.constant 0 : i32
      %dma_wait3A_1203 = tpu.memref_slice %arg6[%dma_wait3A_1200, %dma_wait3A_1201, %dma_wait3A_1202] : memref<8x128x64xf32, #tpu.memory_space<vmem>> -> memref<1x128x64xf32, #tpu.memory_space<vmem>>
      %dma_wait3A_1204 = tpu.memref_squeeze %dma_wait3A_1203 : memref<1x128x64xf32, #tpu.memory_space<vmem>> -> memref<128x64xf32, #tpu.memory_space<vmem>>
      %dma_wait3A_1205 = arith.constant 0 : i32
      %dma_wait3A_1206 = tpu.memref_slice %arg5[%add3A_1199, %dma_wait3A_1205] : memref<200x128xi32, #tpu.memory_space<vmem>> -> memref<1x128xi32, #tpu.memory_space<vmem>>
      %dma_wait3A_1207 = tpu.memref_squeeze %dma_wait3A_1206 : memref<1x128xi32, #tpu.memory_space<vmem>> -> memref<128xi32, #tpu.memory_space<vmem>>
      %dma_wait3A_1208 = arith.constant 0 : i32
      %dma_wait3A_1209 = arith.constant 0 : i32
      %dma_wait3A_1210 = tpu.memref_slice %arg3[%dma_wait3A_1208, %dma_wait3A_1209] : memref<2000000x64xf32, #tpu.memory_space<hbm>> -> memref<2000000x64xf32, #tpu.memory_space<hbm>>
      tpu.wait_indirect_dma semaphore(%arg11 : memref<!tpu.dma_semaphore, #tpu.memory_space<semaphore_mem>>) src(%dma_wait3A_1210 : memref<2000000x64xf32, #tpu.memory_space<hbm>>) dst(%dma_wait3A_1204 : memref<128x64xf32, #tpu.memory_space<vmem>>)
      %add3A_1211 = arith.addi %mul3A_2, %add3A_1199 : i32
      %mul3A_1212 = arith.constant 128 : i32
      %mul3A_1213 = arith.muli %add3A_1211, %mul3A_1212 : i32
      %dma_start3A_1214 = arith.constant 4 : i32
      %dma_start3A_1215 = arith.constant 0 : i32
      %dma_start3A_1216 = arith.constant 0 : i32
      %dma_start3A_1217 = tpu.memref_slice %arg6[%dma_start3A_1214, %dma_start3A_1215, %dma_start3A_1216] : memref<8x128x64xf32, #tpu.memory_space<vmem>> -> memref<1x128x64xf32, #tpu.memory_space<vmem>>
      %dma_start3A_1218 = tpu.memref_squeeze %dma_start3A_1217 : memref<1x128x64xf32, #tpu.memory_space<vmem>> -> memref<128x64xf32, #tpu.memory_space<vmem>>
      %dma_start3A_1219 = arith.constant 0 : i32
      %dma_start3A_1220 = tpu.memref_slice %arg4[%mul3A_1213, %dma_start3A_1219] : memref<819200x64xf32, #tpu.memory_space<hbm>> -> memref<128x64xf32, #tpu.memory_space<hbm>>
      %dma_start3A_1221 = arith.constant 0 : i32
      %dma_start3A_1222 = tpu.memref_slice %arg4[%mul3A_1213, %dma_start3A_1221] : memref<819200x64xf32, #tpu.memory_space<hbm>> -> memref<128x64xf32, #tpu.memory_space<hbm>>
      %dma_start3A_1223 = arith.constant 0 : i32
      %dma_start3A_1224 = arith.constant 0 : i32
      %dma_start3A_1225 = tpu.memref_slice %arg6[%dma_start3A_1214, %dma_start3A_1223, %dma_start3A_1224] : memref<8x128x64xf32, #tpu.memory_space<vmem>> -> memref<1x128x64xf32, #tpu.memory_space<vmem>>
      %dma_start3A_1226 = tpu.memref_squeeze %dma_start3A_1225 : memref<1x128x64xf32, #tpu.memory_space<vmem>> -> memref<128x64xf32, #tpu.memory_space<vmem>>
      tpu.enqueue_dma source(%dma_start3A_1226 : memref<128x64xf32, #tpu.memory_space<vmem>>) target(%dma_start3A_1222 : memref<128x64xf32, #tpu.memory_space<hbm>>) target_semaphore(%arg19 : memref<!tpu.dma_semaphore, #tpu.memory_space<semaphore_mem>>)
      %sub3A_1227 = arith.constant 2 : i32
      %sub3A_1228 = arith.subi %add3A_1199, %sub3A_1227 : i32
      %add3A_1229 = arith.addi %mul3A_2, %sub3A_1228 : i32
      %mul3A_1230 = arith.constant 128 : i32
      %mul3A_1231 = arith.muli %add3A_1229, %mul3A_1230 : i32
      %dma_wait3A_1232 = arith.constant 2 : i32
      %dma_wait3A_1233 = arith.constant 0 : i32
      %dma_wait3A_1234 = arith.constant 0 : i32
      %dma_wait3A_1235 = tpu.memref_slice %arg6[%dma_wait3A_1232, %dma_wait3A_1233, %dma_wait3A_1234] : memref<8x128x64xf32, #tpu.memory_space<vmem>> -> memref<1x128x64xf32, #tpu.memory_space<vmem>>
      %dma_wait3A_1236 = tpu.memref_squeeze %dma_wait3A_1235 : memref<1x128x64xf32, #tpu.memory_space<vmem>> -> memref<128x64xf32, #tpu.memory_space<vmem>>
      %dma_wait3A_1237 = arith.constant 0 : i32
      %dma_wait3A_1238 = tpu.memref_slice %arg4[%mul3A_1231, %dma_wait3A_1237] : memref<819200x64xf32, #tpu.memory_space<hbm>> -> memref<128x64xf32, #tpu.memory_space<hbm>>
      %dma_wait3A_1239 = arith.constant 0 : i32
      %dma_wait3A_1240 = tpu.memref_slice %arg4[%mul3A_1231, %dma_wait3A_1239] : memref<819200x64xf32, #tpu.memory_space<hbm>> -> memref<128x64xf32, #tpu.memory_space<hbm>>
      %dma_wait3A_1241 = arith.constant 0 : i32
      %dma_wait3A_1242 = arith.constant 0 : i32
      %dma_wait3A_1243 = tpu.memref_slice %arg6[%dma_wait3A_1232, %dma_wait3A_1241, %dma_wait3A_1242] : memref<8x128x64xf32, #tpu.memory_space<vmem>> -> memref<1x128x64xf32, #tpu.memory_space<vmem>>
      %dma_wait3A_1244 = tpu.memref_squeeze %dma_wait3A_1243 : memref<1x128x64xf32, #tpu.memory_space<vmem>> -> memref<128x64xf32, #tpu.memory_space<vmem>>
      tpu.wait_dma2 semaphore(%arg17 : memref<!tpu.dma_semaphore, #tpu.memory_space<semaphore_mem>>) src(%dma_wait3A_1244 : memref<128x64xf32, #tpu.memory_space<vmem>>) dst(%dma_wait3A_1240 : memref<128x64xf32, #tpu.memory_space<hbm>>)
      %add3A_1245 = arith.constant 8 : i32
      %add3A_1246 = arith.addi %add3A_1199, %add3A_1245 : i32
      %sub3A_1247 = arith.constant 2 : i32
      %sub3A_1248 = arith.subi %add3A_1246, %sub3A_1247 : i32
      %dma_start3A_1249 = arith.constant 2 : i32
      %dma_start3A_1250 = arith.constant 0 : i32
      %dma_start3A_1251 = arith.constant 0 : i32
      %dma_start3A_1252 = tpu.memref_slice %arg6[%dma_start3A_1249, %dma_start3A_1250, %dma_start3A_1251] : memref<8x128x64xf32, #tpu.memory_space<vmem>> -> memref<1x128x64xf32, #tpu.memory_space<vmem>>
      %dma_start3A_1253 = tpu.memref_squeeze %dma_start3A_1252 : memref<1x128x64xf32, #tpu.memory_space<vmem>> -> memref<128x64xf32, #tpu.memory_space<vmem>>
      %dma_start3A_1254 = arith.constant 0 : i32
      %dma_start3A_1255 = tpu.memref_slice %arg5[%sub3A_1248, %dma_start3A_1254] : memref<200x128xi32, #tpu.memory_space<vmem>> -> memref<1x128xi32, #tpu.memory_space<vmem>>
      %dma_start3A_1256 = tpu.memref_squeeze %dma_start3A_1255 : memref<1x128xi32, #tpu.memory_space<vmem>> -> memref<128xi32, #tpu.memory_space<vmem>>
      %dma_start3A_1257 = arith.constant 0 : i32
      %dma_start3A_1258 = arith.constant 0 : i32
      %dma_start3A_1259 = tpu.memref_slice %arg3[%dma_start3A_1257, %dma_start3A_1258] : memref<2000000x64xf32, #tpu.memory_space<hbm>> -> memref<2000000x64xf32, #tpu.memory_space<hbm>>
      tpu.enqueue_indirect_dma source(%dma_start3A_1259 : memref<2000000x64xf32, #tpu.memory_space<hbm>>) target(%dma_start3A_1253 : memref<128x64xf32, #tpu.memory_space<vmem>>) offsets(%dma_start3A_1256 : memref<128xi32, #tpu.memory_space<vmem>>) semaphore(%arg9 : memref<!tpu.dma_semaphore, #tpu.memory_space<semaphore_mem>>)
      %mul3A_1260 = arith.constant 8 : i32
      %mul3A_1261 = arith.muli %scan3A_940, %mul3A_1260 : i32
      %add3A_1262 = arith.constant 5 : i32
      %add3A_1263 = arith.addi %mul3A_1261, %add3A_1262 : i32
      %dma_wait3A_1264 = arith.constant 5 : i32
      %dma_wait3A_1265 = arith.constant 0 : i32
      %dma_wait3A_1266 = arith.constant 0 : i32
      %dma_wait3A_1267 = tpu.memref_slice %arg6[%dma_wait3A_1264, %dma_wait3A_1265, %dma_wait3A_1266] : memref<8x128x64xf32, #tpu.memory_space<vmem>> -> memref<1x128x64xf32, #tpu.memory_space<vmem>>
      %dma_wait3A_1268 = tpu.memref_squeeze %dma_wait3A_1267 : memref<1x128x64xf32, #tpu.memory_space<vmem>> -> memref<128x64xf32, #tpu.memory_space<vmem>>
      %dma_wait3A_1269 = arith.constant 0 : i32
      %dma_wait3A_1270 = tpu.memref_slice %arg5[%add3A_1263, %dma_wait3A_1269] : memref<200x128xi32, #tpu.memory_space<vmem>> -> memref<1x128xi32, #tpu.memory_space<vmem>>
      %dma_wait3A_1271 = tpu.memref_squeeze %dma_wait3A_1270 : memref<1x128xi32, #tpu.memory_space<vmem>> -> memref<128xi32, #tpu.memory_space<vmem>>
      %dma_wait3A_1272 = arith.constant 0 : i32
      %dma_wait3A_1273 = arith.constant 0 : i32
      %dma_wait3A_1274 = tpu.memref_slice %arg3[%dma_wait3A_1272, %dma_wait3A_1273] : memref<2000000x64xf32, #tpu.memory_space<hbm>> -> memref<2000000x64xf32, #tpu.memory_space<hbm>>
      tpu.wait_indirect_dma semaphore(%arg12 : memref<!tpu.dma_semaphore, #tpu.memory_space<semaphore_mem>>) src(%dma_wait3A_1274 : memref<2000000x64xf32, #tpu.memory_space<hbm>>) dst(%dma_wait3A_1268 : memref<128x64xf32, #tpu.memory_space<vmem>>)
      %add3A_1275 = arith.addi %mul3A_2, %add3A_1263 : i32
      %mul3A_1276 = arith.constant 128 : i32
      %mul3A_1277 = arith.muli %add3A_1275, %mul3A_1276 : i32
      %dma_start3A_1278 = arith.constant 5 : i32
      %dma_start3A_1279 = arith.constant 0 : i32
      %dma_start3A_1280 = arith.constant 0 : i32
      %dma_start3A_1281 = tpu.memref_slice %arg6[%dma_start3A_1278, %dma_start3A_1279, %dma_start3A_1280] : memref<8x128x64xf32, #tpu.memory_space<vmem>> -> memref<1x128x64xf32, #tpu.memory_space<vmem>>
      %dma_start3A_1282 = tpu.memref_squeeze %dma_start3A_1281 : memref<1x128x64xf32, #tpu.memory_space<vmem>> -> memref<128x64xf32, #tpu.memory_space<vmem>>
      %dma_start3A_1283 = arith.constant 0 : i32
      %dma_start3A_1284 = tpu.memref_slice %arg4[%mul3A_1277, %dma_start3A_1283] : memref<819200x64xf32, #tpu.memory_space<hbm>> -> memref<128x64xf32, #tpu.memory_space<hbm>>
      %dma_start3A_1285 = arith.constant 0 : i32
      %dma_start3A_1286 = tpu.memref_slice %arg4[%mul3A_1277, %dma_start3A_1285] : memref<819200x64xf32, #tpu.memory_space<hbm>> -> memref<128x64xf32, #tpu.memory_space<hbm>>
      %dma_start3A_1287 = arith.constant 0 : i32
      %dma_start3A_1288 = arith.constant 0 : i32
      %dma_start3A_1289 = tpu.memref_slice %arg6[%dma_start3A_1278, %dma_start3A_1287, %dma_start3A_1288] : memref<8x128x64xf32, #tpu.memory_space<vmem>> -> memref<1x128x64xf32, #tpu.memory_space<vmem>>
      %dma_start3A_1290 = tpu.memref_squeeze %dma_start3A_1289 : memref<1x128x64xf32, #tpu.memory_space<vmem>> -> memref<128x64xf32, #tpu.memory_space<vmem>>
      tpu.enqueue_dma source(%dma_start3A_1290 : memref<128x64xf32, #tpu.memory_space<vmem>>) target(%dma_start3A_1286 : memref<128x64xf32, #tpu.memory_space<hbm>>) target_semaphore(%arg20 : memref<!tpu.dma_semaphore, #tpu.memory_space<semaphore_mem>>)
      %sub3A_1291 = arith.constant 2 : i32
      %sub3A_1292 = arith.subi %add3A_1263, %sub3A_1291 : i32
      %add3A_1293 = arith.addi %mul3A_2, %sub3A_1292 : i32
      %mul3A_1294 = arith.constant 128 : i32
      %mul3A_1295 = arith.muli %add3A_1293, %mul3A_1294 : i32
      %dma_wait3A_1296 = arith.constant 3 : i32
      %dma_wait3A_1297 = arith.constant 0 : i32
      %dma_wait3A_1298 = arith.constant 0 : i32
      %dma_wait3A_1299 = tpu.memref_slice %arg6[%dma_wait3A_1296, %dma_wait3A_1297, %dma_wait3A_1298] : memref<8x128x64xf32, #tpu.memory_space<vmem>> -> memref<1x128x64xf32, #tpu.memory_space<vmem>>
      %dma_wait3A_1300 = tpu.memref_squeeze %dma_wait3A_1299 : memref<1x128x64xf32, #tpu.memory_space<vmem>> -> memref<128x64xf32, #tpu.memory_space<vmem>>
      %dma_wait3A_1301 = arith.constant 0 : i32
      %dma_wait3A_1302 = tpu.memref_slice %arg4[%mul3A_1295, %dma_wait3A_1301] : memref<819200x64xf32, #tpu.memory_space<hbm>> -> memref<128x64xf32, #tpu.memory_space<hbm>>
      %dma_wait3A_1303 = arith.constant 0 : i32
      %dma_wait3A_1304 = tpu.memref_slice %arg4[%mul3A_1295, %dma_wait3A_1303] : memref<819200x64xf32, #tpu.memory_space<hbm>> -> memref<128x64xf32, #tpu.memory_space<hbm>>
      %dma_wait3A_1305 = arith.constant 0 : i32
      %dma_wait3A_1306 = arith.constant 0 : i32
      %dma_wait3A_1307 = tpu.memref_slice %arg6[%dma_wait3A_1296, %dma_wait3A_1305, %dma_wait3A_1306] : memref<8x128x64xf32, #tpu.memory_space<vmem>> -> memref<1x128x64xf32, #tpu.memory_space<vmem>>
      %dma_wait3A_1308 = tpu.memref_squeeze %dma_wait3A_1307 : memref<1x128x64xf32, #tpu.memory_space<vmem>> -> memref<128x64xf32, #tpu.memory_space<vmem>>
      tpu.wait_dma2 semaphore(%arg18 : memref<!tpu.dma_semaphore, #tpu.memory_space<semaphore_mem>>) src(%dma_wait3A_1308 : memref<128x64xf32, #tpu.memory_space<vmem>>) dst(%dma_wait3A_1304 : memref<128x64xf32, #tpu.memory_space<hbm>>)
      %add3A_1309 = arith.constant 8 : i32
      %add3A_1310 = arith.addi %add3A_1263, %add3A_1309 : i32
      %sub3A_1311 = arith.constant 2 : i32
      %sub3A_1312 = arith.subi %add3A_1310, %sub3A_1311 : i32
      %dma_start3A_1313 = arith.constant 3 : i32
      %dma_start3A_1314 = arith.constant 0 : i32
      %dma_start3A_1315 = arith.constant 0 : i32
      %dma_start3A_1316 = tpu.memref_slice %arg6[%dma_start3A_1313, %dma_start3A_1314, %dma_start3A_1315] : memref<8x128x64xf32, #tpu.memory_space<vmem>> -> memref<1x128x64xf32, #tpu.memory_space<vmem>>
      %dma_start3A_1317 = tpu.memref_squeeze %dma_start3A_1316 : memref<1x128x64xf32, #tpu.memory_space<vmem>> -> memref<128x64xf32, #tpu.memory_space<vmem>>
      %dma_start3A_1318 = arith.constant 0 : i32
      %dma_start3A_1319 = tpu.memref_slice %arg5[%sub3A_1312, %dma_start3A_1318] : memref<200x128xi32, #tpu.memory_space<vmem>> -> memref<1x128xi32, #tpu.memory_space<vmem>>
      %dma_start3A_1320 = tpu.memref_squeeze %dma_start3A_1319 : memref<1x128xi32, #tpu.memory_space<vmem>> -> memref<128xi32, #tpu.memory_space<vmem>>
      %dma_start3A_1321 = arith.constant 0 : i32
      %dma_start3A_1322 = arith.constant 0 : i32
      %dma_start3A_1323 = tpu.memref_slice %arg3[%dma_start3A_1321, %dma_start3A_1322] : memref<2000000x64xf32, #tpu.memory_space<hbm>> -> memref<2000000x64xf32, #tpu.memory_space<hbm>>
      tpu.enqueue_indirect_dma source(%dma_start3A_1323 : memref<2000000x64xf32, #tpu.memory_space<hbm>>) target(%dma_start3A_1317 : memref<128x64xf32, #tpu.memory_space<vmem>>) offsets(%dma_start3A_1320 : memref<128xi32, #tpu.memory_space<vmem>>) semaphore(%arg10 : memref<!tpu.dma_semaphore, #tpu.memory_space<semaphore_mem>>)
      %mul3A_1324 = arith.constant 8 : i32
      %mul3A_1325 = arith.muli %scan3A_940, %mul3A_1324 : i32
      %add3A_1326 = arith.constant 6 : i32
      %add3A_1327 = arith.addi %mul3A_1325, %add3A_1326 : i32
      %dma_wait3A_1328 = arith.constant 6 : i32
      %dma_wait3A_1329 = arith.constant 0 : i32
      %dma_wait3A_1330 = arith.constant 0 : i32
      %dma_wait3A_1331 = tpu.memref_slice %arg6[%dma_wait3A_1328, %dma_wait3A_1329, %dma_wait3A_1330] : memref<8x128x64xf32, #tpu.memory_space<vmem>> -> memref<1x128x64xf32, #tpu.memory_space<vmem>>
      %dma_wait3A_1332 = tpu.memref_squeeze %dma_wait3A_1331 : memref<1x128x64xf32, #tpu.memory_space<vmem>> -> memref<128x64xf32, #tpu.memory_space<vmem>>
      %dma_wait3A_1333 = arith.constant 0 : i32
      %dma_wait3A_1334 = tpu.memref_slice %arg5[%add3A_1327, %dma_wait3A_1333] : memref<200x128xi32, #tpu.memory_space<vmem>> -> memref<1x128xi32, #tpu.memory_space<vmem>>
      %dma_wait3A_1335 = tpu.memref_squeeze %dma_wait3A_1334 : memref<1x128xi32, #tpu.memory_space<vmem>> -> memref<128xi32, #tpu.memory_space<vmem>>
      %dma_wait3A_1336 = arith.constant 0 : i32
      %dma_wait3A_1337 = arith.constant 0 : i32
      %dma_wait3A_1338 = tpu.memref_slice %arg3[%dma_wait3A_1336, %dma_wait3A_1337] : memref<2000000x64xf32, #tpu.memory_space<hbm>> -> memref<2000000x64xf32, #tpu.memory_space<hbm>>
      tpu.wait_indirect_dma semaphore(%arg13 : memref<!tpu.dma_semaphore, #tpu.memory_space<semaphore_mem>>) src(%dma_wait3A_1338 : memref<2000000x64xf32, #tpu.memory_space<hbm>>) dst(%dma_wait3A_1332 : memref<128x64xf32, #tpu.memory_space<vmem>>)
      %add3A_1339 = arith.addi %mul3A_2, %add3A_1327 : i32
      %mul3A_1340 = arith.constant 128 : i32
      %mul3A_1341 = arith.muli %add3A_1339, %mul3A_1340 : i32
      %dma_start3A_1342 = arith.constant 6 : i32
      %dma_start3A_1343 = arith.constant 0 : i32
      %dma_start3A_1344 = arith.constant 0 : i32
      %dma_start3A_1345 = tpu.memref_slice %arg6[%dma_start3A_1342, %dma_start3A_1343, %dma_start3A_1344] : memref<8x128x64xf32, #tpu.memory_space<vmem>> -> memref<1x128x64xf32, #tpu.memory_space<vmem>>
      %dma_start3A_1346 = tpu.memref_squeeze %dma_start3A_1345 : memref<1x128x64xf32, #tpu.memory_space<vmem>> -> memref<128x64xf32, #tpu.memory_space<vmem>>
      %dma_start3A_1347 = arith.constant 0 : i32
      %dma_start3A_1348 = tpu.memref_slice %arg4[%mul3A_1341, %dma_start3A_1347] : memref<819200x64xf32, #tpu.memory_space<hbm>> -> memref<128x64xf32, #tpu.memory_space<hbm>>
      %dma_start3A_1349 = arith.constant 0 : i32
      %dma_start3A_1350 = tpu.memref_slice %arg4[%mul3A_1341, %dma_start3A_1349] : memref<819200x64xf32, #tpu.memory_space<hbm>> -> memref<128x64xf32, #tpu.memory_space<hbm>>
      %dma_start3A_1351 = arith.constant 0 : i32
      %dma_start3A_1352 = arith.constant 0 : i32
      %dma_start3A_1353 = tpu.memref_slice %arg6[%dma_start3A_1342, %dma_start3A_1351, %dma_start3A_1352] : memref<8x128x64xf32, #tpu.memory_space<vmem>> -> memref<1x128x64xf32, #tpu.memory_space<vmem>>
      %dma_start3A_1354 = tpu.memref_squeeze %dma_start3A_1353 : memref<1x128x64xf32, #tpu.memory_space<vmem>> -> memref<128x64xf32, #tpu.memory_space<vmem>>
      tpu.enqueue_dma source(%dma_start3A_1354 : memref<128x64xf32, #tpu.memory_space<vmem>>) target(%dma_start3A_1350 : memref<128x64xf32, #tpu.memory_space<hbm>>) target_semaphore(%arg21 : memref<!tpu.dma_semaphore, #tpu.memory_space<semaphore_mem>>)
      %sub3A_1355 = arith.constant 2 : i32
      %sub3A_1356 = arith.subi %add3A_1327, %sub3A_1355 : i32
      %add3A_1357 = arith.addi %mul3A_2, %sub3A_1356 : i32
      %mul3A_1358 = arith.constant 128 : i32
      %mul3A_1359 = arith.muli %add3A_1357, %mul3A_1358 : i32
      %dma_wait3A_1360 = arith.constant 4 : i32
      %dma_wait3A_1361 = arith.constant 0 : i32
      %dma_wait3A_1362 = arith.constant 0 : i32
      %dma_wait3A_1363 = tpu.memref_slice %arg6[%dma_wait3A_1360, %dma_wait3A_1361, %dma_wait3A_1362] : memref<8x128x64xf32, #tpu.memory_space<vmem>> -> memref<1x128x64xf32, #tpu.memory_space<vmem>>
      %dma_wait3A_1364 = tpu.memref_squeeze %dma_wait3A_1363 : memref<1x128x64xf32, #tpu.memory_space<vmem>> -> memref<128x64xf32, #tpu.memory_space<vmem>>
      %dma_wait3A_1365 = arith.constant 0 : i32
      %dma_wait3A_1366 = tpu.memref_slice %arg4[%mul3A_1359, %dma_wait3A_1365] : memref<819200x64xf32, #tpu.memory_space<hbm>> -> memref<128x64xf32, #tpu.memory_space<hbm>>
      %dma_wait3A_1367 = arith.constant 0 : i32
      %dma_wait3A_1368 = tpu.memref_slice %arg4[%mul3A_1359, %dma_wait3A_1367] : memref<819200x64xf32, #tpu.memory_space<hbm>> -> memref<128x64xf32, #tpu.memory_space<hbm>>
      %dma_wait3A_1369 = arith.constant 0 : i32
      %dma_wait3A_1370 = arith.constant 0 : i32
      %dma_wait3A_1371 = tpu.memref_slice %arg6[%dma_wait3A_1360, %dma_wait3A_1369, %dma_wait3A_1370] : memref<8x128x64xf32, #tpu.memory_space<vmem>> -> memref<1x128x64xf32, #tpu.memory_space<vmem>>
      %dma_wait3A_1372 = tpu.memref_squeeze %dma_wait3A_1371 : memref<1x128x64xf32, #tpu.memory_space<vmem>> -> memref<128x64xf32, #tpu.memory_space<vmem>>
      tpu.wait_dma2 semaphore(%arg19 : memref<!tpu.dma_semaphore, #tpu.memory_space<semaphore_mem>>) src(%dma_wait3A_1372 : memref<128x64xf32, #tpu.memory_space<vmem>>) dst(%dma_wait3A_1368 : memref<128x64xf32, #tpu.memory_space<hbm>>)
      %add3A_1373 = arith.constant 8 : i32
      %add3A_1374 = arith.addi %add3A_1327, %add3A_1373 : i32
      %sub3A_1375 = arith.constant 2 : i32
      %sub3A_1376 = arith.subi %add3A_1374, %sub3A_1375 : i32
      %dma_start3A_1377 = arith.constant 4 : i32
      %dma_start3A_1378 = arith.constant 0 : i32
      %dma_start3A_1379 = arith.constant 0 : i32
      %dma_start3A_1380 = tpu.memref_slice %arg6[%dma_start3A_1377, %dma_start3A_1378, %dma_start3A_1379] : memref<8x128x64xf32, #tpu.memory_space<vmem>> -> memref<1x128x64xf32, #tpu.memory_space<vmem>>
      %dma_start3A_1381 = tpu.memref_squeeze %dma_start3A_1380 : memref<1x128x64xf32, #tpu.memory_space<vmem>> -> memref<128x64xf32, #tpu.memory_space<vmem>>
      %dma_start3A_1382 = arith.constant 0 : i32
      %dma_start3A_1383 = tpu.memref_slice %arg5[%sub3A_1376, %dma_start3A_1382] : memref<200x128xi32, #tpu.memory_space<vmem>> -> memref<1x128xi32, #tpu.memory_space<vmem>>
      %dma_start3A_1384 = tpu.memref_squeeze %dma_start3A_1383 : memref<1x128xi32, #tpu.memory_space<vmem>> -> memref<128xi32, #tpu.memory_space<vmem>>
      %dma_start3A_1385 = arith.constant 0 : i32
      %dma_start3A_1386 = arith.constant 0 : i32
      %dma_start3A_1387 = tpu.memref_slice %arg3[%dma_start3A_1385, %dma_start3A_1386] : memref<2000000x64xf32, #tpu.memory_space<hbm>> -> memref<2000000x64xf32, #tpu.memory_space<hbm>>
      tpu.enqueue_indirect_dma source(%dma_start3A_1387 : memref<2000000x64xf32, #tpu.memory_space<hbm>>) target(%dma_start3A_1381 : memref<128x64xf32, #tpu.memory_space<vmem>>) offsets(%dma_start3A_1384 : memref<128xi32, #tpu.memory_space<vmem>>) semaphore(%arg11 : memref<!tpu.dma_semaphore, #tpu.memory_space<semaphore_mem>>)
      %mul3A_1388 = arith.constant 8 : i32
      %mul3A_1389 = arith.muli %scan3A_940, %mul3A_1388 : i32
      %add3A_1390 = arith.constant 7 : i32
      %add3A_1391 = arith.addi %mul3A_1389, %add3A_1390 : i32
      %dma_wait3A_1392 = arith.constant 7 : i32
      %dma_wait3A_1393 = arith.constant 0 : i32
      %dma_wait3A_1394 = arith.constant 0 : i32
      %dma_wait3A_1395 = tpu.memref_slice %arg6[%dma_wait3A_1392, %dma_wait3A_1393, %dma_wait3A_1394] : memref<8x128x64xf32, #tpu.memory_space<vmem>> -> memref<1x128x64xf32, #tpu.memory_space<vmem>>
      %dma_wait3A_1396 = tpu.memref_squeeze %dma_wait3A_1395 : memref<1x128x64xf32, #tpu.memory_space<vmem>> -> memref<128x64xf32, #tpu.memory_space<vmem>>
      %dma_wait3A_1397 = arith.constant 0 : i32
      %dma_wait3A_1398 = tpu.memref_slice %arg5[%add3A_1391, %dma_wait3A_1397] : memref<200x128xi32, #tpu.memory_space<vmem>> -> memref<1x128xi32, #tpu.memory_space<vmem>>
      %dma_wait3A_1399 = tpu.memref_squeeze %dma_wait3A_1398 : memref<1x128xi32, #tpu.memory_space<vmem>> -> memref<128xi32, #tpu.memory_space<vmem>>
      %dma_wait3A_1400 = arith.constant 0 : i32
      %dma_wait3A_1401 = arith.constant 0 : i32
      %dma_wait3A_1402 = tpu.memref_slice %arg3[%dma_wait3A_1400, %dma_wait3A_1401] : memref<2000000x64xf32, #tpu.memory_space<hbm>> -> memref<2000000x64xf32, #tpu.memory_space<hbm>>
      tpu.wait_indirect_dma semaphore(%arg14 : memref<!tpu.dma_semaphore, #tpu.memory_space<semaphore_mem>>) src(%dma_wait3A_1402 : memref<2000000x64xf32, #tpu.memory_space<hbm>>) dst(%dma_wait3A_1396 : memref<128x64xf32, #tpu.memory_space<vmem>>)
      %add3A_1403 = arith.addi %mul3A_2, %add3A_1391 : i32
      %mul3A_1404 = arith.constant 128 : i32
      %mul3A_1405 = arith.muli %add3A_1403, %mul3A_1404 : i32
      %dma_start3A_1406 = arith.constant 7 : i32
      %dma_start3A_1407 = arith.constant 0 : i32
      %dma_start3A_1408 = arith.constant 0 : i32
      %dma_start3A_1409 = tpu.memref_slice %arg6[%dma_start3A_1406, %dma_start3A_1407, %dma_start3A_1408] : memref<8x128x64xf32, #tpu.memory_space<vmem>> -> memref<1x128x64xf32, #tpu.memory_space<vmem>>
      %dma_start3A_1410 = tpu.memref_squeeze %dma_start3A_1409 : memref<1x128x64xf32, #tpu.memory_space<vmem>> -> memref<128x64xf32, #tpu.memory_space<vmem>>
      %dma_start3A_1411 = arith.constant 0 : i32
      %dma_start3A_1412 = tpu.memref_slice %arg4[%mul3A_1405, %dma_start3A_1411] : memref<819200x64xf32, #tpu.memory_space<hbm>> -> memref<128x64xf32, #tpu.memory_space<hbm>>
      %dma_start3A_1413 = arith.constant 0 : i32
      %dma_start3A_1414 = tpu.memref_slice %arg4[%mul3A_1405, %dma_start3A_1413] : memref<819200x64xf32, #tpu.memory_space<hbm>> -> memref<128x64xf32, #tpu.memory_space<hbm>>
      %dma_start3A_1415 = arith.constant 0 : i32
      %dma_start3A_1416 = arith.constant 0 : i32
      %dma_start3A_1417 = tpu.memref_slice %arg6[%dma_start3A_1406, %dma_start3A_1415, %dma_start3A_1416] : memref<8x128x64xf32, #tpu.memory_space<vmem>> -> memref<1x128x64xf32, #tpu.memory_space<vmem>>
      %dma_start3A_1418 = tpu.memref_squeeze %dma_start3A_1417 : memref<1x128x64xf32, #tpu.memory_space<vmem>> -> memref<128x64xf32, #tpu.memory_space<vmem>>
      tpu.enqueue_dma source(%dma_start3A_1418 : memref<128x64xf32, #tpu.memory_space<vmem>>) target(%dma_start3A_1414 : memref<128x64xf32, #tpu.memory_space<hbm>>) target_semaphore(%arg22 : memref<!tpu.dma_semaphore, #tpu.memory_space<semaphore_mem>>)
      %sub3A_1419 = arith.constant 2 : i32
      %sub3A_1420 = arith.subi %add3A_1391, %sub3A_1419 : i32
      %add3A_1421 = arith.addi %mul3A_2, %sub3A_1420 : i32
      %mul3A_1422 = arith.constant 128 : i32
      %mul3A_1423 = arith.muli %add3A_1421, %mul3A_1422 : i32
      %dma_wait3A_1424 = arith.constant 5 : i32
      %dma_wait3A_1425 = arith.constant 0 : i32
      %dma_wait3A_1426 = arith.constant 0 : i32
      %dma_wait3A_1427 = tpu.memref_slice %arg6[%dma_wait3A_1424, %dma_wait3A_1425, %dma_wait3A_1426] : memref<8x128x64xf32, #tpu.memory_space<vmem>> -> memref<1x128x64xf32, #tpu.memory_space<vmem>>
      %dma_wait3A_1428 = tpu.memref_squeeze %dma_wait3A_1427 : memref<1x128x64xf32, #tpu.memory_space<vmem>> -> memref<128x64xf32, #tpu.memory_space<vmem>>
      %dma_wait3A_1429 = arith.constant 0 : i32
      %dma_wait3A_1430 = tpu.memref_slice %arg4[%mul3A_1423, %dma_wait3A_1429] : memref<819200x64xf32, #tpu.memory_space<hbm>> -> memref<128x64xf32, #tpu.memory_space<hbm>>
      %dma_wait3A_1431 = arith.constant 0 : i32
      %dma_wait3A_1432 = tpu.memref_slice %arg4[%mul3A_1423, %dma_wait3A_1431] : memref<819200x64xf32, #tpu.memory_space<hbm>> -> memref<128x64xf32, #tpu.memory_space<hbm>>
      %dma_wait3A_1433 = arith.constant 0 : i32
      %dma_wait3A_1434 = arith.constant 0 : i32
      %dma_wait3A_1435 = tpu.memref_slice %arg6[%dma_wait3A_1424, %dma_wait3A_1433, %dma_wait3A_1434] : memref<8x128x64xf32, #tpu.memory_space<vmem>> -> memref<1x128x64xf32, #tpu.memory_space<vmem>>
      %dma_wait3A_1436 = tpu.memref_squeeze %dma_wait3A_1435 : memref<1x128x64xf32, #tpu.memory_space<vmem>> -> memref<128x64xf32, #tpu.memory_space<vmem>>
      tpu.wait_dma2 semaphore(%arg20 : memref<!tpu.dma_semaphore, #tpu.memory_space<semaphore_mem>>) src(%dma_wait3A_1436 : memref<128x64xf32, #tpu.memory_space<vmem>>) dst(%dma_wait3A_1432 : memref<128x64xf32, #tpu.memory_space<hbm>>)
      %add3A_1437 = arith.constant 8 : i32
      %add3A_1438 = arith.addi %add3A_1391, %add3A_1437 : i32
      %sub3A_1439 = arith.constant 2 : i32
      %sub3A_1440 = arith.subi %add3A_1438, %sub3A_1439 : i32
      %dma_start3A_1441 = arith.constant 5 : i32
      %dma_start3A_1442 = arith.constant 0 : i32
      %dma_start3A_1443 = arith.constant 0 : i32
      %dma_start3A_1444 = tpu.memref_slice %arg6[%dma_start3A_1441, %dma_start3A_1442, %dma_start3A_1443] : memref<8x128x64xf32, #tpu.memory_space<vmem>> -> memref<1x128x64xf32, #tpu.memory_space<vmem>>
      %dma_start3A_1445 = tpu.memref_squeeze %dma_start3A_1444 : memref<1x128x64xf32, #tpu.memory_space<vmem>> -> memref<128x64xf32, #tpu.memory_space<vmem>>
      %dma_start3A_1446 = arith.constant 0 : i32
      %dma_start3A_1447 = tpu.memref_slice %arg5[%sub3A_1440, %dma_start3A_1446] : memref<200x128xi32, #tpu.memory_space<vmem>> -> memref<1x128xi32, #tpu.memory_space<vmem>>
      %dma_start3A_1448 = tpu.memref_squeeze %dma_start3A_1447 : memref<1x128xi32, #tpu.memory_space<vmem>> -> memref<128xi32, #tpu.memory_space<vmem>>
      %dma_start3A_1449 = arith.constant 0 : i32
      %dma_start3A_1450 = arith.constant 0 : i32
      %dma_start3A_1451 = tpu.memref_slice %arg3[%dma_start3A_1449, %dma_start3A_1450] : memref<2000000x64xf32, #tpu.memory_space<hbm>> -> memref<2000000x64xf32, #tpu.memory_space<hbm>>
      tpu.enqueue_indirect_dma source(%dma_start3A_1451 : memref<2000000x64xf32, #tpu.memory_space<hbm>>) target(%dma_start3A_1445 : memref<128x64xf32, #tpu.memory_space<vmem>>) offsets(%dma_start3A_1448 : memref<128xi32, #tpu.memory_space<vmem>>) semaphore(%arg12 : memref<!tpu.dma_semaphore, #tpu.memory_space<semaphore_mem>>)
    }
    %scan3A_513 = arith.constant 23 : i32
    %dma_wait3A_514 = arith.constant 192 : i32
    %dma_wait3A_515 = arith.constant 0 : i32
    %dma_wait3A_516 = arith.constant 0 : i32
    %dma_wait3A_517 = arith.constant 0 : i32
    %dma_wait3A_518 = tpu.memref_slice %arg6[%dma_wait3A_515, %dma_wait3A_516, %dma_wait3A_517] : memref<8x128x64xf32, #tpu.memory_space<vmem>> -> memref<1x128x64xf32, #tpu.memory_space<vmem>>
    %dma_wait3A_519 = tpu.memref_squeeze %dma_wait3A_518 : memref<1x128x64xf32, #tpu.memory_space<vmem>> -> memref<128x64xf32, #tpu.memory_space<vmem>>
    %dma_wait3A_520 = arith.constant 0 : i32
    %dma_wait3A_521 = tpu.memref_slice %arg5[%dma_wait3A_514, %dma_wait3A_520] : memref<200x128xi32, #tpu.memory_space<vmem>> -> memref<1x128xi32, #tpu.memory_space<vmem>>
    %dma_wait3A_522 = tpu.memref_squeeze %dma_wait3A_521 : memref<1x128xi32, #tpu.memory_space<vmem>> -> memref<128xi32, #tpu.memory_space<vmem>>
    %dma_wait3A_523 = arith.constant 0 : i32
    %dma_wait3A_524 = arith.constant 0 : i32
    %dma_wait3A_525 = tpu.memref_slice %arg3[%dma_wait3A_523, %dma_wait3A_524] : memref<2000000x64xf32, #tpu.memory_space<hbm>> -> memref<2000000x64xf32, #tpu.memory_space<hbm>>
    tpu.wait_indirect_dma semaphore(%arg7 : memref<!tpu.dma_semaphore, #tpu.memory_space<semaphore_mem>>) src(%dma_wait3A_525 : memref<2000000x64xf32, #tpu.memory_space<hbm>>) dst(%dma_wait3A_519 : memref<128x64xf32, #tpu.memory_space<vmem>>)
    %add3A_526 = arith.constant 192 : i32
    %add3A_527 = arith.addi %mul3A_2, %add3A_526 : i32
    %mul3A_528 = arith.constant 128 : i32
    %mul3A_529 = arith.muli %add3A_527, %mul3A_528 : i32
    %dma_start3A_530 = arith.constant 0 : i32
    %dma_start3A_531 = arith.constant 0 : i32
    %dma_start3A_532 = arith.constant 0 : i32
    %dma_start3A_533 = tpu.memref_slice %arg6[%dma_start3A_530, %dma_start3A_531, %dma_start3A_532] : memref<8x128x64xf32, #tpu.memory_space<vmem>> -> memref<1x128x64xf32, #tpu.memory_space<vmem>>
    %dma_start3A_534 = tpu.memref_squeeze %dma_start3A_533 : memref<1x128x64xf32, #tpu.memory_space<vmem>> -> memref<128x64xf32, #tpu.memory_space<vmem>>
    %dma_start3A_535 = arith.constant 0 : i32
    %dma_start3A_536 = tpu.memref_slice %arg4[%mul3A_529, %dma_start3A_535] : memref<819200x64xf32, #tpu.memory_space<hbm>> -> memref<128x64xf32, #tpu.memory_space<hbm>>
    %dma_start3A_537 = arith.constant 0 : i32
    %dma_start3A_538 = tpu.memref_slice %arg4[%mul3A_529, %dma_start3A_537] : memref<819200x64xf32, #tpu.memory_space<hbm>> -> memref<128x64xf32, #tpu.memory_space<hbm>>
    %dma_start3A_539 = arith.constant 0 : i32
    %dma_start3A_540 = arith.constant 0 : i32
    %dma_start3A_541 = tpu.memref_slice %arg6[%dma_start3A_530, %dma_start3A_539, %dma_start3A_540] : memref<8x128x64xf32, #tpu.memory_space<vmem>> -> memref<1x128x64xf32, #tpu.memory_space<vmem>>
    %dma_start3A_542 = tpu.memref_squeeze %dma_start3A_541 : memref<1x128x64xf32, #tpu.memory_space<vmem>> -> memref<128x64xf32, #tpu.memory_space<vmem>>
    tpu.enqueue_dma source(%dma_start3A_542 : memref<128x64xf32, #tpu.memory_space<vmem>>) target(%dma_start3A_538 : memref<128x64xf32, #tpu.memory_space<hbm>>) target_semaphore(%arg15 : memref<!tpu.dma_semaphore, #tpu.memory_space<semaphore_mem>>)
    %add3A_543 = arith.constant 190 : i32
    %add3A_544 = arith.addi %mul3A_2, %add3A_543 : i32
    %mul3A_545 = arith.constant 128 : i32
    %mul3A_546 = arith.muli %add3A_544, %mul3A_545 : i32
    %dma_wait3A_547 = arith.constant 6 : i32
    %dma_wait3A_548 = arith.constant 0 : i32
    %dma_wait3A_549 = arith.constant 0 : i32
    %dma_wait3A_550 = tpu.memref_slice %arg6[%dma_wait3A_547, %dma_wait3A_548, %dma_wait3A_549] : memref<8x128x64xf32, #tpu.memory_space<vmem>> -> memref<1x128x64xf32, #tpu.memory_space<vmem>>
    %dma_wait3A_551 = tpu.memref_squeeze %dma_wait3A_550 : memref<1x128x64xf32, #tpu.memory_space<vmem>> -> memref<128x64xf32, #tpu.memory_space<vmem>>
    %dma_wait3A_552 = arith.constant 0 : i32
    %dma_wait3A_553 = tpu.memref_slice %arg4[%mul3A_546, %dma_wait3A_552] : memref<819200x64xf32, #tpu.memory_space<hbm>> -> memref<128x64xf32, #tpu.memory_space<hbm>>
    %dma_wait3A_554 = arith.constant 0 : i32
    %dma_wait3A_555 = tpu.memref_slice %arg4[%mul3A_546, %dma_wait3A_554] : memref<819200x64xf32, #tpu.memory_space<hbm>> -> memref<128x64xf32, #tpu.memory_space<hbm>>
    %dma_wait3A_556 = arith.constant 0 : i32
    %dma_wait3A_557 = arith.constant 0 : i32
    %dma_wait3A_558 = tpu.memref_slice %arg6[%dma_wait3A_547, %dma_wait3A_556, %dma_wait3A_557] : memref<8x128x64xf32, #tpu.memory_space<vmem>> -> memref<1x128x64xf32, #tpu.memory_space<vmem>>
    %dma_wait3A_559 = tpu.memref_squeeze %dma_wait3A_558 : memref<1x128x64xf32, #tpu.memory_space<vmem>> -> memref<128x64xf32, #tpu.memory_space<vmem>>
    tpu.wait_dma2 semaphore(%arg21 : memref<!tpu.dma_semaphore, #tpu.memory_space<semaphore_mem>>) src(%dma_wait3A_559 : memref<128x64xf32, #tpu.memory_space<vmem>>) dst(%dma_wait3A_555 : memref<128x64xf32, #tpu.memory_space<hbm>>)
    %dma_start3A_560 = arith.constant 198 : i32
    %dma_start3A_561 = arith.constant 6 : i32
    %dma_start3A_562 = arith.constant 0 : i32
    %dma_start3A_563 = arith.constant 0 : i32
    %dma_start3A_564 = tpu.memref_slice %arg6[%dma_start3A_561, %dma_start3A_562, %dma_start3A_563] : memref<8x128x64xf32, #tpu.memory_space<vmem>> -> memref<1x128x64xf32, #tpu.memory_space<vmem>>
    %dma_start3A_565 = tpu.memref_squeeze %dma_start3A_564 : memref<1x128x64xf32, #tpu.memory_space<vmem>> -> memref<128x64xf32, #tpu.memory_space<vmem>>
    %dma_start3A_566 = arith.constant 0 : i32
    %dma_start3A_567 = tpu.memref_slice %arg5[%dma_start3A_560, %dma_start3A_566] : memref<200x128xi32, #tpu.memory_space<vmem>> -> memref<1x128xi32, #tpu.memory_space<vmem>>
    %dma_start3A_568 = tpu.memref_squeeze %dma_start3A_567 : memref<1x128xi32, #tpu.memory_space<vmem>> -> memref<128xi32, #tpu.memory_space<vmem>>
    %dma_start3A_569 = arith.constant 0 : i32
    %dma_start3A_570 = arith.constant 0 : i32
    %dma_start3A_571 = tpu.memref_slice %arg3[%dma_start3A_569, %dma_start3A_570] : memref<2000000x64xf32, #tpu.memory_space<hbm>> -> memref<2000000x64xf32, #tpu.memory_space<hbm>>
    tpu.enqueue_indirect_dma source(%dma_start3A_571 : memref<2000000x64xf32, #tpu.memory_space<hbm>>) target(%dma_start3A_565 : memref<128x64xf32, #tpu.memory_space<vmem>>) offsets(%dma_start3A_568 : memref<128xi32, #tpu.memory_space<vmem>>) semaphore(%arg13 : memref<!tpu.dma_semaphore, #tpu.memory_space<semaphore_mem>>)
    %dma_wait3A_572 = arith.constant 193 : i32
    %dma_wait3A_573 = arith.constant 1 : i32
    %dma_wait3A_574 = arith.constant 0 : i32
    %dma_wait3A_575 = arith.constant 0 : i32
    %dma_wait3A_576 = tpu.memref_slice %arg6[%dma_wait3A_573, %dma_wait3A_574, %dma_wait3A_575] : memref<8x128x64xf32, #tpu.memory_space<vmem>> -> memref<1x128x64xf32, #tpu.memory_space<vmem>>
    %dma_wait3A_577 = tpu.memref_squeeze %dma_wait3A_576 : memref<1x128x64xf32, #tpu.memory_space<vmem>> -> memref<128x64xf32, #tpu.memory_space<vmem>>
    %dma_wait3A_578 = arith.constant 0 : i32
    %dma_wait3A_579 = tpu.memref_slice %arg5[%dma_wait3A_572, %dma_wait3A_578] : memref<200x128xi32, #tpu.memory_space<vmem>> -> memref<1x128xi32, #tpu.memory_space<vmem>>
    %dma_wait3A_580 = tpu.memref_squeeze %dma_wait3A_579 : memref<1x128xi32, #tpu.memory_space<vmem>> -> memref<128xi32, #tpu.memory_space<vmem>>
    %dma_wait3A_581 = arith.constant 0 : i32
    %dma_wait3A_582 = arith.constant 0 : i32
    %dma_wait3A_583 = tpu.memref_slice %arg3[%dma_wait3A_581, %dma_wait3A_582] : memref<2000000x64xf32, #tpu.memory_space<hbm>> -> memref<2000000x64xf32, #tpu.memory_space<hbm>>
    tpu.wait_indirect_dma semaphore(%arg8 : memref<!tpu.dma_semaphore, #tpu.memory_space<semaphore_mem>>) src(%dma_wait3A_583 : memref<2000000x64xf32, #tpu.memory_space<hbm>>) dst(%dma_wait3A_577 : memref<128x64xf32, #tpu.memory_space<vmem>>)
    %add3A_584 = arith.constant 193 : i32
    %add3A_585 = arith.addi %mul3A_2, %add3A_584 : i32
    %mul3A_586 = arith.constant 128 : i32
    %mul3A_587 = arith.muli %add3A_585, %mul3A_586 : i32
    %dma_start3A_588 = arith.constant 1 : i32
    %dma_start3A_589 = arith.constant 0 : i32
    %dma_start3A_590 = arith.constant 0 : i32
    %dma_start3A_591 = tpu.memref_slice %arg6[%dma_start3A_588, %dma_start3A_589, %dma_start3A_590] : memref<8x128x64xf32, #tpu.memory_space<vmem>> -> memref<1x128x64xf32, #tpu.memory_space<vmem>>
    %dma_start3A_592 = tpu.memref_squeeze %dma_start3A_591 : memref<1x128x64xf32, #tpu.memory_space<vmem>> -> memref<128x64xf32, #tpu.memory_space<vmem>>
    %dma_start3A_593 = arith.constant 0 : i32
    %dma_start3A_594 = tpu.memref_slice %arg4[%mul3A_587, %dma_start3A_593] : memref<819200x64xf32, #tpu.memory_space<hbm>> -> memref<128x64xf32, #tpu.memory_space<hbm>>
    %dma_start3A_595 = arith.constant 0 : i32
    %dma_start3A_596 = tpu.memref_slice %arg4[%mul3A_587, %dma_start3A_595] : memref<819200x64xf32, #tpu.memory_space<hbm>> -> memref<128x64xf32, #tpu.memory_space<hbm>>
    %dma_start3A_597 = arith.constant 0 : i32
    %dma_start3A_598 = arith.constant 0 : i32
    %dma_start3A_599 = tpu.memref_slice %arg6[%dma_start3A_588, %dma_start3A_597, %dma_start3A_598] : memref<8x128x64xf32, #tpu.memory_space<vmem>> -> memref<1x128x64xf32, #tpu.memory_space<vmem>>
    %dma_start3A_600 = tpu.memref_squeeze %dma_start3A_599 : memref<1x128x64xf32, #tpu.memory_space<vmem>> -> memref<128x64xf32, #tpu.memory_space<vmem>>
    tpu.enqueue_dma source(%dma_start3A_600 : memref<128x64xf32, #tpu.memory_space<vmem>>) target(%dma_start3A_596 : memref<128x64xf32, #tpu.memory_space<hbm>>) target_semaphore(%arg16 : memref<!tpu.dma_semaphore, #tpu.memory_space<semaphore_mem>>)
    %add3A_601 = arith.constant 191 : i32
    %add3A_602 = arith.addi %mul3A_2, %add3A_601 : i32
    %mul3A_603 = arith.constant 128 : i32
    %mul3A_604 = arith.muli %add3A_602, %mul3A_603 : i32
    %dma_wait3A_605 = arith.constant 7 : i32
    %dma_wait3A_606 = arith.constant 0 : i32
    %dma_wait3A_607 = arith.constant 0 : i32
    %dma_wait3A_608 = tpu.memref_slice %arg6[%dma_wait3A_605, %dma_wait3A_606, %dma_wait3A_607] : memref<8x128x64xf32, #tpu.memory_space<vmem>> -> memref<1x128x64xf32, #tpu.memory_space<vmem>>
    %dma_wait3A_609 = tpu.memref_squeeze %dma_wait3A_608 : memref<1x128x64xf32, #tpu.memory_space<vmem>> -> memref<128x64xf32, #tpu.memory_space<vmem>>
    %dma_wait3A_610 = arith.constant 0 : i32
    %dma_wait3A_611 = tpu.memref_slice %arg4[%mul3A_604, %dma_wait3A_610] : memref<819200x64xf32, #tpu.memory_space<hbm>> -> memref<128x64xf32, #tpu.memory_space<hbm>>
    %dma_wait3A_612 = arith.constant 0 : i32
    %dma_wait3A_613 = tpu.memref_slice %arg4[%mul3A_604, %dma_wait3A_612] : memref<819200x64xf32, #tpu.memory_space<hbm>> -> memref<128x64xf32, #tpu.memory_space<hbm>>
    %dma_wait3A_614 = arith.constant 0 : i32
    %dma_wait3A_615 = arith.constant 0 : i32
    %dma_wait3A_616 = tpu.memref_slice %arg6[%dma_wait3A_605, %dma_wait3A_614, %dma_wait3A_615] : memref<8x128x64xf32, #tpu.memory_space<vmem>> -> memref<1x128x64xf32, #tpu.memory_space<vmem>>
    %dma_wait3A_617 = tpu.memref_squeeze %dma_wait3A_616 : memref<1x128x64xf32, #tpu.memory_space<vmem>> -> memref<128x64xf32, #tpu.memory_space<vmem>>
    tpu.wait_dma2 semaphore(%arg22 : memref<!tpu.dma_semaphore, #tpu.memory_space<semaphore_mem>>) src(%dma_wait3A_617 : memref<128x64xf32, #tpu.memory_space<vmem>>) dst(%dma_wait3A_613 : memref<128x64xf32, #tpu.memory_space<hbm>>)
    %dma_start3A_618 = arith.constant 199 : i32
    %dma_start3A_619 = arith.constant 7 : i32
    %dma_start3A_620 = arith.constant 0 : i32
    %dma_start3A_621 = arith.constant 0 : i32
    %dma_start3A_622 = tpu.memref_slice %arg6[%dma_start3A_619, %dma_start3A_620, %dma_start3A_621] : memref<8x128x64xf32, #tpu.memory_space<vmem>> -> memref<1x128x64xf32, #tpu.memory_space<vmem>>
    %dma_start3A_623 = tpu.memref_squeeze %dma_start3A_622 : memref<1x128x64xf32, #tpu.memory_space<vmem>> -> memref<128x64xf32, #tpu.memory_space<vmem>>
    %dma_start3A_624 = arith.constant 0 : i32
    %dma_start3A_625 = tpu.memref_slice %arg5[%dma_start3A_618, %dma_start3A_624] : memref<200x128xi32, #tpu.memory_space<vmem>> -> memref<1x128xi32, #tpu.memory_space<vmem>>
    %dma_start3A_626 = tpu.memref_squeeze %dma_start3A_625 : memref<1x128xi32, #tpu.memory_space<vmem>> -> memref<128xi32, #tpu.memory_space<vmem>>
    %dma_start3A_627 = arith.constant 0 : i32
    %dma_start3A_628 = arith.constant 0 : i32
    %dma_start3A_629 = tpu.memref_slice %arg3[%dma_start3A_627, %dma_start3A_628] : memref<2000000x64xf32, #tpu.memory_space<hbm>> -> memref<2000000x64xf32, #tpu.memory_space<hbm>>
    tpu.enqueue_indirect_dma source(%dma_start3A_629 : memref<2000000x64xf32, #tpu.memory_space<hbm>>) target(%dma_start3A_623 : memref<128x64xf32, #tpu.memory_space<vmem>>) offsets(%dma_start3A_626 : memref<128xi32, #tpu.memory_space<vmem>>) semaphore(%arg14 : memref<!tpu.dma_semaphore, #tpu.memory_space<semaphore_mem>>)
    %dma_wait3A_630 = arith.constant 194 : i32
    %dma_wait3A_631 = arith.constant 2 : i32
    %dma_wait3A_632 = arith.constant 0 : i32
    %dma_wait3A_633 = arith.constant 0 : i32
    %dma_wait3A_634 = tpu.memref_slice %arg6[%dma_wait3A_631, %dma_wait3A_632, %dma_wait3A_633] : memref<8x128x64xf32, #tpu.memory_space<vmem>> -> memref<1x128x64xf32, #tpu.memory_space<vmem>>
    %dma_wait3A_635 = tpu.memref_squeeze %dma_wait3A_634 : memref<1x128x64xf32, #tpu.memory_space<vmem>> -> memref<128x64xf32, #tpu.memory_space<vmem>>
    %dma_wait3A_636 = arith.constant 0 : i32
    %dma_wait3A_637 = tpu.memref_slice %arg5[%dma_wait3A_630, %dma_wait3A_636] : memref<200x128xi32, #tpu.memory_space<vmem>> -> memref<1x128xi32, #tpu.memory_space<vmem>>
    %dma_wait3A_638 = tpu.memref_squeeze %dma_wait3A_637 : memref<1x128xi32, #tpu.memory_space<vmem>> -> memref<128xi32, #tpu.memory_space<vmem>>
    %dma_wait3A_639 = arith.constant 0 : i32
    %dma_wait3A_640 = arith.constant 0 : i32
    %dma_wait3A_641 = tpu.memref_slice %arg3[%dma_wait3A_639, %dma_wait3A_640] : memref<2000000x64xf32, #tpu.memory_space<hbm>> -> memref<2000000x64xf32, #tpu.memory_space<hbm>>
    tpu.wait_indirect_dma semaphore(%arg9 : memref<!tpu.dma_semaphore, #tpu.memory_space<semaphore_mem>>) src(%dma_wait3A_641 : memref<2000000x64xf32, #tpu.memory_space<hbm>>) dst(%dma_wait3A_635 : memref<128x64xf32, #tpu.memory_space<vmem>>)
    %add3A_642 = arith.constant 194 : i32
    %add3A_643 = arith.addi %mul3A_2, %add3A_642 : i32
    %mul3A_644 = arith.constant 128 : i32
    %mul3A_645 = arith.muli %add3A_643, %mul3A_644 : i32
    %dma_start3A_646 = arith.constant 2 : i32
    %dma_start3A_647 = arith.constant 0 : i32
    %dma_start3A_648 = arith.constant 0 : i32
    %dma_start3A_649 = tpu.memref_slice %arg6[%dma_start3A_646, %dma_start3A_647, %dma_start3A_648] : memref<8x128x64xf32, #tpu.memory_space<vmem>> -> memref<1x128x64xf32, #tpu.memory_space<vmem>>
    %dma_start3A_650 = tpu.memref_squeeze %dma_start3A_649 : memref<1x128x64xf32, #tpu.memory_space<vmem>> -> memref<128x64xf32, #tpu.memory_space<vmem>>
    %dma_start3A_651 = arith.constant 0 : i32
    %dma_start3A_652 = tpu.memref_slice %arg4[%mul3A_645, %dma_start3A_651] : memref<819200x64xf32, #tpu.memory_space<hbm>> -> memref<128x64xf32, #tpu.memory_space<hbm>>
    %dma_start3A_653 = arith.constant 0 : i32
    %dma_start3A_654 = tpu.memref_slice %arg4[%mul3A_645, %dma_start3A_653] : memref<819200x64xf32, #tpu.memory_space<hbm>> -> memref<128x64xf32, #tpu.memory_space<hbm>>
    %dma_start3A_655 = arith.constant 0 : i32
    %dma_start3A_656 = arith.constant 0 : i32
    %dma_start3A_657 = tpu.memref_slice %arg6[%dma_start3A_646, %dma_start3A_655, %dma_start3A_656] : memref<8x128x64xf32, #tpu.memory_space<vmem>> -> memref<1x128x64xf32, #tpu.memory_space<vmem>>
    %dma_start3A_658 = tpu.memref_squeeze %dma_start3A_657 : memref<1x128x64xf32, #tpu.memory_space<vmem>> -> memref<128x64xf32, #tpu.memory_space<vmem>>
    tpu.enqueue_dma source(%dma_start3A_658 : memref<128x64xf32, #tpu.memory_space<vmem>>) target(%dma_start3A_654 : memref<128x64xf32, #tpu.memory_space<hbm>>) target_semaphore(%arg17 : memref<!tpu.dma_semaphore, #tpu.memory_space<semaphore_mem>>)
    %dma_wait3A_659 = arith.constant 195 : i32
    %dma_wait3A_660 = arith.constant 3 : i32
    %dma_wait3A_661 = arith.constant 0 : i32
    %dma_wait3A_662 = arith.constant 0 : i32
    %dma_wait3A_663 = tpu.memref_slice %arg6[%dma_wait3A_660, %dma_wait3A_661, %dma_wait3A_662] : memref<8x128x64xf32, #tpu.memory_space<vmem>> -> memref<1x128x64xf32, #tpu.memory_space<vmem>>
    %dma_wait3A_664 = tpu.memref_squeeze %dma_wait3A_663 : memref<1x128x64xf32, #tpu.memory_space<vmem>> -> memref<128x64xf32, #tpu.memory_space<vmem>>
    %dma_wait3A_665 = arith.constant 0 : i32
    %dma_wait3A_666 = tpu.memref_slice %arg5[%dma_wait3A_659, %dma_wait3A_665] : memref<200x128xi32, #tpu.memory_space<vmem>> -> memref<1x128xi32, #tpu.memory_space<vmem>>
    %dma_wait3A_667 = tpu.memref_squeeze %dma_wait3A_666 : memref<1x128xi32, #tpu.memory_space<vmem>> -> memref<128xi32, #tpu.memory_space<vmem>>
    %dma_wait3A_668 = arith.constant 0 : i32
    %dma_wait3A_669 = arith.constant 0 : i32
    %dma_wait3A_670 = tpu.memref_slice %arg3[%dma_wait3A_668, %dma_wait3A_669] : memref<2000000x64xf32, #tpu.memory_space<hbm>> -> memref<2000000x64xf32, #tpu.memory_space<hbm>>
    tpu.wait_indirect_dma semaphore(%arg10 : memref<!tpu.dma_semaphore, #tpu.memory_space<semaphore_mem>>) src(%dma_wait3A_670 : memref<2000000x64xf32, #tpu.memory_space<hbm>>) dst(%dma_wait3A_664 : memref<128x64xf32, #tpu.memory_space<vmem>>)
    %add3A_671 = arith.constant 195 : i32
    %add3A_672 = arith.addi %mul3A_2, %add3A_671 : i32
    %mul3A_673 = arith.constant 128 : i32
    %mul3A_674 = arith.muli %add3A_672, %mul3A_673 : i32
    %dma_start3A_675 = arith.constant 3 : i32
    %dma_start3A_676 = arith.constant 0 : i32
    %dma_start3A_677 = arith.constant 0 : i32
    %dma_start3A_678 = tpu.memref_slice %arg6[%dma_start3A_675, %dma_start3A_676, %dma_start3A_677] : memref<8x128x64xf32, #tpu.memory_space<vmem>> -> memref<1x128x64xf32, #tpu.memory_space<vmem>>
    %dma_start3A_679 = tpu.memref_squeeze %dma_start3A_678 : memref<1x128x64xf32, #tpu.memory_space<vmem>> -> memref<128x64xf32, #tpu.memory_space<vmem>>
    %dma_start3A_680 = arith.constant 0 : i32
    %dma_start3A_681 = tpu.memref_slice %arg4[%mul3A_674, %dma_start3A_680] : memref<819200x64xf32, #tpu.memory_space<hbm>> -> memref<128x64xf32, #tpu.memory_space<hbm>>
    %dma_start3A_682 = arith.constant 0 : i32
    %dma_start3A_683 = tpu.memref_slice %arg4[%mul3A_674, %dma_start3A_682] : memref<819200x64xf32, #tpu.memory_space<hbm>> -> memref<128x64xf32, #tpu.memory_space<hbm>>
    %dma_start3A_684 = arith.constant 0 : i32
    %dma_start3A_685 = arith.constant 0 : i32
    %dma_start3A_686 = tpu.memref_slice %arg6[%dma_start3A_675, %dma_start3A_684, %dma_start3A_685] : memref<8x128x64xf32, #tpu.memory_space<vmem>> -> memref<1x128x64xf32, #tpu.memory_space<vmem>>
    %dma_start3A_687 = tpu.memref_squeeze %dma_start3A_686 : memref<1x128x64xf32, #tpu.memory_space<vmem>> -> memref<128x64xf32, #tpu.memory_space<vmem>>
    tpu.enqueue_dma source(%dma_start3A_687 : memref<128x64xf32, #tpu.memory_space<vmem>>) target(%dma_start3A_683 : memref<128x64xf32, #tpu.memory_space<hbm>>) target_semaphore(%arg18 : memref<!tpu.dma_semaphore, #tpu.memory_space<semaphore_mem>>)
    %dma_wait3A_688 = arith.constant 196 : i32
    %dma_wait3A_689 = arith.constant 4 : i32
    %dma_wait3A_690 = arith.constant 0 : i32
    %dma_wait3A_691 = arith.constant 0 : i32
    %dma_wait3A_692 = tpu.memref_slice %arg6[%dma_wait3A_689, %dma_wait3A_690, %dma_wait3A_691] : memref<8x128x64xf32, #tpu.memory_space<vmem>> -> memref<1x128x64xf32, #tpu.memory_space<vmem>>
    %dma_wait3A_693 = tpu.memref_squeeze %dma_wait3A_692 : memref<1x128x64xf32, #tpu.memory_space<vmem>> -> memref<128x64xf32, #tpu.memory_space<vmem>>
    %dma_wait3A_694 = arith.constant 0 : i32
    %dma_wait3A_695 = tpu.memref_slice %arg5[%dma_wait3A_688, %dma_wait3A_694] : memref<200x128xi32, #tpu.memory_space<vmem>> -> memref<1x128xi32, #tpu.memory_space<vmem>>
    %dma_wait3A_696 = tpu.memref_squeeze %dma_wait3A_695 : memref<1x128xi32, #tpu.memory_space<vmem>> -> memref<128xi32, #tpu.memory_space<vmem>>
    %dma_wait3A_697 = arith.constant 0 : i32
    %dma_wait3A_698 = arith.constant 0 : i32
    %dma_wait3A_699 = tpu.memref_slice %arg3[%dma_wait3A_697, %dma_wait3A_698] : memref<2000000x64xf32, #tpu.memory_space<hbm>> -> memref<2000000x64xf32, #tpu.memory_space<hbm>>
    tpu.wait_indirect_dma semaphore(%arg11 : memref<!tpu.dma_semaphore, #tpu.memory_space<semaphore_mem>>) src(%dma_wait3A_699 : memref<2000000x64xf32, #tpu.memory_space<hbm>>) dst(%dma_wait3A_693 : memref<128x64xf32, #tpu.memory_space<vmem>>)
    %add3A_700 = arith.constant 196 : i32
    %add3A_701 = arith.addi %mul3A_2, %add3A_700 : i32
    %mul3A_702 = arith.constant 128 : i32
    %mul3A_703 = arith.muli %add3A_701, %mul3A_702 : i32
    %dma_start3A_704 = arith.constant 4 : i32
    %dma_start3A_705 = arith.constant 0 : i32
    %dma_start3A_706 = arith.constant 0 : i32
    %dma_start3A_707 = tpu.memref_slice %arg6[%dma_start3A_704, %dma_start3A_705, %dma_start3A_706] : memref<8x128x64xf32, #tpu.memory_space<vmem>> -> memref<1x128x64xf32, #tpu.memory_space<vmem>>
    %dma_start3A_708 = tpu.memref_squeeze %dma_start3A_707 : memref<1x128x64xf32, #tpu.memory_space<vmem>> -> memref<128x64xf32, #tpu.memory_space<vmem>>
    %dma_start3A_709 = arith.constant 0 : i32
    %dma_start3A_710 = tpu.memref_slice %arg4[%mul3A_703, %dma_start3A_709] : memref<819200x64xf32, #tpu.memory_space<hbm>> -> memref<128x64xf32, #tpu.memory_space<hbm>>
    %dma_start3A_711 = arith.constant 0 : i32
    %dma_start3A_712 = tpu.memref_slice %arg4[%mul3A_703, %dma_start3A_711] : memref<819200x64xf32, #tpu.memory_space<hbm>> -> memref<128x64xf32, #tpu.memory_space<hbm>>
    %dma_start3A_713 = arith.constant 0 : i32
    %dma_start3A_714 = arith.constant 0 : i32
    %dma_start3A_715 = tpu.memref_slice %arg6[%dma_start3A_704, %dma_start3A_713, %dma_start3A_714] : memref<8x128x64xf32, #tpu.memory_space<vmem>> -> memref<1x128x64xf32, #tpu.memory_space<vmem>>
    %dma_start3A_716 = tpu.memref_squeeze %dma_start3A_715 : memref<1x128x64xf32, #tpu.memory_space<vmem>> -> memref<128x64xf32, #tpu.memory_space<vmem>>
    tpu.enqueue_dma source(%dma_start3A_716 : memref<128x64xf32, #tpu.memory_space<vmem>>) target(%dma_start3A_712 : memref<128x64xf32, #tpu.memory_space<hbm>>) target_semaphore(%arg19 : memref<!tpu.dma_semaphore, #tpu.memory_space<semaphore_mem>>)
    %dma_wait3A_717 = arith.constant 197 : i32
    %dma_wait3A_718 = arith.constant 5 : i32
    %dma_wait3A_719 = arith.constant 0 : i32
    %dma_wait3A_720 = arith.constant 0 : i32
    %dma_wait3A_721 = tpu.memref_slice %arg6[%dma_wait3A_718, %dma_wait3A_719, %dma_wait3A_720] : memref<8x128x64xf32, #tpu.memory_space<vmem>> -> memref<1x128x64xf32, #tpu.memory_space<vmem>>
    %dma_wait3A_722 = tpu.memref_squeeze %dma_wait3A_721 : memref<1x128x64xf32, #tpu.memory_space<vmem>> -> memref<128x64xf32, #tpu.memory_space<vmem>>
    %dma_wait3A_723 = arith.constant 0 : i32
    %dma_wait3A_724 = tpu.memref_slice %arg5[%dma_wait3A_717, %dma_wait3A_723] : memref<200x128xi32, #tpu.memory_space<vmem>> -> memref<1x128xi32, #tpu.memory_space<vmem>>
    %dma_wait3A_725 = tpu.memref_squeeze %dma_wait3A_724 : memref<1x128xi32, #tpu.memory_space<vmem>> -> memref<128xi32, #tpu.memory_space<vmem>>
    %dma_wait3A_726 = arith.constant 0 : i32
    %dma_wait3A_727 = arith.constant 0 : i32
    %dma_wait3A_728 = tpu.memref_slice %arg3[%dma_wait3A_726, %dma_wait3A_727] : memref<2000000x64xf32, #tpu.memory_space<hbm>> -> memref<2000000x64xf32, #tpu.memory_space<hbm>>
    tpu.wait_indirect_dma semaphore(%arg12 : memref<!tpu.dma_semaphore, #tpu.memory_space<semaphore_mem>>) src(%dma_wait3A_728 : memref<2000000x64xf32, #tpu.memory_space<hbm>>) dst(%dma_wait3A_722 : memref<128x64xf32, #tpu.memory_space<vmem>>)
    %add3A_729 = arith.constant 197 : i32
    %add3A_730 = arith.addi %mul3A_2, %add3A_729 : i32
    %mul3A_731 = arith.constant 128 : i32
    %mul3A_732 = arith.muli %add3A_730, %mul3A_731 : i32
    %dma_start3A_733 = arith.constant 5 : i32
    %dma_start3A_734 = arith.constant 0 : i32
    %dma_start3A_735 = arith.constant 0 : i32
    %dma_start3A_736 = tpu.memref_slice %arg6[%dma_start3A_733, %dma_start3A_734, %dma_start3A_735] : memref<8x128x64xf32, #tpu.memory_space<vmem>> -> memref<1x128x64xf32, #tpu.memory_space<vmem>>
    %dma_start3A_737 = tpu.memref_squeeze %dma_start3A_736 : memref<1x128x64xf32, #tpu.memory_space<vmem>> -> memref<128x64xf32, #tpu.memory_space<vmem>>
    %dma_start3A_738 = arith.constant 0 : i32
    %dma_start3A_739 = tpu.memref_slice %arg4[%mul3A_732, %dma_start3A_738] : memref<819200x64xf32, #tpu.memory_space<hbm>> -> memref<128x64xf32, #tpu.memory_space<hbm>>
    %dma_start3A_740 = arith.constant 0 : i32
    %dma_start3A_741 = tpu.memref_slice %arg4[%mul3A_732, %dma_start3A_740] : memref<819200x64xf32, #tpu.memory_space<hbm>> -> memref<128x64xf32, #tpu.memory_space<hbm>>
    %dma_start3A_742 = arith.constant 0 : i32
    %dma_start3A_743 = arith.constant 0 : i32
    %dma_start3A_744 = tpu.memref_slice %arg6[%dma_start3A_733, %dma_start3A_742, %dma_start3A_743] : memref<8x128x64xf32, #tpu.memory_space<vmem>> -> memref<1x128x64xf32, #tpu.memory_space<vmem>>
    %dma_start3A_745 = tpu.memref_squeeze %dma_start3A_744 : memref<1x128x64xf32, #tpu.memory_space<vmem>> -> memref<128x64xf32, #tpu.memory_space<vmem>>
    tpu.enqueue_dma source(%dma_start3A_745 : memref<128x64xf32, #tpu.memory_space<vmem>>) target(%dma_start3A_741 : memref<128x64xf32, #tpu.memory_space<hbm>>) target_semaphore(%arg20 : memref<!tpu.dma_semaphore, #tpu.memory_space<semaphore_mem>>)
    %dma_wait3A_746 = arith.constant 198 : i32
    %dma_wait3A_747 = arith.constant 6 : i32
    %dma_wait3A_748 = arith.constant 0 : i32
    %dma_wait3A_749 = arith.constant 0 : i32
    %dma_wait3A_750 = tpu.memref_slice %arg6[%dma_wait3A_747, %dma_wait3A_748, %dma_wait3A_749] : memref<8x128x64xf32, #tpu.memory_space<vmem>> -> memref<1x128x64xf32, #tpu.memory_space<vmem>>
    %dma_wait3A_751 = tpu.memref_squeeze %dma_wait3A_750 : memref<1x128x64xf32, #tpu.memory_space<vmem>> -> memref<128x64xf32, #tpu.memory_space<vmem>>
    %dma_wait3A_752 = arith.constant 0 : i32
    %dma_wait3A_753 = tpu.memref_slice %arg5[%dma_wait3A_746, %dma_wait3A_752] : memref<200x128xi32, #tpu.memory_space<vmem>> -> memref<1x128xi32, #tpu.memory_space<vmem>>
    %dma_wait3A_754 = tpu.memref_squeeze %dma_wait3A_753 : memref<1x128xi32, #tpu.memory_space<vmem>> -> memref<128xi32, #tpu.memory_space<vmem>>
    %dma_wait3A_755 = arith.constant 0 : i32
    %dma_wait3A_756 = arith.constant 0 : i32
    %dma_wait3A_757 = tpu.memref_slice %arg3[%dma_wait3A_755, %dma_wait3A_756] : memref<2000000x64xf32, #tpu.memory_space<hbm>> -> memref<2000000x64xf32, #tpu.memory_space<hbm>>
    tpu.wait_indirect_dma semaphore(%arg13 : memref<!tpu.dma_semaphore, #tpu.memory_space<semaphore_mem>>) src(%dma_wait3A_757 : memref<2000000x64xf32, #tpu.memory_space<hbm>>) dst(%dma_wait3A_751 : memref<128x64xf32, #tpu.memory_space<vmem>>)
    %add3A_758 = arith.constant 198 : i32
    %add3A_759 = arith.addi %mul3A_2, %add3A_758 : i32
    %mul3A_760 = arith.constant 128 : i32
    %mul3A_761 = arith.muli %add3A_759, %mul3A_760 : i32
    %dma_start3A_762 = arith.constant 6 : i32
    %dma_start3A_763 = arith.constant 0 : i32
    %dma_start3A_764 = arith.constant 0 : i32
    %dma_start3A_765 = tpu.memref_slice %arg6[%dma_start3A_762, %dma_start3A_763, %dma_start3A_764] : memref<8x128x64xf32, #tpu.memory_space<vmem>> -> memref<1x128x64xf32, #tpu.memory_space<vmem>>
    %dma_start3A_766 = tpu.memref_squeeze %dma_start3A_765 : memref<1x128x64xf32, #tpu.memory_space<vmem>> -> memref<128x64xf32, #tpu.memory_space<vmem>>
    %dma_start3A_767 = arith.constant 0 : i32
    %dma_start3A_768 = tpu.memref_slice %arg4[%mul3A_761, %dma_start3A_767] : memref<819200x64xf32, #tpu.memory_space<hbm>> -> memref<128x64xf32, #tpu.memory_space<hbm>>
    %dma_start3A_769 = arith.constant 0 : i32
    %dma_start3A_770 = tpu.memref_slice %arg4[%mul3A_761, %dma_start3A_769] : memref<819200x64xf32, #tpu.memory_space<hbm>> -> memref<128x64xf32, #tpu.memory_space<hbm>>
    %dma_start3A_771 = arith.constant 0 : i32
    %dma_start3A_772 = arith.constant 0 : i32
    %dma_start3A_773 = tpu.memref_slice %arg6[%dma_start3A_762, %dma_start3A_771, %dma_start3A_772] : memref<8x128x64xf32, #tpu.memory_space<vmem>> -> memref<1x128x64xf32, #tpu.memory_space<vmem>>
    %dma_start3A_774 = tpu.memref_squeeze %dma_start3A_773 : memref<1x128x64xf32, #tpu.memory_space<vmem>> -> memref<128x64xf32, #tpu.memory_space<vmem>>
    tpu.enqueue_dma source(%dma_start3A_774 : memref<128x64xf32, #tpu.memory_space<vmem>>) target(%dma_start3A_770 : memref<128x64xf32, #tpu.memory_space<hbm>>) target_semaphore(%arg21 : memref<!tpu.dma_semaphore, #tpu.memory_space<semaphore_mem>>)
    %dma_wait3A_775 = arith.constant 199 : i32
    %dma_wait3A_776 = arith.constant 7 : i32
    %dma_wait3A_777 = arith.constant 0 : i32
    %dma_wait3A_778 = arith.constant 0 : i32
    %dma_wait3A_779 = tpu.memref_slice %arg6[%dma_wait3A_776, %dma_wait3A_777, %dma_wait3A_778] : memref<8x128x64xf32, #tpu.memory_space<vmem>> -> memref<1x128x64xf32, #tpu.memory_space<vmem>>
    %dma_wait3A_780 = tpu.memref_squeeze %dma_wait3A_779 : memref<1x128x64xf32, #tpu.memory_space<vmem>> -> memref<128x64xf32, #tpu.memory_space<vmem>>
    %dma_wait3A_781 = arith.constant 0 : i32
    %dma_wait3A_782 = tpu.memref_slice %arg5[%dma_wait3A_775, %dma_wait3A_781] : memref<200x128xi32, #tpu.memory_space<vmem>> -> memref<1x128xi32, #tpu.memory_space<vmem>>
    %dma_wait3A_783 = tpu.memref_squeeze %dma_wait3A_782 : memref<1x128xi32, #tpu.memory_space<vmem>> -> memref<128xi32, #tpu.memory_space<vmem>>
    %dma_wait3A_784 = arith.constant 0 : i32
    %dma_wait3A_785 = arith.constant 0 : i32
    %dma_wait3A_786 = tpu.memref_slice %arg3[%dma_wait3A_784, %dma_wait3A_785] : memref<2000000x64xf32, #tpu.memory_space<hbm>> -> memref<2000000x64xf32, #tpu.memory_space<hbm>>
    tpu.wait_indirect_dma semaphore(%arg14 : memref<!tpu.dma_semaphore, #tpu.memory_space<semaphore_mem>>) src(%dma_wait3A_786 : memref<2000000x64xf32, #tpu.memory_space<hbm>>) dst(%dma_wait3A_780 : memref<128x64xf32, #tpu.memory_space<vmem>>)
    %add3A_787 = arith.constant 199 : i32
    %add3A_788 = arith.addi %mul3A_2, %add3A_787 : i32
    %mul3A_789 = arith.constant 128 : i32
    %mul3A_790 = arith.muli %add3A_788, %mul3A_789 : i32
    %dma_start3A_791 = arith.constant 7 : i32
    %dma_start3A_792 = arith.constant 0 : i32
    %dma_start3A_793 = arith.constant 0 : i32
    %dma_start3A_794 = tpu.memref_slice %arg6[%dma_start3A_791, %dma_start3A_792, %dma_start3A_793] : memref<8x128x64xf32, #tpu.memory_space<vmem>> -> memref<1x128x64xf32, #tpu.memory_space<vmem>>
    %dma_start3A_795 = tpu.memref_squeeze %dma_start3A_794 : memref<1x128x64xf32, #tpu.memory_space<vmem>> -> memref<128x64xf32, #tpu.memory_space<vmem>>
    %dma_start3A_796 = arith.constant 0 : i32
    %dma_start3A_797 = tpu.memref_slice %arg4[%mul3A_790, %dma_start3A_796] : memref<819200x64xf32, #tpu.memory_space<hbm>> -> memref<128x64xf32, #tpu.memory_space<hbm>>
    %dma_start3A_798 = arith.constant 0 : i32
    %dma_start3A_799 = tpu.memref_slice %arg4[%mul3A_790, %dma_start3A_798] : memref<819200x64xf32, #tpu.memory_space<hbm>> -> memref<128x64xf32, #tpu.memory_space<hbm>>
    %dma_start3A_800 = arith.constant 0 : i32
    %dma_start3A_801 = arith.constant 0 : i32
    %dma_start3A_802 = tpu.memref_slice %arg6[%dma_start3A_791, %dma_start3A_800, %dma_start3A_801] : memref<8x128x64xf32, #tpu.memory_space<vmem>> -> memref<1x128x64xf32, #tpu.memory_space<vmem>>
    %dma_start3A_803 = tpu.memref_squeeze %dma_start3A_802 : memref<1x128x64xf32, #tpu.memory_space<vmem>> -> memref<128x64xf32, #tpu.memory_space<vmem>>
    tpu.enqueue_dma source(%dma_start3A_803 : memref<128x64xf32, #tpu.memory_space<vmem>>) target(%dma_start3A_799 : memref<128x64xf32, #tpu.memory_space<hbm>>) target_semaphore(%arg22 : memref<!tpu.dma_semaphore, #tpu.memory_space<semaphore_mem>>)
    %add3A_804 = arith.constant 192 : i32
    %add3A_805 = arith.addi %mul3A_2, %add3A_804 : i32
    %mul3A_806 = arith.constant 128 : i32
    %mul3A_807 = arith.muli %add3A_805, %mul3A_806 : i32
    %dma_wait3A_808 = arith.constant 0 : i32
    %dma_wait3A_809 = arith.constant 0 : i32
    %dma_wait3A_810 = arith.constant 0 : i32
    %dma_wait3A_811 = tpu.memref_slice %arg6[%dma_wait3A_808, %dma_wait3A_809, %dma_wait3A_810] : memref<8x128x64xf32, #tpu.memory_space<vmem>> -> memref<1x128x64xf32, #tpu.memory_space<vmem>>
    %dma_wait3A_812 = tpu.memref_squeeze %dma_wait3A_811 : memref<1x128x64xf32, #tpu.memory_space<vmem>> -> memref<128x64xf32, #tpu.memory_space<vmem>>
    %dma_wait3A_813 = arith.constant 0 : i32
    %dma_wait3A_814 = tpu.memref_slice %arg4[%mul3A_807, %dma_wait3A_813] : memref<819200x64xf32, #tpu.memory_space<hbm>> -> memref<128x64xf32, #tpu.memory_space<hbm>>
    %dma_wait3A_815 = arith.constant 0 : i32
    %dma_wait3A_816 = tpu.memref_slice %arg4[%mul3A_807, %dma_wait3A_815] : memref<819200x64xf32, #tpu.memory_space<hbm>> -> memref<128x64xf32, #tpu.memory_space<hbm>>
    %dma_wait3A_817 = arith.constant 0 : i32
    %dma_wait3A_818 = arith.constant 0 : i32
    %dma_wait3A_819 = tpu.memref_slice %arg6[%dma_wait3A_808, %dma_wait3A_817, %dma_wait3A_818] : memref<8x128x64xf32, #tpu.memory_space<vmem>> -> memref<1x128x64xf32, #tpu.memory_space<vmem>>
    %dma_wait3A_820 = tpu.memref_squeeze %dma_wait3A_819 : memref<1x128x64xf32, #tpu.memory_space<vmem>> -> memref<128x64xf32, #tpu.memory_space<vmem>>
    tpu.wait_dma2 semaphore(%arg15 : memref<!tpu.dma_semaphore, #tpu.memory_space<semaphore_mem>>) src(%dma_wait3A_820 : memref<128x64xf32, #tpu.memory_space<vmem>>) dst(%dma_wait3A_816 : memref<128x64xf32, #tpu.memory_space<hbm>>)
    %add3A_821 = arith.constant 193 : i32
    %add3A_822 = arith.addi %mul3A_2, %add3A_821 : i32
    %mul3A_823 = arith.constant 128 : i32
    %mul3A_824 = arith.muli %add3A_822, %mul3A_823 : i32
    %dma_wait3A_825 = arith.constant 1 : i32
    %dma_wait3A_826 = arith.constant 0 : i32
    %dma_wait3A_827 = arith.constant 0 : i32
    %dma_wait3A_828 = tpu.memref_slice %arg6[%dma_wait3A_825, %dma_wait3A_826, %dma_wait3A_827] : memref<8x128x64xf32, #tpu.memory_space<vmem>> -> memref<1x128x64xf32, #tpu.memory_space<vmem>>
    %dma_wait3A_829 = tpu.memref_squeeze %dma_wait3A_828 : memref<1x128x64xf32, #tpu.memory_space<vmem>> -> memref<128x64xf32, #tpu.memory_space<vmem>>
    %dma_wait3A_830 = arith.constant 0 : i32
    %dma_wait3A_831 = tpu.memref_slice %arg4[%mul3A_824, %dma_wait3A_830] : memref<819200x64xf32, #tpu.memory_space<hbm>> -> memref<128x64xf32, #tpu.memory_space<hbm>>
    %dma_wait3A_832 = arith.constant 0 : i32
    %dma_wait3A_833 = tpu.memref_slice %arg4[%mul3A_824, %dma_wait3A_832] : memref<819200x64xf32, #tpu.memory_space<hbm>> -> memref<128x64xf32, #tpu.memory_space<hbm>>
    %dma_wait3A_834 = arith.constant 0 : i32
    %dma_wait3A_835 = arith.constant 0 : i32
    %dma_wait3A_836 = tpu.memref_slice %arg6[%dma_wait3A_825, %dma_wait3A_834, %dma_wait3A_835] : memref<8x128x64xf32, #tpu.memory_space<vmem>> -> memref<1x128x64xf32, #tpu.memory_space<vmem>>
    %dma_wait3A_837 = tpu.memref_squeeze %dma_wait3A_836 : memref<1x128x64xf32, #tpu.memory_space<vmem>> -> memref<128x64xf32, #tpu.memory_space<vmem>>
    tpu.wait_dma2 semaphore(%arg16 : memref<!tpu.dma_semaphore, #tpu.memory_space<semaphore_mem>>) src(%dma_wait3A_837 : memref<128x64xf32, #tpu.memory_space<vmem>>) dst(%dma_wait3A_833 : memref<128x64xf32, #tpu.memory_space<hbm>>)
    %add3A_838 = arith.constant 194 : i32
    %add3A_839 = arith.addi %mul3A_2, %add3A_838 : i32
    %mul3A_840 = arith.constant 128 : i32
    %mul3A_841 = arith.muli %add3A_839, %mul3A_840 : i32
    %dma_wait3A_842 = arith.constant 2 : i32
    %dma_wait3A_843 = arith.constant 0 : i32
    %dma_wait3A_844 = arith.constant 0 : i32
    %dma_wait3A_845 = tpu.memref_slice %arg6[%dma_wait3A_842, %dma_wait3A_843, %dma_wait3A_844] : memref<8x128x64xf32, #tpu.memory_space<vmem>> -> memref<1x128x64xf32, #tpu.memory_space<vmem>>
    %dma_wait3A_846 = tpu.memref_squeeze %dma_wait3A_845 : memref<1x128x64xf32, #tpu.memory_space<vmem>> -> memref<128x64xf32, #tpu.memory_space<vmem>>
    %dma_wait3A_847 = arith.constant 0 : i32
    %dma_wait3A_848 = tpu.memref_slice %arg4[%mul3A_841, %dma_wait3A_847] : memref<819200x64xf32, #tpu.memory_space<hbm>> -> memref<128x64xf32, #tpu.memory_space<hbm>>
    %dma_wait3A_849 = arith.constant 0 : i32
    %dma_wait3A_850 = tpu.memref_slice %arg4[%mul3A_841, %dma_wait3A_849] : memref<819200x64xf32, #tpu.memory_space<hbm>> -> memref<128x64xf32, #tpu.memory_space<hbm>>
    %dma_wait3A_851 = arith.constant 0 : i32
    %dma_wait3A_852 = arith.constant 0 : i32
    %dma_wait3A_853 = tpu.memref_slice %arg6[%dma_wait3A_842, %dma_wait3A_851, %dma_wait3A_852] : memref<8x128x64xf32, #tpu.memory_space<vmem>> -> memref<1x128x64xf32, #tpu.memory_space<vmem>>
    %dma_wait3A_854 = tpu.memref_squeeze %dma_wait3A_853 : memref<1x128x64xf32, #tpu.memory_space<vmem>> -> memref<128x64xf32, #tpu.memory_space<vmem>>
    tpu.wait_dma2 semaphore(%arg17 : memref<!tpu.dma_semaphore, #tpu.memory_space<semaphore_mem>>) src(%dma_wait3A_854 : memref<128x64xf32, #tpu.memory_space<vmem>>) dst(%dma_wait3A_850 : memref<128x64xf32, #tpu.memory_space<hbm>>)
    %add3A_855 = arith.constant 195 : i32
    %add3A_856 = arith.addi %mul3A_2, %add3A_855 : i32
    %mul3A_857 = arith.constant 128 : i32
    %mul3A_858 = arith.muli %add3A_856, %mul3A_857 : i32
    %dma_wait3A_859 = arith.constant 3 : i32
    %dma_wait3A_860 = arith.constant 0 : i32
    %dma_wait3A_861 = arith.constant 0 : i32
    %dma_wait3A_862 = tpu.memref_slice %arg6[%dma_wait3A_859, %dma_wait3A_860, %dma_wait3A_861] : memref<8x128x64xf32, #tpu.memory_space<vmem>> -> memref<1x128x64xf32, #tpu.memory_space<vmem>>
    %dma_wait3A_863 = tpu.memref_squeeze %dma_wait3A_862 : memref<1x128x64xf32, #tpu.memory_space<vmem>> -> memref<128x64xf32, #tpu.memory_space<vmem>>
    %dma_wait3A_864 = arith.constant 0 : i32
    %dma_wait3A_865 = tpu.memref_slice %arg4[%mul3A_858, %dma_wait3A_864] : memref<819200x64xf32, #tpu.memory_space<hbm>> -> memref<128x64xf32, #tpu.memory_space<hbm>>
    %dma_wait3A_866 = arith.constant 0 : i32
    %dma_wait3A_867 = tpu.memref_slice %arg4[%mul3A_858, %dma_wait3A_866] : memref<819200x64xf32, #tpu.memory_space<hbm>> -> memref<128x64xf32, #tpu.memory_space<hbm>>
    %dma_wait3A_868 = arith.constant 0 : i32
    %dma_wait3A_869 = arith.constant 0 : i32
    %dma_wait3A_870 = tpu.memref_slice %arg6[%dma_wait3A_859, %dma_wait3A_868, %dma_wait3A_869] : memref<8x128x64xf32, #tpu.memory_space<vmem>> -> memref<1x128x64xf32, #tpu.memory_space<vmem>>
    %dma_wait3A_871 = tpu.memref_squeeze %dma_wait3A_870 : memref<1x128x64xf32, #tpu.memory_space<vmem>> -> memref<128x64xf32, #tpu.memory_space<vmem>>
    tpu.wait_dma2 semaphore(%arg18 : memref<!tpu.dma_semaphore, #tpu.memory_space<semaphore_mem>>) src(%dma_wait3A_871 : memref<128x64xf32, #tpu.memory_space<vmem>>) dst(%dma_wait3A_867 : memref<128x64xf32, #tpu.memory_space<hbm>>)
    %add3A_872 = arith.constant 196 : i32
    %add3A_873 = arith.addi %mul3A_2, %add3A_872 : i32
    %mul3A_874 = arith.constant 128 : i32
    %mul3A_875 = arith.muli %add3A_873, %mul3A_874 : i32
    %dma_wait3A_876 = arith.constant 4 : i32
    %dma_wait3A_877 = arith.constant 0 : i32
    %dma_wait3A_878 = arith.constant 0 : i32
    %dma_wait3A_879 = tpu.memref_slice %arg6[%dma_wait3A_876, %dma_wait3A_877, %dma_wait3A_878] : memref<8x128x64xf32, #tpu.memory_space<vmem>> -> memref<1x128x64xf32, #tpu.memory_space<vmem>>
    %dma_wait3A_880 = tpu.memref_squeeze %dma_wait3A_879 : memref<1x128x64xf32, #tpu.memory_space<vmem>> -> memref<128x64xf32, #tpu.memory_space<vmem>>
    %dma_wait3A_881 = arith.constant 0 : i32
    %dma_wait3A_882 = tpu.memref_slice %arg4[%mul3A_875, %dma_wait3A_881] : memref<819200x64xf32, #tpu.memory_space<hbm>> -> memref<128x64xf32, #tpu.memory_space<hbm>>
    %dma_wait3A_883 = arith.constant 0 : i32
    %dma_wait3A_884 = tpu.memref_slice %arg4[%mul3A_875, %dma_wait3A_883] : memref<819200x64xf32, #tpu.memory_space<hbm>> -> memref<128x64xf32, #tpu.memory_space<hbm>>
    %dma_wait3A_885 = arith.constant 0 : i32
    %dma_wait3A_886 = arith.constant 0 : i32
    %dma_wait3A_887 = tpu.memref_slice %arg6[%dma_wait3A_876, %dma_wait3A_885, %dma_wait3A_886] : memref<8x128x64xf32, #tpu.memory_space<vmem>> -> memref<1x128x64xf32, #tpu.memory_space<vmem>>
    %dma_wait3A_888 = tpu.memref_squeeze %dma_wait3A_887 : memref<1x128x64xf32, #tpu.memory_space<vmem>> -> memref<128x64xf32, #tpu.memory_space<vmem>>
    tpu.wait_dma2 semaphore(%arg19 : memref<!tpu.dma_semaphore, #tpu.memory_space<semaphore_mem>>) src(%dma_wait3A_888 : memref<128x64xf32, #tpu.memory_space<vmem>>) dst(%dma_wait3A_884 : memref<128x64xf32, #tpu.memory_space<hbm>>)
    %add3A_889 = arith.constant 197 : i32
    %add3A_890 = arith.addi %mul3A_2, %add3A_889 : i32
    %mul3A_891 = arith.constant 128 : i32
    %mul3A_892 = arith.muli %add3A_890, %mul3A_891 : i32
    %dma_wait3A_893 = arith.constant 5 : i32
    %dma_wait3A_894 = arith.constant 0 : i32
    %dma_wait3A_895 = arith.constant 0 : i32
    %dma_wait3A_896 = tpu.memref_slice %arg6[%dma_wait3A_893, %dma_wait3A_894, %dma_wait3A_895] : memref<8x128x64xf32, #tpu.memory_space<vmem>> -> memref<1x128x64xf32, #tpu.memory_space<vmem>>
    %dma_wait3A_897 = tpu.memref_squeeze %dma_wait3A_896 : memref<1x128x64xf32, #tpu.memory_space<vmem>> -> memref<128x64xf32, #tpu.memory_space<vmem>>
    %dma_wait3A_898 = arith.constant 0 : i32
    %dma_wait3A_899 = tpu.memref_slice %arg4[%mul3A_892, %dma_wait3A_898] : memref<819200x64xf32, #tpu.memory_space<hbm>> -> memref<128x64xf32, #tpu.memory_space<hbm>>
    %dma_wait3A_900 = arith.constant 0 : i32
    %dma_wait3A_901 = tpu.memref_slice %arg4[%mul3A_892, %dma_wait3A_900] : memref<819200x64xf32, #tpu.memory_space<hbm>> -> memref<128x64xf32, #tpu.memory_space<hbm>>
    %dma_wait3A_902 = arith.constant 0 : i32
    %dma_wait3A_903 = arith.constant 0 : i32
    %dma_wait3A_904 = tpu.memref_slice %arg6[%dma_wait3A_893, %dma_wait3A_902, %dma_wait3A_903] : memref<8x128x64xf32, #tpu.memory_space<vmem>> -> memref<1x128x64xf32, #tpu.memory_space<vmem>>
    %dma_wait3A_905 = tpu.memref_squeeze %dma_wait3A_904 : memref<1x128x64xf32, #tpu.memory_space<vmem>> -> memref<128x64xf32, #tpu.memory_space<vmem>>
    tpu.wait_dma2 semaphore(%arg20 : memref<!tpu.dma_semaphore, #tpu.memory_space<semaphore_mem>>) src(%dma_wait3A_905 : memref<128x64xf32, #tpu.memory_space<vmem>>) dst(%dma_wait3A_901 : memref<128x64xf32, #tpu.memory_space<hbm>>)
    %add3A_906 = arith.constant 198 : i32
    %add3A_907 = arith.addi %mul3A_2, %add3A_906 : i32
    %mul3A_908 = arith.constant 128 : i32
    %mul3A_909 = arith.muli %add3A_907, %mul3A_908 : i32
    %dma_wait3A_910 = arith.constant 6 : i32
    %dma_wait3A_911 = arith.constant 0 : i32
    %dma_wait3A_912 = arith.constant 0 : i32
    %dma_wait3A_913 = tpu.memref_slice %arg6[%dma_wait3A_910, %dma_wait3A_911, %dma_wait3A_912] : memref<8x128x64xf32, #tpu.memory_space<vmem>> -> memref<1x128x64xf32, #tpu.memory_space<vmem>>
    %dma_wait3A_914 = tpu.memref_squeeze %dma_wait3A_913 : memref<1x128x64xf32, #tpu.memory_space<vmem>> -> memref<128x64xf32, #tpu.memory_space<vmem>>
    %dma_wait3A_915 = arith.constant 0 : i32
    %dma_wait3A_916 = tpu.memref_slice %arg4[%mul3A_909, %dma_wait3A_915] : memref<819200x64xf32, #tpu.memory_space<hbm>> -> memref<128x64xf32, #tpu.memory_space<hbm>>
    %dma_wait3A_917 = arith.constant 0 : i32
    %dma_wait3A_918 = tpu.memref_slice %arg4[%mul3A_909, %dma_wait3A_917] : memref<819200x64xf32, #tpu.memory_space<hbm>> -> memref<128x64xf32, #tpu.memory_space<hbm>>
    %dma_wait3A_919 = arith.constant 0 : i32
    %dma_wait3A_920 = arith.constant 0 : i32
    %dma_wait3A_921 = tpu.memref_slice %arg6[%dma_wait3A_910, %dma_wait3A_919, %dma_wait3A_920] : memref<8x128x64xf32, #tpu.memory_space<vmem>> -> memref<1x128x64xf32, #tpu.memory_space<vmem>>
    %dma_wait3A_922 = tpu.memref_squeeze %dma_wait3A_921 : memref<1x128x64xf32, #tpu.memory_space<vmem>> -> memref<128x64xf32, #tpu.memory_space<vmem>>
    tpu.wait_dma2 semaphore(%arg21 : memref<!tpu.dma_semaphore, #tpu.memory_space<semaphore_mem>>) src(%dma_wait3A_922 : memref<128x64xf32, #tpu.memory_space<vmem>>) dst(%dma_wait3A_918 : memref<128x64xf32, #tpu.memory_space<hbm>>)
    %add3A_923 = arith.constant 199 : i32
    %add3A_924 = arith.addi %mul3A_2, %add3A_923 : i32
    %mul3A_925 = arith.constant 128 : i32
    %mul3A_926 = arith.muli %add3A_924, %mul3A_925 : i32
    %dma_wait3A_927 = arith.constant 7 : i32
    %dma_wait3A_928 = arith.constant 0 : i32
    %dma_wait3A_929 = arith.constant 0 : i32
    %dma_wait3A_930 = tpu.memref_slice %arg6[%dma_wait3A_927, %dma_wait3A_928, %dma_wait3A_929] : memref<8x128x64xf32, #tpu.memory_space<vmem>> -> memref<1x128x64xf32, #tpu.memory_space<vmem>>
    %dma_wait3A_931 = tpu.memref_squeeze %dma_wait3A_930 : memref<1x128x64xf32, #tpu.memory_space<vmem>> -> memref<128x64xf32, #tpu.memory_space<vmem>>
    %dma_wait3A_932 = arith.constant 0 : i32
    %dma_wait3A_933 = tpu.memref_slice %arg4[%mul3A_926, %dma_wait3A_932] : memref<819200x64xf32, #tpu.memory_space<hbm>> -> memref<128x64xf32, #tpu.memory_space<hbm>>
    %dma_wait3A_934 = arith.constant 0 : i32
    %dma_wait3A_935 = tpu.memref_slice %arg4[%mul3A_926, %dma_wait3A_934] : memref<819200x64xf32, #tpu.memory_space<hbm>> -> memref<128x64xf32, #tpu.memory_space<hbm>>
    %dma_wait3A_936 = arith.constant 0 : i32
    %dma_wait3A_937 = arith.constant 0 : i32
    %dma_wait3A_938 = tpu.memref_slice %arg6[%dma_wait3A_927, %dma_wait3A_936, %dma_wait3A_937] : memref<8x128x64xf32, #tpu.memory_space<vmem>> -> memref<1x128x64xf32, #tpu.memory_space<vmem>>
    %dma_wait3A_939 = tpu.memref_squeeze %dma_wait3A_938 : memref<1x128x64xf32, #tpu.memory_space<vmem>> -> memref<128x64xf32, #tpu.memory_space<vmem>>
    tpu.wait_dma2 semaphore(%arg22 : memref<!tpu.dma_semaphore, #tpu.memory_space<semaphore_mem>>) src(%dma_wait3A_939 : memref<128x64xf32, #tpu.memory_space<vmem>>) dst(%dma_wait3A_935 : memref<128x64xf32, #tpu.memory_space<hbm>>)
    return
  }
}

#map = affine_map<(d0, d1) -> (0, 0)>
module attributes {stable_mosaic.version = 14 : i64} {
  func.func @emb(%arg0: i32, %arg1: i32, %arg2: memref<6400x128xi32, #tpu.memory_space<hbm>>, %arg3: memref<2000000x64xf32, #tpu.memory_space<hbm>>, %arg4: memref<819200x64xf32, #tpu.memory_space<hbm>>, %arg5: memref<200x128xi32, #tpu.memory_space<vmem>>, %arg6: memref<8x128x64xf32, #tpu.memory_space<vmem>>, %arg7: memref<!tpu.dma_semaphore, #tpu.memory_space<semaphore_mem>>, %arg8: memref<!tpu.dma_semaphore, #tpu.memory_space<semaphore_mem>>, %arg9: memref<!tpu.dma_semaphore, #tpu.memory_space<semaphore_mem>>, %arg10: memref<!tpu.dma_semaphore, #tpu.memory_space<semaphore_mem>>, %arg11: memref<!tpu.dma_semaphore, #tpu.memory_space<semaphore_mem>>, %arg12: memref<!tpu.dma_semaphore, #tpu.memory_space<semaphore_mem>>, %arg13: memref<!tpu.dma_semaphore, #tpu.memory_space<semaphore_mem>>, %arg14: memref<!tpu.dma_semaphore, #tpu.memory_space<semaphore_mem>>, %arg15: memref<!tpu.dma_semaphore, #tpu.memory_space<semaphore_mem>>, %arg16: memref<!tpu.dma_semaphore, #tpu.memory_space<semaphore_mem>>, %arg17: memref<!tpu.dma_semaphore, #tpu.memory_space<semaphore_mem>>, %arg18: memref<!tpu.dma_semaphore, #tpu.memory_space<semaphore_mem>>, %arg19: memref<!tpu.dma_semaphore, #tpu.memory_space<semaphore_mem>>, %arg20: memref<!tpu.dma_semaphore, #tpu.memory_space<semaphore_mem>>, %arg21: memref<!tpu.dma_semaphore, #tpu.memory_space<semaphore_mem>>, %arg22: memref<!tpu.dma_semaphore, #tpu.memory_space<semaphore_mem>>) attributes {dimension_semantics = [#tpu.dimension_semantics<core_parallel>, #tpu.dimension_semantics<subcore_parallel>], iteration_bounds = array<i64: 2, 16>, scalar_prefetch = 0 : i64, scratch_operands = 18 : i64, tpu.core_type = #tpu.core_type<sc_vector_subcore>, window_params = [{transform_indices = #map}, {transform_indices = #map}, {transform_indices = #map}]} {
    %mul3A = arith.constant 2 : i32
    %mul3A_0 = arith.muli %arg1, %mul3A : i32
    %add3A = arith.addi %mul3A_0, %arg0 : i32
    %mul3A_1 = arith.constant 200 : i32
    %mul3A_2 = arith.muli %add3A, %mul3A_1 : i32
    "tpu.region"() ({
      %run_scoped3A = tpu.sem_alloc : memref<!tpu.dma_semaphore, #tpu.memory_space<semaphore_mem>>
      %dma_start3A_940 = arith.constant 0 : i32
      %dma_start3A_941 = tpu.memref_slice %arg2[%mul3A_2, %dma_start3A_940] : memref<6400x128xi32, #tpu.memory_space<hbm>> -> memref<200x128xi32, #tpu.memory_space<hbm>>
      %dma_start3A_942 = arith.constant 0 : i32
      %dma_start3A_943 = tpu.memref_slice %arg2[%mul3A_2, %dma_start3A_942] : memref<6400x128xi32, #tpu.memory_space<hbm>> -> memref<200x128xi32, #tpu.memory_space<hbm>>
      tpu.enqueue_dma source(%dma_start3A_943 : memref<200x128xi32, #tpu.memory_space<hbm>>) target(%arg5 : memref<200x128xi32, #tpu.memory_space<vmem>>) target_semaphore(%run_scoped3A : memref<!tpu.dma_semaphore, #tpu.memory_space<semaphore_mem>>)
      %dma_wait3A_944 = arith.constant 0 : i32
      %dma_wait3A_945 = tpu.memref_slice %arg2[%mul3A_2, %dma_wait3A_944] : memref<6400x128xi32, #tpu.memory_space<hbm>> -> memref<200x128xi32, #tpu.memory_space<hbm>>
      %dma_wait3A_946 = arith.constant 0 : i32
      %dma_wait3A_947 = tpu.memref_slice %arg2[%mul3A_2, %dma_wait3A_946] : memref<6400x128xi32, #tpu.memory_space<hbm>> -> memref<200x128xi32, #tpu.memory_space<hbm>>
      tpu.wait_dma2 semaphore(%run_scoped3A : memref<!tpu.dma_semaphore, #tpu.memory_space<semaphore_mem>>) src(%dma_wait3A_947 : memref<200x128xi32, #tpu.memory_space<hbm>>) dst(%arg5 : memref<200x128xi32, #tpu.memory_space<vmem>>)
      tpu.yield
    }) : () -> ()
    %scan3A = arith.constant 0 : i32
    %scan3A_3 = arith.constant 0 : i32
    %scan3A_4 = arith.constant 200 : i32
    %scan3A_5 = arith.addi %scan3A_3, %scan3A_4 : i32
    %scan3A_6 = arith.constant 1 : i32
    scf.for %scan3A_940 = %scan3A_3 to %scan3A_5 step %scan3A_6  : i32 {
      %get3A = arith.index_cast %scan3A_940 : i32 to index
      %get3A_941 = arith.constant 0 : index
      %get3A_942 = tpu.vector_load %arg5[%get3A, %get3A_941] {strides = array<i32>} : memref<200x128xi32, #tpu.memory_space<vmem>>, vector<1x16xi32>,
      %get3A_943 = vector.shape_cast %get3A_942 : vector<1x16xi32> to vector<16xi32>
      %add3A_944 = arith.addi %get3A_943, %get3A_943 : vector<16xi32>
      %swap3A = arith.index_cast %scan3A_940 : i32 to index
      %swap3A_945 = arith.constant 0 : index
      %swap3A_946 = tpu.vector_load %arg5[%swap3A, %swap3A_945] {strides = array<i32>} : memref<200x128xi32, #tpu.memory_space<vmem>>, vector<1x16xi32>,
      %swap3A_947 = vector.shape_cast %swap3A_946 : vector<1x16xi32> to vector<16xi32>
      %swap3A_948 = vector.shape_cast %add3A_944 : vector<16xi32> to vector<1x16xi32>
      tpu.vector_store %arg5[%swap3A, %swap3A_945], %swap3A_948 {strides = array<i32>} : memref<200x128xi32, #tpu.memory_space<vmem>>, vector<1x16xi32>,
      %get3A_949 = arith.index_cast %scan3A_940 : i32 to index
      %get3A_950 = arith.constant 16 : index
      %get3A_951 = tpu.vector_load %arg5[%get3A_949, %get3A_950] {strides = array<i32>} : memref<200x128xi32, #tpu.memory_space<vmem>>, vector<1x16xi32>,
      %get3A_952 = vector.shape_cast %get3A_951 : vector<1x16xi32> to vector<16xi32>
      %add3A_953 = arith.addi %get3A_952, %get3A_952 : vector<16xi32>
      %swap3A_954 = arith.index_cast %scan3A_940 : i32 to index
      %swap3A_955 = arith.constant 16 : index
      %swap3A_956 = tpu.vector_load %arg5[%swap3A_954, %swap3A_955] {strides = array<i32>} : memref<200x128xi32, #tpu.memory_space<vmem>>, vector<1x16xi32>,
      %swap3A_957 = vector.shape_cast %swap3A_956 : vector<1x16xi32> to vector<16xi32>
      %swap3A_958 = vector.shape_cast %add3A_953 : vector<16xi32> to vector<1x16xi32>
      tpu.vector_store %arg5[%swap3A_954, %swap3A_955], %swap3A_958 {strides = array<i32>} : memref<200x128xi32, #tpu.memory_space<vmem>>, vector<1x16xi32>,
      %get3A_959 = arith.index_cast %scan3A_940 : i32 to index
      %get3A_960 = arith.constant 32 : index
      %get3A_961 = tpu.vector_load %arg5[%get3A_959, %get3A_960] {strides = array<i32>} : memref<200x128xi32, #tpu.memory_space<vmem>>, vector<1x16xi32>,
      %get3A_962 = vector.shape_cast %get3A_961 : vector<1x16xi32> to vector<16xi32>
      %add3A_963 = arith.addi %get3A_962, %get3A_962 : vector<16xi32>
      %swap3A_964 = arith.index_cast %scan3A_940 : i32 to index
      %swap3A_965 = arith.constant 32 : index
      %swap3A_966 = tpu.vector_load %arg5[%swap3A_964, %swap3A_965] {strides = array<i32>} : memref<200x128xi32, #tpu.memory_space<vmem>>, vector<1x16xi32>,
      %swap3A_967 = vector.shape_cast %swap3A_966 : vector<1x16xi32> to vector<16xi32>
      %swap3A_968 = vector.shape_cast %add3A_963 : vector<16xi32> to vector<1x16xi32>
      tpu.vector_store %arg5[%swap3A_964, %swap3A_965], %swap3A_968 {strides = array<i32>} : memref<200x128xi32, #tpu.memory_space<vmem>>, vector<1x16xi32>,
      %get3A_969 = arith.index_cast %scan3A_940 : i32 to index
      %get3A_970 = arith.constant 48 : index
      %get3A_971 = tpu.vector_load %arg5[%get3A_969, %get3A_970] {strides = array<i32>} : memref<200x128xi32, #tpu.memory_space<vmem>>, vector<1x16xi32>,
      %get3A_972 = vector.shape_cast %get3A_971 : vector<1x16xi32> to vector<16xi32>
      %add3A_973 = arith.addi %get3A_972, %get3A_972 : vector<16xi32>
      %swap3A_974 = arith.index_cast %scan3A_940 : i32 to index
      %swap3A_975 = arith.constant 48 : index
      %swap3A_976 = tpu.vector_load %arg5[%swap3A_974, %swap3A_975] {strides = array<i32>} : memref<200x128xi32, #tpu.memory_space<vmem>>, vector<1x16xi32>,
      %swap3A_977 = vector.shape_cast %swap3A_976 : vector<1x16xi32> to vector<16xi32>
      %swap3A_978 = vector.shape_cast %add3A_973 : vector<16xi32> to vector<1x16xi32>
      tpu.vector_store %arg5[%swap3A_974, %swap3A_975], %swap3A_978 {strides = array<i32>} : memref<200x128xi32, #tpu.memory_space<vmem>>, vector<1x16xi32>,
      %get3A_979 = arith.index_cast %scan3A_940 : i32 to index
      %get3A_980 = arith.constant 64 : index
      %get3A_981 = tpu.vector_load %arg5[%get3A_979, %get3A_980] {strides = array<i32>} : memref<200x128xi32, #tpu.memory_space<vmem>>, vector<1x16xi32>,
      %get3A_982 = vector.shape_cast %get3A_981 : vector<1x16xi32> to vector<16xi32>
      %add3A_983 = arith.addi %get3A_982, %get3A_982 : vector<16xi32>
      %swap3A_984 = arith.index_cast %scan3A_940 : i32 to index
      %swap3A_985 = arith.constant 64 : index
      %swap3A_986 = tpu.vector_load %arg5[%swap3A_984, %swap3A_985] {strides = array<i32>} : memref<200x128xi32, #tpu.memory_space<vmem>>, vector<1x16xi32>,
      %swap3A_987 = vector.shape_cast %swap3A_986 : vector<1x16xi32> to vector<16xi32>
      %swap3A_988 = vector.shape_cast %add3A_983 : vector<16xi32> to vector<1x16xi32>
      tpu.vector_store %arg5[%swap3A_984, %swap3A_985], %swap3A_988 {strides = array<i32>} : memref<200x128xi32, #tpu.memory_space<vmem>>, vector<1x16xi32>,
      %get3A_989 = arith.index_cast %scan3A_940 : i32 to index
      %get3A_990 = arith.constant 80 : index
      %get3A_991 = tpu.vector_load %arg5[%get3A_989, %get3A_990] {strides = array<i32>} : memref<200x128xi32, #tpu.memory_space<vmem>>, vector<1x16xi32>,
      %get3A_992 = vector.shape_cast %get3A_991 : vector<1x16xi32> to vector<16xi32>
      %add3A_993 = arith.addi %get3A_992, %get3A_992 : vector<16xi32>
      %swap3A_994 = arith.index_cast %scan3A_940 : i32 to index
      %swap3A_995 = arith.constant 80 : index
      %swap3A_996 = tpu.vector_load %arg5[%swap3A_994, %swap3A_995] {strides = array<i32>} : memref<200x128xi32, #tpu.memory_space<vmem>>, vector<1x16xi32>,
      %swap3A_997 = vector.shape_cast %swap3A_996 : vector<1x16xi32> to vector<16xi32>
      %swap3A_998 = vector.shape_cast %add3A_993 : vector<16xi32> to vector<1x16xi32>
      tpu.vector_store %arg5[%swap3A_994, %swap3A_995], %swap3A_998 {strides = array<i32>} : memref<200x128xi32, #tpu.memory_space<vmem>>, vector<1x16xi32>,
      %get3A_999 = arith.index_cast %scan3A_940 : i32 to index
      %get3A_1000 = arith.constant 96 : index
      %get3A_1001 = tpu.vector_load %arg5[%get3A_999, %get3A_1000] {strides = array<i32>} : memref<200x128xi32, #tpu.memory_space<vmem>>, vector<1x16xi32>,
      %get3A_1002 = vector.shape_cast %get3A_1001 : vector<1x16xi32> to vector<16xi32>
      %add3A_1003 = arith.addi %get3A_1002, %get3A_1002 : vector<16xi32>
      %swap3A_1004 = arith.index_cast %scan3A_940 : i32 to index
      %swap3A_1005 = arith.constant 96 : index
      %swap3A_1006 = tpu.vector_load %arg5[%swap3A_1004, %swap3A_1005] {strides = array<i32>} : memref<200x128xi32, #tpu.memory_space<vmem>>, vector<1x16xi32>,
      %swap3A_1007 = vector.shape_cast %swap3A_1006 : vector<1x16xi32> to vector<16xi32>
      %swap3A_1008 = vector.shape_cast %add3A_1003 : vector<16xi32> to vector<1x16xi32>
      tpu.vector_store %arg5[%swap3A_1004, %swap3A_1005], %swap3A_1008 {strides = array<i32>} : memref<200x128xi32, #tpu.memory_space<vmem>>, vector<1x16xi32>,
      %get3A_1009 = arith.index_cast %scan3A_940 : i32 to index
      %get3A_1010 = arith.constant 112 : index
      %get3A_1011 = tpu.vector_load %arg5[%get3A_1009, %get3A_1010] {strides = array<i32>} : memref<200x128xi32, #tpu.memory_space<vmem>>, vector<1x16xi32>,
      %get3A_1012 = vector.shape_cast %get3A_1011 : vector<1x16xi32> to vector<16xi32>
      %add3A_1013 = arith.addi %get3A_1012, %get3A_1012 : vector<16xi32>
      %swap3A_1014 = arith.index_cast %scan3A_940 : i32 to index
      %swap3A_1015 = arith.constant 112 : index
      %swap3A_1016 = tpu.vector_load %arg5[%swap3A_1014, %swap3A_1015] {strides = array<i32>} : memref<200x128xi32, #tpu.memory_space<vmem>>, vector<1x16xi32>,
      %swap3A_1017 = vector.shape_cast %swap3A_1016 : vector<1x16xi32> to vector<16xi32>
      %swap3A_1018 = vector.shape_cast %add3A_1013 : vector<16xi32> to vector<1x16xi32>
      tpu.vector_store %arg5[%swap3A_1014, %swap3A_1015], %swap3A_1018 {strides = array<i32>} : memref<200x128xi32, #tpu.memory_space<vmem>>, vector<1x16xi32>,
    }
    %scan3A_7 = arith.constant 200 : i32
    %dma_start3A = arith.constant 0 : i32
    %dma_start3A_8 = arith.constant 0 : i32
    %dma_start3A_9 = arith.constant 0 : i32
    %dma_start3A_10 = arith.constant 0 : i32
    %dma_start3A_11 = tpu.memref_slice %arg6[%dma_start3A_8, %dma_start3A_9, %dma_start3A_10] : memref<8x128x64xf32, #tpu.memory_space<vmem>> -> memref<1x128x64xf32, #tpu.memory_space<vmem>>
    %dma_start3A_12 = tpu.memref_squeeze %dma_start3A_11 : memref<1x128x64xf32, #tpu.memory_space<vmem>> -> memref<128x64xf32, #tpu.memory_space<vmem>>
    %dma_start3A_13 = arith.constant 0 : i32
    %dma_start3A_14 = tpu.memref_slice %arg5[%dma_start3A, %dma_start3A_13] : memref<200x128xi32, #tpu.memory_space<vmem>> -> memref<1x128xi32, #tpu.memory_space<vmem>>
    %dma_start3A_15 = tpu.memref_squeeze %dma_start3A_14 : memref<1x128xi32, #tpu.memory_space<vmem>> -> memref<128xi32, #tpu.memory_space<vmem>>
    %dma_start3A_16 = arith.constant 0 : i32
    %dma_start3A_17 = arith.constant 0 : i32
    %dma_start3A_18 = tpu.memref_slice %arg3[%dma_start3A_16, %dma_start3A_17] : memref<2000000x64xf32, #tpu.memory_space<hbm>> -> memref<2000000x64xf32, #tpu.memory_space<hbm>>
    tpu.enqueue_indirect_dma source(%dma_start3A_18 : memref<2000000x64xf32, #tpu.memory_space<hbm>>) target(%dma_start3A_12 : memref<128x64xf32, #tpu.memory_space<vmem>>) offsets(%dma_start3A_15 : memref<128xi32, #tpu.memory_space<vmem>>) semaphore(%arg7 : memref<!tpu.dma_semaphore, #tpu.memory_space<semaphore_mem>>)
    %dma_start3A_19 = arith.constant 1 : i32
    %dma_start3A_20 = arith.constant 1 : i32
    %dma_start3A_21 = arith.constant 0 : i32
    %dma_start3A_22 = arith.constant 0 : i32
    %dma_start3A_23 = tpu.memref_slice %arg6[%dma_start3A_20, %dma_start3A_21, %dma_start3A_22] : memref<8x128x64xf32, #tpu.memory_space<vmem>> -> memref<1x128x64xf32, #tpu.memory_space<vmem>>
    %dma_start3A_24 = tpu.memref_squeeze %dma_start3A_23 : memref<1x128x64xf32, #tpu.memory_space<vmem>> -> memref<128x64xf32, #tpu.memory_space<vmem>>
    %dma_start3A_25 = arith.constant 0 : i32
    %dma_start3A_26 = tpu.memref_slice %arg5[%dma_start3A_19, %dma_start3A_25] : memref<200x128xi32, #tpu.memory_space<vmem>> -> memref<1x128xi32, #tpu.memory_space<vmem>>
    %dma_start3A_27 = tpu.memref_squeeze %dma_start3A_26 : memref<1x128xi32, #tpu.memory_space<vmem>> -> memref<128xi32, #tpu.memory_space<vmem>>
    %dma_start3A_28 = arith.constant 0 : i32
    %dma_start3A_29 = arith.constant 0 : i32
    %dma_start3A_30 = tpu.memref_slice %arg3[%dma_start3A_28, %dma_start3A_29] : memref<2000000x64xf32, #tpu.memory_space<hbm>> -> memref<2000000x64xf32, #tpu.memory_space<hbm>>
    tpu.enqueue_indirect_dma source(%dma_start3A_30 : memref<2000000x64xf32, #tpu.memory_space<hbm>>) target(%dma_start3A_24 : memref<128x64xf32, #tpu.memory_space<vmem>>) offsets(%dma_start3A_27 : memref<128xi32, #tpu.memory_space<vmem>>) semaphore(%arg8 : memref<!tpu.dma_semaphore, #tpu.memory_space<semaphore_mem>>)
    %dma_start3A_31 = arith.constant 2 : i32
    %dma_start3A_32 = arith.constant 2 : i32
    %dma_start3A_33 = arith.constant 0 : i32
    %dma_start3A_34 = arith.constant 0 : i32
    %dma_start3A_35 = tpu.memref_slice %arg6[%dma_start3A_32, %dma_start3A_33, %dma_start3A_34] : memref<8x128x64xf32, #tpu.memory_space<vmem>> -> memref<1x128x64xf32, #tpu.memory_space<vmem>>
    %dma_start3A_36 = tpu.memref_squeeze %dma_start3A_35 : memref<1x128x64xf32, #tpu.memory_space<vmem>> -> memref<128x64xf32, #tpu.memory_space<vmem>>
    %dma_start3A_37 = arith.constant 0 : i32
    %dma_start3A_38 = tpu.memref_slice %arg5[%dma_start3A_31, %dma_start3A_37] : memref<200x128xi32, #tpu.memory_space<vmem>> -> memref<1x128xi32, #tpu.memory_space<vmem>>
    %dma_start3A_39 = tpu.memref_squeeze %dma_start3A_38 : memref<1x128xi32, #tpu.memory_space<vmem>> -> memref<128xi32, #tpu.memory_space<vmem>>
    %dma_start3A_40 = arith.constant 0 : i32
    %dma_start3A_41 = arith.constant 0 : i32
    %dma_start3A_42 = tpu.memref_slice %arg3[%dma_start3A_40, %dma_start3A_41] : memref<2000000x64xf32, #tpu.memory_space<hbm>> -> memref<2000000x64xf32, #tpu.memory_space<hbm>>
    tpu.enqueue_indirect_dma source(%dma_start3A_42 : memref<2000000x64xf32, #tpu.memory_space<hbm>>) target(%dma_start3A_36 : memref<128x64xf32, #tpu.memory_space<vmem>>) offsets(%dma_start3A_39 : memref<128xi32, #tpu.memory_space<vmem>>) semaphore(%arg9 : memref<!tpu.dma_semaphore, #tpu.memory_space<semaphore_mem>>)
    %dma_start3A_43 = arith.constant 3 : i32
    %dma_start3A_44 = arith.constant 3 : i32
    %dma_start3A_45 = arith.constant 0 : i32
    %dma_start3A_46 = arith.constant 0 : i32
    %dma_start3A_47 = tpu.memref_slice %arg6[%dma_start3A_44, %dma_start3A_45, %dma_start3A_46] : memref<8x128x64xf32, #tpu.memory_space<vmem>> -> memref<1x128x64xf32, #tpu.memory_space<vmem>>
    %dma_start3A_48 = tpu.memref_squeeze %dma_start3A_47 : memref<1x128x64xf32, #tpu.memory_space<vmem>> -> memref<128x64xf32, #tpu.memory_space<vmem>>
    %dma_start3A_49 = arith.constant 0 : i32
    %dma_start3A_50 = tpu.memref_slice %arg5[%dma_start3A_43, %dma_start3A_49] : memref<200x128xi32, #tpu.memory_space<vmem>> -> memref<1x128xi32, #tpu.memory_space<vmem>>
    %dma_start3A_51 = tpu.memref_squeeze %dma_start3A_50 : memref<1x128xi32, #tpu.memory_space<vmem>> -> memref<128xi32, #tpu.memory_space<vmem>>
    %dma_start3A_52 = arith.constant 0 : i32
    %dma_start3A_53 = arith.constant 0 : i32
    %dma_start3A_54 = tpu.memref_slice %arg3[%dma_start3A_52, %dma_start3A_53] : memref<2000000x64xf32, #tpu.memory_space<hbm>> -> memref<2000000x64xf32, #tpu.memory_space<hbm>>
    tpu.enqueue_indirect_dma source(%dma_start3A_54 : memref<2000000x64xf32, #tpu.memory_space<hbm>>) target(%dma_start3A_48 : memref<128x64xf32, #tpu.memory_space<vmem>>) offsets(%dma_start3A_51 : memref<128xi32, #tpu.memory_space<vmem>>) semaphore(%arg10 : memref<!tpu.dma_semaphore, #tpu.memory_space<semaphore_mem>>)
    %dma_start3A_55 = arith.constant 4 : i32
    %dma_start3A_56 = arith.constant 4 : i32
    %dma_start3A_57 = arith.constant 0 : i32
    %dma_start3A_58 = arith.constant 0 : i32
    %dma_start3A_59 = tpu.memref_slice %arg6[%dma_start3A_56, %dma_start3A_57, %dma_start3A_58] : memref<8x128x64xf32, #tpu.memory_space<vmem>> -> memref<1x128x64xf32, #tpu.memory_space<vmem>>
    %dma_start3A_60 = tpu.memref_squeeze %dma_start3A_59 : memref<1x128x64xf32, #tpu.memory_space<vmem>> -> memref<128x64xf32, #tpu.memory_space<vmem>>
    %dma_start3A_61 = arith.constant 0 : i32
    %dma_start3A_62 = tpu.memref_slice %arg5[%dma_start3A_55, %dma_start3A_61] : memref<200x128xi32, #tpu.memory_space<vmem>> -> memref<1x128xi32, #tpu.memory_space<vmem>>
    %dma_start3A_63 = tpu.memref_squeeze %dma_start3A_62 : memref<1x128xi32, #tpu.memory_space<vmem>> -> memref<128xi32, #tpu.memory_space<vmem>>
    %dma_start3A_64 = arith.constant 0 : i32
    %dma_start3A_65 = arith.constant 0 : i32
    %dma_start3A_66 = tpu.memref_slice %arg3[%dma_start3A_64, %dma_start3A_65] : memref<2000000x64xf32, #tpu.memory_space<hbm>> -> memref<2000000x64xf32, #tpu.memory_space<hbm>>
    tpu.enqueue_indirect_dma source(%dma_start3A_66 : memref<2000000x64xf32, #tpu.memory_space<hbm>>) target(%dma_start3A_60 : memref<128x64xf32, #tpu.memory_space<vmem>>) offsets(%dma_start3A_63 : memref<128xi32, #tpu.memory_space<vmem>>) semaphore(%arg11 : memref<!tpu.dma_semaphore, #tpu.memory_space<semaphore_mem>>)
    %dma_start3A_67 = arith.constant 5 : i32
    %dma_start3A_68 = arith.constant 5 : i32
    %dma_start3A_69 = arith.constant 0 : i32
    %dma_start3A_70 = arith.constant 0 : i32
    %dma_start3A_71 = tpu.memref_slice %arg6[%dma_start3A_68, %dma_start3A_69, %dma_start3A_70] : memref<8x128x64xf32, #tpu.memory_space<vmem>> -> memref<1x128x64xf32, #tpu.memory_space<vmem>>
    %dma_start3A_72 = tpu.memref_squeeze %dma_start3A_71 : memref<1x128x64xf32, #tpu.memory_space<vmem>> -> memref<128x64xf32, #tpu.memory_space<vmem>>
    %dma_start3A_73 = arith.constant 0 : i32
    %dma_start3A_74 = tpu.memref_slice %arg5[%dma_start3A_67, %dma_start3A_73] : memref<200x128xi32, #tpu.memory_space<vmem>> -> memref<1x128xi32, #tpu.memory_space<vmem>>
    %dma_start3A_75 = tpu.memref_squeeze %dma_start3A_74 : memref<1x128xi32, #tpu.memory_space<vmem>> -> memref<128xi32, #tpu.memory_space<vmem>>
    %dma_start3A_76 = arith.constant 0 : i32
    %dma_start3A_77 = arith.constant 0 : i32
    %dma_start3A_78 = tpu.memref_slice %arg3[%dma_start3A_76, %dma_start3A_77] : memref<2000000x64xf32, #tpu.memory_space<hbm>> -> memref<2000000x64xf32, #tpu.memory_space<hbm>>
    tpu.enqueue_indirect_dma source(%dma_start3A_78 : memref<2000000x64xf32, #tpu.memory_space<hbm>>) target(%dma_start3A_72 : memref<128x64xf32, #tpu.memory_space<vmem>>) offsets(%dma_start3A_75 : memref<128xi32, #tpu.memory_space<vmem>>) semaphore(%arg12 : memref<!tpu.dma_semaphore, #tpu.memory_space<semaphore_mem>>)
    %dma_wait3A = arith.constant 0 : i32
    %dma_wait3A_79 = arith.constant 0 : i32
    %dma_wait3A_80 = arith.constant 0 : i32
    %dma_wait3A_81 = arith.constant 0 : i32
    %dma_wait3A_82 = tpu.memref_slice %arg6[%dma_wait3A_79, %dma_wait3A_80, %dma_wait3A_81] : memref<8x128x64xf32, #tpu.memory_space<vmem>> -> memref<1x128x64xf32, #tpu.memory_space<vmem>>
    %dma_wait3A_83 = tpu.memref_squeeze %dma_wait3A_82 : memref<1x128x64xf32, #tpu.memory_space<vmem>> -> memref<128x64xf32, #tpu.memory_space<vmem>>
    %dma_wait3A_84 = arith.constant 0 : i32
    %dma_wait3A_85 = tpu.memref_slice %arg5[%dma_wait3A, %dma_wait3A_84] : memref<200x128xi32, #tpu.memory_space<vmem>> -> memref<1x128xi32, #tpu.memory_space<vmem>>
    %dma_wait3A_86 = tpu.memref_squeeze %dma_wait3A_85 : memref<1x128xi32, #tpu.memory_space<vmem>> -> memref<128xi32, #tpu.memory_space<vmem>>
    %dma_wait3A_87 = arith.constant 0 : i32
    %dma_wait3A_88 = arith.constant 0 : i32
    %dma_wait3A_89 = tpu.memref_slice %arg3[%dma_wait3A_87, %dma_wait3A_88] : memref<2000000x64xf32, #tpu.memory_space<hbm>> -> memref<2000000x64xf32, #tpu.memory_space<hbm>>
    tpu.wait_indirect_dma semaphore(%arg7 : memref<!tpu.dma_semaphore, #tpu.memory_space<semaphore_mem>>) src(%dma_wait3A_89 : memref<2000000x64xf32, #tpu.memory_space<hbm>>) dst(%dma_wait3A_83 : memref<128x64xf32, #tpu.memory_space<vmem>>)
    %add3A_90 = arith.constant 0 : i32
    %add3A_91 = arith.addi %mul3A_2, %add3A_90 : i32
    %mul3A_92 = arith.constant 128 : i32
    %mul3A_93 = arith.muli %add3A_91, %mul3A_92 : i32
    %dma_start3A_94 = arith.constant 0 : i32
    %dma_start3A_95 = arith.constant 0 : i32
    %dma_start3A_96 = arith.constant 0 : i32
    %dma_start3A_97 = tpu.memref_slice %arg6[%dma_start3A_94, %dma_start3A_95, %dma_start3A_96] : memref<8x128x64xf32, #tpu.memory_space<vmem>> -> memref<1x128x64xf32, #tpu.memory_space<vmem>>
    %dma_start3A_98 = tpu.memref_squeeze %dma_start3A_97 : memref<1x128x64xf32, #tpu.memory_space<vmem>> -> memref<128x64xf32, #tpu.memory_space<vmem>>
    %dma_start3A_99 = arith.constant 0 : i32
    %dma_start3A_100 = tpu.memref_slice %arg4[%mul3A_93, %dma_start3A_99] : memref<819200x64xf32, #tpu.memory_space<hbm>> -> memref<128x64xf32, #tpu.memory_space<hbm>>
    %dma_start3A_101 = arith.constant 0 : i32
    %dma_start3A_102 = tpu.memref_slice %arg4[%mul3A_93, %dma_start3A_101] : memref<819200x64xf32, #tpu.memory_space<hbm>> -> memref<128x64xf32, #tpu.memory_space<hbm>>
    %dma_start3A_103 = arith.constant 0 : i32
    %dma_start3A_104 = arith.constant 0 : i32
    %dma_start3A_105 = tpu.memref_slice %arg6[%dma_start3A_94, %dma_start3A_103, %dma_start3A_104] : memref<8x128x64xf32, #tpu.memory_space<vmem>> -> memref<1x128x64xf32, #tpu.memory_space<vmem>>
    %dma_start3A_106 = tpu.memref_squeeze %dma_start3A_105 : memref<1x128x64xf32, #tpu.memory_space<vmem>> -> memref<128x64xf32, #tpu.memory_space<vmem>>
    tpu.enqueue_dma source(%dma_start3A_106 : memref<128x64xf32, #tpu.memory_space<vmem>>) target(%dma_start3A_102 : memref<128x64xf32, #tpu.memory_space<hbm>>) target_semaphore(%arg15 : memref<!tpu.dma_semaphore, #tpu.memory_space<semaphore_mem>>)
    %dma_start3A_107 = arith.constant 6 : i32
    %dma_start3A_108 = arith.constant 6 : i32
    %dma_start3A_109 = arith.constant 0 : i32
    %dma_start3A_110 = arith.constant 0 : i32
    %dma_start3A_111 = tpu.memref_slice %arg6[%dma_start3A_108, %dma_start3A_109, %dma_start3A_110] : memref<8x128x64xf32, #tpu.memory_space<vmem>> -> memref<1x128x64xf32, #tpu.memory_space<vmem>>
    %dma_start3A_112 = tpu.memref_squeeze %dma_start3A_111 : memref<1x128x64xf32, #tpu.memory_space<vmem>> -> memref<128x64xf32, #tpu.memory_space<vmem>>
    %dma_start3A_113 = arith.constant 0 : i32
    %dma_start3A_114 = tpu.memref_slice %arg5[%dma_start3A_107, %dma_start3A_113] : memref<200x128xi32, #tpu.memory_space<vmem>> -> memref<1x128xi32, #tpu.memory_space<vmem>>
    %dma_start3A_115 = tpu.memref_squeeze %dma_start3A_114 : memref<1x128xi32, #tpu.memory_space<vmem>> -> memref<128xi32, #tpu.memory_space<vmem>>
    %dma_start3A_116 = arith.constant 0 : i32
    %dma_start3A_117 = arith.constant 0 : i32
    %dma_start3A_118 = tpu.memref_slice %arg3[%dma_start3A_116, %dma_start3A_117] : memref<2000000x64xf32, #tpu.memory_space<hbm>> -> memref<2000000x64xf32, #tpu.memory_space<hbm>>
    tpu.enqueue_indirect_dma source(%dma_start3A_118 : memref<2000000x64xf32, #tpu.memory_space<hbm>>) target(%dma_start3A_112 : memref<128x64xf32, #tpu.memory_space<vmem>>) offsets(%dma_start3A_115 : memref<128xi32, #tpu.memory_space<vmem>>) semaphore(%arg13 : memref<!tpu.dma_semaphore, #tpu.memory_space<semaphore_mem>>)
    %dma_wait3A_119 = arith.constant 1 : i32
    %dma_wait3A_120 = arith.constant 1 : i32
    %dma_wait3A_121 = arith.constant 0 : i32
    %dma_wait3A_122 = arith.constant 0 : i32
    %dma_wait3A_123 = tpu.memref_slice %arg6[%dma_wait3A_120, %dma_wait3A_121, %dma_wait3A_122] : memref<8x128x64xf32, #tpu.memory_space<vmem>> -> memref<1x128x64xf32, #tpu.memory_space<vmem>>
    %dma_wait3A_124 = tpu.memref_squeeze %dma_wait3A_123 : memref<1x128x64xf32, #tpu.memory_space<vmem>> -> memref<128x64xf32, #tpu.memory_space<vmem>>
    %dma_wait3A_125 = arith.constant 0 : i32
    %dma_wait3A_126 = tpu.memref_slice %arg5[%dma_wait3A_119, %dma_wait3A_125] : memref<200x128xi32, #tpu.memory_space<vmem>> -> memref<1x128xi32, #tpu.memory_space<vmem>>
    %dma_wait3A_127 = tpu.memref_squeeze %dma_wait3A_126 : memref<1x128xi32, #tpu.memory_space<vmem>> -> memref<128xi32, #tpu.memory_space<vmem>>
    %dma_wait3A_128 = arith.constant 0 : i32
    %dma_wait3A_129 = arith.constant 0 : i32
    %dma_wait3A_130 = tpu.memref_slice %arg3[%dma_wait3A_128, %dma_wait3A_129] : memref<2000000x64xf32, #tpu.memory_space<hbm>> -> memref<2000000x64xf32, #tpu.memory_space<hbm>>
    tpu.wait_indirect_dma semaphore(%arg8 : memref<!tpu.dma_semaphore, #tpu.memory_space<semaphore_mem>>) src(%dma_wait3A_130 : memref<2000000x64xf32, #tpu.memory_space<hbm>>) dst(%dma_wait3A_124 : memref<128x64xf32, #tpu.memory_space<vmem>>)
    %add3A_131 = arith.constant 1 : i32
    %add3A_132 = arith.addi %mul3A_2, %add3A_131 : i32
    %mul3A_133 = arith.constant 128 : i32
    %mul3A_134 = arith.muli %add3A_132, %mul3A_133 : i32
    %dma_start3A_135 = arith.constant 1 : i32
    %dma_start3A_136 = arith.constant 0 : i32
    %dma_start3A_137 = arith.constant 0 : i32
    %dma_start3A_138 = tpu.memref_slice %arg6[%dma_start3A_135, %dma_start3A_136, %dma_start3A_137] : memref<8x128x64xf32, #tpu.memory_space<vmem>> -> memref<1x128x64xf32, #tpu.memory_space<vmem>>
    %dma_start3A_139 = tpu.memref_squeeze %dma_start3A_138 : memref<1x128x64xf32, #tpu.memory_space<vmem>> -> memref<128x64xf32, #tpu.memory_space<vmem>>
    %dma_start3A_140 = arith.constant 0 : i32
    %dma_start3A_141 = tpu.memref_slice %arg4[%mul3A_134, %dma_start3A_140] : memref<819200x64xf32, #tpu.memory_space<hbm>> -> memref<128x64xf32, #tpu.memory_space<hbm>>
    %dma_start3A_142 = arith.constant 0 : i32
    %dma_start3A_143 = tpu.memref_slice %arg4[%mul3A_134, %dma_start3A_142] : memref<819200x64xf32, #tpu.memory_space<hbm>> -> memref<128x64xf32, #tpu.memory_space<hbm>>
    %dma_start3A_144 = arith.constant 0 : i32
    %dma_start3A_145 = arith.constant 0 : i32
    %dma_start3A_146 = tpu.memref_slice %arg6[%dma_start3A_135, %dma_start3A_144, %dma_start3A_145] : memref<8x128x64xf32, #tpu.memory_space<vmem>> -> memref<1x128x64xf32, #tpu.memory_space<vmem>>
    %dma_start3A_147 = tpu.memref_squeeze %dma_start3A_146 : memref<1x128x64xf32, #tpu.memory_space<vmem>> -> memref<128x64xf32, #tpu.memory_space<vmem>>
    tpu.enqueue_dma source(%dma_start3A_147 : memref<128x64xf32, #tpu.memory_space<vmem>>) target(%dma_start3A_143 : memref<128x64xf32, #tpu.memory_space<hbm>>) target_semaphore(%arg16 : memref<!tpu.dma_semaphore, #tpu.memory_space<semaphore_mem>>)
    %dma_start3A_148 = arith.constant 7 : i32
    %dma_start3A_149 = arith.constant 7 : i32
    %dma_start3A_150 = arith.constant 0 : i32
    %dma_start3A_151 = arith.constant 0 : i32
    %dma_start3A_152 = tpu.memref_slice %arg6[%dma_start3A_149, %dma_start3A_150, %dma_start3A_151] : memref<8x128x64xf32, #tpu.memory_space<vmem>> -> memref<1x128x64xf32, #tpu.memory_space<vmem>>
    %dma_start3A_153 = tpu.memref_squeeze %dma_start3A_152 : memref<1x128x64xf32, #tpu.memory_space<vmem>> -> memref<128x64xf32, #tpu.memory_space<vmem>>
    %dma_start3A_154 = arith.constant 0 : i32
    %dma_start3A_155 = tpu.memref_slice %arg5[%dma_start3A_148, %dma_start3A_154] : memref<200x128xi32, #tpu.memory_space<vmem>> -> memref<1x128xi32, #tpu.memory_space<vmem>>
    %dma_start3A_156 = tpu.memref_squeeze %dma_start3A_155 : memref<1x128xi32, #tpu.memory_space<vmem>> -> memref<128xi32, #tpu.memory_space<vmem>>
    %dma_start3A_157 = arith.constant 0 : i32
    %dma_start3A_158 = arith.constant 0 : i32
    %dma_start3A_159 = tpu.memref_slice %arg3[%dma_start3A_157, %dma_start3A_158] : memref<2000000x64xf32, #tpu.memory_space<hbm>> -> memref<2000000x64xf32, #tpu.memory_space<hbm>>
    tpu.enqueue_indirect_dma source(%dma_start3A_159 : memref<2000000x64xf32, #tpu.memory_space<hbm>>) target(%dma_start3A_153 : memref<128x64xf32, #tpu.memory_space<vmem>>) offsets(%dma_start3A_156 : memref<128xi32, #tpu.memory_space<vmem>>) semaphore(%arg14 : memref<!tpu.dma_semaphore, #tpu.memory_space<semaphore_mem>>)
    %dma_wait3A_160 = arith.constant 2 : i32
    %dma_wait3A_161 = arith.constant 2 : i32
    %dma_wait3A_162 = arith.constant 0 : i32
    %dma_wait3A_163 = arith.constant 0 : i32
    %dma_wait3A_164 = tpu.memref_slice %arg6[%dma_wait3A_161, %dma_wait3A_162, %dma_wait3A_163] : memref<8x128x64xf32, #tpu.memory_space<vmem>> -> memref<1x128x64xf32, #tpu.memory_space<vmem>>
    %dma_wait3A_165 = tpu.memref_squeeze %dma_wait3A_164 : memref<1x128x64xf32, #tpu.memory_space<vmem>> -> memref<128x64xf32, #tpu.memory_space<vmem>>
    %dma_wait3A_166 = arith.constant 0 : i32
    %dma_wait3A_167 = tpu.memref_slice %arg5[%dma_wait3A_160, %dma_wait3A_166] : memref<200x128xi32, #tpu.memory_space<vmem>> -> memref<1x128xi32, #tpu.memory_space<vmem>>
    %dma_wait3A_168 = tpu.memref_squeeze %dma_wait3A_167 : memref<1x128xi32, #tpu.memory_space<vmem>> -> memref<128xi32, #tpu.memory_space<vmem>>
    %dma_wait3A_169 = arith.constant 0 : i32
    %dma_wait3A_170 = arith.constant 0 : i32
    %dma_wait3A_171 = tpu.memref_slice %arg3[%dma_wait3A_169, %dma_wait3A_170] : memref<2000000x64xf32, #tpu.memory_space<hbm>> -> memref<2000000x64xf32, #tpu.memory_space<hbm>>
    tpu.wait_indirect_dma semaphore(%arg9 : memref<!tpu.dma_semaphore, #tpu.memory_space<semaphore_mem>>) src(%dma_wait3A_171 : memref<2000000x64xf32, #tpu.memory_space<hbm>>) dst(%dma_wait3A_165 : memref<128x64xf32, #tpu.memory_space<vmem>>)
    %add3A_172 = arith.constant 2 : i32
    %add3A_173 = arith.addi %mul3A_2, %add3A_172 : i32
    %mul3A_174 = arith.constant 128 : i32
    %mul3A_175 = arith.muli %add3A_173, %mul3A_174 : i32
    %dma_start3A_176 = arith.constant 2 : i32
    %dma_start3A_177 = arith.constant 0 : i32
    %dma_start3A_178 = arith.constant 0 : i32
    %dma_start3A_179 = tpu.memref_slice %arg6[%dma_start3A_176, %dma_start3A_177, %dma_start3A_178] : memref<8x128x64xf32, #tpu.memory_space<vmem>> -> memref<1x128x64xf32, #tpu.memory_space<vmem>>
    %dma_start3A_180 = tpu.memref_squeeze %dma_start3A_179 : memref<1x128x64xf32, #tpu.memory_space<vmem>> -> memref<128x64xf32, #tpu.memory_space<vmem>>
    %dma_start3A_181 = arith.constant 0 : i32
    %dma_start3A_182 = tpu.memref_slice %arg4[%mul3A_175, %dma_start3A_181] : memref<819200x64xf32, #tpu.memory_space<hbm>> -> memref<128x64xf32, #tpu.memory_space<hbm>>
    %dma_start3A_183 = arith.constant 0 : i32
    %dma_start3A_184 = tpu.memref_slice %arg4[%mul3A_175, %dma_start3A_183] : memref<819200x64xf32, #tpu.memory_space<hbm>> -> memref<128x64xf32, #tpu.memory_space<hbm>>
    %dma_start3A_185 = arith.constant 0 : i32
    %dma_start3A_186 = arith.constant 0 : i32
    %dma_start3A_187 = tpu.memref_slice %arg6[%dma_start3A_176, %dma_start3A_185, %dma_start3A_186] : memref<8x128x64xf32, #tpu.memory_space<vmem>> -> memref<1x128x64xf32, #tpu.memory_space<vmem>>
    %dma_start3A_188 = tpu.memref_squeeze %dma_start3A_187 : memref<1x128x64xf32, #tpu.memory_space<vmem>> -> memref<128x64xf32, #tpu.memory_space<vmem>>
    tpu.enqueue_dma source(%dma_start3A_188 : memref<128x64xf32, #tpu.memory_space<vmem>>) target(%dma_start3A_184 : memref<128x64xf32, #tpu.memory_space<hbm>>) target_semaphore(%arg17 : memref<!tpu.dma_semaphore, #tpu.memory_space<semaphore_mem>>)
    %add3A_189 = arith.constant 0 : i32
    %add3A_190 = arith.addi %mul3A_2, %add3A_189 : i32
    %mul3A_191 = arith.constant 128 : i32
    %mul3A_192 = arith.muli %add3A_190, %mul3A_191 : i32
    %dma_wait3A_193 = arith.constant 0 : i32
    %dma_wait3A_194 = arith.constant 0 : i32
    %dma_wait3A_195 = arith.constant 0 : i32
    %dma_wait3A_196 = tpu.memref_slice %arg6[%dma_wait3A_193, %dma_wait3A_194, %dma_wait3A_195] : memref<8x128x64xf32, #tpu.memory_space<vmem>> -> memref<1x128x64xf32, #tpu.memory_space<vmem>>
    %dma_wait3A_197 = tpu.memref_squeeze %dma_wait3A_196 : memref<1x128x64xf32, #tpu.memory_space<vmem>> -> memref<128x64xf32, #tpu.memory_space<vmem>>
    %dma_wait3A_198 = arith.constant 0 : i32
    %dma_wait3A_199 = tpu.memref_slice %arg4[%mul3A_192, %dma_wait3A_198] : memref<819200x64xf32, #tpu.memory_space<hbm>> -> memref<128x64xf32, #tpu.memory_space<hbm>>
    %dma_wait3A_200 = arith.constant 0 : i32
    %dma_wait3A_201 = tpu.memref_slice %arg4[%mul3A_192, %dma_wait3A_200] : memref<819200x64xf32, #tpu.memory_space<hbm>> -> memref<128x64xf32, #tpu.memory_space<hbm>>
    %dma_wait3A_202 = arith.constant 0 : i32
    %dma_wait3A_203 = arith.constant 0 : i32
    %dma_wait3A_204 = tpu.memref_slice %arg6[%dma_wait3A_193, %dma_wait3A_202, %dma_wait3A_203] : memref<8x128x64xf32, #tpu.memory_space<vmem>> -> memref<1x128x64xf32, #tpu.memory_space<vmem>>
    %dma_wait3A_205 = tpu.memref_squeeze %dma_wait3A_204 : memref<1x128x64xf32, #tpu.memory_space<vmem>> -> memref<128x64xf32, #tpu.memory_space<vmem>>
    tpu.wait_dma2 semaphore(%arg15 : memref<!tpu.dma_semaphore, #tpu.memory_space<semaphore_mem>>) src(%dma_wait3A_205 : memref<128x64xf32, #tpu.memory_space<vmem>>) dst(%dma_wait3A_201 : memref<128x64xf32, #tpu.memory_space<hbm>>)
    %dma_start3A_206 = arith.constant 8 : i32
    %dma_start3A_207 = arith.constant 0 : i32
    %dma_start3A_208 = arith.constant 0 : i32
    %dma_start3A_209 = arith.constant 0 : i32
    %dma_start3A_210 = tpu.memref_slice %arg6[%dma_start3A_207, %dma_start3A_208, %dma_start3A_209] : memref<8x128x64xf32, #tpu.memory_space<vmem>> -> memref<1x128x64xf32, #tpu.memory_space<vmem>>
    %dma_start3A_211 = tpu.memref_squeeze %dma_start3A_210 : memref<1x128x64xf32, #tpu.memory_space<vmem>> -> memref<128x64xf32, #tpu.memory_space<vmem>>
    %dma_start3A_212 = arith.constant 0 : i32
    %dma_start3A_213 = tpu.memref_slice %arg5[%dma_start3A_206, %dma_start3A_212] : memref<200x128xi32, #tpu.memory_space<vmem>> -> memref<1x128xi32, #tpu.memory_space<vmem>>
    %dma_start3A_214 = tpu.memref_squeeze %dma_start3A_213 : memref<1x128xi32, #tpu.memory_space<vmem>> -> memref<128xi32, #tpu.memory_space<vmem>>
    %dma_start3A_215 = arith.constant 0 : i32
    %dma_start3A_216 = arith.constant 0 : i32
    %dma_start3A_217 = tpu.memref_slice %arg3[%dma_start3A_215, %dma_start3A_216] : memref<2000000x64xf32, #tpu.memory_space<hbm>> -> memref<2000000x64xf32, #tpu.memory_space<hbm>>
    tpu.enqueue_indirect_dma source(%dma_start3A_217 : memref<2000000x64xf32, #tpu.memory_space<hbm>>) target(%dma_start3A_211 : memref<128x64xf32, #tpu.memory_space<vmem>>) offsets(%dma_start3A_214 : memref<128xi32, #tpu.memory_space<vmem>>) semaphore(%arg7 : memref<!tpu.dma_semaphore, #tpu.memory_space<semaphore_mem>>)
    %dma_wait3A_218 = arith.constant 3 : i32
    %dma_wait3A_219 = arith.constant 3 : i32
    %dma_wait3A_220 = arith.constant 0 : i32
    %dma_wait3A_221 = arith.constant 0 : i32
    %dma_wait3A_222 = tpu.memref_slice %arg6[%dma_wait3A_219, %dma_wait3A_220, %dma_wait3A_221] : memref<8x128x64xf32, #tpu.memory_space<vmem>> -> memref<1x128x64xf32, #tpu.memory_space<vmem>>
    %dma_wait3A_223 = tpu.memref_squeeze %dma_wait3A_222 : memref<1x128x64xf32, #tpu.memory_space<vmem>> -> memref<128x64xf32, #tpu.memory_space<vmem>>
    %dma_wait3A_224 = arith.constant 0 : i32
    %dma_wait3A_225 = tpu.memref_slice %arg5[%dma_wait3A_218, %dma_wait3A_224] : memref<200x128xi32, #tpu.memory_space<vmem>> -> memref<1x128xi32, #tpu.memory_space<vmem>>
    %dma_wait3A_226 = tpu.memref_squeeze %dma_wait3A_225 : memref<1x128xi32, #tpu.memory_space<vmem>> -> memref<128xi32, #tpu.memory_space<vmem>>
    %dma_wait3A_227 = arith.constant 0 : i32
    %dma_wait3A_228 = arith.constant 0 : i32
    %dma_wait3A_229 = tpu.memref_slice %arg3[%dma_wait3A_227, %dma_wait3A_228] : memref<2000000x64xf32, #tpu.memory_space<hbm>> -> memref<2000000x64xf32, #tpu.memory_space<hbm>>
    tpu.wait_indirect_dma semaphore(%arg10 : memref<!tpu.dma_semaphore, #tpu.memory_space<semaphore_mem>>) src(%dma_wait3A_229 : memref<2000000x64xf32, #tpu.memory_space<hbm>>) dst(%dma_wait3A_223 : memref<128x64xf32, #tpu.memory_space<vmem>>)
    %add3A_230 = arith.constant 3 : i32
    %add3A_231 = arith.addi %mul3A_2, %add3A_230 : i32
    %mul3A_232 = arith.constant 128 : i32
    %mul3A_233 = arith.muli %add3A_231, %mul3A_232 : i32
    %dma_start3A_234 = arith.constant 3 : i32
    %dma_start3A_235 = arith.constant 0 : i32
    %dma_start3A_236 = arith.constant 0 : i32
    %dma_start3A_237 = tpu.memref_slice %arg6[%dma_start3A_234, %dma_start3A_235, %dma_start3A_236] : memref<8x128x64xf32, #tpu.memory_space<vmem>> -> memref<1x128x64xf32, #tpu.memory_space<vmem>>
    %dma_start3A_238 = tpu.memref_squeeze %dma_start3A_237 : memref<1x128x64xf32, #tpu.memory_space<vmem>> -> memref<128x64xf32, #tpu.memory_space<vmem>>
    %dma_start3A_239 = arith.constant 0 : i32
    %dma_start3A_240 = tpu.memref_slice %arg4[%mul3A_233, %dma_start3A_239] : memref<819200x64xf32, #tpu.memory_space<hbm>> -> memref<128x64xf32, #tpu.memory_space<hbm>>
    %dma_start3A_241 = arith.constant 0 : i32
    %dma_start3A_242 = tpu.memref_slice %arg4[%mul3A_233, %dma_start3A_241] : memref<819200x64xf32, #tpu.memory_space<hbm>> -> memref<128x64xf32, #tpu.memory_space<hbm>>
    %dma_start3A_243 = arith.constant 0 : i32
    %dma_start3A_244 = arith.constant 0 : i32
    %dma_start3A_245 = tpu.memref_slice %arg6[%dma_start3A_234, %dma_start3A_243, %dma_start3A_244] : memref<8x128x64xf32, #tpu.memory_space<vmem>> -> memref<1x128x64xf32, #tpu.memory_space<vmem>>
    %dma_start3A_246 = tpu.memref_squeeze %dma_start3A_245 : memref<1x128x64xf32, #tpu.memory_space<vmem>> -> memref<128x64xf32, #tpu.memory_space<vmem>>
    tpu.enqueue_dma source(%dma_start3A_246 : memref<128x64xf32, #tpu.memory_space<vmem>>) target(%dma_start3A_242 : memref<128x64xf32, #tpu.memory_space<hbm>>) target_semaphore(%arg18 : memref<!tpu.dma_semaphore, #tpu.memory_space<semaphore_mem>>)
    %add3A_247 = arith.constant 1 : i32
    %add3A_248 = arith.addi %mul3A_2, %add3A_247 : i32
    %mul3A_249 = arith.constant 128 : i32
    %mul3A_250 = arith.muli %add3A_248, %mul3A_249 : i32
    %dma_wait3A_251 = arith.constant 1 : i32
    %dma_wait3A_252 = arith.constant 0 : i32
    %dma_wait3A_253 = arith.constant 0 : i32
    %dma_wait3A_254 = tpu.memref_slice %arg6[%dma_wait3A_251, %dma_wait3A_252, %dma_wait3A_253] : memref<8x128x64xf32, #tpu.memory_space<vmem>> -> memref<1x128x64xf32, #tpu.memory_space<vmem>>
    %dma_wait3A_255 = tpu.memref_squeeze %dma_wait3A_254 : memref<1x128x64xf32, #tpu.memory_space<vmem>> -> memref<128x64xf32, #tpu.memory_space<vmem>>
    %dma_wait3A_256 = arith.constant 0 : i32
    %dma_wait3A_257 = tpu.memref_slice %arg4[%mul3A_250, %dma_wait3A_256] : memref<819200x64xf32, #tpu.memory_space<hbm>> -> memref<128x64xf32, #tpu.memory_space<hbm>>
    %dma_wait3A_258 = arith.constant 0 : i32
    %dma_wait3A_259 = tpu.memref_slice %arg4[%mul3A_250, %dma_wait3A_258] : memref<819200x64xf32, #tpu.memory_space<hbm>> -> memref<128x64xf32, #tpu.memory_space<hbm>>
    %dma_wait3A_260 = arith.constant 0 : i32
    %dma_wait3A_261 = arith.constant 0 : i32
    %dma_wait3A_262 = tpu.memref_slice %arg6[%dma_wait3A_251, %dma_wait3A_260, %dma_wait3A_261] : memref<8x128x64xf32, #tpu.memory_space<vmem>> -> memref<1x128x64xf32, #tpu.memory_space<vmem>>
    %dma_wait3A_263 = tpu.memref_squeeze %dma_wait3A_262 : memref<1x128x64xf32, #tpu.memory_space<vmem>> -> memref<128x64xf32, #tpu.memory_space<vmem>>
    tpu.wait_dma2 semaphore(%arg16 : memref<!tpu.dma_semaphore, #tpu.memory_space<semaphore_mem>>) src(%dma_wait3A_263 : memref<128x64xf32, #tpu.memory_space<vmem>>) dst(%dma_wait3A_259 : memref<128x64xf32, #tpu.memory_space<hbm>>)
    %dma_start3A_264 = arith.constant 9 : i32
    %dma_start3A_265 = arith.constant 1 : i32
    %dma_start3A_266 = arith.constant 0 : i32
    %dma_start3A_267 = arith.constant 0 : i32
    %dma_start3A_268 = tpu.memref_slice %arg6[%dma_start3A_265, %dma_start3A_266, %dma_start3A_267] : memref<8x128x64xf32, #tpu.memory_space<vmem>> -> memref<1x128x64xf32, #tpu.memory_space<vmem>>
    %dma_start3A_269 = tpu.memref_squeeze %dma_start3A_268 : memref<1x128x64xf32, #tpu.memory_space<vmem>> -> memref<128x64xf32, #tpu.memory_space<vmem>>
    %dma_start3A_270 = arith.constant 0 : i32
    %dma_start3A_271 = tpu.memref_slice %arg5[%dma_start3A_264, %dma_start3A_270] : memref<200x128xi32, #tpu.memory_space<vmem>> -> memref<1x128xi32, #tpu.memory_space<vmem>>
    %dma_start3A_272 = tpu.memref_squeeze %dma_start3A_271 : memref<1x128xi32, #tpu.memory_space<vmem>> -> memref<128xi32, #tpu.memory_space<vmem>>
    %dma_start3A_273 = arith.constant 0 : i32
    %dma_start3A_274 = arith.constant 0 : i32
    %dma_start3A_275 = tpu.memref_slice %arg3[%dma_start3A_273, %dma_start3A_274] : memref<2000000x64xf32, #tpu.memory_space<hbm>> -> memref<2000000x64xf32, #tpu.memory_space<hbm>>
    tpu.enqueue_indirect_dma source(%dma_start3A_275 : memref<2000000x64xf32, #tpu.memory_space<hbm>>) target(%dma_start3A_269 : memref<128x64xf32, #tpu.memory_space<vmem>>) offsets(%dma_start3A_272 : memref<128xi32, #tpu.memory_space<vmem>>) semaphore(%arg8 : memref<!tpu.dma_semaphore, #tpu.memory_space<semaphore_mem>>)
    %dma_wait3A_276 = arith.constant 4 : i32
    %dma_wait3A_277 = arith.constant 4 : i32
    %dma_wait3A_278 = arith.constant 0 : i32
    %dma_wait3A_279 = arith.constant 0 : i32
    %dma_wait3A_280 = tpu.memref_slice %arg6[%dma_wait3A_277, %dma_wait3A_278, %dma_wait3A_279] : memref<8x128x64xf32, #tpu.memory_space<vmem>> -> memref<1x128x64xf32, #tpu.memory_space<vmem>>
    %dma_wait3A_281 = tpu.memref_squeeze %dma_wait3A_280 : memref<1x128x64xf32, #tpu.memory_space<vmem>> -> memref<128x64xf32, #tpu.memory_space<vmem>>
    %dma_wait3A_282 = arith.constant 0 : i32
    %dma_wait3A_283 = tpu.memref_slice %arg5[%dma_wait3A_276, %dma_wait3A_282] : memref<200x128xi32, #tpu.memory_space<vmem>> -> memref<1x128xi32, #tpu.memory_space<vmem>>
    %dma_wait3A_284 = tpu.memref_squeeze %dma_wait3A_283 : memref<1x128xi32, #tpu.memory_space<vmem>> -> memref<128xi32, #tpu.memory_space<vmem>>
    %dma_wait3A_285 = arith.constant 0 : i32
    %dma_wait3A_286 = arith.constant 0 : i32
    %dma_wait3A_287 = tpu.memref_slice %arg3[%dma_wait3A_285, %dma_wait3A_286] : memref<2000000x64xf32, #tpu.memory_space<hbm>> -> memref<2000000x64xf32, #tpu.memory_space<hbm>>
    tpu.wait_indirect_dma semaphore(%arg11 : memref<!tpu.dma_semaphore, #tpu.memory_space<semaphore_mem>>) src(%dma_wait3A_287 : memref<2000000x64xf32, #tpu.memory_space<hbm>>) dst(%dma_wait3A_281 : memref<128x64xf32, #tpu.memory_space<vmem>>)
    %add3A_288 = arith.constant 4 : i32
    %add3A_289 = arith.addi %mul3A_2, %add3A_288 : i32
    %mul3A_290 = arith.constant 128 : i32
    %mul3A_291 = arith.muli %add3A_289, %mul3A_290 : i32
    %dma_start3A_292 = arith.constant 4 : i32
    %dma_start3A_293 = arith.constant 0 : i32
    %dma_start3A_294 = arith.constant 0 : i32
    %dma_start3A_295 = tpu.memref_slice %arg6[%dma_start3A_292, %dma_start3A_293, %dma_start3A_294] : memref<8x128x64xf32, #tpu.memory_space<vmem>> -> memref<1x128x64xf32, #tpu.memory_space<vmem>>
    %dma_start3A_296 = tpu.memref_squeeze %dma_start3A_295 : memref<1x128x64xf32, #tpu.memory_space<vmem>> -> memref<128x64xf32, #tpu.memory_space<vmem>>
    %dma_start3A_297 = arith.constant 0 : i32
    %dma_start3A_298 = tpu.memref_slice %arg4[%mul3A_291, %dma_start3A_297] : memref<819200x64xf32, #tpu.memory_space<hbm>> -> memref<128x64xf32, #tpu.memory_space<hbm>>
    %dma_start3A_299 = arith.constant 0 : i32
    %dma_start3A_300 = tpu.memref_slice %arg4[%mul3A_291, %dma_start3A_299] : memref<819200x64xf32, #tpu.memory_space<hbm>> -> memref<128x64xf32, #tpu.memory_space<hbm>>
    %dma_start3A_301 = arith.constant 0 : i32
    %dma_start3A_302 = arith.constant 0 : i32
    %dma_start3A_303 = tpu.memref_slice %arg6[%dma_start3A_292, %dma_start3A_301, %dma_start3A_302] : memref<8x128x64xf32, #tpu.memory_space<vmem>> -> memref<1x128x64xf32, #tpu.memory_space<vmem>>
    %dma_start3A_304 = tpu.memref_squeeze %dma_start3A_303 : memref<1x128x64xf32, #tpu.memory_space<vmem>> -> memref<128x64xf32, #tpu.memory_space<vmem>>
    tpu.enqueue_dma source(%dma_start3A_304 : memref<128x64xf32, #tpu.memory_space<vmem>>) target(%dma_start3A_300 : memref<128x64xf32, #tpu.memory_space<hbm>>) target_semaphore(%arg19 : memref<!tpu.dma_semaphore, #tpu.memory_space<semaphore_mem>>)
    %add3A_305 = arith.constant 2 : i32
    %add3A_306 = arith.addi %mul3A_2, %add3A_305 : i32
    %mul3A_307 = arith.constant 128 : i32
    %mul3A_308 = arith.muli %add3A_306, %mul3A_307 : i32
    %dma_wait3A_309 = arith.constant 2 : i32
    %dma_wait3A_310 = arith.constant 0 : i32
    %dma_wait3A_311 = arith.constant 0 : i32
    %dma_wait3A_312 = tpu.memref_slice %arg6[%dma_wait3A_309, %dma_wait3A_310, %dma_wait3A_311] : memref<8x128x64xf32, #tpu.memory_space<vmem>> -> memref<1x128x64xf32, #tpu.memory_space<vmem>>
    %dma_wait3A_313 = tpu.memref_squeeze %dma_wait3A_312 : memref<1x128x64xf32, #tpu.memory_space<vmem>> -> memref<128x64xf32, #tpu.memory_space<vmem>>
    %dma_wait3A_314 = arith.constant 0 : i32
    %dma_wait3A_315 = tpu.memref_slice %arg4[%mul3A_308, %dma_wait3A_314] : memref<819200x64xf32, #tpu.memory_space<hbm>> -> memref<128x64xf32, #tpu.memory_space<hbm>>
    %dma_wait3A_316 = arith.constant 0 : i32
    %dma_wait3A_317 = tpu.memref_slice %arg4[%mul3A_308, %dma_wait3A_316] : memref<819200x64xf32, #tpu.memory_space<hbm>> -> memref<128x64xf32, #tpu.memory_space<hbm>>
    %dma_wait3A_318 = arith.constant 0 : i32
    %dma_wait3A_319 = arith.constant 0 : i32
    %dma_wait3A_320 = tpu.memref_slice %arg6[%dma_wait3A_309, %dma_wait3A_318, %dma_wait3A_319] : memref<8x128x64xf32, #tpu.memory_space<vmem>> -> memref<1x128x64xf32, #tpu.memory_space<vmem>>
    %dma_wait3A_321 = tpu.memref_squeeze %dma_wait3A_320 : memref<1x128x64xf32, #tpu.memory_space<vmem>> -> memref<128x64xf32, #tpu.memory_space<vmem>>
    tpu.wait_dma2 semaphore(%arg17 : memref<!tpu.dma_semaphore, #tpu.memory_space<semaphore_mem>>) src(%dma_wait3A_321 : memref<128x64xf32, #tpu.memory_space<vmem>>) dst(%dma_wait3A_317 : memref<128x64xf32, #tpu.memory_space<hbm>>)
    %dma_start3A_322 = arith.constant 10 : i32
    %dma_start3A_323 = arith.constant 2 : i32
    %dma_start3A_324 = arith.constant 0 : i32
    %dma_start3A_325 = arith.constant 0 : i32
    %dma_start3A_326 = tpu.memref_slice %arg6[%dma_start3A_323, %dma_start3A_324, %dma_start3A_325] : memref<8x128x64xf32, #tpu.memory_space<vmem>> -> memref<1x128x64xf32, #tpu.memory_space<vmem>>
    %dma_start3A_327 = tpu.memref_squeeze %dma_start3A_326 : memref<1x128x64xf32, #tpu.memory_space<vmem>> -> memref<128x64xf32, #tpu.memory_space<vmem>>
    %dma_start3A_328 = arith.constant 0 : i32
    %dma_start3A_329 = tpu.memref_slice %arg5[%dma_start3A_322, %dma_start3A_328] : memref<200x128xi32, #tpu.memory_space<vmem>> -> memref<1x128xi32, #tpu.memory_space<vmem>>
    %dma_start3A_330 = tpu.memref_squeeze %dma_start3A_329 : memref<1x128xi32, #tpu.memory_space<vmem>> -> memref<128xi32, #tpu.memory_space<vmem>>
    %dma_start3A_331 = arith.constant 0 : i32
    %dma_start3A_332 = arith.constant 0 : i32
    %dma_start3A_333 = tpu.memref_slice %arg3[%dma_start3A_331, %dma_start3A_332] : memref<2000000x64xf32, #tpu.memory_space<hbm>> -> memref<2000000x64xf32, #tpu.memory_space<hbm>>
    tpu.enqueue_indirect_dma source(%dma_start3A_333 : memref<2000000x64xf32, #tpu.memory_space<hbm>>) target(%dma_start3A_327 : memref<128x64xf32, #tpu.memory_space<vmem>>) offsets(%dma_start3A_330 : memref<128xi32, #tpu.memory_space<vmem>>) semaphore(%arg9 : memref<!tpu.dma_semaphore, #tpu.memory_space<semaphore_mem>>)
    %dma_wait3A_334 = arith.constant 5 : i32
    %dma_wait3A_335 = arith.constant 5 : i32
    %dma_wait3A_336 = arith.constant 0 : i32
    %dma_wait3A_337 = arith.constant 0 : i32
    %dma_wait3A_338 = tpu.memref_slice %arg6[%dma_wait3A_335, %dma_wait3A_336, %dma_wait3A_337] : memref<8x128x64xf32, #tpu.memory_space<vmem>> -> memref<1x128x64xf32, #tpu.memory_space<vmem>>
    %dma_wait3A_339 = tpu.memref_squeeze %dma_wait3A_338 : memref<1x128x64xf32, #tpu.memory_space<vmem>> -> memref<128x64xf32, #tpu.memory_space<vmem>>
    %dma_wait3A_340 = arith.constant 0 : i32
    %dma_wait3A_341 = tpu.memref_slice %arg5[%dma_wait3A_334, %dma_wait3A_340] : memref<200x128xi32, #tpu.memory_space<vmem>> -> memref<1x128xi32, #tpu.memory_space<vmem>>
    %dma_wait3A_342 = tpu.memref_squeeze %dma_wait3A_341 : memref<1x128xi32, #tpu.memory_space<vmem>> -> memref<128xi32, #tpu.memory_space<vmem>>
    %dma_wait3A_343 = arith.constant 0 : i32
    %dma_wait3A_344 = arith.constant 0 : i32
    %dma_wait3A_345 = tpu.memref_slice %arg3[%dma_wait3A_343, %dma_wait3A_344] : memref<2000000x64xf32, #tpu.memory_space<hbm>> -> memref<2000000x64xf32, #tpu.memory_space<hbm>>
    tpu.wait_indirect_dma semaphore(%arg12 : memref<!tpu.dma_semaphore, #tpu.memory_space<semaphore_mem>>) src(%dma_wait3A_345 : memref<2000000x64xf32, #tpu.memory_space<hbm>>) dst(%dma_wait3A_339 : memref<128x64xf32, #tpu.memory_space<vmem>>)
    %add3A_346 = arith.constant 5 : i32
    %add3A_347 = arith.addi %mul3A_2, %add3A_346 : i32
    %mul3A_348 = arith.constant 128 : i32
    %mul3A_349 = arith.muli %add3A_347, %mul3A_348 : i32
    %dma_start3A_350 = arith.constant 5 : i32
    %dma_start3A_351 = arith.constant 0 : i32
    %dma_start3A_352 = arith.constant 0 : i32
    %dma_start3A_353 = tpu.memref_slice %arg6[%dma_start3A_350, %dma_start3A_351, %dma_start3A_352] : memref<8x128x64xf32, #tpu.memory_space<vmem>> -> memref<1x128x64xf32, #tpu.memory_space<vmem>>
    %dma_start3A_354 = tpu.memref_squeeze %dma_start3A_353 : memref<1x128x64xf32, #tpu.memory_space<vmem>> -> memref<128x64xf32, #tpu.memory_space<vmem>>
    %dma_start3A_355 = arith.constant 0 : i32
    %dma_start3A_356 = tpu.memref_slice %arg4[%mul3A_349, %dma_start3A_355] : memref<819200x64xf32, #tpu.memory_space<hbm>> -> memref<128x64xf32, #tpu.memory_space<hbm>>
    %dma_start3A_357 = arith.constant 0 : i32
    %dma_start3A_358 = tpu.memref_slice %arg4[%mul3A_349, %dma_start3A_357] : memref<819200x64xf32, #tpu.memory_space<hbm>> -> memref<128x64xf32, #tpu.memory_space<hbm>>
    %dma_start3A_359 = arith.constant 0 : i32
    %dma_start3A_360 = arith.constant 0 : i32
    %dma_start3A_361 = tpu.memref_slice %arg6[%dma_start3A_350, %dma_start3A_359, %dma_start3A_360] : memref<8x128x64xf32, #tpu.memory_space<vmem>> -> memref<1x128x64xf32, #tpu.memory_space<vmem>>
    %dma_start3A_362 = tpu.memref_squeeze %dma_start3A_361 : memref<1x128x64xf32, #tpu.memory_space<vmem>> -> memref<128x64xf32, #tpu.memory_space<vmem>>
    tpu.enqueue_dma source(%dma_start3A_362 : memref<128x64xf32, #tpu.memory_space<vmem>>) target(%dma_start3A_358 : memref<128x64xf32, #tpu.memory_space<hbm>>) target_semaphore(%arg20 : memref<!tpu.dma_semaphore, #tpu.memory_space<semaphore_mem>>)
    %add3A_363 = arith.constant 3 : i32
    %add3A_364 = arith.addi %mul3A_2, %add3A_363 : i32
    %mul3A_365 = arith.constant 128 : i32
    %mul3A_366 = arith.muli %add3A_364, %mul3A_365 : i32
    %dma_wait3A_367 = arith.constant 3 : i32
    %dma_wait3A_368 = arith.constant 0 : i32
    %dma_wait3A_369 = arith.constant 0 : i32
    %dma_wait3A_370 = tpu.memref_slice %arg6[%dma_wait3A_367, %dma_wait3A_368, %dma_wait3A_369] : memref<8x128x64xf32, #tpu.memory_space<vmem>> -> memref<1x128x64xf32, #tpu.memory_space<vmem>>
    %dma_wait3A_371 = tpu.memref_squeeze %dma_wait3A_370 : memref<1x128x64xf32, #tpu.memory_space<vmem>> -> memref<128x64xf32, #tpu.memory_space<vmem>>
    %dma_wait3A_372 = arith.constant 0 : i32
    %dma_wait3A_373 = tpu.memref_slice %arg4[%mul3A_366, %dma_wait3A_372] : memref<819200x64xf32, #tpu.memory_space<hbm>> -> memref<128x64xf32, #tpu.memory_space<hbm>>
    %dma_wait3A_374 = arith.constant 0 : i32
    %dma_wait3A_375 = tpu.memref_slice %arg4[%mul3A_366, %dma_wait3A_374] : memref<819200x64xf32, #tpu.memory_space<hbm>> -> memref<128x64xf32, #tpu.memory_space<hbm>>
    %dma_wait3A_376 = arith.constant 0 : i32
    %dma_wait3A_377 = arith.constant 0 : i32
    %dma_wait3A_378 = tpu.memref_slice %arg6[%dma_wait3A_367, %dma_wait3A_376, %dma_wait3A_377] : memref<8x128x64xf32, #tpu.memory_space<vmem>> -> memref<1x128x64xf32, #tpu.memory_space<vmem>>
    %dma_wait3A_379 = tpu.memref_squeeze %dma_wait3A_378 : memref<1x128x64xf32, #tpu.memory_space<vmem>> -> memref<128x64xf32, #tpu.memory_space<vmem>>
    tpu.wait_dma2 semaphore(%arg18 : memref<!tpu.dma_semaphore, #tpu.memory_space<semaphore_mem>>) src(%dma_wait3A_379 : memref<128x64xf32, #tpu.memory_space<vmem>>) dst(%dma_wait3A_375 : memref<128x64xf32, #tpu.memory_space<hbm>>)
    %dma_start3A_380 = arith.constant 11 : i32
    %dma_start3A_381 = arith.constant 3 : i32
    %dma_start3A_382 = arith.constant 0 : i32
    %dma_start3A_383 = arith.constant 0 : i32
    %dma_start3A_384 = tpu.memref_slice %arg6[%dma_start3A_381, %dma_start3A_382, %dma_start3A_383] : memref<8x128x64xf32, #tpu.memory_space<vmem>> -> memref<1x128x64xf32, #tpu.memory_space<vmem>>
    %dma_start3A_385 = tpu.memref_squeeze %dma_start3A_384 : memref<1x128x64xf32, #tpu.memory_space<vmem>> -> memref<128x64xf32, #tpu.memory_space<vmem>>
    %dma_start3A_386 = arith.constant 0 : i32
    %dma_start3A_387 = tpu.memref_slice %arg5[%dma_start3A_380, %dma_start3A_386] : memref<200x128xi32, #tpu.memory_space<vmem>> -> memref<1x128xi32, #tpu.memory_space<vmem>>
    %dma_start3A_388 = tpu.memref_squeeze %dma_start3A_387 : memref<1x128xi32, #tpu.memory_space<vmem>> -> memref<128xi32, #tpu.memory_space<vmem>>
    %dma_start3A_389 = arith.constant 0 : i32
    %dma_start3A_390 = arith.constant 0 : i32
    %dma_start3A_391 = tpu.memref_slice %arg3[%dma_start3A_389, %dma_start3A_390] : memref<2000000x64xf32, #tpu.memory_space<hbm>> -> memref<2000000x64xf32, #tpu.memory_space<hbm>>
    tpu.enqueue_indirect_dma source(%dma_start3A_391 : memref<2000000x64xf32, #tpu.memory_space<hbm>>) target(%dma_start3A_385 : memref<128x64xf32, #tpu.memory_space<vmem>>) offsets(%dma_start3A_388 : memref<128xi32, #tpu.memory_space<vmem>>) semaphore(%arg10 : memref<!tpu.dma_semaphore, #tpu.memory_space<semaphore_mem>>)
    %dma_wait3A_392 = arith.constant 6 : i32
    %dma_wait3A_393 = arith.constant 6 : i32
    %dma_wait3A_394 = arith.constant 0 : i32
    %dma_wait3A_395 = arith.constant 0 : i32
    %dma_wait3A_396 = tpu.memref_slice %arg6[%dma_wait3A_393, %dma_wait3A_394, %dma_wait3A_395] : memref<8x128x64xf32, #tpu.memory_space<vmem>> -> memref<1x128x64xf32, #tpu.memory_space<vmem>>
    %dma_wait3A_397 = tpu.memref_squeeze %dma_wait3A_396 : memref<1x128x64xf32, #tpu.memory_space<vmem>> -> memref<128x64xf32, #tpu.memory_space<vmem>>
    %dma_wait3A_398 = arith.constant 0 : i32
    %dma_wait3A_399 = tpu.memref_slice %arg5[%dma_wait3A_392, %dma_wait3A_398] : memref<200x128xi32, #tpu.memory_space<vmem>> -> memref<1x128xi32, #tpu.memory_space<vmem>>
    %dma_wait3A_400 = tpu.memref_squeeze %dma_wait3A_399 : memref<1x128xi32, #tpu.memory_space<vmem>> -> memref<128xi32, #tpu.memory_space<vmem>>
    %dma_wait3A_401 = arith.constant 0 : i32
    %dma_wait3A_402 = arith.constant 0 : i32
    %dma_wait3A_403 = tpu.memref_slice %arg3[%dma_wait3A_401, %dma_wait3A_402] : memref<2000000x64xf32, #tpu.memory_space<hbm>> -> memref<2000000x64xf32, #tpu.memory_space<hbm>>
    tpu.wait_indirect_dma semaphore(%arg13 : memref<!tpu.dma_semaphore, #tpu.memory_space<semaphore_mem>>) src(%dma_wait3A_403 : memref<2000000x64xf32, #tpu.memory_space<hbm>>) dst(%dma_wait3A_397 : memref<128x64xf32, #tpu.memory_space<vmem>>)
    %add3A_404 = arith.constant 6 : i32
    %add3A_405 = arith.addi %mul3A_2, %add3A_404 : i32
    %mul3A_406 = arith.constant 128 : i32
    %mul3A_407 = arith.muli %add3A_405, %mul3A_406 : i32
    %dma_start3A_408 = arith.constant 6 : i32
    %dma_start3A_409 = arith.constant 0 : i32
    %dma_start3A_410 = arith.constant 0 : i32
    %dma_start3A_411 = tpu.memref_slice %arg6[%dma_start3A_408, %dma_start3A_409, %dma_start3A_410] : memref<8x128x64xf32, #tpu.memory_space<vmem>> -> memref<1x128x64xf32, #tpu.memory_space<vmem>>
    %dma_start3A_412 = tpu.memref_squeeze %dma_start3A_411 : memref<1x128x64xf32, #tpu.memory_space<vmem>> -> memref<128x64xf32, #tpu.memory_space<vmem>>
    %dma_start3A_413 = arith.constant 0 : i32
    %dma_start3A_414 = tpu.memref_slice %arg4[%mul3A_407, %dma_start3A_413] : memref<819200x64xf32, #tpu.memory_space<hbm>> -> memref<128x64xf32, #tpu.memory_space<hbm>>
    %dma_start3A_415 = arith.constant 0 : i32
    %dma_start3A_416 = tpu.memref_slice %arg4[%mul3A_407, %dma_start3A_415] : memref<819200x64xf32, #tpu.memory_space<hbm>> -> memref<128x64xf32, #tpu.memory_space<hbm>>
    %dma_start3A_417 = arith.constant 0 : i32
    %dma_start3A_418 = arith.constant 0 : i32
    %dma_start3A_419 = tpu.memref_slice %arg6[%dma_start3A_408, %dma_start3A_417, %dma_start3A_418] : memref<8x128x64xf32, #tpu.memory_space<vmem>> -> memref<1x128x64xf32, #tpu.memory_space<vmem>>
    %dma_start3A_420 = tpu.memref_squeeze %dma_start3A_419 : memref<1x128x64xf32, #tpu.memory_space<vmem>> -> memref<128x64xf32, #tpu.memory_space<vmem>>
    tpu.enqueue_dma source(%dma_start3A_420 : memref<128x64xf32, #tpu.memory_space<vmem>>) target(%dma_start3A_416 : memref<128x64xf32, #tpu.memory_space<hbm>>) target_semaphore(%arg21 : memref<!tpu.dma_semaphore, #tpu.memory_space<semaphore_mem>>)
    %add3A_421 = arith.constant 4 : i32
    %add3A_422 = arith.addi %mul3A_2, %add3A_421 : i32
    %mul3A_423 = arith.constant 128 : i32
    %mul3A_424 = arith.muli %add3A_422, %mul3A_423 : i32
    %dma_wait3A_425 = arith.constant 4 : i32
    %dma_wait3A_426 = arith.constant 0 : i32
    %dma_wait3A_427 = arith.constant 0 : i32
    %dma_wait3A_428 = tpu.memref_slice %arg6[%dma_wait3A_425, %dma_wait3A_426, %dma_wait3A_427] : memref<8x128x64xf32, #tpu.memory_space<vmem>> -> memref<1x128x64xf32, #tpu.memory_space<vmem>>
    %dma_wait3A_429 = tpu.memref_squeeze %dma_wait3A_428 : memref<1x128x64xf32, #tpu.memory_space<vmem>> -> memref<128x64xf32, #tpu.memory_space<vmem>>
    %dma_wait3A_430 = arith.constant 0 : i32
    %dma_wait3A_431 = tpu.memref_slice %arg4[%mul3A_424, %dma_wait3A_430] : memref<819200x64xf32, #tpu.memory_space<hbm>> -> memref<128x64xf32, #tpu.memory_space<hbm>>
    %dma_wait3A_432 = arith.constant 0 : i32
    %dma_wait3A_433 = tpu.memref_slice %arg4[%mul3A_424, %dma_wait3A_432] : memref<819200x64xf32, #tpu.memory_space<hbm>> -> memref<128x64xf32, #tpu.memory_space<hbm>>
    %dma_wait3A_434 = arith.constant 0 : i32
    %dma_wait3A_435 = arith.constant 0 : i32
    %dma_wait3A_436 = tpu.memref_slice %arg6[%dma_wait3A_425, %dma_wait3A_434, %dma_wait3A_435] : memref<8x128x64xf32, #tpu.memory_space<vmem>> -> memref<1x128x64xf32, #tpu.memory_space<vmem>>
    %dma_wait3A_437 = tpu.memref_squeeze %dma_wait3A_436 : memref<1x128x64xf32, #tpu.memory_space<vmem>> -> memref<128x64xf32, #tpu.memory_space<vmem>>
    tpu.wait_dma2 semaphore(%arg19 : memref<!tpu.dma_semaphore, #tpu.memory_space<semaphore_mem>>) src(%dma_wait3A_437 : memref<128x64xf32, #tpu.memory_space<vmem>>) dst(%dma_wait3A_433 : memref<128x64xf32, #tpu.memory_space<hbm>>)
    %dma_start3A_438 = arith.constant 12 : i32
    %dma_start3A_439 = arith.constant 4 : i32
    %dma_start3A_440 = arith.constant 0 : i32
    %dma_start3A_441 = arith.constant 0 : i32
    %dma_start3A_442 = tpu.memref_slice %arg6[%dma_start3A_439, %dma_start3A_440, %dma_start3A_441] : memref<8x128x64xf32, #tpu.memory_space<vmem>> -> memref<1x128x64xf32, #tpu.memory_space<vmem>>
    %dma_start3A_443 = tpu.memref_squeeze %dma_start3A_442 : memref<1x128x64xf32, #tpu.memory_space<vmem>> -> memref<128x64xf32, #tpu.memory_space<vmem>>
    %dma_start3A_444 = arith.constant 0 : i32
    %dma_start3A_445 = tpu.memref_slice %arg5[%dma_start3A_438, %dma_start3A_444] : memref<200x128xi32, #tpu.memory_space<vmem>> -> memref<1x128xi32, #tpu.memory_space<vmem>>
    %dma_start3A_446 = tpu.memref_squeeze %dma_start3A_445 : memref<1x128xi32, #tpu.memory_space<vmem>> -> memref<128xi32, #tpu.memory_space<vmem>>
    %dma_start3A_447 = arith.constant 0 : i32
    %dma_start3A_448 = arith.constant 0 : i32
    %dma_start3A_449 = tpu.memref_slice %arg3[%dma_start3A_447, %dma_start3A_448] : memref<2000000x64xf32, #tpu.memory_space<hbm>> -> memref<2000000x64xf32, #tpu.memory_space<hbm>>
    tpu.enqueue_indirect_dma source(%dma_start3A_449 : memref<2000000x64xf32, #tpu.memory_space<hbm>>) target(%dma_start3A_443 : memref<128x64xf32, #tpu.memory_space<vmem>>) offsets(%dma_start3A_446 : memref<128xi32, #tpu.memory_space<vmem>>) semaphore(%arg11 : memref<!tpu.dma_semaphore, #tpu.memory_space<semaphore_mem>>)
    %dma_wait3A_450 = arith.constant 7 : i32
    %dma_wait3A_451 = arith.constant 7 : i32
    %dma_wait3A_452 = arith.constant 0 : i32
    %dma_wait3A_453 = arith.constant 0 : i32
    %dma_wait3A_454 = tpu.memref_slice %arg6[%dma_wait3A_451, %dma_wait3A_452, %dma_wait3A_453] : memref<8x128x64xf32, #tpu.memory_space<vmem>> -> memref<1x128x64xf32, #tpu.memory_space<vmem>>
    %dma_wait3A_455 = tpu.memref_squeeze %dma_wait3A_454 : memref<1x128x64xf32, #tpu.memory_space<vmem>> -> memref<128x64xf32, #tpu.memory_space<vmem>>
    %dma_wait3A_456 = arith.constant 0 : i32
    %dma_wait3A_457 = tpu.memref_slice %arg5[%dma_wait3A_450, %dma_wait3A_456] : memref<200x128xi32, #tpu.memory_space<vmem>> -> memref<1x128xi32, #tpu.memory_space<vmem>>
    %dma_wait3A_458 = tpu.memref_squeeze %dma_wait3A_457 : memref<1x128xi32, #tpu.memory_space<vmem>> -> memref<128xi32, #tpu.memory_space<vmem>>
    %dma_wait3A_459 = arith.constant 0 : i32
    %dma_wait3A_460 = arith.constant 0 : i32
    %dma_wait3A_461 = tpu.memref_slice %arg3[%dma_wait3A_459, %dma_wait3A_460] : memref<2000000x64xf32, #tpu.memory_space<hbm>> -> memref<2000000x64xf32, #tpu.memory_space<hbm>>
    tpu.wait_indirect_dma semaphore(%arg14 : memref<!tpu.dma_semaphore, #tpu.memory_space<semaphore_mem>>) src(%dma_wait3A_461 : memref<2000000x64xf32, #tpu.memory_space<hbm>>) dst(%dma_wait3A_455 : memref<128x64xf32, #tpu.memory_space<vmem>>)
    %add3A_462 = arith.constant 7 : i32
    %add3A_463 = arith.addi %mul3A_2, %add3A_462 : i32
    %mul3A_464 = arith.constant 128 : i32
    %mul3A_465 = arith.muli %add3A_463, %mul3A_464 : i32
    %dma_start3A_466 = arith.constant 7 : i32
    %dma_start3A_467 = arith.constant 0 : i32
    %dma_start3A_468 = arith.constant 0 : i32
    %dma_start3A_469 = tpu.memref_slice %arg6[%dma_start3A_466, %dma_start3A_467, %dma_start3A_468] : memref<8x128x64xf32, #tpu.memory_space<vmem>> -> memref<1x128x64xf32, #tpu.memory_space<vmem>>
    %dma_start3A_470 = tpu.memref_squeeze %dma_start3A_469 : memref<1x128x64xf32, #tpu.memory_space<vmem>> -> memref<128x64xf32, #tpu.memory_space<vmem>>
    %dma_start3A_471 = arith.constant 0 : i32
    %dma_start3A_472 = tpu.memref_slice %arg4[%mul3A_465, %dma_start3A_471] : memref<819200x64xf32, #tpu.memory_space<hbm>> -> memref<128x64xf32, #tpu.memory_space<hbm>>
    %dma_start3A_473 = arith.constant 0 : i32
    %dma_start3A_474 = tpu.memref_slice %arg4[%mul3A_465, %dma_start3A_473] : memref<819200x64xf32, #tpu.memory_space<hbm>> -> memref<128x64xf32, #tpu.memory_space<hbm>>
    %dma_start3A_475 = arith.constant 0 : i32
    %dma_start3A_476 = arith.constant 0 : i32
    %dma_start3A_477 = tpu.memref_slice %arg6[%dma_start3A_466, %dma_start3A_475, %dma_start3A_476] : memref<8x128x64xf32, #tpu.memory_space<vmem>> -> memref<1x128x64xf32, #tpu.memory_space<vmem>>
    %dma_start3A_478 = tpu.memref_squeeze %dma_start3A_477 : memref<1x128x64xf32, #tpu.memory_space<vmem>> -> memref<128x64xf32, #tpu.memory_space<vmem>>
    tpu.enqueue_dma source(%dma_start3A_478 : memref<128x64xf32, #tpu.memory_space<vmem>>) target(%dma_start3A_474 : memref<128x64xf32, #tpu.memory_space<hbm>>) target_semaphore(%arg22 : memref<!tpu.dma_semaphore, #tpu.memory_space<semaphore_mem>>)
    %add3A_479 = arith.constant 5 : i32
    %add3A_480 = arith.addi %mul3A_2, %add3A_479 : i32
    %mul3A_481 = arith.constant 128 : i32
    %mul3A_482 = arith.muli %add3A_480, %mul3A_481 : i32
    %dma_wait3A_483 = arith.constant 5 : i32
    %dma_wait3A_484 = arith.constant 0 : i32
    %dma_wait3A_485 = arith.constant 0 : i32
    %dma_wait3A_486 = tpu.memref_slice %arg6[%dma_wait3A_483, %dma_wait3A_484, %dma_wait3A_485] : memref<8x128x64xf32, #tpu.memory_space<vmem>> -> memref<1x128x64xf32, #tpu.memory_space<vmem>>
    %dma_wait3A_487 = tpu.memref_squeeze %dma_wait3A_486 : memref<1x128x64xf32, #tpu.memory_space<vmem>> -> memref<128x64xf32, #tpu.memory_space<vmem>>
    %dma_wait3A_488 = arith.constant 0 : i32
    %dma_wait3A_489 = tpu.memref_slice %arg4[%mul3A_482, %dma_wait3A_488] : memref<819200x64xf32, #tpu.memory_space<hbm>> -> memref<128x64xf32, #tpu.memory_space<hbm>>
    %dma_wait3A_490 = arith.constant 0 : i32
    %dma_wait3A_491 = tpu.memref_slice %arg4[%mul3A_482, %dma_wait3A_490] : memref<819200x64xf32, #tpu.memory_space<hbm>> -> memref<128x64xf32, #tpu.memory_space<hbm>>
    %dma_wait3A_492 = arith.constant 0 : i32
    %dma_wait3A_493 = arith.constant 0 : i32
    %dma_wait3A_494 = tpu.memref_slice %arg6[%dma_wait3A_483, %dma_wait3A_492, %dma_wait3A_493] : memref<8x128x64xf32, #tpu.memory_space<vmem>> -> memref<1x128x64xf32, #tpu.memory_space<vmem>>
    %dma_wait3A_495 = tpu.memref_squeeze %dma_wait3A_494 : memref<1x128x64xf32, #tpu.memory_space<vmem>> -> memref<128x64xf32, #tpu.memory_space<vmem>>
    tpu.wait_dma2 semaphore(%arg20 : memref<!tpu.dma_semaphore, #tpu.memory_space<semaphore_mem>>) src(%dma_wait3A_495 : memref<128x64xf32, #tpu.memory_space<vmem>>) dst(%dma_wait3A_491 : memref<128x64xf32, #tpu.memory_space<hbm>>)
    %dma_start3A_496 = arith.constant 13 : i32
    %dma_start3A_497 = arith.constant 5 : i32
    %dma_start3A_498 = arith.constant 0 : i32
    %dma_start3A_499 = arith.constant 0 : i32
    %dma_start3A_500 = tpu.memref_slice %arg6[%dma_start3A_497, %dma_start3A_498, %dma_start3A_499] : memref<8x128x64xf32, #tpu.memory_space<vmem>> -> memref<1x128x64xf32, #tpu.memory_space<vmem>>
    %dma_start3A_501 = tpu.memref_squeeze %dma_start3A_500 : memref<1x128x64xf32, #tpu.memory_space<vmem>> -> memref<128x64xf32, #tpu.memory_space<vmem>>
    %dma_start3A_502 = arith.constant 0 : i32
    %dma_start3A_503 = tpu.memref_slice %arg5[%dma_start3A_496, %dma_start3A_502] : memref<200x128xi32, #tpu.memory_space<vmem>> -> memref<1x128xi32, #tpu.memory_space<vmem>>
    %dma_start3A_504 = tpu.memref_squeeze %dma_start3A_503 : memref<1x128xi32, #tpu.memory_space<vmem>> -> memref<128xi32, #tpu.memory_space<vmem>>
    %dma_start3A_505 = arith.constant 0 : i32
    %dma_start3A_506 = arith.constant 0 : i32
    %dma_start3A_507 = tpu.memref_slice %arg3[%dma_start3A_505, %dma_start3A_506] : memref<2000000x64xf32, #tpu.memory_space<hbm>> -> memref<2000000x64xf32, #tpu.memory_space<hbm>>
    tpu.enqueue_indirect_dma source(%dma_start3A_507 : memref<2000000x64xf32, #tpu.memory_space<hbm>>) target(%dma_start3A_501 : memref<128x64xf32, #tpu.memory_space<vmem>>) offsets(%dma_start3A_504 : memref<128xi32, #tpu.memory_space<vmem>>) semaphore(%arg12 : memref<!tpu.dma_semaphore, #tpu.memory_space<semaphore_mem>>)
    %scan3A_508 = arith.constant 0 : i32
    %scan3A_509 = arith.constant 1 : i32
    %scan3A_510 = arith.constant 23 : i32
    %scan3A_511 = arith.addi %scan3A_509, %scan3A_510 : i32
    %scan3A_512 = arith.constant 1 : i32
    scf.for %scan3A_940 = %scan3A_509 to %scan3A_511 step %scan3A_512  : i32 {
      %mul3A_941 = arith.constant 8 : i32
      %mul3A_942 = arith.muli %scan3A_940, %mul3A_941 : i32
      %add3A_943 = arith.constant 0 : i32
      %add3A_944 = arith.addi %mul3A_942, %add3A_943 : i32
      %dma_wait3A_945 = arith.constant 0 : i32
      %dma_wait3A_946 = arith.constant 0 : i32
      %dma_wait3A_947 = arith.constant 0 : i32
      %dma_wait3A_948 = tpu.memref_slice %arg6[%dma_wait3A_945, %dma_wait3A_946, %dma_wait3A_947] : memref<8x128x64xf32, #tpu.memory_space<vmem>> -> memref<1x128x64xf32, #tpu.memory_space<vmem>>
      %dma_wait3A_949 = tpu.memref_squeeze %dma_wait3A_948 : memref<1x128x64xf32, #tpu.memory_space<vmem>> -> memref<128x64xf32, #tpu.memory_space<vmem>>
      %dma_wait3A_950 = arith.constant 0 : i32
      %dma_wait3A_951 = tpu.memref_slice %arg5[%add3A_944, %dma_wait3A_950] : memref<200x128xi32, #tpu.memory_space<vmem>> -> memref<1x128xi32, #tpu.memory_space<vmem>>
      %dma_wait3A_952 = tpu.memref_squeeze %dma_wait3A_951 : memref<1x128xi32, #tpu.memory_space<vmem>> -> memref<128xi32, #tpu.memory_space<vmem>>
      %dma_wait3A_953 = arith.constant 0 : i32
      %dma_wait3A_954 = arith.constant 0 : i32
      %dma_wait3A_955 = tpu.memref_slice %arg3[%dma_wait3A_953, %dma_wait3A_954] : memref<2000000x64xf32, #tpu.memory_space<hbm>> -> memref<2000000x64xf32, #tpu.memory_space<hbm>>
      tpu.wait_indirect_dma semaphore(%arg7 : memref<!tpu.dma_semaphore, #tpu.memory_space<semaphore_mem>>) src(%dma_wait3A_955 : memref<2000000x64xf32, #tpu.memory_space<hbm>>) dst(%dma_wait3A_949 : memref<128x64xf32, #tpu.memory_space<vmem>>)
      %add3A_956 = arith.addi %mul3A_2, %add3A_944 : i32
      %mul3A_957 = arith.constant 128 : i32
      %mul3A_958 = arith.muli %add3A_956, %mul3A_957 : i32
      %dma_start3A_959 = arith.constant 0 : i32
      %dma_start3A_960 = arith.constant 0 : i32
      %dma_start3A_961 = arith.constant 0 : i32
      %dma_start3A_962 = tpu.memref_slice %arg6[%dma_start3A_959, %dma_start3A_960, %dma_start3A_961] : memref<8x128x64xf32, #tpu.memory_space<vmem>> -> memref<1x128x64xf32, #tpu.memory_space<vmem>>
      %dma_start3A_963 = tpu.memref_squeeze %dma_start3A_962 : memref<1x128x64xf32, #tpu.memory_space<vmem>> -> memref<128x64xf32, #tpu.memory_space<vmem>>
      %dma_start3A_964 = arith.constant 0 : i32
      %dma_start3A_965 = tpu.memref_slice %arg4[%mul3A_958, %dma_start3A_964] : memref<819200x64xf32, #tpu.memory_space<hbm>> -> memref<128x64xf32, #tpu.memory_space<hbm>>
      %dma_start3A_966 = arith.constant 0 : i32
      %dma_start3A_967 = tpu.memref_slice %arg4[%mul3A_958, %dma_start3A_966] : memref<819200x64xf32, #tpu.memory_space<hbm>> -> memref<128x64xf32, #tpu.memory_space<hbm>>
      %dma_start3A_968 = arith.constant 0 : i32
      %dma_start3A_969 = arith.constant 0 : i32
      %dma_start3A_970 = tpu.memref_slice %arg6[%dma_start3A_959, %dma_start3A_968, %dma_start3A_969] : memref<8x128x64xf32, #tpu.memory_space<vmem>> -> memref<1x128x64xf32, #tpu.memory_space<vmem>>
      %dma_start3A_971 = tpu.memref_squeeze %dma_start3A_970 : memref<1x128x64xf32, #tpu.memory_space<vmem>> -> memref<128x64xf32, #tpu.memory_space<vmem>>
      tpu.enqueue_dma source(%dma_start3A_971 : memref<128x64xf32, #tpu.memory_space<vmem>>) target(%dma_start3A_967 : memref<128x64xf32, #tpu.memory_space<hbm>>) target_semaphore(%arg15 : memref<!tpu.dma_semaphore, #tpu.memory_space<semaphore_mem>>)
      %sub3A = arith.constant 2 : i32
      %sub3A_972 = arith.subi %add3A_944, %sub3A : i32
      %add3A_973 = arith.addi %mul3A_2, %sub3A_972 : i32
      %mul3A_974 = arith.constant 128 : i32
      %mul3A_975 = arith.muli %add3A_973, %mul3A_974 : i32
      %dma_wait3A_976 = arith.constant 6 : i32
      %dma_wait3A_977 = arith.constant 0 : i32
      %dma_wait3A_978 = arith.constant 0 : i32
      %dma_wait3A_979 = tpu.memref_slice %arg6[%dma_wait3A_976, %dma_wait3A_977, %dma_wait3A_978] : memref<8x128x64xf32, #tpu.memory_space<vmem>> -> memref<1x128x64xf32, #tpu.memory_space<vmem>>
      %dma_wait3A_980 = tpu.memref_squeeze %dma_wait3A_979 : memref<1x128x64xf32, #tpu.memory_space<vmem>> -> memref<128x64xf32, #tpu.memory_space<vmem>>
      %dma_wait3A_981 = arith.constant 0 : i32
      %dma_wait3A_982 = tpu.memref_slice %arg4[%mul3A_975, %dma_wait3A_981] : memref<819200x64xf32, #tpu.memory_space<hbm>> -> memref<128x64xf32, #tpu.memory_space<hbm>>
      %dma_wait3A_983 = arith.constant 0 : i32
      %dma_wait3A_984 = tpu.memref_slice %arg4[%mul3A_975, %dma_wait3A_983] : memref<819200x64xf32, #tpu.memory_space<hbm>> -> memref<128x64xf32, #tpu.memory_space<hbm>>
      %dma_wait3A_985 = arith.constant 0 : i32
      %dma_wait3A_986 = arith.constant 0 : i32
      %dma_wait3A_987 = tpu.memref_slice %arg6[%dma_wait3A_976, %dma_wait3A_985, %dma_wait3A_986] : memref<8x128x64xf32, #tpu.memory_space<vmem>> -> memref<1x128x64xf32, #tpu.memory_space<vmem>>
      %dma_wait3A_988 = tpu.memref_squeeze %dma_wait3A_987 : memref<1x128x64xf32, #tpu.memory_space<vmem>> -> memref<128x64xf32, #tpu.memory_space<vmem>>
      tpu.wait_dma2 semaphore(%arg21 : memref<!tpu.dma_semaphore, #tpu.memory_space<semaphore_mem>>) src(%dma_wait3A_988 : memref<128x64xf32, #tpu.memory_space<vmem>>) dst(%dma_wait3A_984 : memref<128x64xf32, #tpu.memory_space<hbm>>)
      %add3A_989 = arith.constant 8 : i32
      %add3A_990 = arith.addi %add3A_944, %add3A_989 : i32
      %sub3A_991 = arith.constant 2 : i32
      %sub3A_992 = arith.subi %add3A_990, %sub3A_991 : i32
      %dma_start3A_993 = arith.constant 6 : i32
      %dma_start3A_994 = arith.constant 0 : i32
      %dma_start3A_995 = arith.constant 0 : i32
      %dma_start3A_996 = tpu.memref_slice %arg6[%dma_start3A_993, %dma_start3A_994, %dma_start3A_995] : memref<8x128x64xf32, #tpu.memory_space<vmem>> -> memref<1x128x64xf32, #tpu.memory_space<vmem>>
      %dma_start3A_997 = tpu.memref_squeeze %dma_start3A_996 : memref<1x128x64xf32, #tpu.memory_space<vmem>> -> memref<128x64xf32, #tpu.memory_space<vmem>>
      %dma_start3A_998 = arith.constant 0 : i32
      %dma_start3A_999 = tpu.memref_slice %arg5[%sub3A_992, %dma_start3A_998] : memref<200x128xi32, #tpu.memory_space<vmem>> -> memref<1x128xi32, #tpu.memory_space<vmem>>
      %dma_start3A_1000 = tpu.memref_squeeze %dma_start3A_999 : memref<1x128xi32, #tpu.memory_space<vmem>> -> memref<128xi32, #tpu.memory_space<vmem>>
      %dma_start3A_1001 = arith.constant 0 : i32
      %dma_start3A_1002 = arith.constant 0 : i32
      %dma_start3A_1003 = tpu.memref_slice %arg3[%dma_start3A_1001, %dma_start3A_1002] : memref<2000000x64xf32, #tpu.memory_space<hbm>> -> memref<2000000x64xf32, #tpu.memory_space<hbm>>
      tpu.enqueue_indirect_dma source(%dma_start3A_1003 : memref<2000000x64xf32, #tpu.memory_space<hbm>>) target(%dma_start3A_997 : memref<128x64xf32, #tpu.memory_space<vmem>>) offsets(%dma_start3A_1000 : memref<128xi32, #tpu.memory_space<vmem>>) semaphore(%arg13 : memref<!tpu.dma_semaphore, #tpu.memory_space<semaphore_mem>>)
      %mul3A_1004 = arith.constant 8 : i32
      %mul3A_1005 = arith.muli %scan3A_940, %mul3A_1004 : i32
      %add3A_1006 = arith.constant 1 : i32
      %add3A_1007 = arith.addi %mul3A_1005, %add3A_1006 : i32
      %dma_wait3A_1008 = arith.constant 1 : i32
      %dma_wait3A_1009 = arith.constant 0 : i32
      %dma_wait3A_1010 = arith.constant 0 : i32
      %dma_wait3A_1011 = tpu.memref_slice %arg6[%dma_wait3A_1008, %dma_wait3A_1009, %dma_wait3A_1010] : memref<8x128x64xf32, #tpu.memory_space<vmem>> -> memref<1x128x64xf32, #tpu.memory_space<vmem>>
      %dma_wait3A_1012 = tpu.memref_squeeze %dma_wait3A_1011 : memref<1x128x64xf32, #tpu.memory_space<vmem>> -> memref<128x64xf32, #tpu.memory_space<vmem>>
      %dma_wait3A_1013 = arith.constant 0 : i32
      %dma_wait3A_1014 = tpu.memref_slice %arg5[%add3A_1007, %dma_wait3A_1013] : memref<200x128xi32, #tpu.memory_space<vmem>> -> memref<1x128xi32, #tpu.memory_space<vmem>>
      %dma_wait3A_1015 = tpu.memref_squeeze %dma_wait3A_1014 : memref<1x128xi32, #tpu.memory_space<vmem>> -> memref<128xi32, #tpu.memory_space<vmem>>
      %dma_wait3A_1016 = arith.constant 0 : i32
      %dma_wait3A_1017 = arith.constant 0 : i32
      %dma_wait3A_1018 = tpu.memref_slice %arg3[%dma_wait3A_1016, %dma_wait3A_1017] : memref<2000000x64xf32, #tpu.memory_space<hbm>> -> memref<2000000x64xf32, #tpu.memory_space<hbm>>
      tpu.wait_indirect_dma semaphore(%arg8 : memref<!tpu.dma_semaphore, #tpu.memory_space<semaphore_mem>>) src(%dma_wait3A_1018 : memref<2000000x64xf32, #tpu.memory_space<hbm>>) dst(%dma_wait3A_1012 : memref<128x64xf32, #tpu.memory_space<vmem>>)
      %add3A_1019 = arith.addi %mul3A_2, %add3A_1007 : i32
      %mul3A_1020 = arith.constant 128 : i32
      %mul3A_1021 = arith.muli %add3A_1019, %mul3A_1020 : i32
      %dma_start3A_1022 = arith.constant 1 : i32
      %dma_start3A_1023 = arith.constant 0 : i32
      %dma_start3A_1024 = arith.constant 0 : i32
      %dma_start3A_1025 = tpu.memref_slice %arg6[%dma_start3A_1022, %dma_start3A_1023, %dma_start3A_1024] : memref<8x128x64xf32, #tpu.memory_space<vmem>> -> memref<1x128x64xf32, #tpu.memory_space<vmem>>
      %dma_start3A_1026 = tpu.memref_squeeze %dma_start3A_1025 : memref<1x128x64xf32, #tpu.memory_space<vmem>> -> memref<128x64xf32, #tpu.memory_space<vmem>>
      %dma_start3A_1027 = arith.constant 0 : i32
      %dma_start3A_1028 = tpu.memref_slice %arg4[%mul3A_1021, %dma_start3A_1027] : memref<819200x64xf32, #tpu.memory_space<hbm>> -> memref<128x64xf32, #tpu.memory_space<hbm>>
      %dma_start3A_1029 = arith.constant 0 : i32
      %dma_start3A_1030 = tpu.memref_slice %arg4[%mul3A_1021, %dma_start3A_1029] : memref<819200x64xf32, #tpu.memory_space<hbm>> -> memref<128x64xf32, #tpu.memory_space<hbm>>
      %dma_start3A_1031 = arith.constant 0 : i32
      %dma_start3A_1032 = arith.constant 0 : i32
      %dma_start3A_1033 = tpu.memref_slice %arg6[%dma_start3A_1022, %dma_start3A_1031, %dma_start3A_1032] : memref<8x128x64xf32, #tpu.memory_space<vmem>> -> memref<1x128x64xf32, #tpu.memory_space<vmem>>
      %dma_start3A_1034 = tpu.memref_squeeze %dma_start3A_1033 : memref<1x128x64xf32, #tpu.memory_space<vmem>> -> memref<128x64xf32, #tpu.memory_space<vmem>>
      tpu.enqueue_dma source(%dma_start3A_1034 : memref<128x64xf32, #tpu.memory_space<vmem>>) target(%dma_start3A_1030 : memref<128x64xf32, #tpu.memory_space<hbm>>) target_semaphore(%arg16 : memref<!tpu.dma_semaphore, #tpu.memory_space<semaphore_mem>>)
      %sub3A_1035 = arith.constant 2 : i32
      %sub3A_1036 = arith.subi %add3A_1007, %sub3A_1035 : i32
      %add3A_1037 = arith.addi %mul3A_2, %sub3A_1036 : i32
      %mul3A_1038 = arith.constant 128 : i32
      %mul3A_1039 = arith.muli %add3A_1037, %mul3A_1038 : i32
      %dma_wait3A_1040 = arith.constant 7 : i32
      %dma_wait3A_1041 = arith.constant 0 : i32
      %dma_wait3A_1042 = arith.constant 0 : i32
      %dma_wait3A_1043 = tpu.memref_slice %arg6[%dma_wait3A_1040, %dma_wait3A_1041, %dma_wait3A_1042] : memref<8x128x64xf32, #tpu.memory_space<vmem>> -> memref<1x128x64xf32, #tpu.memory_space<vmem>>
      %dma_wait3A_1044 = tpu.memref_squeeze %dma_wait3A_1043 : memref<1x128x64xf32, #tpu.memory_space<vmem>> -> memref<128x64xf32, #tpu.memory_space<vmem>>
      %dma_wait3A_1045 = arith.constant 0 : i32
      %dma_wait3A_1046 = tpu.memref_slice %arg4[%mul3A_1039, %dma_wait3A_1045] : memref<819200x64xf32, #tpu.memory_space<hbm>> -> memref<128x64xf32, #tpu.memory_space<hbm>>
      %dma_wait3A_1047 = arith.constant 0 : i32
      %dma_wait3A_1048 = tpu.memref_slice %arg4[%mul3A_1039, %dma_wait3A_1047] : memref<819200x64xf32, #tpu.memory_space<hbm>> -> memref<128x64xf32, #tpu.memory_space<hbm>>
      %dma_wait3A_1049 = arith.constant 0 : i32
      %dma_wait3A_1050 = arith.constant 0 : i32
      %dma_wait3A_1051 = tpu.memref_slice %arg6[%dma_wait3A_1040, %dma_wait3A_1049, %dma_wait3A_1050] : memref<8x128x64xf32, #tpu.memory_space<vmem>> -> memref<1x128x64xf32, #tpu.memory_space<vmem>>
      %dma_wait3A_1052 = tpu.memref_squeeze %dma_wait3A_1051 : memref<1x128x64xf32, #tpu.memory_space<vmem>> -> memref<128x64xf32, #tpu.memory_space<vmem>>
      tpu.wait_dma2 semaphore(%arg22 : memref<!tpu.dma_semaphore, #tpu.memory_space<semaphore_mem>>) src(%dma_wait3A_1052 : memref<128x64xf32, #tpu.memory_space<vmem>>) dst(%dma_wait3A_1048 : memref<128x64xf32, #tpu.memory_space<hbm>>)
      %add3A_1053 = arith.constant 8 : i32
      %add3A_1054 = arith.addi %add3A_1007, %add3A_1053 : i32
      %sub3A_1055 = arith.constant 2 : i32
      %sub3A_1056 = arith.subi %add3A_1054, %sub3A_1055 : i32
      %dma_start3A_1057 = arith.constant 7 : i32
      %dma_start3A_1058 = arith.constant 0 : i32
      %dma_start3A_1059 = arith.constant 0 : i32
      %dma_start3A_1060 = tpu.memref_slice %arg6[%dma_start3A_1057, %dma_start3A_1058, %dma_start3A_1059] : memref<8x128x64xf32, #tpu.memory_space<vmem>> -> memref<1x128x64xf32, #tpu.memory_space<vmem>>
      %dma_start3A_1061 = tpu.memref_squeeze %dma_start3A_1060 : memref<1x128x64xf32, #tpu.memory_space<vmem>> -> memref<128x64xf32, #tpu.memory_space<vmem>>
      %dma_start3A_1062 = arith.constant 0 : i32
      %dma_start3A_1063 = tpu.memref_slice %arg5[%sub3A_1056, %dma_start3A_1062] : memref<200x128xi32, #tpu.memory_space<vmem>> -> memref<1x128xi32, #tpu.memory_space<vmem>>
      %dma_start3A_1064 = tpu.memref_squeeze %dma_start3A_1063 : memref<1x128xi32, #tpu.memory_space<vmem>> -> memref<128xi32, #tpu.memory_space<vmem>>
      %dma_start3A_1065 = arith.constant 0 : i32
      %dma_start3A_1066 = arith.constant 0 : i32
      %dma_start3A_1067 = tpu.memref_slice %arg3[%dma_start3A_1065, %dma_start3A_1066] : memref<2000000x64xf32, #tpu.memory_space<hbm>> -> memref<2000000x64xf32, #tpu.memory_space<hbm>>
      tpu.enqueue_indirect_dma source(%dma_start3A_1067 : memref<2000000x64xf32, #tpu.memory_space<hbm>>) target(%dma_start3A_1061 : memref<128x64xf32, #tpu.memory_space<vmem>>) offsets(%dma_start3A_1064 : memref<128xi32, #tpu.memory_space<vmem>>) semaphore(%arg14 : memref<!tpu.dma_semaphore, #tpu.memory_space<semaphore_mem>>)
      %mul3A_1068 = arith.constant 8 : i32
      %mul3A_1069 = arith.muli %scan3A_940, %mul3A_1068 : i32
      %add3A_1070 = arith.constant 2 : i32
      %add3A_1071 = arith.addi %mul3A_1069, %add3A_1070 : i32
      %dma_wait3A_1072 = arith.constant 2 : i32
      %dma_wait3A_1073 = arith.constant 0 : i32
      %dma_wait3A_1074 = arith.constant 0 : i32
      %dma_wait3A_1075 = tpu.memref_slice %arg6[%dma_wait3A_1072, %dma_wait3A_1073, %dma_wait3A_1074] : memref<8x128x64xf32, #tpu.memory_space<vmem>> -> memref<1x128x64xf32, #tpu.memory_space<vmem>>
      %dma_wait3A_1076 = tpu.memref_squeeze %dma_wait3A_1075 : memref<1x128x64xf32, #tpu.memory_space<vmem>> -> memref<128x64xf32, #tpu.memory_space<vmem>>
      %dma_wait3A_1077 = arith.constant 0 : i32
      %dma_wait3A_1078 = tpu.memref_slice %arg5[%add3A_1071, %dma_wait3A_1077] : memref<200x128xi32, #tpu.memory_space<vmem>> -> memref<1x128xi32, #tpu.memory_space<vmem>>
      %dma_wait3A_1079 = tpu.memref_squeeze %dma_wait3A_1078 : memref<1x128xi32, #tpu.memory_space<vmem>> -> memref<128xi32, #tpu.memory_space<vmem>>
      %dma_wait3A_1080 = arith.constant 0 : i32
      %dma_wait3A_1081 = arith.constant 0 : i32
      %dma_wait3A_1082 = tpu.memref_slice %arg3[%dma_wait3A_1080, %dma_wait3A_1081] : memref<2000000x64xf32, #tpu.memory_space<hbm>> -> memref<2000000x64xf32, #tpu.memory_space<hbm>>
      tpu.wait_indirect_dma semaphore(%arg9 : memref<!tpu.dma_semaphore, #tpu.memory_space<semaphore_mem>>) src(%dma_wait3A_1082 : memref<2000000x64xf32, #tpu.memory_space<hbm>>) dst(%dma_wait3A_1076 : memref<128x64xf32, #tpu.memory_space<vmem>>)
      %add3A_1083 = arith.addi %mul3A_2, %add3A_1071 : i32
      %mul3A_1084 = arith.constant 128 : i32
      %mul3A_1085 = arith.muli %add3A_1083, %mul3A_1084 : i32
      %dma_start3A_1086 = arith.constant 2 : i32
      %dma_start3A_1087 = arith.constant 0 : i32
      %dma_start3A_1088 = arith.constant 0 : i32
      %dma_start3A_1089 = tpu.memref_slice %arg6[%dma_start3A_1086, %dma_start3A_1087, %dma_start3A_1088] : memref<8x128x64xf32, #tpu.memory_space<vmem>> -> memref<1x128x64xf32, #tpu.memory_space<vmem>>
      %dma_start3A_1090 = tpu.memref_squeeze %dma_start3A_1089 : memref<1x128x64xf32, #tpu.memory_space<vmem>> -> memref<128x64xf32, #tpu.memory_space<vmem>>
      %dma_start3A_1091 = arith.constant 0 : i32
      %dma_start3A_1092 = tpu.memref_slice %arg4[%mul3A_1085, %dma_start3A_1091] : memref<819200x64xf32, #tpu.memory_space<hbm>> -> memref<128x64xf32, #tpu.memory_space<hbm>>
      %dma_start3A_1093 = arith.constant 0 : i32
      %dma_start3A_1094 = tpu.memref_slice %arg4[%mul3A_1085, %dma_start3A_1093] : memref<819200x64xf32, #tpu.memory_space<hbm>> -> memref<128x64xf32, #tpu.memory_space<hbm>>
      %dma_start3A_1095 = arith.constant 0 : i32
      %dma_start3A_1096 = arith.constant 0 : i32
      %dma_start3A_1097 = tpu.memref_slice %arg6[%dma_start3A_1086, %dma_start3A_1095, %dma_start3A_1096] : memref<8x128x64xf32, #tpu.memory_space<vmem>> -> memref<1x128x64xf32, #tpu.memory_space<vmem>>
      %dma_start3A_1098 = tpu.memref_squeeze %dma_start3A_1097 : memref<1x128x64xf32, #tpu.memory_space<vmem>> -> memref<128x64xf32, #tpu.memory_space<vmem>>
      tpu.enqueue_dma source(%dma_start3A_1098 : memref<128x64xf32, #tpu.memory_space<vmem>>) target(%dma_start3A_1094 : memref<128x64xf32, #tpu.memory_space<hbm>>) target_semaphore(%arg17 : memref<!tpu.dma_semaphore, #tpu.memory_space<semaphore_mem>>)
      %sub3A_1099 = arith.constant 2 : i32
      %sub3A_1100 = arith.subi %add3A_1071, %sub3A_1099 : i32
      %add3A_1101 = arith.addi %mul3A_2, %sub3A_1100 : i32
      %mul3A_1102 = arith.constant 128 : i32
      %mul3A_1103 = arith.muli %add3A_1101, %mul3A_1102 : i32
      %dma_wait3A_1104 = arith.constant 0 : i32
      %dma_wait3A_1105 = arith.constant 0 : i32
      %dma_wait3A_1106 = arith.constant 0 : i32
      %dma_wait3A_1107 = tpu.memref_slice %arg6[%dma_wait3A_1104, %dma_wait3A_1105, %dma_wait3A_1106] : memref<8x128x64xf32, #tpu.memory_space<vmem>> -> memref<1x128x64xf32, #tpu.memory_space<vmem>>
      %dma_wait3A_1108 = tpu.memref_squeeze %dma_wait3A_1107 : memref<1x128x64xf32, #tpu.memory_space<vmem>> -> memref<128x64xf32, #tpu.memory_space<vmem>>
      %dma_wait3A_1109 = arith.constant 0 : i32
      %dma_wait3A_1110 = tpu.memref_slice %arg4[%mul3A_1103, %dma_wait3A_1109] : memref<819200x64xf32, #tpu.memory_space<hbm>> -> memref<128x64xf32, #tpu.memory_space<hbm>>
      %dma_wait3A_1111 = arith.constant 0 : i32
      %dma_wait3A_1112 = tpu.memref_slice %arg4[%mul3A_1103, %dma_wait3A_1111] : memref<819200x64xf32, #tpu.memory_space<hbm>> -> memref<128x64xf32, #tpu.memory_space<hbm>>
      %dma_wait3A_1113 = arith.constant 0 : i32
      %dma_wait3A_1114 = arith.constant 0 : i32
      %dma_wait3A_1115 = tpu.memref_slice %arg6[%dma_wait3A_1104, %dma_wait3A_1113, %dma_wait3A_1114] : memref<8x128x64xf32, #tpu.memory_space<vmem>> -> memref<1x128x64xf32, #tpu.memory_space<vmem>>
      %dma_wait3A_1116 = tpu.memref_squeeze %dma_wait3A_1115 : memref<1x128x64xf32, #tpu.memory_space<vmem>> -> memref<128x64xf32, #tpu.memory_space<vmem>>
      tpu.wait_dma2 semaphore(%arg15 : memref<!tpu.dma_semaphore, #tpu.memory_space<semaphore_mem>>) src(%dma_wait3A_1116 : memref<128x64xf32, #tpu.memory_space<vmem>>) dst(%dma_wait3A_1112 : memref<128x64xf32, #tpu.memory_space<hbm>>)
      %add3A_1117 = arith.constant 8 : i32
      %add3A_1118 = arith.addi %add3A_1071, %add3A_1117 : i32
      %sub3A_1119 = arith.constant 2 : i32
      %sub3A_1120 = arith.subi %add3A_1118, %sub3A_1119 : i32
      %dma_start3A_1121 = arith.constant 0 : i32
      %dma_start3A_1122 = arith.constant 0 : i32
      %dma_start3A_1123 = arith.constant 0 : i32
      %dma_start3A_1124 = tpu.memref_slice %arg6[%dma_start3A_1121, %dma_start3A_1122, %dma_start3A_1123] : memref<8x128x64xf32, #tpu.memory_space<vmem>> -> memref<1x128x64xf32, #tpu.memory_space<vmem>>
      %dma_start3A_1125 = tpu.memref_squeeze %dma_start3A_1124 : memref<1x128x64xf32, #tpu.memory_space<vmem>> -> memref<128x64xf32, #tpu.memory_space<vmem>>
      %dma_start3A_1126 = arith.constant 0 : i32
      %dma_start3A_1127 = tpu.memref_slice %arg5[%sub3A_1120, %dma_start3A_1126] : memref<200x128xi32, #tpu.memory_space<vmem>> -> memref<1x128xi32, #tpu.memory_space<vmem>>
      %dma_start3A_1128 = tpu.memref_squeeze %dma_start3A_1127 : memref<1x128xi32, #tpu.memory_space<vmem>> -> memref<128xi32, #tpu.memory_space<vmem>>
      %dma_start3A_1129 = arith.constant 0 : i32
      %dma_start3A_1130 = arith.constant 0 : i32
      %dma_start3A_1131 = tpu.memref_slice %arg3[%dma_start3A_1129, %dma_start3A_1130] : memref<2000000x64xf32, #tpu.memory_space<hbm>> -> memref<2000000x64xf32, #tpu.memory_space<hbm>>
      tpu.enqueue_indirect_dma source(%dma_start3A_1131 : memref<2000000x64xf32, #tpu.memory_space<hbm>>) target(%dma_start3A_1125 : memref<128x64xf32, #tpu.memory_space<vmem>>) offsets(%dma_start3A_1128 : memref<128xi32, #tpu.memory_space<vmem>>) semaphore(%arg7 : memref<!tpu.dma_semaphore, #tpu.memory_space<semaphore_mem>>)
      %mul3A_1132 = arith.constant 8 : i32
      %mul3A_1133 = arith.muli %scan3A_940, %mul3A_1132 : i32
      %add3A_1134 = arith.constant 3 : i32
      %add3A_1135 = arith.addi %mul3A_1133, %add3A_1134 : i32
      %dma_wait3A_1136 = arith.constant 3 : i32
      %dma_wait3A_1137 = arith.constant 0 : i32
      %dma_wait3A_1138 = arith.constant 0 : i32
      %dma_wait3A_1139 = tpu.memref_slice %arg6[%dma_wait3A_1136, %dma_wait3A_1137, %dma_wait3A_1138] : memref<8x128x64xf32, #tpu.memory_space<vmem>> -> memref<1x128x64xf32, #tpu.memory_space<vmem>>
      %dma_wait3A_1140 = tpu.memref_squeeze %dma_wait3A_1139 : memref<1x128x64xf32, #tpu.memory_space<vmem>> -> memref<128x64xf32, #tpu.memory_space<vmem>>
      %dma_wait3A_1141 = arith.constant 0 : i32
      %dma_wait3A_1142 = tpu.memref_slice %arg5[%add3A_1135, %dma_wait3A_1141] : memref<200x128xi32, #tpu.memory_space<vmem>> -> memref<1x128xi32, #tpu.memory_space<vmem>>
      %dma_wait3A_1143 = tpu.memref_squeeze %dma_wait3A_1142 : memref<1x128xi32, #tpu.memory_space<vmem>> -> memref<128xi32, #tpu.memory_space<vmem>>
      %dma_wait3A_1144 = arith.constant 0 : i32
      %dma_wait3A_1145 = arith.constant 0 : i32
      %dma_wait3A_1146 = tpu.memref_slice %arg3[%dma_wait3A_1144, %dma_wait3A_1145] : memref<2000000x64xf32, #tpu.memory_space<hbm>> -> memref<2000000x64xf32, #tpu.memory_space<hbm>>
      tpu.wait_indirect_dma semaphore(%arg10 : memref<!tpu.dma_semaphore, #tpu.memory_space<semaphore_mem>>) src(%dma_wait3A_1146 : memref<2000000x64xf32, #tpu.memory_space<hbm>>) dst(%dma_wait3A_1140 : memref<128x64xf32, #tpu.memory_space<vmem>>)
      %add3A_1147 = arith.addi %mul3A_2, %add3A_1135 : i32
      %mul3A_1148 = arith.constant 128 : i32
      %mul3A_1149 = arith.muli %add3A_1147, %mul3A_1148 : i32
      %dma_start3A_1150 = arith.constant 3 : i32
      %dma_start3A_1151 = arith.constant 0 : i32
      %dma_start3A_1152 = arith.constant 0 : i32
      %dma_start3A_1153 = tpu.memref_slice %arg6[%dma_start3A_1150, %dma_start3A_1151, %dma_start3A_1152] : memref<8x128x64xf32, #tpu.memory_space<vmem>> -> memref<1x128x64xf32, #tpu.memory_space<vmem>>
      %dma_start3A_1154 = tpu.memref_squeeze %dma_start3A_1153 : memref<1x128x64xf32, #tpu.memory_space<vmem>> -> memref<128x64xf32, #tpu.memory_space<vmem>>
      %dma_start3A_1155 = arith.constant 0 : i32
      %dma_start3A_1156 = tpu.memref_slice %arg4[%mul3A_1149, %dma_start3A_1155] : memref<819200x64xf32, #tpu.memory_space<hbm>> -> memref<128x64xf32, #tpu.memory_space<hbm>>
      %dma_start3A_1157 = arith.constant 0 : i32
      %dma_start3A_1158 = tpu.memref_slice %arg4[%mul3A_1149, %dma_start3A_1157] : memref<819200x64xf32, #tpu.memory_space<hbm>> -> memref<128x64xf32, #tpu.memory_space<hbm>>
      %dma_start3A_1159 = arith.constant 0 : i32
      %dma_start3A_1160 = arith.constant 0 : i32
      %dma_start3A_1161 = tpu.memref_slice %arg6[%dma_start3A_1150, %dma_start3A_1159, %dma_start3A_1160] : memref<8x128x64xf32, #tpu.memory_space<vmem>> -> memref<1x128x64xf32, #tpu.memory_space<vmem>>
      %dma_start3A_1162 = tpu.memref_squeeze %dma_start3A_1161 : memref<1x128x64xf32, #tpu.memory_space<vmem>> -> memref<128x64xf32, #tpu.memory_space<vmem>>
      tpu.enqueue_dma source(%dma_start3A_1162 : memref<128x64xf32, #tpu.memory_space<vmem>>) target(%dma_start3A_1158 : memref<128x64xf32, #tpu.memory_space<hbm>>) target_semaphore(%arg18 : memref<!tpu.dma_semaphore, #tpu.memory_space<semaphore_mem>>)
      %sub3A_1163 = arith.constant 2 : i32
      %sub3A_1164 = arith.subi %add3A_1135, %sub3A_1163 : i32
      %add3A_1165 = arith.addi %mul3A_2, %sub3A_1164 : i32
      %mul3A_1166 = arith.constant 128 : i32
      %mul3A_1167 = arith.muli %add3A_1165, %mul3A_1166 : i32
      %dma_wait3A_1168 = arith.constant 1 : i32
      %dma_wait3A_1169 = arith.constant 0 : i32
      %dma_wait3A_1170 = arith.constant 0 : i32
      %dma_wait3A_1171 = tpu.memref_slice %arg6[%dma_wait3A_1168, %dma_wait3A_1169, %dma_wait3A_1170] : memref<8x128x64xf32, #tpu.memory_space<vmem>> -> memref<1x128x64xf32, #tpu.memory_space<vmem>>
      %dma_wait3A_1172 = tpu.memref_squeeze %dma_wait3A_1171 : memref<1x128x64xf32, #tpu.memory_space<vmem>> -> memref<128x64xf32, #tpu.memory_space<vmem>>
      %dma_wait3A_1173 = arith.constant 0 : i32
      %dma_wait3A_1174 = tpu.memref_slice %arg4[%mul3A_1167, %dma_wait3A_1173] : memref<819200x64xf32, #tpu.memory_space<hbm>> -> memref<128x64xf32, #tpu.memory_space<hbm>>
      %dma_wait3A_1175 = arith.constant 0 : i32
      %dma_wait3A_1176 = tpu.memref_slice %arg4[%mul3A_1167, %dma_wait3A_1175] : memref<819200x64xf32, #tpu.memory_space<hbm>> -> memref<128x64xf32, #tpu.memory_space<hbm>>
      %dma_wait3A_1177 = arith.constant 0 : i32
      %dma_wait3A_1178 = arith.constant 0 : i32
      %dma_wait3A_1179 = tpu.memref_slice %arg6[%dma_wait3A_1168, %dma_wait3A_1177, %dma_wait3A_1178] : memref<8x128x64xf32, #tpu.memory_space<vmem>> -> memref<1x128x64xf32, #tpu.memory_space<vmem>>
      %dma_wait3A_1180 = tpu.memref_squeeze %dma_wait3A_1179 : memref<1x128x64xf32, #tpu.memory_space<vmem>> -> memref<128x64xf32, #tpu.memory_space<vmem>>
      tpu.wait_dma2 semaphore(%arg16 : memref<!tpu.dma_semaphore, #tpu.memory_space<semaphore_mem>>) src(%dma_wait3A_1180 : memref<128x64xf32, #tpu.memory_space<vmem>>) dst(%dma_wait3A_1176 : memref<128x64xf32, #tpu.memory_space<hbm>>)
      %add3A_1181 = arith.constant 8 : i32
      %add3A_1182 = arith.addi %add3A_1135, %add3A_1181 : i32
      %sub3A_1183 = arith.constant 2 : i32
      %sub3A_1184 = arith.subi %add3A_1182, %sub3A_1183 : i32
      %dma_start3A_1185 = arith.constant 1 : i32
      %dma_start3A_1186 = arith.constant 0 : i32
      %dma_start3A_1187 = arith.constant 0 : i32
      %dma_start3A_1188 = tpu.memref_slice %arg6[%dma_start3A_1185, %dma_start3A_1186, %dma_start3A_1187] : memref<8x128x64xf32, #tpu.memory_space<vmem>> -> memref<1x128x64xf32, #tpu.memory_space<vmem>>
      %dma_start3A_1189 = tpu.memref_squeeze %dma_start3A_1188 : memref<1x128x64xf32, #tpu.memory_space<vmem>> -> memref<128x64xf32, #tpu.memory_space<vmem>>
      %dma_start3A_1190 = arith.constant 0 : i32
      %dma_start3A_1191 = tpu.memref_slice %arg5[%sub3A_1184, %dma_start3A_1190] : memref<200x128xi32, #tpu.memory_space<vmem>> -> memref<1x128xi32, #tpu.memory_space<vmem>>
      %dma_start3A_1192 = tpu.memref_squeeze %dma_start3A_1191 : memref<1x128xi32, #tpu.memory_space<vmem>> -> memref<128xi32, #tpu.memory_space<vmem>>
      %dma_start3A_1193 = arith.constant 0 : i32
      %dma_start3A_1194 = arith.constant 0 : i32
      %dma_start3A_1195 = tpu.memref_slice %arg3[%dma_start3A_1193, %dma_start3A_1194] : memref<2000000x64xf32, #tpu.memory_space<hbm>> -> memref<2000000x64xf32, #tpu.memory_space<hbm>>
      tpu.enqueue_indirect_dma source(%dma_start3A_1195 : memref<2000000x64xf32, #tpu.memory_space<hbm>>) target(%dma_start3A_1189 : memref<128x64xf32, #tpu.memory_space<vmem>>) offsets(%dma_start3A_1192 : memref<128xi32, #tpu.memory_space<vmem>>) semaphore(%arg8 : memref<!tpu.dma_semaphore, #tpu.memory_space<semaphore_mem>>)
      %mul3A_1196 = arith.constant 8 : i32
      %mul3A_1197 = arith.muli %scan3A_940, %mul3A_1196 : i32
      %add3A_1198 = arith.constant 4 : i32
      %add3A_1199 = arith.addi %mul3A_1197, %add3A_1198 : i32
      %dma_wait3A_1200 = arith.constant 4 : i32
      %dma_wait3A_1201 = arith.constant 0 : i32
      %dma_wait3A_1202 = arith.constant 0 : i32
      %dma_wait3A_1203 = tpu.memref_slice %arg6[%dma_wait3A_1200, %dma_wait3A_1201, %dma_wait3A_1202] : memref<8x128x64xf32, #tpu.memory_space<vmem>> -> memref<1x128x64xf32, #tpu.memory_space<vmem>>
      %dma_wait3A_1204 = tpu.memref_squeeze %dma_wait3A_1203 : memref<1x128x64xf32, #tpu.memory_space<vmem>> -> memref<128x64xf32, #tpu.memory_space<vmem>>
      %dma_wait3A_1205 = arith.constant 0 : i32
      %dma_wait3A_1206 = tpu.memref_slice %arg5[%add3A_1199, %dma_wait3A_1205] : memref<200x128xi32, #tpu.memory_space<vmem>> -> memref<1x128xi32, #tpu.memory_space<vmem>>
      %dma_wait3A_1207 = tpu.memref_squeeze %dma_wait3A_1206 : memref<1x128xi32, #tpu.memory_space<vmem>> -> memref<128xi32, #tpu.memory_space<vmem>>
      %dma_wait3A_1208 = arith.constant 0 : i32
      %dma_wait3A_1209 = arith.constant 0 : i32
      %dma_wait3A_1210 = tpu.memref_slice %arg3[%dma_wait3A_1208, %dma_wait3A_1209] : memref<2000000x64xf32, #tpu.memory_space<hbm>> -> memref<2000000x64xf32, #tpu.memory_space<hbm>>
      tpu.wait_indirect_dma semaphore(%arg11 : memref<!tpu.dma_semaphore, #tpu.memory_space<semaphore_mem>>) src(%dma_wait3A_1210 : memref<2000000x64xf32, #tpu.memory_space<hbm>>) dst(%dma_wait3A_1204 : memref<128x64xf32, #tpu.memory_space<vmem>>)
      %add3A_1211 = arith.addi %mul3A_2, %add3A_1199 : i32
      %mul3A_1212 = arith.constant 128 : i32
      %mul3A_1213 = arith.muli %add3A_1211, %mul3A_1212 : i32
      %dma_start3A_1214 = arith.constant 4 : i32
      %dma_start3A_1215 = arith.constant 0 : i32
      %dma_start3A_1216 = arith.constant 0 : i32
      %dma_start3A_1217 = tpu.memref_slice %arg6[%dma_start3A_1214, %dma_start3A_1215, %dma_start3A_1216] : memref<8x128x64xf32, #tpu.memory_space<vmem>> -> memref<1x128x64xf32, #tpu.memory_space<vmem>>
      %dma_start3A_1218 = tpu.memref_squeeze %dma_start3A_1217 : memref<1x128x64xf32, #tpu.memory_space<vmem>> -> memref<128x64xf32, #tpu.memory_space<vmem>>
      %dma_start3A_1219 = arith.constant 0 : i32
      %dma_start3A_1220 = tpu.memref_slice %arg4[%mul3A_1213, %dma_start3A_1219] : memref<819200x64xf32, #tpu.memory_space<hbm>> -> memref<128x64xf32, #tpu.memory_space<hbm>>
      %dma_start3A_1221 = arith.constant 0 : i32
      %dma_start3A_1222 = tpu.memref_slice %arg4[%mul3A_1213, %dma_start3A_1221] : memref<819200x64xf32, #tpu.memory_space<hbm>> -> memref<128x64xf32, #tpu.memory_space<hbm>>
      %dma_start3A_1223 = arith.constant 0 : i32
      %dma_start3A_1224 = arith.constant 0 : i32
      %dma_start3A_1225 = tpu.memref_slice %arg6[%dma_start3A_1214, %dma_start3A_1223, %dma_start3A_1224] : memref<8x128x64xf32, #tpu.memory_space<vmem>> -> memref<1x128x64xf32, #tpu.memory_space<vmem>>
      %dma_start3A_1226 = tpu.memref_squeeze %dma_start3A_1225 : memref<1x128x64xf32, #tpu.memory_space<vmem>> -> memref<128x64xf32, #tpu.memory_space<vmem>>
      tpu.enqueue_dma source(%dma_start3A_1226 : memref<128x64xf32, #tpu.memory_space<vmem>>) target(%dma_start3A_1222 : memref<128x64xf32, #tpu.memory_space<hbm>>) target_semaphore(%arg19 : memref<!tpu.dma_semaphore, #tpu.memory_space<semaphore_mem>>)
      %sub3A_1227 = arith.constant 2 : i32
      %sub3A_1228 = arith.subi %add3A_1199, %sub3A_1227 : i32
      %add3A_1229 = arith.addi %mul3A_2, %sub3A_1228 : i32
      %mul3A_1230 = arith.constant 128 : i32
      %mul3A_1231 = arith.muli %add3A_1229, %mul3A_1230 : i32
      %dma_wait3A_1232 = arith.constant 2 : i32
      %dma_wait3A_1233 = arith.constant 0 : i32
      %dma_wait3A_1234 = arith.constant 0 : i32
      %dma_wait3A_1235 = tpu.memref_slice %arg6[%dma_wait3A_1232, %dma_wait3A_1233, %dma_wait3A_1234] : memref<8x128x64xf32, #tpu.memory_space<vmem>> -> memref<1x128x64xf32, #tpu.memory_space<vmem>>
      %dma_wait3A_1236 = tpu.memref_squeeze %dma_wait3A_1235 : memref<1x128x64xf32, #tpu.memory_space<vmem>> -> memref<128x64xf32, #tpu.memory_space<vmem>>
      %dma_wait3A_1237 = arith.constant 0 : i32
      %dma_wait3A_1238 = tpu.memref_slice %arg4[%mul3A_1231, %dma_wait3A_1237] : memref<819200x64xf32, #tpu.memory_space<hbm>> -> memref<128x64xf32, #tpu.memory_space<hbm>>
      %dma_wait3A_1239 = arith.constant 0 : i32
      %dma_wait3A_1240 = tpu.memref_slice %arg4[%mul3A_1231, %dma_wait3A_1239] : memref<819200x64xf32, #tpu.memory_space<hbm>> -> memref<128x64xf32, #tpu.memory_space<hbm>>
      %dma_wait3A_1241 = arith.constant 0 : i32
      %dma_wait3A_1242 = arith.constant 0 : i32
      %dma_wait3A_1243 = tpu.memref_slice %arg6[%dma_wait3A_1232, %dma_wait3A_1241, %dma_wait3A_1242] : memref<8x128x64xf32, #tpu.memory_space<vmem>> -> memref<1x128x64xf32, #tpu.memory_space<vmem>>
      %dma_wait3A_1244 = tpu.memref_squeeze %dma_wait3A_1243 : memref<1x128x64xf32, #tpu.memory_space<vmem>> -> memref<128x64xf32, #tpu.memory_space<vmem>>
      tpu.wait_dma2 semaphore(%arg17 : memref<!tpu.dma_semaphore, #tpu.memory_space<semaphore_mem>>) src(%dma_wait3A_1244 : memref<128x64xf32, #tpu.memory_space<vmem>>) dst(%dma_wait3A_1240 : memref<128x64xf32, #tpu.memory_space<hbm>>)
      %add3A_1245 = arith.constant 8 : i32
      %add3A_1246 = arith.addi %add3A_1199, %add3A_1245 : i32
      %sub3A_1247 = arith.constant 2 : i32
      %sub3A_1248 = arith.subi %add3A_1246, %sub3A_1247 : i32
      %dma_start3A_1249 = arith.constant 2 : i32
      %dma_start3A_1250 = arith.constant 0 : i32
      %dma_start3A_1251 = arith.constant 0 : i32
      %dma_start3A_1252 = tpu.memref_slice %arg6[%dma_start3A_1249, %dma_start3A_1250, %dma_start3A_1251] : memref<8x128x64xf32, #tpu.memory_space<vmem>> -> memref<1x128x64xf32, #tpu.memory_space<vmem>>
      %dma_start3A_1253 = tpu.memref_squeeze %dma_start3A_1252 : memref<1x128x64xf32, #tpu.memory_space<vmem>> -> memref<128x64xf32, #tpu.memory_space<vmem>>
      %dma_start3A_1254 = arith.constant 0 : i32
      %dma_start3A_1255 = tpu.memref_slice %arg5[%sub3A_1248, %dma_start3A_1254] : memref<200x128xi32, #tpu.memory_space<vmem>> -> memref<1x128xi32, #tpu.memory_space<vmem>>
      %dma_start3A_1256 = tpu.memref_squeeze %dma_start3A_1255 : memref<1x128xi32, #tpu.memory_space<vmem>> -> memref<128xi32, #tpu.memory_space<vmem>>
      %dma_start3A_1257 = arith.constant 0 : i32
      %dma_start3A_1258 = arith.constant 0 : i32
      %dma_start3A_1259 = tpu.memref_slice %arg3[%dma_start3A_1257, %dma_start3A_1258] : memref<2000000x64xf32, #tpu.memory_space<hbm>> -> memref<2000000x64xf32, #tpu.memory_space<hbm>>
      tpu.enqueue_indirect_dma source(%dma_start3A_1259 : memref<2000000x64xf32, #tpu.memory_space<hbm>>) target(%dma_start3A_1253 : memref<128x64xf32, #tpu.memory_space<vmem>>) offsets(%dma_start3A_1256 : memref<128xi32, #tpu.memory_space<vmem>>) semaphore(%arg9 : memref<!tpu.dma_semaphore, #tpu.memory_space<semaphore_mem>>)
      %mul3A_1260 = arith.constant 8 : i32
      %mul3A_1261 = arith.muli %scan3A_940, %mul3A_1260 : i32
      %add3A_1262 = arith.constant 5 : i32
      %add3A_1263 = arith.addi %mul3A_1261, %add3A_1262 : i32
      %dma_wait3A_1264 = arith.constant 5 : i32
      %dma_wait3A_1265 = arith.constant 0 : i32
      %dma_wait3A_1266 = arith.constant 0 : i32
      %dma_wait3A_1267 = tpu.memref_slice %arg6[%dma_wait3A_1264, %dma_wait3A_1265, %dma_wait3A_1266] : memref<8x128x64xf32, #tpu.memory_space<vmem>> -> memref<1x128x64xf32, #tpu.memory_space<vmem>>
      %dma_wait3A_1268 = tpu.memref_squeeze %dma_wait3A_1267 : memref<1x128x64xf32, #tpu.memory_space<vmem>> -> memref<128x64xf32, #tpu.memory_space<vmem>>
      %dma_wait3A_1269 = arith.constant 0 : i32
      %dma_wait3A_1270 = tpu.memref_slice %arg5[%add3A_1263, %dma_wait3A_1269] : memref<200x128xi32, #tpu.memory_space<vmem>> -> memref<1x128xi32, #tpu.memory_space<vmem>>
      %dma_wait3A_1271 = tpu.memref_squeeze %dma_wait3A_1270 : memref<1x128xi32, #tpu.memory_space<vmem>> -> memref<128xi32, #tpu.memory_space<vmem>>
      %dma_wait3A_1272 = arith.constant 0 : i32
      %dma_wait3A_1273 = arith.constant 0 : i32
      %dma_wait3A_1274 = tpu.memref_slice %arg3[%dma_wait3A_1272, %dma_wait3A_1273] : memref<2000000x64xf32, #tpu.memory_space<hbm>> -> memref<2000000x64xf32, #tpu.memory_space<hbm>>
      tpu.wait_indirect_dma semaphore(%arg12 : memref<!tpu.dma_semaphore, #tpu.memory_space<semaphore_mem>>) src(%dma_wait3A_1274 : memref<2000000x64xf32, #tpu.memory_space<hbm>>) dst(%dma_wait3A_1268 : memref<128x64xf32, #tpu.memory_space<vmem>>)
      %add3A_1275 = arith.addi %mul3A_2, %add3A_1263 : i32
      %mul3A_1276 = arith.constant 128 : i32
      %mul3A_1277 = arith.muli %add3A_1275, %mul3A_1276 : i32
      %dma_start3A_1278 = arith.constant 5 : i32
      %dma_start3A_1279 = arith.constant 0 : i32
      %dma_start3A_1280 = arith.constant 0 : i32
      %dma_start3A_1281 = tpu.memref_slice %arg6[%dma_start3A_1278, %dma_start3A_1279, %dma_start3A_1280] : memref<8x128x64xf32, #tpu.memory_space<vmem>> -> memref<1x128x64xf32, #tpu.memory_space<vmem>>
      %dma_start3A_1282 = tpu.memref_squeeze %dma_start3A_1281 : memref<1x128x64xf32, #tpu.memory_space<vmem>> -> memref<128x64xf32, #tpu.memory_space<vmem>>
      %dma_start3A_1283 = arith.constant 0 : i32
      %dma_start3A_1284 = tpu.memref_slice %arg4[%mul3A_1277, %dma_start3A_1283] : memref<819200x64xf32, #tpu.memory_space<hbm>> -> memref<128x64xf32, #tpu.memory_space<hbm>>
      %dma_start3A_1285 = arith.constant 0 : i32
      %dma_start3A_1286 = tpu.memref_slice %arg4[%mul3A_1277, %dma_start3A_1285] : memref<819200x64xf32, #tpu.memory_space<hbm>> -> memref<128x64xf32, #tpu.memory_space<hbm>>
      %dma_start3A_1287 = arith.constant 0 : i32
      %dma_start3A_1288 = arith.constant 0 : i32
      %dma_start3A_1289 = tpu.memref_slice %arg6[%dma_start3A_1278, %dma_start3A_1287, %dma_start3A_1288] : memref<8x128x64xf32, #tpu.memory_space<vmem>> -> memref<1x128x64xf32, #tpu.memory_space<vmem>>
      %dma_start3A_1290 = tpu.memref_squeeze %dma_start3A_1289 : memref<1x128x64xf32, #tpu.memory_space<vmem>> -> memref<128x64xf32, #tpu.memory_space<vmem>>
      tpu.enqueue_dma source(%dma_start3A_1290 : memref<128x64xf32, #tpu.memory_space<vmem>>) target(%dma_start3A_1286 : memref<128x64xf32, #tpu.memory_space<hbm>>) target_semaphore(%arg20 : memref<!tpu.dma_semaphore, #tpu.memory_space<semaphore_mem>>)
      %sub3A_1291 = arith.constant 2 : i32
      %sub3A_1292 = arith.subi %add3A_1263, %sub3A_1291 : i32
      %add3A_1293 = arith.addi %mul3A_2, %sub3A_1292 : i32
      %mul3A_1294 = arith.constant 128 : i32
      %mul3A_1295 = arith.muli %add3A_1293, %mul3A_1294 : i32
      %dma_wait3A_1296 = arith.constant 3 : i32
      %dma_wait3A_1297 = arith.constant 0 : i32
      %dma_wait3A_1298 = arith.constant 0 : i32
      %dma_wait3A_1299 = tpu.memref_slice %arg6[%dma_wait3A_1296, %dma_wait3A_1297, %dma_wait3A_1298] : memref<8x128x64xf32, #tpu.memory_space<vmem>> -> memref<1x128x64xf32, #tpu.memory_space<vmem>>
      %dma_wait3A_1300 = tpu.memref_squeeze %dma_wait3A_1299 : memref<1x128x64xf32, #tpu.memory_space<vmem>> -> memref<128x64xf32, #tpu.memory_space<vmem>>
      %dma_wait3A_1301 = arith.constant 0 : i32
      %dma_wait3A_1302 = tpu.memref_slice %arg4[%mul3A_1295, %dma_wait3A_1301] : memref<819200x64xf32, #tpu.memory_space<hbm>> -> memref<128x64xf32, #tpu.memory_space<hbm>>
      %dma_wait3A_1303 = arith.constant 0 : i32
      %dma_wait3A_1304 = tpu.memref_slice %arg4[%mul3A_1295, %dma_wait3A_1303] : memref<819200x64xf32, #tpu.memory_space<hbm>> -> memref<128x64xf32, #tpu.memory_space<hbm>>
      %dma_wait3A_1305 = arith.constant 0 : i32
      %dma_wait3A_1306 = arith.constant 0 : i32
      %dma_wait3A_1307 = tpu.memref_slice %arg6[%dma_wait3A_1296, %dma_wait3A_1305, %dma_wait3A_1306] : memref<8x128x64xf32, #tpu.memory_space<vmem>> -> memref<1x128x64xf32, #tpu.memory_space<vmem>>
      %dma_wait3A_1308 = tpu.memref_squeeze %dma_wait3A_1307 : memref<1x128x64xf32, #tpu.memory_space<vmem>> -> memref<128x64xf32, #tpu.memory_space<vmem>>
      tpu.wait_dma2 semaphore(%arg18 : memref<!tpu.dma_semaphore, #tpu.memory_space<semaphore_mem>>) src(%dma_wait3A_1308 : memref<128x64xf32, #tpu.memory_space<vmem>>) dst(%dma_wait3A_1304 : memref<128x64xf32, #tpu.memory_space<hbm>>)
      %add3A_1309 = arith.constant 8 : i32
      %add3A_1310 = arith.addi %add3A_1263, %add3A_1309 : i32
      %sub3A_1311 = arith.constant 2 : i32
      %sub3A_1312 = arith.subi %add3A_1310, %sub3A_1311 : i32
      %dma_start3A_1313 = arith.constant 3 : i32
      %dma_start3A_1314 = arith.constant 0 : i32
      %dma_start3A_1315 = arith.constant 0 : i32
      %dma_start3A_1316 = tpu.memref_slice %arg6[%dma_start3A_1313, %dma_start3A_1314, %dma_start3A_1315] : memref<8x128x64xf32, #tpu.memory_space<vmem>> -> memref<1x128x64xf32, #tpu.memory_space<vmem>>
      %dma_start3A_1317 = tpu.memref_squeeze %dma_start3A_1316 : memref<1x128x64xf32, #tpu.memory_space<vmem>> -> memref<128x64xf32, #tpu.memory_space<vmem>>
      %dma_start3A_1318 = arith.constant 0 : i32
      %dma_start3A_1319 = tpu.memref_slice %arg5[%sub3A_1312, %dma_start3A_1318] : memref<200x128xi32, #tpu.memory_space<vmem>> -> memref<1x128xi32, #tpu.memory_space<vmem>>
      %dma_start3A_1320 = tpu.memref_squeeze %dma_start3A_1319 : memref<1x128xi32, #tpu.memory_space<vmem>> -> memref<128xi32, #tpu.memory_space<vmem>>
      %dma_start3A_1321 = arith.constant 0 : i32
      %dma_start3A_1322 = arith.constant 0 : i32
      %dma_start3A_1323 = tpu.memref_slice %arg3[%dma_start3A_1321, %dma_start3A_1322] : memref<2000000x64xf32, #tpu.memory_space<hbm>> -> memref<2000000x64xf32, #tpu.memory_space<hbm>>
      tpu.enqueue_indirect_dma source(%dma_start3A_1323 : memref<2000000x64xf32, #tpu.memory_space<hbm>>) target(%dma_start3A_1317 : memref<128x64xf32, #tpu.memory_space<vmem>>) offsets(%dma_start3A_1320 : memref<128xi32, #tpu.memory_space<vmem>>) semaphore(%arg10 : memref<!tpu.dma_semaphore, #tpu.memory_space<semaphore_mem>>)
      %mul3A_1324 = arith.constant 8 : i32
      %mul3A_1325 = arith.muli %scan3A_940, %mul3A_1324 : i32
      %add3A_1326 = arith.constant 6 : i32
      %add3A_1327 = arith.addi %mul3A_1325, %add3A_1326 : i32
      %dma_wait3A_1328 = arith.constant 6 : i32
      %dma_wait3A_1329 = arith.constant 0 : i32
      %dma_wait3A_1330 = arith.constant 0 : i32
      %dma_wait3A_1331 = tpu.memref_slice %arg6[%dma_wait3A_1328, %dma_wait3A_1329, %dma_wait3A_1330] : memref<8x128x64xf32, #tpu.memory_space<vmem>> -> memref<1x128x64xf32, #tpu.memory_space<vmem>>
      %dma_wait3A_1332 = tpu.memref_squeeze %dma_wait3A_1331 : memref<1x128x64xf32, #tpu.memory_space<vmem>> -> memref<128x64xf32, #tpu.memory_space<vmem>>
      %dma_wait3A_1333 = arith.constant 0 : i32
      %dma_wait3A_1334 = tpu.memref_slice %arg5[%add3A_1327, %dma_wait3A_1333] : memref<200x128xi32, #tpu.memory_space<vmem>> -> memref<1x128xi32, #tpu.memory_space<vmem>>
      %dma_wait3A_1335 = tpu.memref_squeeze %dma_wait3A_1334 : memref<1x128xi32, #tpu.memory_space<vmem>> -> memref<128xi32, #tpu.memory_space<vmem>>
      %dma_wait3A_1336 = arith.constant 0 : i32
      %dma_wait3A_1337 = arith.constant 0 : i32
      %dma_wait3A_1338 = tpu.memref_slice %arg3[%dma_wait3A_1336, %dma_wait3A_1337] : memref<2000000x64xf32, #tpu.memory_space<hbm>> -> memref<2000000x64xf32, #tpu.memory_space<hbm>>
      tpu.wait_indirect_dma semaphore(%arg13 : memref<!tpu.dma_semaphore, #tpu.memory_space<semaphore_mem>>) src(%dma_wait3A_1338 : memref<2000000x64xf32, #tpu.memory_space<hbm>>) dst(%dma_wait3A_1332 : memref<128x64xf32, #tpu.memory_space<vmem>>)
      %add3A_1339 = arith.addi %mul3A_2, %add3A_1327 : i32
      %mul3A_1340 = arith.constant 128 : i32
      %mul3A_1341 = arith.muli %add3A_1339, %mul3A_1340 : i32
      %dma_start3A_1342 = arith.constant 6 : i32
      %dma_start3A_1343 = arith.constant 0 : i32
      %dma_start3A_1344 = arith.constant 0 : i32
      %dma_start3A_1345 = tpu.memref_slice %arg6[%dma_start3A_1342, %dma_start3A_1343, %dma_start3A_1344] : memref<8x128x64xf32, #tpu.memory_space<vmem>> -> memref<1x128x64xf32, #tpu.memory_space<vmem>>
      %dma_start3A_1346 = tpu.memref_squeeze %dma_start3A_1345 : memref<1x128x64xf32, #tpu.memory_space<vmem>> -> memref<128x64xf32, #tpu.memory_space<vmem>>
      %dma_start3A_1347 = arith.constant 0 : i32
      %dma_start3A_1348 = tpu.memref_slice %arg4[%mul3A_1341, %dma_start3A_1347] : memref<819200x64xf32, #tpu.memory_space<hbm>> -> memref<128x64xf32, #tpu.memory_space<hbm>>
      %dma_start3A_1349 = arith.constant 0 : i32
      %dma_start3A_1350 = tpu.memref_slice %arg4[%mul3A_1341, %dma_start3A_1349] : memref<819200x64xf32, #tpu.memory_space<hbm>> -> memref<128x64xf32, #tpu.memory_space<hbm>>
      %dma_start3A_1351 = arith.constant 0 : i32
      %dma_start3A_1352 = arith.constant 0 : i32
      %dma_start3A_1353 = tpu.memref_slice %arg6[%dma_start3A_1342, %dma_start3A_1351, %dma_start3A_1352] : memref<8x128x64xf32, #tpu.memory_space<vmem>> -> memref<1x128x64xf32, #tpu.memory_space<vmem>>
      %dma_start3A_1354 = tpu.memref_squeeze %dma_start3A_1353 : memref<1x128x64xf32, #tpu.memory_space<vmem>> -> memref<128x64xf32, #tpu.memory_space<vmem>>
      tpu.enqueue_dma source(%dma_start3A_1354 : memref<128x64xf32, #tpu.memory_space<vmem>>) target(%dma_start3A_1350 : memref<128x64xf32, #tpu.memory_space<hbm>>) target_semaphore(%arg21 : memref<!tpu.dma_semaphore, #tpu.memory_space<semaphore_mem>>)
      %sub3A_1355 = arith.constant 2 : i32
      %sub3A_1356 = arith.subi %add3A_1327, %sub3A_1355 : i32
      %add3A_1357 = arith.addi %mul3A_2, %sub3A_1356 : i32
      %mul3A_1358 = arith.constant 128 : i32
      %mul3A_1359 = arith.muli %add3A_1357, %mul3A_1358 : i32
      %dma_wait3A_1360 = arith.constant 4 : i32
      %dma_wait3A_1361 = arith.constant 0 : i32
      %dma_wait3A_1362 = arith.constant 0 : i32
      %dma_wait3A_1363 = tpu.memref_slice %arg6[%dma_wait3A_1360, %dma_wait3A_1361, %dma_wait3A_1362] : memref<8x128x64xf32, #tpu.memory_space<vmem>> -> memref<1x128x64xf32, #tpu.memory_space<vmem>>
      %dma_wait3A_1364 = tpu.memref_squeeze %dma_wait3A_1363 : memref<1x128x64xf32, #tpu.memory_space<vmem>> -> memref<128x64xf32, #tpu.memory_space<vmem>>
      %dma_wait3A_1365 = arith.constant 0 : i32
      %dma_wait3A_1366 = tpu.memref_slice %arg4[%mul3A_1359, %dma_wait3A_1365] : memref<819200x64xf32, #tpu.memory_space<hbm>> -> memref<128x64xf32, #tpu.memory_space<hbm>>
      %dma_wait3A_1367 = arith.constant 0 : i32
      %dma_wait3A_1368 = tpu.memref_slice %arg4[%mul3A_1359, %dma_wait3A_1367] : memref<819200x64xf32, #tpu.memory_space<hbm>> -> memref<128x64xf32, #tpu.memory_space<hbm>>
      %dma_wait3A_1369 = arith.constant 0 : i32
      %dma_wait3A_1370 = arith.constant 0 : i32
      %dma_wait3A_1371 = tpu.memref_slice %arg6[%dma_wait3A_1360, %dma_wait3A_1369, %dma_wait3A_1370] : memref<8x128x64xf32, #tpu.memory_space<vmem>> -> memref<1x128x64xf32, #tpu.memory_space<vmem>>
      %dma_wait3A_1372 = tpu.memref_squeeze %dma_wait3A_1371 : memref<1x128x64xf32, #tpu.memory_space<vmem>> -> memref<128x64xf32, #tpu.memory_space<vmem>>
      tpu.wait_dma2 semaphore(%arg19 : memref<!tpu.dma_semaphore, #tpu.memory_space<semaphore_mem>>) src(%dma_wait3A_1372 : memref<128x64xf32, #tpu.memory_space<vmem>>) dst(%dma_wait3A_1368 : memref<128x64xf32, #tpu.memory_space<hbm>>)
      %add3A_1373 = arith.constant 8 : i32
      %add3A_1374 = arith.addi %add3A_1327, %add3A_1373 : i32
      %sub3A_1375 = arith.constant 2 : i32
      %sub3A_1376 = arith.subi %add3A_1374, %sub3A_1375 : i32
      %dma_start3A_1377 = arith.constant 4 : i32
      %dma_start3A_1378 = arith.constant 0 : i32
      %dma_start3A_1379 = arith.constant 0 : i32
      %dma_start3A_1380 = tpu.memref_slice %arg6[%dma_start3A_1377, %dma_start3A_1378, %dma_start3A_1379] : memref<8x128x64xf32, #tpu.memory_space<vmem>> -> memref<1x128x64xf32, #tpu.memory_space<vmem>>
      %dma_start3A_1381 = tpu.memref_squeeze %dma_start3A_1380 : memref<1x128x64xf32, #tpu.memory_space<vmem>> -> memref<128x64xf32, #tpu.memory_space<vmem>>
      %dma_start3A_1382 = arith.constant 0 : i32
      %dma_start3A_1383 = tpu.memref_slice %arg5[%sub3A_1376, %dma_start3A_1382] : memref<200x128xi32, #tpu.memory_space<vmem>> -> memref<1x128xi32, #tpu.memory_space<vmem>>
      %dma_start3A_1384 = tpu.memref_squeeze %dma_start3A_1383 : memref<1x128xi32, #tpu.memory_space<vmem>> -> memref<128xi32, #tpu.memory_space<vmem>>
      %dma_start3A_1385 = arith.constant 0 : i32
      %dma_start3A_1386 = arith.constant 0 : i32
      %dma_start3A_1387 = tpu.memref_slice %arg3[%dma_start3A_1385, %dma_start3A_1386] : memref<2000000x64xf32, #tpu.memory_space<hbm>> -> memref<2000000x64xf32, #tpu.memory_space<hbm>>
      tpu.enqueue_indirect_dma source(%dma_start3A_1387 : memref<2000000x64xf32, #tpu.memory_space<hbm>>) target(%dma_start3A_1381 : memref<128x64xf32, #tpu.memory_space<vmem>>) offsets(%dma_start3A_1384 : memref<128xi32, #tpu.memory_space<vmem>>) semaphore(%arg11 : memref<!tpu.dma_semaphore, #tpu.memory_space<semaphore_mem>>)
      %mul3A_1388 = arith.constant 8 : i32
      %mul3A_1389 = arith.muli %scan3A_940, %mul3A_1388 : i32
      %add3A_1390 = arith.constant 7 : i32
      %add3A_1391 = arith.addi %mul3A_1389, %add3A_1390 : i32
      %dma_wait3A_1392 = arith.constant 7 : i32
      %dma_wait3A_1393 = arith.constant 0 : i32
      %dma_wait3A_1394 = arith.constant 0 : i32
      %dma_wait3A_1395 = tpu.memref_slice %arg6[%dma_wait3A_1392, %dma_wait3A_1393, %dma_wait3A_1394] : memref<8x128x64xf32, #tpu.memory_space<vmem>> -> memref<1x128x64xf32, #tpu.memory_space<vmem>>
      %dma_wait3A_1396 = tpu.memref_squeeze %dma_wait3A_1395 : memref<1x128x64xf32, #tpu.memory_space<vmem>> -> memref<128x64xf32, #tpu.memory_space<vmem>>
      %dma_wait3A_1397 = arith.constant 0 : i32
      %dma_wait3A_1398 = tpu.memref_slice %arg5[%add3A_1391, %dma_wait3A_1397] : memref<200x128xi32, #tpu.memory_space<vmem>> -> memref<1x128xi32, #tpu.memory_space<vmem>>
      %dma_wait3A_1399 = tpu.memref_squeeze %dma_wait3A_1398 : memref<1x128xi32, #tpu.memory_space<vmem>> -> memref<128xi32, #tpu.memory_space<vmem>>
      %dma_wait3A_1400 = arith.constant 0 : i32
      %dma_wait3A_1401 = arith.constant 0 : i32
      %dma_wait3A_1402 = tpu.memref_slice %arg3[%dma_wait3A_1400, %dma_wait3A_1401] : memref<2000000x64xf32, #tpu.memory_space<hbm>> -> memref<2000000x64xf32, #tpu.memory_space<hbm>>
      tpu.wait_indirect_dma semaphore(%arg14 : memref<!tpu.dma_semaphore, #tpu.memory_space<semaphore_mem>>) src(%dma_wait3A_1402 : memref<2000000x64xf32, #tpu.memory_space<hbm>>) dst(%dma_wait3A_1396 : memref<128x64xf32, #tpu.memory_space<vmem>>)
      %add3A_1403 = arith.addi %mul3A_2, %add3A_1391 : i32
      %mul3A_1404 = arith.constant 128 : i32
      %mul3A_1405 = arith.muli %add3A_1403, %mul3A_1404 : i32
      %dma_start3A_1406 = arith.constant 7 : i32
      %dma_start3A_1407 = arith.constant 0 : i32
      %dma_start3A_1408 = arith.constant 0 : i32
      %dma_start3A_1409 = tpu.memref_slice %arg6[%dma_start3A_1406, %dma_start3A_1407, %dma_start3A_1408] : memref<8x128x64xf32, #tpu.memory_space<vmem>> -> memref<1x128x64xf32, #tpu.memory_space<vmem>>
      %dma_start3A_1410 = tpu.memref_squeeze %dma_start3A_1409 : memref<1x128x64xf32, #tpu.memory_space<vmem>> -> memref<128x64xf32, #tpu.memory_space<vmem>>
      %dma_start3A_1411 = arith.constant 0 : i32
      %dma_start3A_1412 = tpu.memref_slice %arg4[%mul3A_1405, %dma_start3A_1411] : memref<819200x64xf32, #tpu.memory_space<hbm>> -> memref<128x64xf32, #tpu.memory_space<hbm>>
      %dma_start3A_1413 = arith.constant 0 : i32
      %dma_start3A_1414 = tpu.memref_slice %arg4[%mul3A_1405, %dma_start3A_1413] : memref<819200x64xf32, #tpu.memory_space<hbm>> -> memref<128x64xf32, #tpu.memory_space<hbm>>
      %dma_start3A_1415 = arith.constant 0 : i32
      %dma_start3A_1416 = arith.constant 0 : i32
      %dma_start3A_1417 = tpu.memref_slice %arg6[%dma_start3A_1406, %dma_start3A_1415, %dma_start3A_1416] : memref<8x128x64xf32, #tpu.memory_space<vmem>> -> memref<1x128x64xf32, #tpu.memory_space<vmem>>
      %dma_start3A_1418 = tpu.memref_squeeze %dma_start3A_1417 : memref<1x128x64xf32, #tpu.memory_space<vmem>> -> memref<128x64xf32, #tpu.memory_space<vmem>>
      tpu.enqueue_dma source(%dma_start3A_1418 : memref<128x64xf32, #tpu.memory_space<vmem>>) target(%dma_start3A_1414 : memref<128x64xf32, #tpu.memory_space<hbm>>) target_semaphore(%arg22 : memref<!tpu.dma_semaphore, #tpu.memory_space<semaphore_mem>>)
      %sub3A_1419 = arith.constant 2 : i32
      %sub3A_1420 = arith.subi %add3A_1391, %sub3A_1419 : i32
      %add3A_1421 = arith.addi %mul3A_2, %sub3A_1420 : i32
      %mul3A_1422 = arith.constant 128 : i32
      %mul3A_1423 = arith.muli %add3A_1421, %mul3A_1422 : i32
      %dma_wait3A_1424 = arith.constant 5 : i32
      %dma_wait3A_1425 = arith.constant 0 : i32
      %dma_wait3A_1426 = arith.constant 0 : i32
      %dma_wait3A_1427 = tpu.memref_slice %arg6[%dma_wait3A_1424, %dma_wait3A_1425, %dma_wait3A_1426] : memref<8x128x64xf32, #tpu.memory_space<vmem>> -> memref<1x128x64xf32, #tpu.memory_space<vmem>>
      %dma_wait3A_1428 = tpu.memref_squeeze %dma_wait3A_1427 : memref<1x128x64xf32, #tpu.memory_space<vmem>> -> memref<128x64xf32, #tpu.memory_space<vmem>>
      %dma_wait3A_1429 = arith.constant 0 : i32
      %dma_wait3A_1430 = tpu.memref_slice %arg4[%mul3A_1423, %dma_wait3A_1429] : memref<819200x64xf32, #tpu.memory_space<hbm>> -> memref<128x64xf32, #tpu.memory_space<hbm>>
      %dma_wait3A_1431 = arith.constant 0 : i32
      %dma_wait3A_1432 = tpu.memref_slice %arg4[%mul3A_1423, %dma_wait3A_1431] : memref<819200x64xf32, #tpu.memory_space<hbm>> -> memref<128x64xf32, #tpu.memory_space<hbm>>
      %dma_wait3A_1433 = arith.constant 0 : i32
      %dma_wait3A_1434 = arith.constant 0 : i32
      %dma_wait3A_1435 = tpu.memref_slice %arg6[%dma_wait3A_1424, %dma_wait3A_1433, %dma_wait3A_1434] : memref<8x128x64xf32, #tpu.memory_space<vmem>> -> memref<1x128x64xf32, #tpu.memory_space<vmem>>
      %dma_wait3A_1436 = tpu.memref_squeeze %dma_wait3A_1435 : memref<1x128x64xf32, #tpu.memory_space<vmem>> -> memref<128x64xf32, #tpu.memory_space<vmem>>
      tpu.wait_dma2 semaphore(%arg20 : memref<!tpu.dma_semaphore, #tpu.memory_space<semaphore_mem>>) src(%dma_wait3A_1436 : memref<128x64xf32, #tpu.memory_space<vmem>>) dst(%dma_wait3A_1432 : memref<128x64xf32, #tpu.memory_space<hbm>>)
      %add3A_1437 = arith.constant 8 : i32
      %add3A_1438 = arith.addi %add3A_1391, %add3A_1437 : i32
      %sub3A_1439 = arith.constant 2 : i32
      %sub3A_1440 = arith.subi %add3A_1438, %sub3A_1439 : i32
      %dma_start3A_1441 = arith.constant 5 : i32
      %dma_start3A_1442 = arith.constant 0 : i32
      %dma_start3A_1443 = arith.constant 0 : i32
      %dma_start3A_1444 = tpu.memref_slice %arg6[%dma_start3A_1441, %dma_start3A_1442, %dma_start3A_1443] : memref<8x128x64xf32, #tpu.memory_space<vmem>> -> memref<1x128x64xf32, #tpu.memory_space<vmem>>
      %dma_start3A_1445 = tpu.memref_squeeze %dma_start3A_1444 : memref<1x128x64xf32, #tpu.memory_space<vmem>> -> memref<128x64xf32, #tpu.memory_space<vmem>>
      %dma_start3A_1446 = arith.constant 0 : i32
      %dma_start3A_1447 = tpu.memref_slice %arg5[%sub3A_1440, %dma_start3A_1446] : memref<200x128xi32, #tpu.memory_space<vmem>> -> memref<1x128xi32, #tpu.memory_space<vmem>>
      %dma_start3A_1448 = tpu.memref_squeeze %dma_start3A_1447 : memref<1x128xi32, #tpu.memory_space<vmem>> -> memref<128xi32, #tpu.memory_space<vmem>>
      %dma_start3A_1449 = arith.constant 0 : i32
      %dma_start3A_1450 = arith.constant 0 : i32
      %dma_start3A_1451 = tpu.memref_slice %arg3[%dma_start3A_1449, %dma_start3A_1450] : memref<2000000x64xf32, #tpu.memory_space<hbm>> -> memref<2000000x64xf32, #tpu.memory_space<hbm>>
      tpu.enqueue_indirect_dma source(%dma_start3A_1451 : memref<2000000x64xf32, #tpu.memory_space<hbm>>) target(%dma_start3A_1445 : memref<128x64xf32, #tpu.memory_space<vmem>>) offsets(%dma_start3A_1448 : memref<128xi32, #tpu.memory_space<vmem>>) semaphore(%arg12 : memref<!tpu.dma_semaphore, #tpu.memory_space<semaphore_mem>>)
    }
    %scan3A_513 = arith.constant 23 : i32
    %dma_wait3A_514 = arith.constant 192 : i32
    %dma_wait3A_515 = arith.constant 0 : i32
    %dma_wait3A_516 = arith.constant 0 : i32
    %dma_wait3A_517 = arith.constant 0 : i32
    %dma_wait3A_518 = tpu.memref_slice %arg6[%dma_wait3A_515, %dma_wait3A_516, %dma_wait3A_517] : memref<8x128x64xf32, #tpu.memory_space<vmem>> -> memref<1x128x64xf32, #tpu.memory_space<vmem>>
    %dma_wait3A_519 = tpu.memref_squeeze %dma_wait3A_518 : memref<1x128x64xf32, #tpu.memory_space<vmem>> -> memref<128x64xf32, #tpu.memory_space<vmem>>
    %dma_wait3A_520 = arith.constant 0 : i32
    %dma_wait3A_521 = tpu.memref_slice %arg5[%dma_wait3A_514, %dma_wait3A_520] : memref<200x128xi32, #tpu.memory_space<vmem>> -> memref<1x128xi32, #tpu.memory_space<vmem>>
    %dma_wait3A_522 = tpu.memref_squeeze %dma_wait3A_521 : memref<1x128xi32, #tpu.memory_space<vmem>> -> memref<128xi32, #tpu.memory_space<vmem>>
    %dma_wait3A_523 = arith.constant 0 : i32
    %dma_wait3A_524 = arith.constant 0 : i32
    %dma_wait3A_525 = tpu.memref_slice %arg3[%dma_wait3A_523, %dma_wait3A_524] : memref<2000000x64xf32, #tpu.memory_space<hbm>> -> memref<2000000x64xf32, #tpu.memory_space<hbm>>
    tpu.wait_indirect_dma semaphore(%arg7 : memref<!tpu.dma_semaphore, #tpu.memory_space<semaphore_mem>>) src(%dma_wait3A_525 : memref<2000000x64xf32, #tpu.memory_space<hbm>>) dst(%dma_wait3A_519 : memref<128x64xf32, #tpu.memory_space<vmem>>)
    %add3A_526 = arith.constant 192 : i32
    %add3A_527 = arith.addi %mul3A_2, %add3A_526 : i32
    %mul3A_528 = arith.constant 128 : i32
    %mul3A_529 = arith.muli %add3A_527, %mul3A_528 : i32
    %dma_start3A_530 = arith.constant 0 : i32
    %dma_start3A_531 = arith.constant 0 : i32
    %dma_start3A_532 = arith.constant 0 : i32
    %dma_start3A_533 = tpu.memref_slice %arg6[%dma_start3A_530, %dma_start3A_531, %dma_start3A_532] : memref<8x128x64xf32, #tpu.memory_space<vmem>> -> memref<1x128x64xf32, #tpu.memory_space<vmem>>
    %dma_start3A_534 = tpu.memref_squeeze %dma_start3A_533 : memref<1x128x64xf32, #tpu.memory_space<vmem>> -> memref<128x64xf32, #tpu.memory_space<vmem>>
    %dma_start3A_535 = arith.constant 0 : i32
    %dma_start3A_536 = tpu.memref_slice %arg4[%mul3A_529, %dma_start3A_535] : memref<819200x64xf32, #tpu.memory_space<hbm>> -> memref<128x64xf32, #tpu.memory_space<hbm>>
    %dma_start3A_537 = arith.constant 0 : i32
    %dma_start3A_538 = tpu.memref_slice %arg4[%mul3A_529, %dma_start3A_537] : memref<819200x64xf32, #tpu.memory_space<hbm>> -> memref<128x64xf32, #tpu.memory_space<hbm>>
    %dma_start3A_539 = arith.constant 0 : i32
    %dma_start3A_540 = arith.constant 0 : i32
    %dma_start3A_541 = tpu.memref_slice %arg6[%dma_start3A_530, %dma_start3A_539, %dma_start3A_540] : memref<8x128x64xf32, #tpu.memory_space<vmem>> -> memref<1x128x64xf32, #tpu.memory_space<vmem>>
    %dma_start3A_542 = tpu.memref_squeeze %dma_start3A_541 : memref<1x128x64xf32, #tpu.memory_space<vmem>> -> memref<128x64xf32, #tpu.memory_space<vmem>>
    tpu.enqueue_dma source(%dma_start3A_542 : memref<128x64xf32, #tpu.memory_space<vmem>>) target(%dma_start3A_538 : memref<128x64xf32, #tpu.memory_space<hbm>>) target_semaphore(%arg15 : memref<!tpu.dma_semaphore, #tpu.memory_space<semaphore_mem>>)
    %add3A_543 = arith.constant 190 : i32
    %add3A_544 = arith.addi %mul3A_2, %add3A_543 : i32
    %mul3A_545 = arith.constant 128 : i32
    %mul3A_546 = arith.muli %add3A_544, %mul3A_545 : i32
    %dma_wait3A_547 = arith.constant 6 : i32
    %dma_wait3A_548 = arith.constant 0 : i32
    %dma_wait3A_549 = arith.constant 0 : i32
    %dma_wait3A_550 = tpu.memref_slice %arg6[%dma_wait3A_547, %dma_wait3A_548, %dma_wait3A_549] : memref<8x128x64xf32, #tpu.memory_space<vmem>> -> memref<1x128x64xf32, #tpu.memory_space<vmem>>
    %dma_wait3A_551 = tpu.memref_squeeze %dma_wait3A_550 : memref<1x128x64xf32, #tpu.memory_space<vmem>> -> memref<128x64xf32, #tpu.memory_space<vmem>>
    %dma_wait3A_552 = arith.constant 0 : i32
    %dma_wait3A_553 = tpu.memref_slice %arg4[%mul3A_546, %dma_wait3A_552] : memref<819200x64xf32, #tpu.memory_space<hbm>> -> memref<128x64xf32, #tpu.memory_space<hbm>>
    %dma_wait3A_554 = arith.constant 0 : i32
    %dma_wait3A_555 = tpu.memref_slice %arg4[%mul3A_546, %dma_wait3A_554] : memref<819200x64xf32, #tpu.memory_space<hbm>> -> memref<128x64xf32, #tpu.memory_space<hbm>>
    %dma_wait3A_556 = arith.constant 0 : i32
    %dma_wait3A_557 = arith.constant 0 : i32
    %dma_wait3A_558 = tpu.memref_slice %arg6[%dma_wait3A_547, %dma_wait3A_556, %dma_wait3A_557] : memref<8x128x64xf32, #tpu.memory_space<vmem>> -> memref<1x128x64xf32, #tpu.memory_space<vmem>>
    %dma_wait3A_559 = tpu.memref_squeeze %dma_wait3A_558 : memref<1x128x64xf32, #tpu.memory_space<vmem>> -> memref<128x64xf32, #tpu.memory_space<vmem>>
    tpu.wait_dma2 semaphore(%arg21 : memref<!tpu.dma_semaphore, #tpu.memory_space<semaphore_mem>>) src(%dma_wait3A_559 : memref<128x64xf32, #tpu.memory_space<vmem>>) dst(%dma_wait3A_555 : memref<128x64xf32, #tpu.memory_space<hbm>>)
    %dma_start3A_560 = arith.constant 198 : i32
    %dma_start3A_561 = arith.constant 6 : i32
    %dma_start3A_562 = arith.constant 0 : i32
    %dma_start3A_563 = arith.constant 0 : i32
    %dma_start3A_564 = tpu.memref_slice %arg6[%dma_start3A_561, %dma_start3A_562, %dma_start3A_563] : memref<8x128x64xf32, #tpu.memory_space<vmem>> -> memref<1x128x64xf32, #tpu.memory_space<vmem>>
    %dma_start3A_565 = tpu.memref_squeeze %dma_start3A_564 : memref<1x128x64xf32, #tpu.memory_space<vmem>> -> memref<128x64xf32, #tpu.memory_space<vmem>>
    %dma_start3A_566 = arith.constant 0 : i32
    %dma_start3A_567 = tpu.memref_slice %arg5[%dma_start3A_560, %dma_start3A_566] : memref<200x128xi32, #tpu.memory_space<vmem>> -> memref<1x128xi32, #tpu.memory_space<vmem>>
    %dma_start3A_568 = tpu.memref_squeeze %dma_start3A_567 : memref<1x128xi32, #tpu.memory_space<vmem>> -> memref<128xi32, #tpu.memory_space<vmem>>
    %dma_start3A_569 = arith.constant 0 : i32
    %dma_start3A_570 = arith.constant 0 : i32
    %dma_start3A_571 = tpu.memref_slice %arg3[%dma_start3A_569, %dma_start3A_570] : memref<2000000x64xf32, #tpu.memory_space<hbm>> -> memref<2000000x64xf32, #tpu.memory_space<hbm>>
    tpu.enqueue_indirect_dma source(%dma_start3A_571 : memref<2000000x64xf32, #tpu.memory_space<hbm>>) target(%dma_start3A_565 : memref<128x64xf32, #tpu.memory_space<vmem>>) offsets(%dma_start3A_568 : memref<128xi32, #tpu.memory_space<vmem>>) semaphore(%arg13 : memref<!tpu.dma_semaphore, #tpu.memory_space<semaphore_mem>>)
    %dma_wait3A_572 = arith.constant 193 : i32
    %dma_wait3A_573 = arith.constant 1 : i32
    %dma_wait3A_574 = arith.constant 0 : i32
    %dma_wait3A_575 = arith.constant 0 : i32
    %dma_wait3A_576 = tpu.memref_slice %arg6[%dma_wait3A_573, %dma_wait3A_574, %dma_wait3A_575] : memref<8x128x64xf32, #tpu.memory_space<vmem>> -> memref<1x128x64xf32, #tpu.memory_space<vmem>>
    %dma_wait3A_577 = tpu.memref_squeeze %dma_wait3A_576 : memref<1x128x64xf32, #tpu.memory_space<vmem>> -> memref<128x64xf32, #tpu.memory_space<vmem>>
    %dma_wait3A_578 = arith.constant 0 : i32
    %dma_wait3A_579 = tpu.memref_slice %arg5[%dma_wait3A_572, %dma_wait3A_578] : memref<200x128xi32, #tpu.memory_space<vmem>> -> memref<1x128xi32, #tpu.memory_space<vmem>>
    %dma_wait3A_580 = tpu.memref_squeeze %dma_wait3A_579 : memref<1x128xi32, #tpu.memory_space<vmem>> -> memref<128xi32, #tpu.memory_space<vmem>>
    %dma_wait3A_581 = arith.constant 0 : i32
    %dma_wait3A_582 = arith.constant 0 : i32
    %dma_wait3A_583 = tpu.memref_slice %arg3[%dma_wait3A_581, %dma_wait3A_582] : memref<2000000x64xf32, #tpu.memory_space<hbm>> -> memref<2000000x64xf32, #tpu.memory_space<hbm>>
    tpu.wait_indirect_dma semaphore(%arg8 : memref<!tpu.dma_semaphore, #tpu.memory_space<semaphore_mem>>) src(%dma_wait3A_583 : memref<2000000x64xf32, #tpu.memory_space<hbm>>) dst(%dma_wait3A_577 : memref<128x64xf32, #tpu.memory_space<vmem>>)
    %add3A_584 = arith.constant 193 : i32
    %add3A_585 = arith.addi %mul3A_2, %add3A_584 : i32
    %mul3A_586 = arith.constant 128 : i32
    %mul3A_587 = arith.muli %add3A_585, %mul3A_586 : i32
    %dma_start3A_588 = arith.constant 1 : i32
    %dma_start3A_589 = arith.constant 0 : i32
    %dma_start3A_590 = arith.constant 0 : i32
    %dma_start3A_591 = tpu.memref_slice %arg6[%dma_start3A_588, %dma_start3A_589, %dma_start3A_590] : memref<8x128x64xf32, #tpu.memory_space<vmem>> -> memref<1x128x64xf32, #tpu.memory_space<vmem>>
    %dma_start3A_592 = tpu.memref_squeeze %dma_start3A_591 : memref<1x128x64xf32, #tpu.memory_space<vmem>> -> memref<128x64xf32, #tpu.memory_space<vmem>>
    %dma_start3A_593 = arith.constant 0 : i32
    %dma_start3A_594 = tpu.memref_slice %arg4[%mul3A_587, %dma_start3A_593] : memref<819200x64xf32, #tpu.memory_space<hbm>> -> memref<128x64xf32, #tpu.memory_space<hbm>>
    %dma_start3A_595 = arith.constant 0 : i32
    %dma_start3A_596 = tpu.memref_slice %arg4[%mul3A_587, %dma_start3A_595] : memref<819200x64xf32, #tpu.memory_space<hbm>> -> memref<128x64xf32, #tpu.memory_space<hbm>>
    %dma_start3A_597 = arith.constant 0 : i32
    %dma_start3A_598 = arith.constant 0 : i32
    %dma_start3A_599 = tpu.memref_slice %arg6[%dma_start3A_588, %dma_start3A_597, %dma_start3A_598] : memref<8x128x64xf32, #tpu.memory_space<vmem>> -> memref<1x128x64xf32, #tpu.memory_space<vmem>>
    %dma_start3A_600 = tpu.memref_squeeze %dma_start3A_599 : memref<1x128x64xf32, #tpu.memory_space<vmem>> -> memref<128x64xf32, #tpu.memory_space<vmem>>
    tpu.enqueue_dma source(%dma_start3A_600 : memref<128x64xf32, #tpu.memory_space<vmem>>) target(%dma_start3A_596 : memref<128x64xf32, #tpu.memory_space<hbm>>) target_semaphore(%arg16 : memref<!tpu.dma_semaphore, #tpu.memory_space<semaphore_mem>>)
    %add3A_601 = arith.constant 191 : i32
    %add3A_602 = arith.addi %mul3A_2, %add3A_601 : i32
    %mul3A_603 = arith.constant 128 : i32
    %mul3A_604 = arith.muli %add3A_602, %mul3A_603 : i32
    %dma_wait3A_605 = arith.constant 7 : i32
    %dma_wait3A_606 = arith.constant 0 : i32
    %dma_wait3A_607 = arith.constant 0 : i32
    %dma_wait3A_608 = tpu.memref_slice %arg6[%dma_wait3A_605, %dma_wait3A_606, %dma_wait3A_607] : memref<8x128x64xf32, #tpu.memory_space<vmem>> -> memref<1x128x64xf32, #tpu.memory_space<vmem>>
    %dma_wait3A_609 = tpu.memref_squeeze %dma_wait3A_608 : memref<1x128x64xf32, #tpu.memory_space<vmem>> -> memref<128x64xf32, #tpu.memory_space<vmem>>
    %dma_wait3A_610 = arith.constant 0 : i32
    %dma_wait3A_611 = tpu.memref_slice %arg4[%mul3A_604, %dma_wait3A_610] : memref<819200x64xf32, #tpu.memory_space<hbm>> -> memref<128x64xf32, #tpu.memory_space<hbm>>
    %dma_wait3A_612 = arith.constant 0 : i32
    %dma_wait3A_613 = tpu.memref_slice %arg4[%mul3A_604, %dma_wait3A_612] : memref<819200x64xf32, #tpu.memory_space<hbm>> -> memref<128x64xf32, #tpu.memory_space<hbm>>
    %dma_wait3A_614 = arith.constant 0 : i32
    %dma_wait3A_615 = arith.constant 0 : i32
    %dma_wait3A_616 = tpu.memref_slice %arg6[%dma_wait3A_605, %dma_wait3A_614, %dma_wait3A_615] : memref<8x128x64xf32, #tpu.memory_space<vmem>> -> memref<1x128x64xf32, #tpu.memory_space<vmem>>
    %dma_wait3A_617 = tpu.memref_squeeze %dma_wait3A_616 : memref<1x128x64xf32, #tpu.memory_space<vmem>> -> memref<128x64xf32, #tpu.memory_space<vmem>>
    tpu.wait_dma2 semaphore(%arg22 : memref<!tpu.dma_semaphore, #tpu.memory_space<semaphore_mem>>) src(%dma_wait3A_617 : memref<128x64xf32, #tpu.memory_space<vmem>>) dst(%dma_wait3A_613 : memref<128x64xf32, #tpu.memory_space<hbm>>)
    %dma_start3A_618 = arith.constant 199 : i32
    %dma_start3A_619 = arith.constant 7 : i32
    %dma_start3A_620 = arith.constant 0 : i32
    %dma_start3A_621 = arith.constant 0 : i32
    %dma_start3A_622 = tpu.memref_slice %arg6[%dma_start3A_619, %dma_start3A_620, %dma_start3A_621] : memref<8x128x64xf32, #tpu.memory_space<vmem>> -> memref<1x128x64xf32, #tpu.memory_space<vmem>>
    %dma_start3A_623 = tpu.memref_squeeze %dma_start3A_622 : memref<1x128x64xf32, #tpu.memory_space<vmem>> -> memref<128x64xf32, #tpu.memory_space<vmem>>
    %dma_start3A_624 = arith.constant 0 : i32
    %dma_start3A_625 = tpu.memref_slice %arg5[%dma_start3A_618, %dma_start3A_624] : memref<200x128xi32, #tpu.memory_space<vmem>> -> memref<1x128xi32, #tpu.memory_space<vmem>>
    %dma_start3A_626 = tpu.memref_squeeze %dma_start3A_625 : memref<1x128xi32, #tpu.memory_space<vmem>> -> memref<128xi32, #tpu.memory_space<vmem>>
    %dma_start3A_627 = arith.constant 0 : i32
    %dma_start3A_628 = arith.constant 0 : i32
    %dma_start3A_629 = tpu.memref_slice %arg3[%dma_start3A_627, %dma_start3A_628] : memref<2000000x64xf32, #tpu.memory_space<hbm>> -> memref<2000000x64xf32, #tpu.memory_space<hbm>>
    tpu.enqueue_indirect_dma source(%dma_start3A_629 : memref<2000000x64xf32, #tpu.memory_space<hbm>>) target(%dma_start3A_623 : memref<128x64xf32, #tpu.memory_space<vmem>>) offsets(%dma_start3A_626 : memref<128xi32, #tpu.memory_space<vmem>>) semaphore(%arg14 : memref<!tpu.dma_semaphore, #tpu.memory_space<semaphore_mem>>)
    %dma_wait3A_630 = arith.constant 194 : i32
    %dma_wait3A_631 = arith.constant 2 : i32
    %dma_wait3A_632 = arith.constant 0 : i32
    %dma_wait3A_633 = arith.constant 0 : i32
    %dma_wait3A_634 = tpu.memref_slice %arg6[%dma_wait3A_631, %dma_wait3A_632, %dma_wait3A_633] : memref<8x128x64xf32, #tpu.memory_space<vmem>> -> memref<1x128x64xf32, #tpu.memory_space<vmem>>
    %dma_wait3A_635 = tpu.memref_squeeze %dma_wait3A_634 : memref<1x128x64xf32, #tpu.memory_space<vmem>> -> memref<128x64xf32, #tpu.memory_space<vmem>>
    %dma_wait3A_636 = arith.constant 0 : i32
    %dma_wait3A_637 = tpu.memref_slice %arg5[%dma_wait3A_630, %dma_wait3A_636] : memref<200x128xi32, #tpu.memory_space<vmem>> -> memref<1x128xi32, #tpu.memory_space<vmem>>
    %dma_wait3A_638 = tpu.memref_squeeze %dma_wait3A_637 : memref<1x128xi32, #tpu.memory_space<vmem>> -> memref<128xi32, #tpu.memory_space<vmem>>
    %dma_wait3A_639 = arith.constant 0 : i32
    %dma_wait3A_640 = arith.constant 0 : i32
    %dma_wait3A_641 = tpu.memref_slice %arg3[%dma_wait3A_639, %dma_wait3A_640] : memref<2000000x64xf32, #tpu.memory_space<hbm>> -> memref<2000000x64xf32, #tpu.memory_space<hbm>>
    tpu.wait_indirect_dma semaphore(%arg9 : memref<!tpu.dma_semaphore, #tpu.memory_space<semaphore_mem>>) src(%dma_wait3A_641 : memref<2000000x64xf32, #tpu.memory_space<hbm>>) dst(%dma_wait3A_635 : memref<128x64xf32, #tpu.memory_space<vmem>>)
    %add3A_642 = arith.constant 194 : i32
    %add3A_643 = arith.addi %mul3A_2, %add3A_642 : i32
    %mul3A_644 = arith.constant 128 : i32
    %mul3A_645 = arith.muli %add3A_643, %mul3A_644 : i32
    %dma_start3A_646 = arith.constant 2 : i32
    %dma_start3A_647 = arith.constant 0 : i32
    %dma_start3A_648 = arith.constant 0 : i32
    %dma_start3A_649 = tpu.memref_slice %arg6[%dma_start3A_646, %dma_start3A_647, %dma_start3A_648] : memref<8x128x64xf32, #tpu.memory_space<vmem>> -> memref<1x128x64xf32, #tpu.memory_space<vmem>>
    %dma_start3A_650 = tpu.memref_squeeze %dma_start3A_649 : memref<1x128x64xf32, #tpu.memory_space<vmem>> -> memref<128x64xf32, #tpu.memory_space<vmem>>
    %dma_start3A_651 = arith.constant 0 : i32
    %dma_start3A_652 = tpu.memref_slice %arg4[%mul3A_645, %dma_start3A_651] : memref<819200x64xf32, #tpu.memory_space<hbm>> -> memref<128x64xf32, #tpu.memory_space<hbm>>
    %dma_start3A_653 = arith.constant 0 : i32
    %dma_start3A_654 = tpu.memref_slice %arg4[%mul3A_645, %dma_start3A_653] : memref<819200x64xf32, #tpu.memory_space<hbm>> -> memref<128x64xf32, #tpu.memory_space<hbm>>
    %dma_start3A_655 = arith.constant 0 : i32
    %dma_start3A_656 = arith.constant 0 : i32
    %dma_start3A_657 = tpu.memref_slice %arg6[%dma_start3A_646, %dma_start3A_655, %dma_start3A_656] : memref<8x128x64xf32, #tpu.memory_space<vmem>> -> memref<1x128x64xf32, #tpu.memory_space<vmem>>
    %dma_start3A_658 = tpu.memref_squeeze %dma_start3A_657 : memref<1x128x64xf32, #tpu.memory_space<vmem>> -> memref<128x64xf32, #tpu.memory_space<vmem>>
    tpu.enqueue_dma source(%dma_start3A_658 : memref<128x64xf32, #tpu.memory_space<vmem>>) target(%dma_start3A_654 : memref<128x64xf32, #tpu.memory_space<hbm>>) target_semaphore(%arg17 : memref<!tpu.dma_semaphore, #tpu.memory_space<semaphore_mem>>)
    %dma_wait3A_659 = arith.constant 195 : i32
    %dma_wait3A_660 = arith.constant 3 : i32
    %dma_wait3A_661 = arith.constant 0 : i32
    %dma_wait3A_662 = arith.constant 0 : i32
    %dma_wait3A_663 = tpu.memref_slice %arg6[%dma_wait3A_660, %dma_wait3A_661, %dma_wait3A_662] : memref<8x128x64xf32, #tpu.memory_space<vmem>> -> memref<1x128x64xf32, #tpu.memory_space<vmem>>
    %dma_wait3A_664 = tpu.memref_squeeze %dma_wait3A_663 : memref<1x128x64xf32, #tpu.memory_space<vmem>> -> memref<128x64xf32, #tpu.memory_space<vmem>>
    %dma_wait3A_665 = arith.constant 0 : i32
    %dma_wait3A_666 = tpu.memref_slice %arg5[%dma_wait3A_659, %dma_wait3A_665] : memref<200x128xi32, #tpu.memory_space<vmem>> -> memref<1x128xi32, #tpu.memory_space<vmem>>
    %dma_wait3A_667 = tpu.memref_squeeze %dma_wait3A_666 : memref<1x128xi32, #tpu.memory_space<vmem>> -> memref<128xi32, #tpu.memory_space<vmem>>
    %dma_wait3A_668 = arith.constant 0 : i32
    %dma_wait3A_669 = arith.constant 0 : i32
    %dma_wait3A_670 = tpu.memref_slice %arg3[%dma_wait3A_668, %dma_wait3A_669] : memref<2000000x64xf32, #tpu.memory_space<hbm>> -> memref<2000000x64xf32, #tpu.memory_space<hbm>>
    tpu.wait_indirect_dma semaphore(%arg10 : memref<!tpu.dma_semaphore, #tpu.memory_space<semaphore_mem>>) src(%dma_wait3A_670 : memref<2000000x64xf32, #tpu.memory_space<hbm>>) dst(%dma_wait3A_664 : memref<128x64xf32, #tpu.memory_space<vmem>>)
    %add3A_671 = arith.constant 195 : i32
    %add3A_672 = arith.addi %mul3A_2, %add3A_671 : i32
    %mul3A_673 = arith.constant 128 : i32
    %mul3A_674 = arith.muli %add3A_672, %mul3A_673 : i32
    %dma_start3A_675 = arith.constant 3 : i32
    %dma_start3A_676 = arith.constant 0 : i32
    %dma_start3A_677 = arith.constant 0 : i32
    %dma_start3A_678 = tpu.memref_slice %arg6[%dma_start3A_675, %dma_start3A_676, %dma_start3A_677] : memref<8x128x64xf32, #tpu.memory_space<vmem>> -> memref<1x128x64xf32, #tpu.memory_space<vmem>>
    %dma_start3A_679 = tpu.memref_squeeze %dma_start3A_678 : memref<1x128x64xf32, #tpu.memory_space<vmem>> -> memref<128x64xf32, #tpu.memory_space<vmem>>
    %dma_start3A_680 = arith.constant 0 : i32
    %dma_start3A_681 = tpu.memref_slice %arg4[%mul3A_674, %dma_start3A_680] : memref<819200x64xf32, #tpu.memory_space<hbm>> -> memref<128x64xf32, #tpu.memory_space<hbm>>
    %dma_start3A_682 = arith.constant 0 : i32
    %dma_start3A_683 = tpu.memref_slice %arg4[%mul3A_674, %dma_start3A_682] : memref<819200x64xf32, #tpu.memory_space<hbm>> -> memref<128x64xf32, #tpu.memory_space<hbm>>
    %dma_start3A_684 = arith.constant 0 : i32
    %dma_start3A_685 = arith.constant 0 : i32
    %dma_start3A_686 = tpu.memref_slice %arg6[%dma_start3A_675, %dma_start3A_684, %dma_start3A_685] : memref<8x128x64xf32, #tpu.memory_space<vmem>> -> memref<1x128x64xf32, #tpu.memory_space<vmem>>
    %dma_start3A_687 = tpu.memref_squeeze %dma_start3A_686 : memref<1x128x64xf32, #tpu.memory_space<vmem>> -> memref<128x64xf32, #tpu.memory_space<vmem>>
    tpu.enqueue_dma source(%dma_start3A_687 : memref<128x64xf32, #tpu.memory_space<vmem>>) target(%dma_start3A_683 : memref<128x64xf32, #tpu.memory_space<hbm>>) target_semaphore(%arg18 : memref<!tpu.dma_semaphore, #tpu.memory_space<semaphore_mem>>)
    %dma_wait3A_688 = arith.constant 196 : i32
    %dma_wait3A_689 = arith.constant 4 : i32
    %dma_wait3A_690 = arith.constant 0 : i32
    %dma_wait3A_691 = arith.constant 0 : i32
    %dma_wait3A_692 = tpu.memref_slice %arg6[%dma_wait3A_689, %dma_wait3A_690, %dma_wait3A_691] : memref<8x128x64xf32, #tpu.memory_space<vmem>> -> memref<1x128x64xf32, #tpu.memory_space<vmem>>
    %dma_wait3A_693 = tpu.memref_squeeze %dma_wait3A_692 : memref<1x128x64xf32, #tpu.memory_space<vmem>> -> memref<128x64xf32, #tpu.memory_space<vmem>>
    %dma_wait3A_694 = arith.constant 0 : i32
    %dma_wait3A_695 = tpu.memref_slice %arg5[%dma_wait3A_688, %dma_wait3A_694] : memref<200x128xi32, #tpu.memory_space<vmem>> -> memref<1x128xi32, #tpu.memory_space<vmem>>
    %dma_wait3A_696 = tpu.memref_squeeze %dma_wait3A_695 : memref<1x128xi32, #tpu.memory_space<vmem>> -> memref<128xi32, #tpu.memory_space<vmem>>
    %dma_wait3A_697 = arith.constant 0 : i32
    %dma_wait3A_698 = arith.constant 0 : i32
    %dma_wait3A_699 = tpu.memref_slice %arg3[%dma_wait3A_697, %dma_wait3A_698] : memref<2000000x64xf32, #tpu.memory_space<hbm>> -> memref<2000000x64xf32, #tpu.memory_space<hbm>>
    tpu.wait_indirect_dma semaphore(%arg11 : memref<!tpu.dma_semaphore, #tpu.memory_space<semaphore_mem>>) src(%dma_wait3A_699 : memref<2000000x64xf32, #tpu.memory_space<hbm>>) dst(%dma_wait3A_693 : memref<128x64xf32, #tpu.memory_space<vmem>>)
    %add3A_700 = arith.constant 196 : i32
    %add3A_701 = arith.addi %mul3A_2, %add3A_700 : i32
    %mul3A_702 = arith.constant 128 : i32
    %mul3A_703 = arith.muli %add3A_701, %mul3A_702 : i32
    %dma_start3A_704 = arith.constant 4 : i32
    %dma_start3A_705 = arith.constant 0 : i32
    %dma_start3A_706 = arith.constant 0 : i32
    %dma_start3A_707 = tpu.memref_slice %arg6[%dma_start3A_704, %dma_start3A_705, %dma_start3A_706] : memref<8x128x64xf32, #tpu.memory_space<vmem>> -> memref<1x128x64xf32, #tpu.memory_space<vmem>>
    %dma_start3A_708 = tpu.memref_squeeze %dma_start3A_707 : memref<1x128x64xf32, #tpu.memory_space<vmem>> -> memref<128x64xf32, #tpu.memory_space<vmem>>
    %dma_start3A_709 = arith.constant 0 : i32
    %dma_start3A_710 = tpu.memref_slice %arg4[%mul3A_703, %dma_start3A_709] : memref<819200x64xf32, #tpu.memory_space<hbm>> -> memref<128x64xf32, #tpu.memory_space<hbm>>
    %dma_start3A_711 = arith.constant 0 : i32
    %dma_start3A_712 = tpu.memref_slice %arg4[%mul3A_703, %dma_start3A_711] : memref<819200x64xf32, #tpu.memory_space<hbm>> -> memref<128x64xf32, #tpu.memory_space<hbm>>
    %dma_start3A_713 = arith.constant 0 : i32
    %dma_start3A_714 = arith.constant 0 : i32
    %dma_start3A_715 = tpu.memref_slice %arg6[%dma_start3A_704, %dma_start3A_713, %dma_start3A_714] : memref<8x128x64xf32, #tpu.memory_space<vmem>> -> memref<1x128x64xf32, #tpu.memory_space<vmem>>
    %dma_start3A_716 = tpu.memref_squeeze %dma_start3A_715 : memref<1x128x64xf32, #tpu.memory_space<vmem>> -> memref<128x64xf32, #tpu.memory_space<vmem>>
    tpu.enqueue_dma source(%dma_start3A_716 : memref<128x64xf32, #tpu.memory_space<vmem>>) target(%dma_start3A_712 : memref<128x64xf32, #tpu.memory_space<hbm>>) target_semaphore(%arg19 : memref<!tpu.dma_semaphore, #tpu.memory_space<semaphore_mem>>)
    %dma_wait3A_717 = arith.constant 197 : i32
    %dma_wait3A_718 = arith.constant 5 : i32
    %dma_wait3A_719 = arith.constant 0 : i32
    %dma_wait3A_720 = arith.constant 0 : i32
    %dma_wait3A_721 = tpu.memref_slice %arg6[%dma_wait3A_718, %dma_wait3A_719, %dma_wait3A_720] : memref<8x128x64xf32, #tpu.memory_space<vmem>> -> memref<1x128x64xf32, #tpu.memory_space<vmem>>
    %dma_wait3A_722 = tpu.memref_squeeze %dma_wait3A_721 : memref<1x128x64xf32, #tpu.memory_space<vmem>> -> memref<128x64xf32, #tpu.memory_space<vmem>>
    %dma_wait3A_723 = arith.constant 0 : i32
    %dma_wait3A_724 = tpu.memref_slice %arg5[%dma_wait3A_717, %dma_wait3A_723] : memref<200x128xi32, #tpu.memory_space<vmem>> -> memref<1x128xi32, #tpu.memory_space<vmem>>
    %dma_wait3A_725 = tpu.memref_squeeze %dma_wait3A_724 : memref<1x128xi32, #tpu.memory_space<vmem>> -> memref<128xi32, #tpu.memory_space<vmem>>
    %dma_wait3A_726 = arith.constant 0 : i32
    %dma_wait3A_727 = arith.constant 0 : i32
    %dma_wait3A_728 = tpu.memref_slice %arg3[%dma_wait3A_726, %dma_wait3A_727] : memref<2000000x64xf32, #tpu.memory_space<hbm>> -> memref<2000000x64xf32, #tpu.memory_space<hbm>>
    tpu.wait_indirect_dma semaphore(%arg12 : memref<!tpu.dma_semaphore, #tpu.memory_space<semaphore_mem>>) src(%dma_wait3A_728 : memref<2000000x64xf32, #tpu.memory_space<hbm>>) dst(%dma_wait3A_722 : memref<128x64xf32, #tpu.memory_space<vmem>>)
    %add3A_729 = arith.constant 197 : i32
    %add3A_730 = arith.addi %mul3A_2, %add3A_729 : i32
    %mul3A_731 = arith.constant 128 : i32
    %mul3A_732 = arith.muli %add3A_730, %mul3A_731 : i32
    %dma_start3A_733 = arith.constant 5 : i32
    %dma_start3A_734 = arith.constant 0 : i32
    %dma_start3A_735 = arith.constant 0 : i32
    %dma_start3A_736 = tpu.memref_slice %arg6[%dma_start3A_733, %dma_start3A_734, %dma_start3A_735] : memref<8x128x64xf32, #tpu.memory_space<vmem>> -> memref<1x128x64xf32, #tpu.memory_space<vmem>>
    %dma_start3A_737 = tpu.memref_squeeze %dma_start3A_736 : memref<1x128x64xf32, #tpu.memory_space<vmem>> -> memref<128x64xf32, #tpu.memory_space<vmem>>
    %dma_start3A_738 = arith.constant 0 : i32
    %dma_start3A_739 = tpu.memref_slice %arg4[%mul3A_732, %dma_start3A_738] : memref<819200x64xf32, #tpu.memory_space<hbm>> -> memref<128x64xf32, #tpu.memory_space<hbm>>
    %dma_start3A_740 = arith.constant 0 : i32
    %dma_start3A_741 = tpu.memref_slice %arg4[%mul3A_732, %dma_start3A_740] : memref<819200x64xf32, #tpu.memory_space<hbm>> -> memref<128x64xf32, #tpu.memory_space<hbm>>
    %dma_start3A_742 = arith.constant 0 : i32
    %dma_start3A_743 = arith.constant 0 : i32
    %dma_start3A_744 = tpu.memref_slice %arg6[%dma_start3A_733, %dma_start3A_742, %dma_start3A_743] : memref<8x128x64xf32, #tpu.memory_space<vmem>> -> memref<1x128x64xf32, #tpu.memory_space<vmem>>
    %dma_start3A_745 = tpu.memref_squeeze %dma_start3A_744 : memref<1x128x64xf32, #tpu.memory_space<vmem>> -> memref<128x64xf32, #tpu.memory_space<vmem>>
    tpu.enqueue_dma source(%dma_start3A_745 : memref<128x64xf32, #tpu.memory_space<vmem>>) target(%dma_start3A_741 : memref<128x64xf32, #tpu.memory_space<hbm>>) target_semaphore(%arg20 : memref<!tpu.dma_semaphore, #tpu.memory_space<semaphore_mem>>)
    %dma_wait3A_746 = arith.constant 198 : i32
    %dma_wait3A_747 = arith.constant 6 : i32
    %dma_wait3A_748 = arith.constant 0 : i32
    %dma_wait3A_749 = arith.constant 0 : i32
    %dma_wait3A_750 = tpu.memref_slice %arg6[%dma_wait3A_747, %dma_wait3A_748, %dma_wait3A_749] : memref<8x128x64xf32, #tpu.memory_space<vmem>> -> memref<1x128x64xf32, #tpu.memory_space<vmem>>
    %dma_wait3A_751 = tpu.memref_squeeze %dma_wait3A_750 : memref<1x128x64xf32, #tpu.memory_space<vmem>> -> memref<128x64xf32, #tpu.memory_space<vmem>>
    %dma_wait3A_752 = arith.constant 0 : i32
    %dma_wait3A_753 = tpu.memref_slice %arg5[%dma_wait3A_746, %dma_wait3A_752] : memref<200x128xi32, #tpu.memory_space<vmem>> -> memref<1x128xi32, #tpu.memory_space<vmem>>
    %dma_wait3A_754 = tpu.memref_squeeze %dma_wait3A_753 : memref<1x128xi32, #tpu.memory_space<vmem>> -> memref<128xi32, #tpu.memory_space<vmem>>
    %dma_wait3A_755 = arith.constant 0 : i32
    %dma_wait3A_756 = arith.constant 0 : i32
    %dma_wait3A_757 = tpu.memref_slice %arg3[%dma_wait3A_755, %dma_wait3A_756] : memref<2000000x64xf32, #tpu.memory_space<hbm>> -> memref<2000000x64xf32, #tpu.memory_space<hbm>>
    tpu.wait_indirect_dma semaphore(%arg13 : memref<!tpu.dma_semaphore, #tpu.memory_space<semaphore_mem>>) src(%dma_wait3A_757 : memref<2000000x64xf32, #tpu.memory_space<hbm>>) dst(%dma_wait3A_751 : memref<128x64xf32, #tpu.memory_space<vmem>>)
    %add3A_758 = arith.constant 198 : i32
    %add3A_759 = arith.addi %mul3A_2, %add3A_758 : i32
    %mul3A_760 = arith.constant 128 : i32
    %mul3A_761 = arith.muli %add3A_759, %mul3A_760 : i32
    %dma_start3A_762 = arith.constant 6 : i32
    %dma_start3A_763 = arith.constant 0 : i32
    %dma_start3A_764 = arith.constant 0 : i32
    %dma_start3A_765 = tpu.memref_slice %arg6[%dma_start3A_762, %dma_start3A_763, %dma_start3A_764] : memref<8x128x64xf32, #tpu.memory_space<vmem>> -> memref<1x128x64xf32, #tpu.memory_space<vmem>>
    %dma_start3A_766 = tpu.memref_squeeze %dma_start3A_765 : memref<1x128x64xf32, #tpu.memory_space<vmem>> -> memref<128x64xf32, #tpu.memory_space<vmem>>
    %dma_start3A_767 = arith.constant 0 : i32
    %dma_start3A_768 = tpu.memref_slice %arg4[%mul3A_761, %dma_start3A_767] : memref<819200x64xf32, #tpu.memory_space<hbm>> -> memref<128x64xf32, #tpu.memory_space<hbm>>
    %dma_start3A_769 = arith.constant 0 : i32
    %dma_start3A_770 = tpu.memref_slice %arg4[%mul3A_761, %dma_start3A_769] : memref<819200x64xf32, #tpu.memory_space<hbm>> -> memref<128x64xf32, #tpu.memory_space<hbm>>
    %dma_start3A_771 = arith.constant 0 : i32
    %dma_start3A_772 = arith.constant 0 : i32
    %dma_start3A_773 = tpu.memref_slice %arg6[%dma_start3A_762, %dma_start3A_771, %dma_start3A_772] : memref<8x128x64xf32, #tpu.memory_space<vmem>> -> memref<1x128x64xf32, #tpu.memory_space<vmem>>
    %dma_start3A_774 = tpu.memref_squeeze %dma_start3A_773 : memref<1x128x64xf32, #tpu.memory_space<vmem>> -> memref<128x64xf32, #tpu.memory_space<vmem>>
    tpu.enqueue_dma source(%dma_start3A_774 : memref<128x64xf32, #tpu.memory_space<vmem>>) target(%dma_start3A_770 : memref<128x64xf32, #tpu.memory_space<hbm>>) target_semaphore(%arg21 : memref<!tpu.dma_semaphore, #tpu.memory_space<semaphore_mem>>)
    %dma_wait3A_775 = arith.constant 199 : i32
    %dma_wait3A_776 = arith.constant 7 : i32
    %dma_wait3A_777 = arith.constant 0 : i32
    %dma_wait3A_778 = arith.constant 0 : i32
    %dma_wait3A_779 = tpu.memref_slice %arg6[%dma_wait3A_776, %dma_wait3A_777, %dma_wait3A_778] : memref<8x128x64xf32, #tpu.memory_space<vmem>> -> memref<1x128x64xf32, #tpu.memory_space<vmem>>
    %dma_wait3A_780 = tpu.memref_squeeze %dma_wait3A_779 : memref<1x128x64xf32, #tpu.memory_space<vmem>> -> memref<128x64xf32, #tpu.memory_space<vmem>>
    %dma_wait3A_781 = arith.constant 0 : i32
    %dma_wait3A_782 = tpu.memref_slice %arg5[%dma_wait3A_775, %dma_wait3A_781] : memref<200x128xi32, #tpu.memory_space<vmem>> -> memref<1x128xi32, #tpu.memory_space<vmem>>
    %dma_wait3A_783 = tpu.memref_squeeze %dma_wait3A_782 : memref<1x128xi32, #tpu.memory_space<vmem>> -> memref<128xi32, #tpu.memory_space<vmem>>
    %dma_wait3A_784 = arith.constant 0 : i32
    %dma_wait3A_785 = arith.constant 0 : i32
    %dma_wait3A_786 = tpu.memref_slice %arg3[%dma_wait3A_784, %dma_wait3A_785] : memref<2000000x64xf32, #tpu.memory_space<hbm>> -> memref<2000000x64xf32, #tpu.memory_space<hbm>>
    tpu.wait_indirect_dma semaphore(%arg14 : memref<!tpu.dma_semaphore, #tpu.memory_space<semaphore_mem>>) src(%dma_wait3A_786 : memref<2000000x64xf32, #tpu.memory_space<hbm>>) dst(%dma_wait3A_780 : memref<128x64xf32, #tpu.memory_space<vmem>>)
    %add3A_787 = arith.constant 199 : i32
    %add3A_788 = arith.addi %mul3A_2, %add3A_787 : i32
    %mul3A_789 = arith.constant 128 : i32
    %mul3A_790 = arith.muli %add3A_788, %mul3A_789 : i32
    %dma_start3A_791 = arith.constant 7 : i32
    %dma_start3A_792 = arith.constant 0 : i32
    %dma_start3A_793 = arith.constant 0 : i32
    %dma_start3A_794 = tpu.memref_slice %arg6[%dma_start3A_791, %dma_start3A_792, %dma_start3A_793] : memref<8x128x64xf32, #tpu.memory_space<vmem>> -> memref<1x128x64xf32, #tpu.memory_space<vmem>>
    %dma_start3A_795 = tpu.memref_squeeze %dma_start3A_794 : memref<1x128x64xf32, #tpu.memory_space<vmem>> -> memref<128x64xf32, #tpu.memory_space<vmem>>
    %dma_start3A_796 = arith.constant 0 : i32
    %dma_start3A_797 = tpu.memref_slice %arg4[%mul3A_790, %dma_start3A_796] : memref<819200x64xf32, #tpu.memory_space<hbm>> -> memref<128x64xf32, #tpu.memory_space<hbm>>
    %dma_start3A_798 = arith.constant 0 : i32
    %dma_start3A_799 = tpu.memref_slice %arg4[%mul3A_790, %dma_start3A_798] : memref<819200x64xf32, #tpu.memory_space<hbm>> -> memref<128x64xf32, #tpu.memory_space<hbm>>
    %dma_start3A_800 = arith.constant 0 : i32
    %dma_start3A_801 = arith.constant 0 : i32
    %dma_start3A_802 = tpu.memref_slice %arg6[%dma_start3A_791, %dma_start3A_800, %dma_start3A_801] : memref<8x128x64xf32, #tpu.memory_space<vmem>> -> memref<1x128x64xf32, #tpu.memory_space<vmem>>
    %dma_start3A_803 = tpu.memref_squeeze %dma_start3A_802 : memref<1x128x64xf32, #tpu.memory_space<vmem>> -> memref<128x64xf32, #tpu.memory_space<vmem>>
    tpu.enqueue_dma source(%dma_start3A_803 : memref<128x64xf32, #tpu.memory_space<vmem>>) target(%dma_start3A_799 : memref<128x64xf32, #tpu.memory_space<hbm>>) target_semaphore(%arg22 : memref<!tpu.dma_semaphore, #tpu.memory_space<semaphore_mem>>)
    %add3A_804 = arith.constant 192 : i32
    %add3A_805 = arith.addi %mul3A_2, %add3A_804 : i32
    %mul3A_806 = arith.constant 128 : i32
    %mul3A_807 = arith.muli %add3A_805, %mul3A_806 : i32
    %dma_wait3A_808 = arith.constant 0 : i32
    %dma_wait3A_809 = arith.constant 0 : i32
    %dma_wait3A_810 = arith.constant 0 : i32
    %dma_wait3A_811 = tpu.memref_slice %arg6[%dma_wait3A_808, %dma_wait3A_809, %dma_wait3A_810] : memref<8x128x64xf32, #tpu.memory_space<vmem>> -> memref<1x128x64xf32, #tpu.memory_space<vmem>>
    %dma_wait3A_812 = tpu.memref_squeeze %dma_wait3A_811 : memref<1x128x64xf32, #tpu.memory_space<vmem>> -> memref<128x64xf32, #tpu.memory_space<vmem>>
    %dma_wait3A_813 = arith.constant 0 : i32
    %dma_wait3A_814 = tpu.memref_slice %arg4[%mul3A_807, %dma_wait3A_813] : memref<819200x64xf32, #tpu.memory_space<hbm>> -> memref<128x64xf32, #tpu.memory_space<hbm>>
    %dma_wait3A_815 = arith.constant 0 : i32
    %dma_wait3A_816 = tpu.memref_slice %arg4[%mul3A_807, %dma_wait3A_815] : memref<819200x64xf32, #tpu.memory_space<hbm>> -> memref<128x64xf32, #tpu.memory_space<hbm>>
    %dma_wait3A_817 = arith.constant 0 : i32
    %dma_wait3A_818 = arith.constant 0 : i32
    %dma_wait3A_819 = tpu.memref_slice %arg6[%dma_wait3A_808, %dma_wait3A_817, %dma_wait3A_818] : memref<8x128x64xf32, #tpu.memory_space<vmem>> -> memref<1x128x64xf32, #tpu.memory_space<vmem>>
    %dma_wait3A_820 = tpu.memref_squeeze %dma_wait3A_819 : memref<1x128x64xf32, #tpu.memory_space<vmem>> -> memref<128x64xf32, #tpu.memory_space<vmem>>
    tpu.wait_dma2 semaphore(%arg15 : memref<!tpu.dma_semaphore, #tpu.memory_space<semaphore_mem>>) src(%dma_wait3A_820 : memref<128x64xf32, #tpu.memory_space<vmem>>) dst(%dma_wait3A_816 : memref<128x64xf32, #tpu.memory_space<hbm>>)
    %add3A_821 = arith.constant 193 : i32
    %add3A_822 = arith.addi %mul3A_2, %add3A_821 : i32
    %mul3A_823 = arith.constant 128 : i32
    %mul3A_824 = arith.muli %add3A_822, %mul3A_823 : i32
    %dma_wait3A_825 = arith.constant 1 : i32
    %dma_wait3A_826 = arith.constant 0 : i32
    %dma_wait3A_827 = arith.constant 0 : i32
    %dma_wait3A_828 = tpu.memref_slice %arg6[%dma_wait3A_825, %dma_wait3A_826, %dma_wait3A_827] : memref<8x128x64xf32, #tpu.memory_space<vmem>> -> memref<1x128x64xf32, #tpu.memory_space<vmem>>
    %dma_wait3A_829 = tpu.memref_squeeze %dma_wait3A_828 : memref<1x128x64xf32, #tpu.memory_space<vmem>> -> memref<128x64xf32, #tpu.memory_space<vmem>>
    %dma_wait3A_830 = arith.constant 0 : i32
    %dma_wait3A_831 = tpu.memref_slice %arg4[%mul3A_824, %dma_wait3A_830] : memref<819200x64xf32, #tpu.memory_space<hbm>> -> memref<128x64xf32, #tpu.memory_space<hbm>>
    %dma_wait3A_832 = arith.constant 0 : i32
    %dma_wait3A_833 = tpu.memref_slice %arg4[%mul3A_824, %dma_wait3A_832] : memref<819200x64xf32, #tpu.memory_space<hbm>> -> memref<128x64xf32, #tpu.memory_space<hbm>>
    %dma_wait3A_834 = arith.constant 0 : i32
    %dma_wait3A_835 = arith.constant 0 : i32
    %dma_wait3A_836 = tpu.memref_slice %arg6[%dma_wait3A_825, %dma_wait3A_834, %dma_wait3A_835] : memref<8x128x64xf32, #tpu.memory_space<vmem>> -> memref<1x128x64xf32, #tpu.memory_space<vmem>>
    %dma_wait3A_837 = tpu.memref_squeeze %dma_wait3A_836 : memref<1x128x64xf32, #tpu.memory_space<vmem>> -> memref<128x64xf32, #tpu.memory_space<vmem>>
    tpu.wait_dma2 semaphore(%arg16 : memref<!tpu.dma_semaphore, #tpu.memory_space<semaphore_mem>>) src(%dma_wait3A_837 : memref<128x64xf32, #tpu.memory_space<vmem>>) dst(%dma_wait3A_833 : memref<128x64xf32, #tpu.memory_space<hbm>>)
    %add3A_838 = arith.constant 194 : i32
    %add3A_839 = arith.addi %mul3A_2, %add3A_838 : i32
    %mul3A_840 = arith.constant 128 : i32
    %mul3A_841 = arith.muli %add3A_839, %mul3A_840 : i32
    %dma_wait3A_842 = arith.constant 2 : i32
    %dma_wait3A_843 = arith.constant 0 : i32
    %dma_wait3A_844 = arith.constant 0 : i32
    %dma_wait3A_845 = tpu.memref_slice %arg6[%dma_wait3A_842, %dma_wait3A_843, %dma_wait3A_844] : memref<8x128x64xf32, #tpu.memory_space<vmem>> -> memref<1x128x64xf32, #tpu.memory_space<vmem>>
    %dma_wait3A_846 = tpu.memref_squeeze %dma_wait3A_845 : memref<1x128x64xf32, #tpu.memory_space<vmem>> -> memref<128x64xf32, #tpu.memory_space<vmem>>
    %dma_wait3A_847 = arith.constant 0 : i32
    %dma_wait3A_848 = tpu.memref_slice %arg4[%mul3A_841, %dma_wait3A_847] : memref<819200x64xf32, #tpu.memory_space<hbm>> -> memref<128x64xf32, #tpu.memory_space<hbm>>
    %dma_wait3A_849 = arith.constant 0 : i32
    %dma_wait3A_850 = tpu.memref_slice %arg4[%mul3A_841, %dma_wait3A_849] : memref<819200x64xf32, #tpu.memory_space<hbm>> -> memref<128x64xf32, #tpu.memory_space<hbm>>
    %dma_wait3A_851 = arith.constant 0 : i32
    %dma_wait3A_852 = arith.constant 0 : i32
    %dma_wait3A_853 = tpu.memref_slice %arg6[%dma_wait3A_842, %dma_wait3A_851, %dma_wait3A_852] : memref<8x128x64xf32, #tpu.memory_space<vmem>> -> memref<1x128x64xf32, #tpu.memory_space<vmem>>
    %dma_wait3A_854 = tpu.memref_squeeze %dma_wait3A_853 : memref<1x128x64xf32, #tpu.memory_space<vmem>> -> memref<128x64xf32, #tpu.memory_space<vmem>>
    tpu.wait_dma2 semaphore(%arg17 : memref<!tpu.dma_semaphore, #tpu.memory_space<semaphore_mem>>) src(%dma_wait3A_854 : memref<128x64xf32, #tpu.memory_space<vmem>>) dst(%dma_wait3A_850 : memref<128x64xf32, #tpu.memory_space<hbm>>)
    %add3A_855 = arith.constant 195 : i32
    %add3A_856 = arith.addi %mul3A_2, %add3A_855 : i32
    %mul3A_857 = arith.constant 128 : i32
    %mul3A_858 = arith.muli %add3A_856, %mul3A_857 : i32
    %dma_wait3A_859 = arith.constant 3 : i32
    %dma_wait3A_860 = arith.constant 0 : i32
    %dma_wait3A_861 = arith.constant 0 : i32
    %dma_wait3A_862 = tpu.memref_slice %arg6[%dma_wait3A_859, %dma_wait3A_860, %dma_wait3A_861] : memref<8x128x64xf32, #tpu.memory_space<vmem>> -> memref<1x128x64xf32, #tpu.memory_space<vmem>>
    %dma_wait3A_863 = tpu.memref_squeeze %dma_wait3A_862 : memref<1x128x64xf32, #tpu.memory_space<vmem>> -> memref<128x64xf32, #tpu.memory_space<vmem>>
    %dma_wait3A_864 = arith.constant 0 : i32
    %dma_wait3A_865 = tpu.memref_slice %arg4[%mul3A_858, %dma_wait3A_864] : memref<819200x64xf32, #tpu.memory_space<hbm>> -> memref<128x64xf32, #tpu.memory_space<hbm>>
    %dma_wait3A_866 = arith.constant 0 : i32
    %dma_wait3A_867 = tpu.memref_slice %arg4[%mul3A_858, %dma_wait3A_866] : memref<819200x64xf32, #tpu.memory_space<hbm>> -> memref<128x64xf32, #tpu.memory_space<hbm>>
    %dma_wait3A_868 = arith.constant 0 : i32
    %dma_wait3A_869 = arith.constant 0 : i32
    %dma_wait3A_870 = tpu.memref_slice %arg6[%dma_wait3A_859, %dma_wait3A_868, %dma_wait3A_869] : memref<8x128x64xf32, #tpu.memory_space<vmem>> -> memref<1x128x64xf32, #tpu.memory_space<vmem>>
    %dma_wait3A_871 = tpu.memref_squeeze %dma_wait3A_870 : memref<1x128x64xf32, #tpu.memory_space<vmem>> -> memref<128x64xf32, #tpu.memory_space<vmem>>
    tpu.wait_dma2 semaphore(%arg18 : memref<!tpu.dma_semaphore, #tpu.memory_space<semaphore_mem>>) src(%dma_wait3A_871 : memref<128x64xf32, #tpu.memory_space<vmem>>) dst(%dma_wait3A_867 : memref<128x64xf32, #tpu.memory_space<hbm>>)
    %add3A_872 = arith.constant 196 : i32
    %add3A_873 = arith.addi %mul3A_2, %add3A_872 : i32
    %mul3A_874 = arith.constant 128 : i32
    %mul3A_875 = arith.muli %add3A_873, %mul3A_874 : i32
    %dma_wait3A_876 = arith.constant 4 : i32
    %dma_wait3A_877 = arith.constant 0 : i32
    %dma_wait3A_878 = arith.constant 0 : i32
    %dma_wait3A_879 = tpu.memref_slice %arg6[%dma_wait3A_876, %dma_wait3A_877, %dma_wait3A_878] : memref<8x128x64xf32, #tpu.memory_space<vmem>> -> memref<1x128x64xf32, #tpu.memory_space<vmem>>
    %dma_wait3A_880 = tpu.memref_squeeze %dma_wait3A_879 : memref<1x128x64xf32, #tpu.memory_space<vmem>> -> memref<128x64xf32, #tpu.memory_space<vmem>>
    %dma_wait3A_881 = arith.constant 0 : i32
    %dma_wait3A_882 = tpu.memref_slice %arg4[%mul3A_875, %dma_wait3A_881] : memref<819200x64xf32, #tpu.memory_space<hbm>> -> memref<128x64xf32, #tpu.memory_space<hbm>>
    %dma_wait3A_883 = arith.constant 0 : i32
    %dma_wait3A_884 = tpu.memref_slice %arg4[%mul3A_875, %dma_wait3A_883] : memref<819200x64xf32, #tpu.memory_space<hbm>> -> memref<128x64xf32, #tpu.memory_space<hbm>>
    %dma_wait3A_885 = arith.constant 0 : i32
    %dma_wait3A_886 = arith.constant 0 : i32
    %dma_wait3A_887 = tpu.memref_slice %arg6[%dma_wait3A_876, %dma_wait3A_885, %dma_wait3A_886] : memref<8x128x64xf32, #tpu.memory_space<vmem>> -> memref<1x128x64xf32, #tpu.memory_space<vmem>>
    %dma_wait3A_888 = tpu.memref_squeeze %dma_wait3A_887 : memref<1x128x64xf32, #tpu.memory_space<vmem>> -> memref<128x64xf32, #tpu.memory_space<vmem>>
    tpu.wait_dma2 semaphore(%arg19 : memref<!tpu.dma_semaphore, #tpu.memory_space<semaphore_mem>>) src(%dma_wait3A_888 : memref<128x64xf32, #tpu.memory_space<vmem>>) dst(%dma_wait3A_884 : memref<128x64xf32, #tpu.memory_space<hbm>>)
    %add3A_889 = arith.constant 197 : i32
    %add3A_890 = arith.addi %mul3A_2, %add3A_889 : i32
    %mul3A_891 = arith.constant 128 : i32
    %mul3A_892 = arith.muli %add3A_890, %mul3A_891 : i32
    %dma_wait3A_893 = arith.constant 5 : i32
    %dma_wait3A_894 = arith.constant 0 : i32
    %dma_wait3A_895 = arith.constant 0 : i32
    %dma_wait3A_896 = tpu.memref_slice %arg6[%dma_wait3A_893, %dma_wait3A_894, %dma_wait3A_895] : memref<8x128x64xf32, #tpu.memory_space<vmem>> -> memref<1x128x64xf32, #tpu.memory_space<vmem>>
    %dma_wait3A_897 = tpu.memref_squeeze %dma_wait3A_896 : memref<1x128x64xf32, #tpu.memory_space<vmem>> -> memref<128x64xf32, #tpu.memory_space<vmem>>
    %dma_wait3A_898 = arith.constant 0 : i32
    %dma_wait3A_899 = tpu.memref_slice %arg4[%mul3A_892, %dma_wait3A_898] : memref<819200x64xf32, #tpu.memory_space<hbm>> -> memref<128x64xf32, #tpu.memory_space<hbm>>
    %dma_wait3A_900 = arith.constant 0 : i32
    %dma_wait3A_901 = tpu.memref_slice %arg4[%mul3A_892, %dma_wait3A_900] : memref<819200x64xf32, #tpu.memory_space<hbm>> -> memref<128x64xf32, #tpu.memory_space<hbm>>
    %dma_wait3A_902 = arith.constant 0 : i32
    %dma_wait3A_903 = arith.constant 0 : i32
    %dma_wait3A_904 = tpu.memref_slice %arg6[%dma_wait3A_893, %dma_wait3A_902, %dma_wait3A_903] : memref<8x128x64xf32, #tpu.memory_space<vmem>> -> memref<1x128x64xf32, #tpu.memory_space<vmem>>
    %dma_wait3A_905 = tpu.memref_squeeze %dma_wait3A_904 : memref<1x128x64xf32, #tpu.memory_space<vmem>> -> memref<128x64xf32, #tpu.memory_space<vmem>>
    tpu.wait_dma2 semaphore(%arg20 : memref<!tpu.dma_semaphore, #tpu.memory_space<semaphore_mem>>) src(%dma_wait3A_905 : memref<128x64xf32, #tpu.memory_space<vmem>>) dst(%dma_wait3A_901 : memref<128x64xf32, #tpu.memory_space<hbm>>)
    %add3A_906 = arith.constant 198 : i32
    %add3A_907 = arith.addi %mul3A_2, %add3A_906 : i32
    %mul3A_908 = arith.constant 128 : i32
    %mul3A_909 = arith.muli %add3A_907, %mul3A_908 : i32
    %dma_wait3A_910 = arith.constant 6 : i32
    %dma_wait3A_911 = arith.constant 0 : i32
    %dma_wait3A_912 = arith.constant 0 : i32
    %dma_wait3A_913 = tpu.memref_slice %arg6[%dma_wait3A_910, %dma_wait3A_911, %dma_wait3A_912] : memref<8x128x64xf32, #tpu.memory_space<vmem>> -> memref<1x128x64xf32, #tpu.memory_space<vmem>>
    %dma_wait3A_914 = tpu.memref_squeeze %dma_wait3A_913 : memref<1x128x64xf32, #tpu.memory_space<vmem>> -> memref<128x64xf32, #tpu.memory_space<vmem>>
    %dma_wait3A_915 = arith.constant 0 : i32
    %dma_wait3A_916 = tpu.memref_slice %arg4[%mul3A_909, %dma_wait3A_915] : memref<819200x64xf32, #tpu.memory_space<hbm>> -> memref<128x64xf32, #tpu.memory_space<hbm>>
    %dma_wait3A_917 = arith.constant 0 : i32
    %dma_wait3A_918 = tpu.memref_slice %arg4[%mul3A_909, %dma_wait3A_917] : memref<819200x64xf32, #tpu.memory_space<hbm>> -> memref<128x64xf32, #tpu.memory_space<hbm>>
    %dma_wait3A_919 = arith.constant 0 : i32
    %dma_wait3A_920 = arith.constant 0 : i32
    %dma_wait3A_921 = tpu.memref_slice %arg6[%dma_wait3A_910, %dma_wait3A_919, %dma_wait3A_920] : memref<8x128x64xf32, #tpu.memory_space<vmem>> -> memref<1x128x64xf32, #tpu.memory_space<vmem>>
    %dma_wait3A_922 = tpu.memref_squeeze %dma_wait3A_921 : memref<1x128x64xf32, #tpu.memory_space<vmem>> -> memref<128x64xf32, #tpu.memory_space<vmem>>
    tpu.wait_dma2 semaphore(%arg21 : memref<!tpu.dma_semaphore, #tpu.memory_space<semaphore_mem>>) src(%dma_wait3A_922 : memref<128x64xf32, #tpu.memory_space<vmem>>) dst(%dma_wait3A_918 : memref<128x64xf32, #tpu.memory_space<hbm>>)
    %add3A_923 = arith.constant 199 : i32
    %add3A_924 = arith.addi %mul3A_2, %add3A_923 : i32
    %mul3A_925 = arith.constant 128 : i32
    %mul3A_926 = arith.muli %add3A_924, %mul3A_925 : i32
    %dma_wait3A_927 = arith.constant 7 : i32
    %dma_wait3A_928 = arith.constant 0 : i32
    %dma_wait3A_929 = arith.constant 0 : i32
    %dma_wait3A_930 = tpu.memref_slice %arg6[%dma_wait3A_927, %dma_wait3A_928, %dma_wait3A_929] : memref<8x128x64xf32, #tpu.memory_space<vmem>> -> memref<1x128x64xf32, #tpu.memory_space<vmem>>
    %dma_wait3A_931 = tpu.memref_squeeze %dma_wait3A_930 : memref<1x128x64xf32, #tpu.memory_space<vmem>> -> memref<128x64xf32, #tpu.memory_space<vmem>>
    %dma_wait3A_932 = arith.constant 0 : i32
    %dma_wait3A_933 = tpu.memref_slice %arg4[%mul3A_926, %dma_wait3A_932] : memref<819200x64xf32, #tpu.memory_space<hbm>> -> memref<128x64xf32, #tpu.memory_space<hbm>>
    %dma_wait3A_934 = arith.constant 0 : i32
    %dma_wait3A_935 = tpu.memref_slice %arg4[%mul3A_926, %dma_wait3A_934] : memref<819200x64xf32, #tpu.memory_space<hbm>> -> memref<128x64xf32, #tpu.memory_space<hbm>>
    %dma_wait3A_936 = arith.constant 0 : i32
    %dma_wait3A_937 = arith.constant 0 : i32
    %dma_wait3A_938 = tpu.memref_slice %arg6[%dma_wait3A_927, %dma_wait3A_936, %dma_wait3A_937] : memref<8x128x64xf32, #tpu.memory_space<vmem>> -> memref<1x128x64xf32, #tpu.memory_space<vmem>>
    %dma_wait3A_939 = tpu.memref_squeeze %dma_wait3A_938 : memref<1x128x64xf32, #tpu.memory_space<vmem>> -> memref<128x64xf32, #tpu.memory_space<vmem>>
    tpu.wait_dma2 semaphore(%arg22 : memref<!tpu.dma_semaphore, #tpu.memory_space<semaphore_mem>>) src(%dma_wait3A_939 : memref<128x64xf32, #tpu.memory_space<vmem>>) dst(%dma_wait3A_935 : memref<128x64xf32, #tpu.memory_space<hbm>>)
    return
  }
}

module attributes {stable_mosaic.version = 14 : i64} {
  func.func @body(%arg0: i32, %arg1: memref<12800x128xf32, #tpu.memory_space<vmem>>, %arg2: memref<3200x512xf32, #tpu.memory_space<vmem>>) attributes {dimension_semantics = [#tpu.dimension_semantics<arbitrary>], iteration_bounds = array<i64: 32>, scalar_prefetch = 0 : i64, scratch_operands = 0 : i64, tpu.core_type = #tpu.core_type<tc>, window_params = [{transform_indices = @transform_0, window_bounds = array<i64: 12800, 128>}, {transform_indices = @transform_1, window_bounds = array<i64: 3200, 512>}]} {
    %get3A = arith.constant 0 : index
    %get3A_0 = arith.constant 0 : index
    %get3A_1 = vector.load %arg1[%get3A, %get3A_0] : memref<12800x128xf32, #tpu.memory_space<vmem>>, vector<12800x128xf32>
    %reshape3A = vector.shape_cast %get3A_1 : vector<12800x128xf32> to vector<512x25x128xf32>
    %slice3A = vector.extract_strided_slice %reshape3A {offsets = [0, 0, 0], sizes = [512, 1, 128], strides = [1, 1, 1]} : vector<512x25x128xf32> to vector<512x1x128xf32>
    %squeeze3A = vector.shape_cast %slice3A : vector<512x1x128xf32> to vector<512x128xf32>
    %transpose3A = tpu.transpose %squeeze3A, [1, 0] : vector<512x128xf32> -> vector<128x512xf32>
    %swap3A = arith.constant 0 : index
    %swap3A_2 = arith.constant 0 : index
    %swap3A_3 = vector.load %arg2[%swap3A, %swap3A_2] : memref<3200x512xf32, #tpu.memory_space<vmem>>, vector<128x512xf32>
    tpu.vector_store %arg2[%swap3A, %swap3A_2], %transpose3A {strides = array<i32>} : memref<3200x512xf32, #tpu.memory_space<vmem>>, vector<128x512xf32>,
    %slice3A_4 = vector.extract_strided_slice %reshape3A {offsets = [0, 1, 0], sizes = [512, 1, 128], strides = [1, 1, 1]} : vector<512x25x128xf32> to vector<512x1x128xf32>
    %squeeze3A_5 = vector.shape_cast %slice3A_4 : vector<512x1x128xf32> to vector<512x128xf32>
    %transpose3A_6 = tpu.transpose %squeeze3A_5, [1, 0] : vector<512x128xf32> -> vector<128x512xf32>
    %swap3A_7 = arith.constant 128 : index
    %swap3A_8 = arith.constant 0 : index
    %swap3A_9 = vector.load %arg2[%swap3A_7, %swap3A_8] : memref<3200x512xf32, #tpu.memory_space<vmem>>, vector<128x512xf32>
    tpu.vector_store %arg2[%swap3A_7, %swap3A_8], %transpose3A_6 {strides = array<i32>} : memref<3200x512xf32, #tpu.memory_space<vmem>>, vector<128x512xf32>,
    %slice3A_10 = vector.extract_strided_slice %reshape3A {offsets = [0, 2, 0], sizes = [512, 1, 128], strides = [1, 1, 1]} : vector<512x25x128xf32> to vector<512x1x128xf32>
    %squeeze3A_11 = vector.shape_cast %slice3A_10 : vector<512x1x128xf32> to vector<512x128xf32>
    %transpose3A_12 = tpu.transpose %squeeze3A_11, [1, 0] : vector<512x128xf32> -> vector<128x512xf32>
    %swap3A_13 = arith.constant 256 : index
    %swap3A_14 = arith.constant 0 : index
    %swap3A_15 = vector.load %arg2[%swap3A_13, %swap3A_14] : memref<3200x512xf32, #tpu.memory_space<vmem>>, vector<128x512xf32>
    tpu.vector_store %arg2[%swap3A_13, %swap3A_14], %transpose3A_12 {strides = array<i32>} : memref<3200x512xf32, #tpu.memory_space<vmem>>, vector<128x512xf32>,
    %slice3A_16 = vector.extract_strided_slice %reshape3A {offsets = [0, 3, 0], sizes = [512, 1, 128], strides = [1, 1, 1]} : vector<512x25x128xf32> to vector<512x1x128xf32>
    %squeeze3A_17 = vector.shape_cast %slice3A_16 : vector<512x1x128xf32> to vector<512x128xf32>
    %transpose3A_18 = tpu.transpose %squeeze3A_17, [1, 0] : vector<512x128xf32> -> vector<128x512xf32>
    %swap3A_19 = arith.constant 384 : index
    %swap3A_20 = arith.constant 0 : index
    %swap3A_21 = vector.load %arg2[%swap3A_19, %swap3A_20] : memref<3200x512xf32, #tpu.memory_space<vmem>>, vector<128x512xf32>
    tpu.vector_store %arg2[%swap3A_19, %swap3A_20], %transpose3A_18 {strides = array<i32>} : memref<3200x512xf32, #tpu.memory_space<vmem>>, vector<128x512xf32>,
    %slice3A_22 = vector.extract_strided_slice %reshape3A {offsets = [0, 4, 0], sizes = [512, 1, 128], strides = [1, 1, 1]} : vector<512x25x128xf32> to vector<512x1x128xf32>
    %squeeze3A_23 = vector.shape_cast %slice3A_22 : vector<512x1x128xf32> to vector<512x128xf32>
    %transpose3A_24 = tpu.transpose %squeeze3A_23, [1, 0] : vector<512x128xf32> -> vector<128x512xf32>
    %swap3A_25 = arith.constant 512 : index
    %swap3A_26 = arith.constant 0 : index
    %swap3A_27 = vector.load %arg2[%swap3A_25, %swap3A_26] : memref<3200x512xf32, #tpu.memory_space<vmem>>, vector<128x512xf32>
    tpu.vector_store %arg2[%swap3A_25, %swap3A_26], %transpose3A_24 {strides = array<i32>} : memref<3200x512xf32, #tpu.memory_space<vmem>>, vector<128x512xf32>,
    %slice3A_28 = vector.extract_strided_slice %reshape3A {offsets = [0, 5, 0], sizes = [512, 1, 128], strides = [1, 1, 1]} : vector<512x25x128xf32> to vector<512x1x128xf32>
    %squeeze3A_29 = vector.shape_cast %slice3A_28 : vector<512x1x128xf32> to vector<512x128xf32>
    %transpose3A_30 = tpu.transpose %squeeze3A_29, [1, 0] : vector<512x128xf32> -> vector<128x512xf32>
    %swap3A_31 = arith.constant 640 : index
    %swap3A_32 = arith.constant 0 : index
    %swap3A_33 = vector.load %arg2[%swap3A_31, %swap3A_32] : memref<3200x512xf32, #tpu.memory_space<vmem>>, vector<128x512xf32>
    tpu.vector_store %arg2[%swap3A_31, %swap3A_32], %transpose3A_30 {strides = array<i32>} : memref<3200x512xf32, #tpu.memory_space<vmem>>, vector<128x512xf32>,
    %slice3A_34 = vector.extract_strided_slice %reshape3A {offsets = [0, 6, 0], sizes = [512, 1, 128], strides = [1, 1, 1]} : vector<512x25x128xf32> to vector<512x1x128xf32>
    %squeeze3A_35 = vector.shape_cast %slice3A_34 : vector<512x1x128xf32> to vector<512x128xf32>
    %transpose3A_36 = tpu.transpose %squeeze3A_35, [1, 0] : vector<512x128xf32> -> vector<128x512xf32>
    %swap3A_37 = arith.constant 768 : index
    %swap3A_38 = arith.constant 0 : index
    %swap3A_39 = vector.load %arg2[%swap3A_37, %swap3A_38] : memref<3200x512xf32, #tpu.memory_space<vmem>>, vector<128x512xf32>
    tpu.vector_store %arg2[%swap3A_37, %swap3A_38], %transpose3A_36 {strides = array<i32>} : memref<3200x512xf32, #tpu.memory_space<vmem>>, vector<128x512xf32>,
    %slice3A_40 = vector.extract_strided_slice %reshape3A {offsets = [0, 7, 0], sizes = [512, 1, 128], strides = [1, 1, 1]} : vector<512x25x128xf32> to vector<512x1x128xf32>
    %squeeze3A_41 = vector.shape_cast %slice3A_40 : vector<512x1x128xf32> to vector<512x128xf32>
    %transpose3A_42 = tpu.transpose %squeeze3A_41, [1, 0] : vector<512x128xf32> -> vector<128x512xf32>
    %swap3A_43 = arith.constant 896 : index
    %swap3A_44 = arith.constant 0 : index
    %swap3A_45 = vector.load %arg2[%swap3A_43, %swap3A_44] : memref<3200x512xf32, #tpu.memory_space<vmem>>, vector<128x512xf32>
    tpu.vector_store %arg2[%swap3A_43, %swap3A_44], %transpose3A_42 {strides = array<i32>} : memref<3200x512xf32, #tpu.memory_space<vmem>>, vector<128x512xf32>,
    %slice3A_46 = vector.extract_strided_slice %reshape3A {offsets = [0, 8, 0], sizes = [512, 1, 128], strides = [1, 1, 1]} : vector<512x25x128xf32> to vector<512x1x128xf32>
    %squeeze3A_47 = vector.shape_cast %slice3A_46 : vector<512x1x128xf32> to vector<512x128xf32>
    %transpose3A_48 = tpu.transpose %squeeze3A_47, [1, 0] : vector<512x128xf32> -> vector<128x512xf32>
    %swap3A_49 = arith.constant 1024 : index
    %swap3A_50 = arith.constant 0 : index
    %swap3A_51 = vector.load %arg2[%swap3A_49, %swap3A_50] : memref<3200x512xf32, #tpu.memory_space<vmem>>, vector<128x512xf32>
    tpu.vector_store %arg2[%swap3A_49, %swap3A_50], %transpose3A_48 {strides = array<i32>} : memref<3200x512xf32, #tpu.memory_space<vmem>>, vector<128x512xf32>,
    %slice3A_52 = vector.extract_strided_slice %reshape3A {offsets = [0, 9, 0], sizes = [512, 1, 128], strides = [1, 1, 1]} : vector<512x25x128xf32> to vector<512x1x128xf32>
    %squeeze3A_53 = vector.shape_cast %slice3A_52 : vector<512x1x128xf32> to vector<512x128xf32>
    %transpose3A_54 = tpu.transpose %squeeze3A_53, [1, 0] : vector<512x128xf32> -> vector<128x512xf32>
    %swap3A_55 = arith.constant 1152 : index
    %swap3A_56 = arith.constant 0 : index
    %swap3A_57 = vector.load %arg2[%swap3A_55, %swap3A_56] : memref<3200x512xf32, #tpu.memory_space<vmem>>, vector<128x512xf32>
    tpu.vector_store %arg2[%swap3A_55, %swap3A_56], %transpose3A_54 {strides = array<i32>} : memref<3200x512xf32, #tpu.memory_space<vmem>>, vector<128x512xf32>,
    %slice3A_58 = vector.extract_strided_slice %reshape3A {offsets = [0, 10, 0], sizes = [512, 1, 128], strides = [1, 1, 1]} : vector<512x25x128xf32> to vector<512x1x128xf32>
    %squeeze3A_59 = vector.shape_cast %slice3A_58 : vector<512x1x128xf32> to vector<512x128xf32>
    %transpose3A_60 = tpu.transpose %squeeze3A_59, [1, 0] : vector<512x128xf32> -> vector<128x512xf32>
    %swap3A_61 = arith.constant 1280 : index
    %swap3A_62 = arith.constant 0 : index
    %swap3A_63 = vector.load %arg2[%swap3A_61, %swap3A_62] : memref<3200x512xf32, #tpu.memory_space<vmem>>, vector<128x512xf32>
    tpu.vector_store %arg2[%swap3A_61, %swap3A_62], %transpose3A_60 {strides = array<i32>} : memref<3200x512xf32, #tpu.memory_space<vmem>>, vector<128x512xf32>,
    %slice3A_64 = vector.extract_strided_slice %reshape3A {offsets = [0, 11, 0], sizes = [512, 1, 128], strides = [1, 1, 1]} : vector<512x25x128xf32> to vector<512x1x128xf32>
    %squeeze3A_65 = vector.shape_cast %slice3A_64 : vector<512x1x128xf32> to vector<512x128xf32>
    %transpose3A_66 = tpu.transpose %squeeze3A_65, [1, 0] : vector<512x128xf32> -> vector<128x512xf32>
    %swap3A_67 = arith.constant 1408 : index
    %swap3A_68 = arith.constant 0 : index
    %swap3A_69 = vector.load %arg2[%swap3A_67, %swap3A_68] : memref<3200x512xf32, #tpu.memory_space<vmem>>, vector<128x512xf32>
    tpu.vector_store %arg2[%swap3A_67, %swap3A_68], %transpose3A_66 {strides = array<i32>} : memref<3200x512xf32, #tpu.memory_space<vmem>>, vector<128x512xf32>,
    %slice3A_70 = vector.extract_strided_slice %reshape3A {offsets = [0, 12, 0], sizes = [512, 1, 128], strides = [1, 1, 1]} : vector<512x25x128xf32> to vector<512x1x128xf32>
    %squeeze3A_71 = vector.shape_cast %slice3A_70 : vector<512x1x128xf32> to vector<512x128xf32>
    %transpose3A_72 = tpu.transpose %squeeze3A_71, [1, 0] : vector<512x128xf32> -> vector<128x512xf32>
    %swap3A_73 = arith.constant 1536 : index
    %swap3A_74 = arith.constant 0 : index
    %swap3A_75 = vector.load %arg2[%swap3A_73, %swap3A_74] : memref<3200x512xf32, #tpu.memory_space<vmem>>, vector<128x512xf32>
    tpu.vector_store %arg2[%swap3A_73, %swap3A_74], %transpose3A_72 {strides = array<i32>} : memref<3200x512xf32, #tpu.memory_space<vmem>>, vector<128x512xf32>,
    %slice3A_76 = vector.extract_strided_slice %reshape3A {offsets = [0, 13, 0], sizes = [512, 1, 128], strides = [1, 1, 1]} : vector<512x25x128xf32> to vector<512x1x128xf32>
    %squeeze3A_77 = vector.shape_cast %slice3A_76 : vector<512x1x128xf32> to vector<512x128xf32>
    %transpose3A_78 = tpu.transpose %squeeze3A_77, [1, 0] : vector<512x128xf32> -> vector<128x512xf32>
    %swap3A_79 = arith.constant 1664 : index
    %swap3A_80 = arith.constant 0 : index
    %swap3A_81 = vector.load %arg2[%swap3A_79, %swap3A_80] : memref<3200x512xf32, #tpu.memory_space<vmem>>, vector<128x512xf32>
    tpu.vector_store %arg2[%swap3A_79, %swap3A_80], %transpose3A_78 {strides = array<i32>} : memref<3200x512xf32, #tpu.memory_space<vmem>>, vector<128x512xf32>,
    %slice3A_82 = vector.extract_strided_slice %reshape3A {offsets = [0, 14, 0], sizes = [512, 1, 128], strides = [1, 1, 1]} : vector<512x25x128xf32> to vector<512x1x128xf32>
    %squeeze3A_83 = vector.shape_cast %slice3A_82 : vector<512x1x128xf32> to vector<512x128xf32>
    %transpose3A_84 = tpu.transpose %squeeze3A_83, [1, 0] : vector<512x128xf32> -> vector<128x512xf32>
    %swap3A_85 = arith.constant 1792 : index
    %swap3A_86 = arith.constant 0 : index
    %swap3A_87 = vector.load %arg2[%swap3A_85, %swap3A_86] : memref<3200x512xf32, #tpu.memory_space<vmem>>, vector<128x512xf32>
    tpu.vector_store %arg2[%swap3A_85, %swap3A_86], %transpose3A_84 {strides = array<i32>} : memref<3200x512xf32, #tpu.memory_space<vmem>>, vector<128x512xf32>,
    %slice3A_88 = vector.extract_strided_slice %reshape3A {offsets = [0, 15, 0], sizes = [512, 1, 128], strides = [1, 1, 1]} : vector<512x25x128xf32> to vector<512x1x128xf32>
    %squeeze3A_89 = vector.shape_cast %slice3A_88 : vector<512x1x128xf32> to vector<512x128xf32>
    %transpose3A_90 = tpu.transpose %squeeze3A_89, [1, 0] : vector<512x128xf32> -> vector<128x512xf32>
    %swap3A_91 = arith.constant 1920 : index
    %swap3A_92 = arith.constant 0 : index
    %swap3A_93 = vector.load %arg2[%swap3A_91, %swap3A_92] : memref<3200x512xf32, #tpu.memory_space<vmem>>, vector<128x512xf32>
    tpu.vector_store %arg2[%swap3A_91, %swap3A_92], %transpose3A_90 {strides = array<i32>} : memref<3200x512xf32, #tpu.memory_space<vmem>>, vector<128x512xf32>,
    %slice3A_94 = vector.extract_strided_slice %reshape3A {offsets = [0, 16, 0], sizes = [512, 1, 128], strides = [1, 1, 1]} : vector<512x25x128xf32> to vector<512x1x128xf32>
    %squeeze3A_95 = vector.shape_cast %slice3A_94 : vector<512x1x128xf32> to vector<512x128xf32>
    %transpose3A_96 = tpu.transpose %squeeze3A_95, [1, 0] : vector<512x128xf32> -> vector<128x512xf32>
    %swap3A_97 = arith.constant 2048 : index
    %swap3A_98 = arith.constant 0 : index
    %swap3A_99 = vector.load %arg2[%swap3A_97, %swap3A_98] : memref<3200x512xf32, #tpu.memory_space<vmem>>, vector<128x512xf32>
    tpu.vector_store %arg2[%swap3A_97, %swap3A_98], %transpose3A_96 {strides = array<i32>} : memref<3200x512xf32, #tpu.memory_space<vmem>>, vector<128x512xf32>,
    %slice3A_100 = vector.extract_strided_slice %reshape3A {offsets = [0, 17, 0], sizes = [512, 1, 128], strides = [1, 1, 1]} : vector<512x25x128xf32> to vector<512x1x128xf32>
    %squeeze3A_101 = vector.shape_cast %slice3A_100 : vector<512x1x128xf32> to vector<512x128xf32>
    %transpose3A_102 = tpu.transpose %squeeze3A_101, [1, 0] : vector<512x128xf32> -> vector<128x512xf32>
    %swap3A_103 = arith.constant 2176 : index
    %swap3A_104 = arith.constant 0 : index
    %swap3A_105 = vector.load %arg2[%swap3A_103, %swap3A_104] : memref<3200x512xf32, #tpu.memory_space<vmem>>, vector<128x512xf32>
    tpu.vector_store %arg2[%swap3A_103, %swap3A_104], %transpose3A_102 {strides = array<i32>} : memref<3200x512xf32, #tpu.memory_space<vmem>>, vector<128x512xf32>,
    %slice3A_106 = vector.extract_strided_slice %reshape3A {offsets = [0, 18, 0], sizes = [512, 1, 128], strides = [1, 1, 1]} : vector<512x25x128xf32> to vector<512x1x128xf32>
    %squeeze3A_107 = vector.shape_cast %slice3A_106 : vector<512x1x128xf32> to vector<512x128xf32>
    %transpose3A_108 = tpu.transpose %squeeze3A_107, [1, 0] : vector<512x128xf32> -> vector<128x512xf32>
    %swap3A_109 = arith.constant 2304 : index
    %swap3A_110 = arith.constant 0 : index
    %swap3A_111 = vector.load %arg2[%swap3A_109, %swap3A_110] : memref<3200x512xf32, #tpu.memory_space<vmem>>, vector<128x512xf32>
    tpu.vector_store %arg2[%swap3A_109, %swap3A_110], %transpose3A_108 {strides = array<i32>} : memref<3200x512xf32, #tpu.memory_space<vmem>>, vector<128x512xf32>,
    %slice3A_112 = vector.extract_strided_slice %reshape3A {offsets = [0, 19, 0], sizes = [512, 1, 128], strides = [1, 1, 1]} : vector<512x25x128xf32> to vector<512x1x128xf32>
    %squeeze3A_113 = vector.shape_cast %slice3A_112 : vector<512x1x128xf32> to vector<512x128xf32>
    %transpose3A_114 = tpu.transpose %squeeze3A_113, [1, 0] : vector<512x128xf32> -> vector<128x512xf32>
    %swap3A_115 = arith.constant 2432 : index
    %swap3A_116 = arith.constant 0 : index
    %swap3A_117 = vector.load %arg2[%swap3A_115, %swap3A_116] : memref<3200x512xf32, #tpu.memory_space<vmem>>, vector<128x512xf32>
    tpu.vector_store %arg2[%swap3A_115, %swap3A_116], %transpose3A_114 {strides = array<i32>} : memref<3200x512xf32, #tpu.memory_space<vmem>>, vector<128x512xf32>,
    %slice3A_118 = vector.extract_strided_slice %reshape3A {offsets = [0, 20, 0], sizes = [512, 1, 128], strides = [1, 1, 1]} : vector<512x25x128xf32> to vector<512x1x128xf32>
    %squeeze3A_119 = vector.shape_cast %slice3A_118 : vector<512x1x128xf32> to vector<512x128xf32>
    %transpose3A_120 = tpu.transpose %squeeze3A_119, [1, 0] : vector<512x128xf32> -> vector<128x512xf32>
    %swap3A_121 = arith.constant 2560 : index
    %swap3A_122 = arith.constant 0 : index
    %swap3A_123 = vector.load %arg2[%swap3A_121, %swap3A_122] : memref<3200x512xf32, #tpu.memory_space<vmem>>, vector<128x512xf32>
    tpu.vector_store %arg2[%swap3A_121, %swap3A_122], %transpose3A_120 {strides = array<i32>} : memref<3200x512xf32, #tpu.memory_space<vmem>>, vector<128x512xf32>,
    %slice3A_124 = vector.extract_strided_slice %reshape3A {offsets = [0, 21, 0], sizes = [512, 1, 128], strides = [1, 1, 1]} : vector<512x25x128xf32> to vector<512x1x128xf32>
    %squeeze3A_125 = vector.shape_cast %slice3A_124 : vector<512x1x128xf32> to vector<512x128xf32>
    %transpose3A_126 = tpu.transpose %squeeze3A_125, [1, 0] : vector<512x128xf32> -> vector<128x512xf32>
    %swap3A_127 = arith.constant 2688 : index
    %swap3A_128 = arith.constant 0 : index
    %swap3A_129 = vector.load %arg2[%swap3A_127, %swap3A_128] : memref<3200x512xf32, #tpu.memory_space<vmem>>, vector<128x512xf32>
    tpu.vector_store %arg2[%swap3A_127, %swap3A_128], %transpose3A_126 {strides = array<i32>} : memref<3200x512xf32, #tpu.memory_space<vmem>>, vector<128x512xf32>,
    %slice3A_130 = vector.extract_strided_slice %reshape3A {offsets = [0, 22, 0], sizes = [512, 1, 128], strides = [1, 1, 1]} : vector<512x25x128xf32> to vector<512x1x128xf32>
    %squeeze3A_131 = vector.shape_cast %slice3A_130 : vector<512x1x128xf32> to vector<512x128xf32>
    %transpose3A_132 = tpu.transpose %squeeze3A_131, [1, 0] : vector<512x128xf32> -> vector<128x512xf32>
    %swap3A_133 = arith.constant 2816 : index
    %swap3A_134 = arith.constant 0 : index
    %swap3A_135 = vector.load %arg2[%swap3A_133, %swap3A_134] : memref<3200x512xf32, #tpu.memory_space<vmem>>, vector<128x512xf32>
    tpu.vector_store %arg2[%swap3A_133, %swap3A_134], %transpose3A_132 {strides = array<i32>} : memref<3200x512xf32, #tpu.memory_space<vmem>>, vector<128x512xf32>,
    %slice3A_136 = vector.extract_strided_slice %reshape3A {offsets = [0, 23, 0], sizes = [512, 1, 128], strides = [1, 1, 1]} : vector<512x25x128xf32> to vector<512x1x128xf32>
    %squeeze3A_137 = vector.shape_cast %slice3A_136 : vector<512x1x128xf32> to vector<512x128xf32>
    %transpose3A_138 = tpu.transpose %squeeze3A_137, [1, 0] : vector<512x128xf32> -> vector<128x512xf32>
    %swap3A_139 = arith.constant 2944 : index
    %swap3A_140 = arith.constant 0 : index
    %swap3A_141 = vector.load %arg2[%swap3A_139, %swap3A_140] : memref<3200x512xf32, #tpu.memory_space<vmem>>, vector<128x512xf32>
    tpu.vector_store %arg2[%swap3A_139, %swap3A_140], %transpose3A_138 {strides = array<i32>} : memref<3200x512xf32, #tpu.memory_space<vmem>>, vector<128x512xf32>,
    %slice3A_142 = vector.extract_strided_slice %reshape3A {offsets = [0, 24, 0], sizes = [512, 1, 128], strides = [1, 1, 1]} : vector<512x25x128xf32> to vector<512x1x128xf32>
    %squeeze3A_143 = vector.shape_cast %slice3A_142 : vector<512x1x128xf32> to vector<512x128xf32>
    %transpose3A_144 = tpu.transpose %squeeze3A_143, [1, 0] : vector<512x128xf32> -> vector<128x512xf32>
    %swap3A_145 = arith.constant 3072 : index
    %swap3A_146 = arith.constant 0 : index
    %swap3A_147 = vector.load %arg2[%swap3A_145, %swap3A_146] : memref<3200x512xf32, #tpu.memory_space<vmem>>, vector<128x512xf32>
    tpu.vector_store %arg2[%swap3A_145, %swap3A_146], %transpose3A_144 {strides = array<i32>} : memref<3200x512xf32, #tpu.memory_space<vmem>>, vector<128x512xf32>,
    return
  }
  func.func @transform_0(%arg0: i32) -> (i32, i32) {
    %c0_i32 = arith.constant 0 : i32
    %c0_i32_0 = arith.constant 0 : i32
    return %arg0, %c0_i32 : i32, i32
  }
  func.func @transform_1(%arg0: i32) -> (i32, i32) {
    %c0_i32 = arith.constant 0 : i32
    %c0_i32_0 = arith.constant 0 : i32
    return %c0_i32, %arg0 : i32, i32
  }
}

</mosaic_0001>

<sc_bundles>
// kernel: kernel.6.cloned.1.call-start
scs
__scs_entry_jumppad:
0x0: {  	(pc) =	sbr.rel $0x88, $3  }
0x1: {  	(tag) =	ssettag $0x0;
	lr =	simm.s32 $0x1  }
0x2: {  	[smem:$0x3F9E] =	sst lr;
	_ =	strace $0xD0000000  }
0x3: {  	_ = 	snop  }
0x4: {  	_ = 	snop  }
0x5: {  	_ = 	snop  }
0x6: {  	_ = 	snop  }
0x7: {  	_ = 	snop  }
__scs_overlays_trampoline_lowered:
0x8: {  	[smem:$0x3FAD] =	sst s0  }
0x9: {  	[smem:$0x3FAE] =	sst s1  }
0xa: {  	[smem:$0x3FAF] =	sst s2  }
0xb: {  	[smem:$0x3FB0] =	sst s3  }
0xc: {  	[smem:$0x3FB1] =	sst s4  }
0xd: {  	[smem:$0x3FB2] =	sst s5  }
0xe: {  	[smem:$0x3FB3] =	sst s6  }
0xf: {  	[smem:$0x3FB4] =	sst s7  }
0x10: {  	[smem:$0x3FB5] =	sst s8  }
0x11: {  	[smem:$0x3FB6] =	sst s9;
	s0 =	simm.s32 @!p0 $0x0  }
0x12: {  	s1 =	sld [smem:$0x3F9C];
	s0 =	simm.s32 @p0 $0x1  }
0x13: {  	[smem:$0x3FB7] =	sst s0;
	s0 =	simm.s32 @!p1 $0x0  }
0x14: {  	s2 =	sld [smem:$0x3F9B];
	s0 =	simm.s32 @p1 $0x1  }
0x15: {  	[smem:$0x3FB8] =	sst s0;
	s0 =	simm.s32 @!p2 $0x0  }
0x16: {  	s3 =	sld [smem:$0x3FDB];
	s0 =	simm.s32 @p2 $0x1  }
0x17: {  	s4 =	simm.s32 $0x1BF5;
	[smem:$0x3FBA] =	sst s0  }
0x18: {  	s0 =	sld [smem:$0x3F9D];
	_ =	swait.ge [sflag:s4], $0x0  }
0x19: {  	s7 =	sld [smem:$0x3F9E]  }
0x1a: {  	s8 =	sadd.s32 $0xFFFFE003, lr  }
0x1b: {  	s9 =	sadd.s32 $0xFFFFFEF7, lr;
	s5 =	simm.s32 $0xFFFFFFFF;
	p2 =	slt.u32 s8, $0xFFFFF086  }
0x1c: {  	p1 =	slt.u32 s9, $0xF7A;
	s5 =	simm.s32 @!p2 $0x0  }
0x1d: {  	s5 =	simm.s32 @p1 $0x1;
	p0 =	seq.s32 s7, s2  }
0x1e: {  	s7 =	smul.u32 @!p0 $0xF7A, s2;
	p2 =	seq.s32 @!p0 s5, $0x0  }
0x1f: {  	s9 =	smul.u32 $0xF7A, s1;
	s8 =	simm.s32 @!p0 $0x1BF5;
	p2 =	por !p2, p0  }
0x20: {  	[sflag:s8] =	ssyncset.s32 @!p0 $0xFFFFF086;
	s6 =	sadd.s32 @!p0 s3, s7;
	s7 =	simm.s32 @!p0 $0x108  }
0x21: {  	s3 =	sadd.s32 s3, s9;
	s6 =	sadd.s32 @!p0 $0x88, s6;
	s7 =	simm.s32 @p2 $0x1082  }
0x22: {  	[simem:s7], [sflag:s8] =	dma.local @!p0 [hbm:s6], $0xF7A  }
0x23: {  	s9 =	sor.u32 $0xD0000000, s2;
	s6 =	simm.s32 $0x108;
	_ =	swait.ge @!p0 [sflag:s8], $0x0  }
0x24: {  	s3 =	sadd.s32 $0x88, s3;
	s6 =	simm.s32 @!p1 $0x1082;
	[sflag:s4] =	ssyncset.s32 $0xFFFFF086  }
0x25: {  	[simem:s6], [sflag:s4] =	dma.local [hbm:s3], $0xF7A  }
0x26: {  	[smem:$0x3F9E] =	sst s1;
	(tag) =	ssettag s2;
	_ =	strace s9  }
0x27: {  	s1 =	sld [smem:$0x3FAE]  }
0x28: {  	s2 =	sld [smem:$0x3FAF]  }
0x29: {  	s4 =	sld [smem:$0x3FB1]  }
0x2a: {  	p0 =	seq.s32 s5, $0x0;
	s5 =	sld [smem:$0x3FB2]  }
0x2b: {  	s6 =	sld [smem:$0x3FB3]  }
0x2c: {  	s7 =	sld [smem:$0x3FB4]  }
0x2d: {  	s3 =	simm.s32 $0x108;
	s8 =	sld [smem:$0x3FB5]  }
0x2e: {  	s3 =	simm.s32 @!p0 $0x1082;
	s9 =	sld [smem:$0x3FB6]  }
0x2f: {  	lr =	sadd.s32 s0, s3;
	s0 =	sld [smem:$0x3FAD]  }
0x30: {  	s3 =	sld [smem:$0x3FB0]  }
0x31: {  	[smem:$0x3FB9] =	sst s10  }
0x32: {  	s10 =	sld [smem:$0x3FB7];
	_ =	sdelay $0x3  }
0x33: {  	p0 =	seq.s32 s10, $0x1;
	s10 =	sld [smem:$0x3FB9];
	_ =	sdelay $0x3  }
0x34: {  	[smem:$0x3FB9] =	sst s10  }
0x35: {  	s10 =	sld [smem:$0x3FB8];
	_ =	sdelay $0x3  }
0x36: {  	p1 =	seq.s32 s10, $0x1;
	s10 =	sld [smem:$0x3FB9];
	_ =	sdelay $0x3  }
0x37: {  	[smem:$0x3FB9] =	sst s10  }
0x38: {  	s10 =	sld [smem:$0x3FBA]  }
0x39: {  	_ = 	snop;
	(pc) =	sbr.ind lr, $3  }
0x3a: {  	_ = 	snop  }
0x3b: {  	_ = 	snop  }
0x3c: {  	p2 =	seq.s32 s10, $0x1;
	s10 =	sld [smem:$0x3FB9]  }
0x3d: {  	_ =	shalt  }
0x3e: {  	_ =	shalt  }
0x3f: {  	_ =	shalt  }
0x40: {  	_ =	shalt  }
0x41: {  	_ =	shalt  }
0x42: {  	_ =	shalt  }
0x43: {  	_ =	shalt  }
0x44: {  	_ =	shalt  }
0x45: {  	_ =	shalt  }
0x46: {  	_ =	shalt  }
0x47: {  	_ =	shalt  }
0x48: {  	_ =	shalt  }
0x49: {  	_ =	shalt  }
0x4a: {  	_ =	shalt  }
0x4b: {  	_ =	shalt  }
0x4c: {  	_ =	shalt  }
0x4d: {  	_ =	shalt  }
0x4e: {  	_ =	shalt  }
0x4f: {  	_ =	shalt  }
0x50: {  	_ =	shalt  }
0x51: {  	_ =	shalt  }
0x52: {  	_ =	shalt  }
0x53: {  	_ =	shalt  }
0x54: {  	_ =	shalt  }
0x55: {  	_ =	shalt  }
0x56: {  	_ =	shalt  }
0x57: {  	_ =	shalt  }
0x58: {  	_ =	shalt  }
0x59: {  	_ =	shalt  }
0x5a: {  	_ =	shalt  }
0x5b: {  	_ =	shalt  }
0x5c: {  	_ =	shalt  }
0x5d: {  	_ =	shalt  }
0x5e: {  	_ =	shalt  }
0x5f: {  	_ =	shalt  }
0x60: {  	_ =	shalt  }
0x61: {  	_ =	shalt  }
0x62: {  	_ =	shalt  }
0x63: {  	_ =	shalt  }
0x64: {  	_ =	shalt  }
0x65: {  	_ =	shalt  }
0x66: {  	_ =	shalt  }
0x67: {  	_ =	shalt  }
0x68: {  	_ =	shalt  }
0x69: {  	_ =	shalt  }
0x6a: {  	_ =	shalt  }
0x6b: {  	_ =	shalt  }
0x6c: {  	_ =	shalt  }
0x6d: {  	_ =	shalt  }
0x6e: {  	_ =	shalt  }
0x6f: {  	_ =	shalt  }
0x70: {  	_ =	shalt  }
0x71: {  	_ =	shalt  }
0x72: {  	_ =	shalt  }
0x73: {  	_ =	shalt  }
0x74: {  	_ =	shalt  }
0x75: {  	_ =	shalt  }
0x76: {  	_ =	shalt  }
0x77: {  	_ =	shalt  }
0x78: {  	_ =	shalt  }
0x79: {  	_ =	shalt  }
0x7a: {  	_ =	shalt  }
0x7b: {  	_ =	shalt  }
0x7c: {  	_ =	shalt  }
0x7d: {  	_ =	shalt  }
0x7e: {  	_ =	shalt  }
0x7f: {  	_ =	shalt  }
0x80: {  	_ =	shalt  }
0x81: {  	_ =	shalt  }
0x82: {  	_ =	shalt  }
0x83: {  	_ =	shalt  }
0x84: {  	_ =	shalt  }
0x85: {  	_ =	shalt  }
0x86: {  	_ =	shalt  }
0x87: {  	_ =	shalt  }
.Lfunc_end0:
.L_simem_size_0:
called_computation.1_lowered:
.L_overlay_start_0:
0x88: {  	s2 =	sld [smem:$0x3FD9]  }
0x89: {  	s3 =	sld [smem:$0x3FFE];
	_ =	sdelay $0x1  }
0x8a: {  	s1 =	srdreg.scid  }
0x8b: {  	s0 =	sand.u32 $0x1, s1  }
0x8c: {  	s17 =	sshll.u32 s0, $0xA;
	s2 =	sadd.s32 s3, s2  }
0x8d: {  	s2 =	sadd.s32 s2, s17  }
0x8e: {  	[smem:$0x3FC5] =	sst s2  }
0x8f: {  	_ = 	snop  }
0x90: {  	(tm) =	ssettm $0x1  }
0x91: {  	s18 =	sld [smem:$0x3FFB];
	_ =	sdelay $0x3  }
0x92: {  	_ =	strace s18  }
0x93: {  	s2 =	sld [smem:$0x3FFC];
	_ =	sdelay $0x3  }
0x94: {  	_ =	strace s2  }
0x95: {  	s2 =	sld [smem:$0x3FFD];
	_ =	sdelay $0x3  }
0x96: {  	_ =	strace s2  }
0x97: {  	_ =	strace $0x8FFFFFFF  }
0x98: {  	s19 =	sld [smem:$0x3FDB];
	_ =	sdelay $0x1  }
0x99: {  	s20 =	simm.s32 $_scs_section_size  }
0x9a: {  	s4 =	simm.s32 $_size__tile_overlayer_lowered;
	s5 =	simm.s32 $_tile_overlayer_lowered  }
0x9b: {  	s6 =	simm.s32 $0x1BFF;
	s21 =	sshll.u32 s5, $0x1;
	s3 =	sadd.s32 s20, s19  }
0x9c: {  	s22 =	simm.s32 $0x0;
	s4 =	sshll.u32 s4, $0x1;
	s5 =	sadd.s32 s21, s3  }
0x9d: {  	[timem:s22], [sflag:s6] =	dma.local [hbm:s5], s4  }
0x9e: {  	_ =	swait.ge [sflag:s6], s4  }
0x9f: {  	s4 =	ssub.s32 $0x0, s4;
	[sflag:s6] =	ssyncset.done $0x0  }
0xa0: {  	[sflag:s6] =	ssyncadd.s32 s4;
	_ =	sdelay $0x1  }
0xa1: {  	s23 =	simm.s32 $0x1B8B  }
0xa2: {  	_ =	swait.ge [sflag:s23], $0x1  }
0xa3: {  	[sflag:s23] =	ssyncset.done $0x0  }
0xa4: {  	[sflag:s23] =	ssyncadd.s32 $0xFFFFFFFF  }
0xa5: {  	s4 =	sld [smem:$0x0]  }
0xa6: {  	s5 =	sand.u32 $0xFFFFFFFE, s1  }
0xa7: {  	p0 =	sne.s32 s1, s5  }
0xa8: {  	s5 =	sshll.u32 @p0 s5, $0xE  }
0xa9: {  	s5 =	sadd.s32 @p0 $0x11B8D, s5;
	s6 =	sshll.u32 @p0 s4, $0x11  }
0xaa: {  	s5 =	sor.u32 @p0 s6, s5  }
0xab: {  	[sflag:s5] =	ssyncadd.remote.s32 @p0 $0x1;
	_ =	sdelay $0x1  }
0xac: {  	s5 =	simm.s32 @p0 $0x1B8D  }
0xad: {  	_ =	swait.eq @p0 [sflag:s5], $0x1  }
0xae: {  	[sflag:s5] =	ssyncadd.s32 @p0 $0xFFFFFFFF  }
0xaf: {  	s6 =	sshll.u32 @!p0 s1, $0xE  }
0xb0: {  	s6 =	sor.u32 @!p0 $0x4000, s6;
	s5 =	simm.s32 @!p0 $0x1B8D  }
0xb1: {  	s4 =	sshll.u32 @!p0 s4, $0x11;
	s6 =	sadd.s32 @!p0 $0x11B8D, s6;
	_ =	swait.eq @!p0 [sflag:s5], $0x1  }
0xb2: {  	s4 =	sor.u32 @!p0 s4, s6;
	[sflag:s5] =	ssyncadd.s32 @!p0 $0xFFFFFFFF  }
0xb3: {  	s25 =	simm.s32 $0x1B8E;
	s24 =	sld [smem:$0x3FFE];
	[sflag:s4] =	ssyncadd.remote.s32 @!p0 $0x1  }
0xb4: {  	s26 =	simm.s32 $execute0_lowered;
	[smem:$0x3FD2] =	sst s25  }
0xb5: {  	s5 =	sshll.u32 s26, $0x1;
	_ =	strace $0x8000004C;
	[dreg:$0x1] =	wrdreg $0xFFFFFFFF  }
0xb6: {  	s28 =	simm.s32 $_size_execute0_lowered;
	s3 =	sadd.s32 s3, s5;
	[dreg:$0x0] =	wrdreg $0x0  }
0xb7: {  	s5 =	sshll.u32 s28, $0x1;
	[dreg:$0x2] =	wrdreg s3  }
0xb8: {  	[dreg:$0x3] =	wrdreg s5  }
0xb9: {  	[dreg:$0x4] =	wrdreg $0xC0  }
0xba: {  	_ =	task [dreg:s22], $0x5FFFF  }
0xbb: {  	[dreg:$0x1] =	wrdreg $0xFFFFFFFF  }
0xbc: {  	[dreg:$0x0] =	wrdreg $0x60  }
0xbd: {  	[dreg:$0x2] =	wrdreg s24  }
0xbe: {  	[dreg:$0x3] =	wrdreg $0x9  }
0xbf: {  	_ =	task.clear_ibuf [dreg:s22], $0x4FFFF;
	_ =	strace $0x9000004C  }
0xc0: {  	s29 =	simm.s32 $0x9;
	_ =	strace $0x8000004E  }
0xc1: {  	_ =	swait.ge [sflag:s29], $0x1  }
0xc2: {  	[sflag:s29] =	ssyncadd.s32 $0xFFFFFFFF  }
0xc3: {  	_ =	strace $0x9000004E  }
0xc4: {  	_ =	sfence  }
0xc5: {  	s30 =	sld [smem:$0x0];
	_ =	sdelay $0x2  }
0xc6: {  	s31 =	sshll.u32 s1, $0xD;
	s1 =	sshrl.u32 s1, $0x2  }
0xc7: {  	s4 =	sand.u32 $0x4000, s31;
	s1 =	sadd.s32 s1, s30  }
0xc8: {  	s0 =	sor.u32 s4, s0;
	s1 =	sshll.u32 s1, $0x11  }
0xc9: {  	s0 =	sor.u32 s1, s0  }
0xca: {  	s0 =	sadd.s32 $0x8F2B, s0  }
0xcb: {  	[sflag:s0] =	ssyncadd.remote.s32 $0x1  }
0xcc: {  	_ =	sfence.sel $0xFFFF  }
0xcd: {  	[dreg:$0x0] =	wrdreg $0xFFFFFFFF;
	(pc) =	sbr.abs _section_cstart, $3  }
0xce: {  	[dreg:$0x1] =	wrdreg $0xFFFFFFFF  }
0xcf: {  	_ =	task.clear_ibuf [dreg:s22], $0x2FFFF;
	_ =	strace $0x9FFFFFFF  }
0xd0: {  	(tm) =	ssettm $0x7FFFFFFF  }
0xd1: {  	_ =	shalt  }
tec
execute0_lowered:
.L_overlay_start_1:
0x0: {  	(tag) =	ssettag $0x1  }
0x1: {  	s0 =	srdreg.scid;
	s8 =	stileid.u32  }
0x2: {  	s1 =	rddreg [dreg:$0x0];
	s2 =	simm.s32 $0x0;
	s29 =	simm.s32 $0xC400  }
0x3: {  	s31 =	simm.s32 $0xE400;
	s0 =	sand.u32 $0x1, s0;
	s3 =	sshll.u32 s8, $0x1  }
0x4: {  	s30 =	simm.s32 $0x10400;
	s15 =	smul.u32 $0x190, s8;
	s4 =	sor.u32 s0, s3  }
0x5: {  	s28 =	simm.s32 $0x12400;
	[smem:$0x7FF] =	sst s2;
	s3 =	smul.u32 $0xC80, s4  }
0x6: {  	s9 =	sadd.s32 $0x1000, s1;
	s8 =	simm.s32 $0x2;
	s7 =	smul.u32 $0x32000, s4  }
0x7: {  	_ =	strace $0x8000004D;
	s6 =	ssub.s32 $0x2, s0;
	s0 =	smul.u32 $0xC8, s0  }
0x8: {  	[dreg:$0x6] =	wrdreg s9;
	s5 =	sadd.s32 s3, s1;
	s10 =	sadd.s32 s9, s7  }
0x9: {  	s26 =	sshrl.u32 s6, $0x1;
	s5 =	sadd.s32 $0xF43400, s5;
	[dreg:$0x8] =	wrdreg s10  }
0xa: {  	s4 =	smul.u32 $0x190000, s4;
	s11 =	sadd.s32 $0x400, s10;
	[dreg:$0x7] =	wrdreg s5  }
0xb: {  	s0 =	sadd.s32 s0, s15;
	s12 =	sadd.s32 $0x800, s10;
	[dreg:$0x9] =	wrdreg s11  }
0xc: {  	s15 =	simm.s32 $0x6;
	s13 =	sadd.s32 $0xC00, s10;
	[dreg:$0xa] =	wrdreg s12  }
0xd: {  	s3 =	sadd.s32 $0xF5C400, s1;
	s14 =	sadd.s32 $0x1000, s10;
	[dreg:$0xb] =	wrdreg s13  }
0xe: {  	s1 =	ssub.s32 s6, s26;
	s7 =	sadd.s32 $0x1400, s10;
	[dreg:$0xc] =	wrdreg s14  }
0xf: {  	s4 =	sshrl.u32 s4, $0x3;
	s16 =	sadd.s32 $0x1800, s10;
	[dreg:$0xd] =	wrdreg s7  }
0x10: {  	s0 =	sshll.u32 s0, $0xA;
	s6 =	sadd.s32 $0x1C00, s10;
	[dreg:$0xe] =	wrdreg s16  }
0x11: {  	s4 =	sadd.s32 s9, s4;
	s23 =	sadd.s32 $0x2000, s0;
	[dreg:$0xf] =	wrdreg s6  }
0x12: {  	s25 =	sadd.s32 $0x3000, s0;
	s26 =	sadd.s32 $0x2800, s0;
	[dreg:$0x2] =	wrdreg s23  }
0x13: {  	s1 =	smax.u32 s1, $0x1;
	s0 =	sadd.s32 $0x3800, s0;
	[dreg:$0x3] =	wrdreg s25  }
0x14: {  	s10 =	simm.s32 $0xA;
	s9 =	simm.s32 $0x3;
	[dreg:$0x18] =	wrdreg s1  }
0x15: {  	s17 =	sadd.s32 $0x30000, s4;
	s18 =	sadd.s32 $0x30400, s4;
	[dreg:$0x4] =	wrdreg s26  }
0x16: {  	s19 =	sadd.s32 $0x30800, s4;
	s20 =	sadd.s32 $0x30C00, s4;
	[dreg:$0x5] =	wrdreg s0  }
0x17: {  	s21 =	sadd.s32 $0x31000, s4;
	s22 =	sadd.s32 $0x31400, s4;
	[dreg:$0x10] =	wrdreg s17  }
0x18: {  	s24 =	sadd.s32 $0x31800, s4;
	s4 =	sadd.s32 $0x31C00, s4;
	[dreg:$0x11] =	wrdreg s18  }
0x19: {  	s23 =	simm.s32 $0x6400;
	s25 =	simm.s32 $0x8400;
	[dreg:$0x12] =	wrdreg s19  }
0x1a: {  	s26 =	simm.s32 $0xA400;
	s7 =	simm.s32 $0x14400;
	[dreg:$0x13] =	wrdreg s20  }
0x1b: {  	s1 =	simm.s32 $0x9;
	s12 =	simm.s32 $0xB;
	[dreg:$0x14] =	wrdreg s21  }
0x1c: {  	s14 =	simm.s32 $0xC;
	s16 =	simm.s32 $0xD;
	[dreg:$0x15] =	wrdreg s22  }
0x1d: {  	s0 =	simm.s32 $0x0;
	s5 =	simm.s32 $0x1;
	[dreg:$0x16] =	wrdreg s24  }
0x1e: {  	s11 =	simm.s32 $0x4;
	s13 =	simm.s32 $0x5;
	[dreg:$0x17] =	wrdreg s4  }
0x1f: {  	s24 =	simm.s32 $0x80;
	s19 =	simm.s32 $0xE;
	s20 =	simm.s32 $0xF  }
0x20: {  	s21 =	simm.s32 $0x10;
	s17 =	simm.s32 $0x7;
	s18 =	simm.s32 $0xD  }
.LBB2_1:
0x21: {  	[dreg:$0x19] =	wrdreg s0  }
0x22: {  	s4 =	rddreg [dreg:$0x7];
	s22 =	simm.s32 $0x11  }
0x23: {  	[tilespmem:s2], [sflag:$0x11] =	stream.linear.gather [hbm4b:s4+s2], $0x6400, $0x38;
	[tilespmem:$0x16400] =	vst v63  }
0x24: {  	_ =	swait.ge [sflag:s22], $0x6400  }
0x25: {  	[sflag:s22] =	ssyncset.done $0x0  }
0x26: {  	s4 =	simm.s32 $0x0;
	[sflag:s22] =	ssyncadd.s32 $0xFFFF9C00  }
0x27: {  	v2 =	vld [tilespmem:s4+$0x0]  }
0x28: {  	v4 =	vld [tilespmem:s4+$0x10]  }
0x29: {  	v3 =	vld [tilespmem:s4+$0x20]  }
0x2a: {  	v1 =	vld [tilespmem:s4+$0x30]  }
0x2b: {  	v0 =	vld [tilespmem:s4+$0x40]  }
0x2c: {  	v5 =	vshll.u32 v2, $0x1;
	v2 =	vld [tilespmem:s4+$0x50]  }
0x2d: {  	s6 =	simm.s32 $0x200;
	[tilespmem:s4+$0x0] =	vst v5;
	v5 =	vshll.u32 v4, $0x1;
	v4 =	vld [tilespmem:s4+$0x60]  }
.LBB2_2:
0x2e: {  	s22 =	sshra.s32 s6, $0x2;
	p0 =	sne.s32 s6, $0x18E00;
	[tilespmem:s4+$0x10] =	vst v5;
	v3 =	vshll.u32 v3, $0x1;
	v5 =	vld [tilespmem:s4+$0x70]  }
0x2f: {  	v6 =	vld [tilespmem:s22+$0x0];
	[tilespmem:s4+$0x20] =	vst v3;
	v1 =	vshll.u32 v1, $0x1  }
0x30: {  	v7 =	vld [tilespmem:s22+$0x10];
	[tilespmem:s4+$0x30] =	vst v1;
	v0 =	vshll.u32 v0, $0x1  }
.Ltmp0:
0x31: {  	v3 =	vld [tilespmem:s22+$0x20];
	[tilespmem:s4+$0x40] =	vst v0;
	v0 =	vshll.u32 v2, $0x1;
	(pc) =	sbr.rel @p0 .LBB2_2-.Ltmp0, $4  }
0x32: {  	v1 =	vld [tilespmem:s22+$0x30];
	[tilespmem:s4+$0x50] =	vst v0;
	v2 =	vshll.u32 v4, $0x1  }
0x33: {  	v0 =	vld [tilespmem:s22+$0x40];
	[tilespmem:s4+$0x60] =	vst v2;
	v4 =	vshll.u32 v5, $0x1  }
0x34: {  	v5 =	vshll.u32 v6, $0x1;
	v2 =	vld [tilespmem:s22+$0x50];
	[tilespmem:s4+$0x70] =	vst v4;
	s4 =	smov.u32 s22  }
0x35: {  	s6 =	sadd.s32 $0x200, s6;
	[tilespmem:s4+$0x0] =	vst v5;
	v5 =	vshll.u32 v7, $0x1;
	v4 =	vld [tilespmem:s4+$0x60]  }
0x36: {  	[tilespmem:s4+$0x10] =	vst v5;
	v3 =	vshll.u32 v3, $0x1;
	v60 =	vld [tilespmem:s4+$0x70]  }
0x37: {  	[tilespmem:s4+$0x20] =	vst v3;
	v1 =	vshll.u32 v1, $0x1  }
0x38: {  	[tilespmem:s4+$0x30] =	vst v1;
	v0 =	vshll.u32 v0, $0x1  }
0x39: {  	[tilespmem:s4+$0x40] =	vst v0;
	v61 =	vshll.u32 v2, $0x1  }
0x3a: {  	[tilespmem:s4+$0x50] =	vst v61;
	v62 =	vshll.u32 v4, $0x1  }
0x3b: {  	[tilespmem:s4+$0x60] =	vst v62;
	v63 =	vshll.u32 v60, $0x1  }
0x3c: {  	[tilespmem:s4+$0x70] =	vst v63;
	s4 =	simm.s32 $0x0  }
0x3d: {  	[tilespmem:s23], [sflag:$0x1] =	stream.indirect.gather [hbm4b:s3+s24], $0x40, s4, s24, $0xb8;
	[tilespmem:$0x16400] =	vst v63  }
0x3e: {  	_ = 	snop  }
0x3f: {  	[tilespmem:s25], [sflag:$0x2] =	stream.indirect.gather [hbm4b:s3+s24], $0x40, s24, s24, $0xb8;
	[tilespmem:$0x16400] =	vst v63  }
0x40: {  	s6 =	simm.s32 $0x100  }
0x41: {  	[tilespmem:s26], [sflag:$0x3] =	stream.indirect.gather [hbm4b:s3+s24], $0x40, s6, s24, $0xb8;
	[tilespmem:$0x16400] =	vst v63  }
0x42: {  	s0 =	simm.s32 $0x180  }
0x43: {  	[tilespmem:s29], [sflag:$0x4] =	stream.indirect.gather [hbm4b:s3+s24], $0x40, s0, s24, $0xb8;
	[tilespmem:$0x16400] =	vst v63  }
0x44: {  	s0 =	simm.s32 $0x200  }
0x45: {  	[tilespmem:s31], [sflag:$0x5] =	stream.indirect.gather [hbm4b:s3+s24], $0x40, s0, s24, $0xb8;
	[tilespmem:$0x16400] =	vst v63  }
0x46: {  	s22 =	simm.s32 $0x280  }
0x47: {  	[tilespmem:s30], [sflag:$0x6] =	stream.indirect.gather [hbm4b:s3+s24], $0x40, s22, s24, $0xb8;
	[tilespmem:$0x16400] =	vst v63  }
0x48: {  	_ =	swait.ge [sflag:s5], $0x2000  }
0x49: {  	[sflag:s5] =	ssyncset.done $0x0  }
0x4a: {  	s0 =	rddreg [dreg:$0x8];
	[sflag:s5] =	ssyncadd.s32 $0xFFFFE000  }
0x4b: {  	[hbm4b:s0+s4] =	stream.linear.scatter [tilespmem:s23], [sflag:$0x9], $0x2000, $0x38;
	[tilespmem:$0x16400] =	vst v63  }
0x4c: {  	s22 =	simm.s32 $0x300  }
0x4d: {  	[tilespmem:s28], [sflag:$0x7] =	stream.indirect.gather [hbm4b:s3+s24], $0x40, s22, s24, $0xb8;
	[tilespmem:$0x16400] =	vst v63  }
0x4e: {  	_ =	swait.ge [sflag:s8], $0x2000  }
0x4f: {  	[sflag:s8] =	ssyncset.done $0x0  }
0x50: {  	s0 =	rddreg [dreg:$0x9];
	[sflag:s8] =	ssyncadd.s32 $0xFFFFE000  }
0x51: {  	[hbm4b:s0+s4] =	stream.linear.scatter [tilespmem:s25], [sflag:$0xA], $0x2000, $0x38;
	[tilespmem:$0x16400] =	vst v63  }
0x52: {  	s22 =	simm.s32 $0x380  }
0x53: {  	[tilespmem:s7], [sflag:$0x8] =	stream.indirect.gather [hbm4b:s3+s24], $0x40, s22, s24, $0xb8;
	[tilespmem:$0x16400] =	vst v63  }
0x54: {  	_ =	swait.ge [sflag:s9], $0x2000  }
0x55: {  	[sflag:s9] =	ssyncset.done $0x0  }
0x56: {  	s0 =	rddreg [dreg:$0xa];
	[sflag:s9] =	ssyncadd.s32 $0xFFFFE000  }
0x57: {  	[hbm4b:s0+s4] =	stream.linear.scatter [tilespmem:s26], [sflag:$0xB], $0x2000, $0x38;
	[tilespmem:$0x16400] =	vst v63  }
0x58: {  	_ =	swait.ge [sflag:s1], $0x2000  }
0x59: {  	[sflag:s1] =	ssyncset.done $0x0  }
0x5a: {  	s22 =	simm.s32 $0x400;
	[sflag:s1] =	ssyncadd.s32 $0xFFFFE000  }
0x5b: {  	[tilespmem:s23], [sflag:$0x1] =	stream.indirect.gather [hbm4b:s3+s24], $0x40, s22, s24, $0xb8;
	[tilespmem:$0x16400] =	vst v63  }
0x5c: {  	_ =	swait.ge [sflag:s11], $0x2000  }
0x5d: {  	[sflag:s11] =	ssyncset.done $0x0  }
0x5e: {  	s0 =	rddreg [dreg:$0xb];
	[sflag:s11] =	ssyncadd.s32 $0xFFFFE000  }
0x5f: {  	[hbm4b:s0+s4] =	stream.linear.scatter [tilespmem:s29], [sflag:$0xC], $0x2000, $0x38;
	[tilespmem:$0x16400] =	vst v63  }
0x60: {  	_ =	swait.ge [sflag:s10], $0x2000  }
0x61: {  	[sflag:s10] =	ssyncset.done $0x0  }
0x62: {  	s22 =	simm.s32 $0x480;
	[sflag:s10] =	ssyncadd.s32 $0xFFFFE000  }
0x63: {  	[tilespmem:s25], [sflag:$0x2] =	stream.indirect.gather [hbm4b:s3+s24], $0x40, s22, s24, $0xb8;
	[tilespmem:$0x16400] =	vst v63  }
0x64: {  	_ =	swait.ge [sflag:s13], $0x2000  }
0x65: {  	[sflag:s13] =	ssyncset.done $0x0  }
0x66: {  	s0 =	rddreg [dreg:$0xc];
	[sflag:s13] =	ssyncadd.s32 $0xFFFFE000  }
0x67: {  	[hbm4b:s0+s4] =	stream.linear.scatter [tilespmem:s31], [sflag:$0xD], $0x2000, $0x38;
	[tilespmem:$0x16400] =	vst v63  }
0x68: {  	_ =	swait.ge [sflag:s12], $0x2000  }
0x69: {  	[sflag:s12] =	ssyncset.done $0x0  }
0x6a: {  	s22 =	simm.s32 $0x500;
	[sflag:s12] =	ssyncadd.s32 $0xFFFFE000  }
0x6b: {  	[tilespmem:s26], [sflag:$0x3] =	stream.indirect.gather [hbm4b:s3+s24], $0x40, s22, s24, $0xb8;
	[tilespmem:$0x16400] =	vst v63  }
0x6c: {  	_ =	swait.ge [sflag:s15], $0x2000  }
0x6d: {  	[sflag:s15] =	ssyncset.done $0x0  }
0x6e: {  	s0 =	rddreg [dreg:$0xd];
	[sflag:s15] =	ssyncadd.s32 $0xFFFFE000  }
0x6f: {  	[hbm4b:s0+s4] =	stream.linear.scatter [tilespmem:s30], [sflag:$0xE], $0x2000, $0x38;
	[tilespmem:$0x16400] =	vst v63  }
0x70: {  	_ =	swait.ge [sflag:s14], $0x2000  }
0x71: {  	[sflag:s14] =	ssyncset.done $0x0  }
0x72: {  	s22 =	simm.s32 $0x580;
	[sflag:s14] =	ssyncadd.s32 $0xFFFFE000  }
0x73: {  	[tilespmem:s29], [sflag:$0x4] =	stream.indirect.gather [hbm4b:s3+s24], $0x40, s22, s24, $0xb8;
	[tilespmem:$0x16400] =	vst v63  }
0x74: {  	_ =	swait.ge [sflag:s17], $0x2000  }
0x75: {  	[sflag:s17] =	ssyncset.done $0x0  }
0x76: {  	s0 =	rddreg [dreg:$0xe];
	[sflag:s17] =	ssyncadd.s32 $0xFFFFE000  }
0x77: {  	[hbm4b:s0+s4] =	stream.linear.scatter [tilespmem:s28], [sflag:$0xF], $0x2000, $0x38;
	[tilespmem:$0x16400] =	vst v63  }
0x78: {  	_ =	swait.ge [sflag:s16], $0x2000  }
0x79: {  	[sflag:s16] =	ssyncset.done $0x0  }
0x7a: {  	s6 =	simm.s32 $0x600;
	s22 =	simm.s32 $0x8;
	[sflag:s16] =	ssyncadd.s32 $0xFFFFE000  }
0x7b: {  	[tilespmem:s31], [sflag:$0x5] =	stream.indirect.gather [hbm4b:s3+s24], $0x40, s6, s24, $0xb8;
	[tilespmem:$0x16400] =	vst v63  }
0x7c: {  	_ =	swait.ge [sflag:s22], $0x2000  }
0x7d: {  	[sflag:s22] =	ssyncset.done $0x0  }
0x7e: {  	s0 =	rddreg [dreg:$0xf];
	[sflag:s22] =	ssyncadd.s32 $0xFFFFE000  }
0x7f: {  	[hbm4b:s0+s4] =	stream.linear.scatter [tilespmem:s7], [sflag:$0x10], $0x2000, $0x38;
	[tilespmem:$0x16400] =	vst v63  }
0x80: {  	_ =	swait.ge [sflag:s19], $0x2000  }
0x81: {  	[sflag:s19] =	ssyncset.done $0x0  }
0x82: {  	s4 =	simm.s32 $0x680;
	[sflag:s19] =	ssyncadd.s32 $0xFFFFE000  }
0x83: {  	[tilespmem:s30], [sflag:$0x6] =	stream.indirect.gather [hbm4b:s3+s24], $0x40, s4, s24, $0xb8;
	[tilespmem:$0x16400] =	vst v63  }
0x84: {  	_ =	swait.ge [sflag:s5], $0x2000  }
0x85: {  	s6 =	rddreg [dreg:$0x2]  }
0x86: {  	[sflag:s5] =	ssyncset.done $0x0;
	s22 =	rddreg [dreg:$0x6]  }
0x87: {  	[sflag:s5] =	ssyncadd.s32 $0xFFFFE000;
	s4 =	sadd.s32 s22, s6  }
0x88: {  	[hbm4b:s4+s2] =	stream.linear.scatter [tilespmem:s23], [sflag:$0x9], $0x2000, $0x38;
	[tilespmem:$0x16400] =	vst v63  }
0x89: {  	_ =	swait.ge [sflag:s20], $0x2000  }
0x8a: {  	[sflag:s20] =	ssyncset.done $0x0  }
0x8b: {  	s0 =	simm.s32 $0x700;
	[sflag:s20] =	ssyncadd.s32 $0xFFFFE000  }
0x8c: {  	[tilespmem:s28], [sflag:$0x7] =	stream.indirect.gather [hbm4b:s3+s24], $0x40, s0, s24, $0xb8;
	[tilespmem:$0x16400] =	vst v63  }
0x8d: {  	_ =	swait.ge [sflag:s8], $0x2000  }
0x8e: {  	[sflag:s8] =	ssyncset.done $0x0  }
0x8f: {  	s0 =	sadd.s32 $0x400, s4;
	[sflag:s8] =	ssyncadd.s32 $0xFFFFE000  }
0x90: {  	[hbm4b:s0+s2] =	stream.linear.scatter [tilespmem:s25], [sflag:$0xA], $0x2000, $0x38;
	[tilespmem:$0x16400] =	vst v63  }
0x91: {  	_ =	swait.ge [sflag:s21], $0x2000  }
0x92: {  	[sflag:s21] =	ssyncset.done $0x0  }
0x93: {  	s0 =	simm.s32 $0x780;
	[sflag:s21] =	ssyncadd.s32 $0xFFFFE000  }
0x94: {  	[tilespmem:s7], [sflag:$0x8] =	stream.indirect.gather [hbm4b:s3+s24], $0x40, s0, s24, $0xb8;
	[tilespmem:$0x16400] =	vst v63  }
0x95: {  	_ =	swait.ge [sflag:s9], $0x2000  }
0x96: {  	s0 =	rddreg [dreg:$0x4];
	[sflag:s9] =	ssyncset.done $0x0  }
0x97: {  	[sflag:s9] =	ssyncadd.s32 $0xFFFFE000;
	s6 =	sadd.s32 s22, s0  }
0x98: {  	[hbm4b:s6+s2] =	stream.linear.scatter [tilespmem:s26], [sflag:$0xB], $0x2000, $0x38;
	[tilespmem:$0x16400] =	vst v63  }
0x99: {  	_ =	swait.ge [sflag:s1], $0x2000  }
0x9a: {  	[sflag:s1] =	ssyncset.done $0x0  }
0x9b: {  	[sflag:s1] =	ssyncadd.s32 $0xFFFFE000;
	s1 =	simm.s32 $0x800  }
0x9c: {  	[tilespmem:s23], [sflag:$0x1] =	stream.indirect.gather [hbm4b:s3+s24], $0x40, s1, s24, $0xb8;
	[tilespmem:$0x16400] =	vst v63  }
0x9d: {  	_ =	swait.ge [sflag:s11], $0x2000  }
0x9e: {  	[sflag:s11] =	ssyncset.done $0x0  }
0x9f: {  	s23 =	sadd.s32 $0xC00, s4;
	[sflag:s11] =	ssyncadd.s32 $0xFFFFE000  }
0xa0: {  	[hbm4b:s23+s2] =	stream.linear.scatter [tilespmem:s29], [sflag:$0xC], $0x2000, $0x38;
	[tilespmem:$0x16400] =	vst v63  }
0xa1: {  	_ =	swait.ge [sflag:s10], $0x2000  }
0xa2: {  	[sflag:s10] =	ssyncset.done $0x0  }
0xa3: {  	s0 =	simm.s32 $0x880;
	[sflag:s10] =	ssyncadd.s32 $0xFFFFE000  }
0xa4: {  	[tilespmem:s25], [sflag:$0x2] =	stream.indirect.gather [hbm4b:s3+s24], $0x40, s0, s24, $0xb8;
	[tilespmem:$0x16400] =	vst v63  }
0xa5: {  	_ =	swait.ge [sflag:s13], $0x2000  }
0xa6: {  	s1 =	rddreg [dreg:$0x3];
	[sflag:s13] =	ssyncset.done $0x0  }
0xa7: {  	[sflag:s13] =	ssyncadd.s32 $0xFFFFE000;
	s6 =	sadd.s32 s22, s1  }
0xa8: {  	[hbm4b:s6+s2] =	stream.linear.scatter [tilespmem:s31], [sflag:$0xD], $0x2000, $0x38;
	[tilespmem:$0x16400] =	vst v63  }
0xa9: {  	_ =	swait.ge [sflag:s12], $0x2000  }
0xaa: {  	[sflag:s12] =	ssyncset.done $0x0  }
0xab: {  	s10 =	simm.s32 $0x900;
	[sflag:s12] =	ssyncadd.s32 $0xFFFFE000  }
0xac: {  	[tilespmem:s26], [sflag:$0x3] =	stream.indirect.gather [hbm4b:s3+s24], $0x40, s10, s24, $0xb8;
	[tilespmem:$0x16400] =	vst v63  }
0xad: {  	_ =	swait.ge [sflag:s15], $0x2000  }
0xae: {  	[sflag:s15] =	ssyncset.done $0x0  }
0xaf: {  	s12 =	sadd.s32 $0x1400, s4;
	[sflag:s15] =	ssyncadd.s32 $0xFFFFE000  }
0xb0: {  	[hbm4b:s12+s2] =	stream.linear.scatter [tilespmem:s30], [sflag:$0xE], $0x2000, $0x38;
	[tilespmem:$0x16400] =	vst v63  }
0xb1: {  	_ =	swait.ge [sflag:s14], $0x2000  }
0xb2: {  	[sflag:s14] =	ssyncset.done $0x0  }
0xb3: {  	s23 =	simm.s32 $0x980;
	[sflag:s14] =	ssyncadd.s32 $0xFFFFE000  }
0xb4: {  	[tilespmem:s29], [sflag:$0x4] =	stream.indirect.gather [hbm4b:s3+s24], $0x40, s23, s24, $0xb8;
	[tilespmem:$0x16400] =	vst v63  }
0xb5: {  	_ =	swait.ge [sflag:s17], $0x2000  }
0xb6: {  	s25 =	rddreg [dreg:$0x5];
	[sflag:s17] =	ssyncset.done $0x0  }
0xb7: {  	[sflag:s17] =	ssyncadd.s32 $0xFFFFE000;
	s6 =	sadd.s32 s22, s25  }
0xb8: {  	[hbm4b:s6+s2] =	stream.linear.scatter [tilespmem:s28], [sflag:$0xF], $0x2000, $0x38;
	[tilespmem:$0x16400] =	vst v63  }
0xb9: {  	s0 =	simm.s32 $0x8;
	s1 =	simm.s32 $0x14400;
	_ =	swait.ge [sflag:s16], $0x2000  }
0xba: {  	s4 =	sadd.s32 $0x1C00, s4;
	s26 =	simm.s32 $0xA00;
	[sflag:s16] =	ssyncset.done $0x0  }
0xbb: {  	s10 =	simm.s32 $0x9;
	s12 =	simm.s32 $0xA;
	[sflag:s16] =	ssyncadd.s32 $0xFFFFE000  }
0xbc: {  	[tilespmem:s31], [sflag:$0x5] =	stream.indirect.gather [hbm4b:s3+s24], $0x40, s26, s24, $0xb8;
	[tilespmem:$0x16400] =	vst v63  }
0xbd: {  	s30 =	simm.s32 $0xE400;
	s14 =	simm.s32 $0xB;
	_ =	swait.ge [sflag:s0], $0x2000  }
0xbe: {  	s23 =	sadd.s32 $0x2000, s22;
	s29 =	simm.s32 $0x8400;
	[sflag:s0] =	ssyncset.done $0x0  }
0xbf: {  	s6 =	simm.s32 $0x1000;
	s28 =	simm.s32 $0x10400;
	[sflag:s0] =	ssyncadd.s32 $0xFFFFE000  }
0xc0: {  	[hbm4b:s4+s2] =	stream.linear.scatter [tilespmem:s7], [sflag:$0x10], $0x2000, $0x38;
	[tilespmem:$0x16400] =	vst v63  }
0xc1: {  	s16 =	simm.s32 $0xC;
	s31 =	simm.s32 $0xA400;
	_ =	swait.ge [sflag:s19], $0x2000  }
0xc2: {  	s26 =	simm.s32 $0x6400;
	s0 =	simm.s32 $0xC400;
	[sflag:s19] =	ssyncset.done $0x0  }
0xc3: {  	s4 =	simm.s32 $0xA80;
	s7 =	simm.s32 $0x12400;
	[sflag:s19] =	ssyncadd.s32 $0xFFFFE000  }
.LBB2_4:
0xc4: {  	[tilespmem:s28], [sflag:$0x6] =	stream.indirect.gather [hbm4b:s3+s24], $0x40, s4, s24, $0xb8;
	[tilespmem:$0x16400] =	vst v63  }
0xc5: {  	_ =	swait.ge [sflag:s5], $0x2000  }
0xc6: {  	s22 =	rddreg [dreg:$0x2];
	[sflag:s5] =	ssyncset.done $0x0  }
0xc7: {  	[sflag:s5] =	ssyncadd.s32 $0xFFFFE000;
	s22 =	sadd.s32 s23, s22  }
0xc8: {  	[hbm4b:s22+s2] =	stream.linear.scatter [tilespmem:s26], [sflag:$0x9], $0x2000, $0x38;
	[tilespmem:$0x16400] =	vst v63  }
0xc9: {  	s25 =	smov.u32 s6;
	_ =	swait.ge [sflag:s20], $0x2000  }
0xca: {  	s4 =	sshra.s32 s25, $0x2;
	[sflag:s20] =	ssyncset.done $0x0  }
0xcb: {  	s25 =	sadd.s32 $0x700, s4;
	[sflag:s20] =	ssyncadd.s32 $0xFFFFE000  }
0xcc: {  	[tilespmem:s7], [sflag:$0x7] =	stream.indirect.gather [hbm4b:s3+s24], $0x40, s25, s24, $0xb8;
	[tilespmem:$0x16400] =	vst v63  }
0xcd: {  	_ =	swait.ge [sflag:s8], $0x2000  }
0xce: {  	[sflag:s8] =	ssyncset.done $0x0  }
0xcf: {  	s25 =	sadd.s32 $0x400, s22;
	[sflag:s8] =	ssyncadd.s32 $0xFFFFE000  }
0xd0: {  	[hbm4b:s25+s2] =	stream.linear.scatter [tilespmem:s29], [sflag:$0xA], $0x2000, $0x38;
	[tilespmem:$0x16400] =	vst v63  }
0xd1: {  	_ =	swait.ge [sflag:s21], $0x2000  }
0xd2: {  	[sflag:s21] =	ssyncset.done $0x0  }
0xd3: {  	s25 =	sadd.s32 $0x780, s4;
	[sflag:s21] =	ssyncadd.s32 $0xFFFFE000  }
0xd4: {  	[tilespmem:s1], [sflag:$0x8] =	stream.indirect.gather [hbm4b:s3+s24], $0x40, s25, s24, $0xb8;
	[tilespmem:$0x16400] =	vst v63  }
0xd5: {  	_ =	swait.ge [sflag:s9], $0x2000  }
0xd6: {  	s25 =	rddreg [dreg:$0x4];
	[sflag:s9] =	ssyncset.done $0x0  }
0xd7: {  	[sflag:s9] =	ssyncadd.s32 $0xFFFFE000;
	s25 =	sadd.s32 s23, s25  }
0xd8: {  	[hbm4b:s25+s2] =	stream.linear.scatter [tilespmem:s31], [sflag:$0xB], $0x2000, $0x38;
	[tilespmem:$0x16400] =	vst v63  }
0xd9: {  	_ =	swait.ge [sflag:s10], $0x2000  }
0xda: {  	[sflag:s10] =	ssyncset.done $0x0  }
0xdb: {  	s25 =	sadd.s32 $0x800, s4;
	[sflag:s10] =	ssyncadd.s32 $0xFFFFE000  }
0xdc: {  	[tilespmem:s26], [sflag:$0x1] =	stream.indirect.gather [hbm4b:s3+s24], $0x40, s25, s24, $0xb8;
	[tilespmem:$0x16400] =	vst v63  }
0xdd: {  	_ =	swait.ge [sflag:s11], $0x2000  }
0xde: {  	[sflag:s11] =	ssyncset.done $0x0  }
0xdf: {  	s25 =	sadd.s32 $0xC00, s22;
	[sflag:s11] =	ssyncadd.s32 $0xFFFFE000  }
0xe0: {  	[hbm4b:s25+s2] =	stream.linear.scatter [tilespmem:s0], [sflag:$0xC], $0x2000, $0x38;
	[tilespmem:$0x16400] =	vst v63  }
0xe1: {  	_ =	swait.ge [sflag:s12], $0x2000  }
0xe2: {  	[sflag:s12] =	ssyncset.done $0x0  }
0xe3: {  	s25 =	sadd.s32 $0x880, s4;
	[sflag:s12] =	ssyncadd.s32 $0xFFFFE000  }
0xe4: {  	[tilespmem:s29], [sflag:$0x2] =	stream.indirect.gather [hbm4b:s3+s24], $0x40, s25, s24, $0xb8;
	[tilespmem:$0x16400] =	vst v63  }
0xe5: {  	_ =	swait.ge [sflag:s13], $0x2000  }
0xe6: {  	s25 =	rddreg [dreg:$0x3];
	[sflag:s13] =	ssyncset.done $0x0  }
0xe7: {  	[sflag:s13] =	ssyncadd.s32 $0xFFFFE000;
	s25 =	sadd.s32 s23, s25  }
0xe8: {  	[hbm4b:s25+s2] =	stream.linear.scatter [tilespmem:s30], [sflag:$0xD], $0x2000, $0x38;
	[tilespmem:$0x16400] =	vst v63  }
0xe9: {  	_ =	swait.ge [sflag:s14], $0x2000  }
0xea: {  	[sflag:s14] =	ssyncset.done $0x0  }
0xeb: {  	s25 =	sadd.s32 $0x900, s4;
	[sflag:s14] =	ssyncadd.s32 $0xFFFFE000  }
0xec: {  	[tilespmem:s31], [sflag:$0x3] =	stream.indirect.gather [hbm4b:s3+s24], $0x40, s25, s24, $0xb8;
	[tilespmem:$0x16400] =	vst v63  }
0xed: {  	_ =	swait.ge [sflag:s15], $0x2000  }
0xee: {  	[sflag:s15] =	ssyncset.done $0x0  }
0xef: {  	s25 =	sadd.s32 $0x1400, s22;
	[sflag:s15] =	ssyncadd.s32 $0xFFFFE000  }
0xf0: {  	[hbm4b:s25+s2] =	stream.linear.scatter [tilespmem:s28], [sflag:$0xE], $0x2000, $0x38;
	[tilespmem:$0x16400] =	vst v63  }
0xf1: {  	_ =	swait.ge [sflag:s16], $0x2000  }
0xf2: {  	[sflag:s16] =	ssyncset.done $0x0  }
0xf3: {  	s25 =	sadd.s32 $0x980, s4;
	[sflag:s16] =	ssyncadd.s32 $0xFFFFE000  }
0xf4: {  	[tilespmem:s0], [sflag:$0x4] =	stream.indirect.gather [hbm4b:s3+s24], $0x40, s25, s24, $0xb8;
	[tilespmem:$0x16400] =	vst v63  }
0xf5: {  	_ =	swait.ge [sflag:s17], $0x2000  }
0xf6: {  	s25 =	rddreg [dreg:$0x5];
	[sflag:s17] =	ssyncset.done $0x0  }
0xf7: {  	[sflag:s17] =	ssyncadd.s32 $0xFFFFE000;
	s25 =	sadd.s32 s23, s25  }
0xf8: {  	[hbm4b:s25+s2] =	stream.linear.scatter [tilespmem:s7], [sflag:$0xF], $0x2000, $0x38;
	[tilespmem:$0x16400] =	vst v63  }
0xf9: {  	_ =	swait.ge [sflag:s18], $0x2000  }
0xfa: {  	[sflag:s18] =	ssyncset.done $0x0  }
0xfb: {  	s25 =	sadd.s32 $0xA00, s4;
	[sflag:s18] =	ssyncadd.s32 $0xFFFFE000  }
0xfc: {  	[tilespmem:s30], [sflag:$0x5] =	stream.indirect.gather [hbm4b:s3+s24], $0x40, s25, s24, $0xb8;
	[tilespmem:$0x16400] =	vst v63  }
0xfd: {  	s25 =	simm.s32 $0x8  }
0xfe: {  	_ =	swait.ge [sflag:s25], $0x2000  }
0xff: {  	p0 =	sne.s32 s6, $0x16000;
	[sflag:s25] =	ssyncset.done $0x0  }
.Ltmp1:
0x100: {  	s22 =	sadd.s32 $0x1C00, s22;
	[sflag:s25] =	ssyncadd.s32 $0xFFFFE000;
	(pc) =	sbr.rel @p0 .LBB2_4-.Ltmp1, $4  }
0x101: {  	[hbm4b:s22+s2] =	stream.linear.scatter [tilespmem:s1], [sflag:$0x10], $0x2000, $0x38;
	[tilespmem:$0x16400] =	vst v63  }
0x102: {  	_ =	swait.ge [sflag:s19], $0x2000  }
0x103: {  	s6 =	sadd.s32 $0x1000, s6;
	[sflag:s19] =	ssyncset.done $0x0  }
0x104: {  	s23 =	sadd.s32 $0x2000, s23;
	s4 =	sadd.s32 $0xA80, s4;
	[sflag:s19] =	ssyncadd.s32 $0xFFFFE000  }
0x105: {  	[tilespmem:s28], [sflag:$0x6] =	stream.indirect.gather [hbm4b:s3+s24], $0x40, s4, s24, $0xb8;
	[tilespmem:$0x16400] =	vst v63  }
0x106: {  	_ =	swait.ge [sflag:s5], $0x2000  }
0x107: {  	[sflag:s5] =	ssyncset.done $0x0  }
0x108: {  	s23 =	rddreg [dreg:$0x10];
	[sflag:s5] =	ssyncadd.s32 $0xFFFFE000  }
0x109: {  	[hbm4b:s23+s2] =	stream.linear.scatter [tilespmem:s26], [sflag:$0x9], $0x2000, $0x38;
	[tilespmem:$0x16400] =	vst v63  }
0x10a: {  	_ =	swait.ge [sflag:s20], $0x2000  }
0x10b: {  	[sflag:s20] =	ssyncset.done $0x0  }
0x10c: {  	s26 =	simm.s32 $0x6300;
	[sflag:s20] =	ssyncadd.s32 $0xFFFFE000  }
0x10d: {  	[tilespmem:s7], [sflag:$0x7] =	stream.indirect.gather [hbm4b:s3+s24], $0x40, s26, s24, $0xb8;
	[tilespmem:$0x16400] =	vst v63  }
0x10e: {  	_ =	swait.ge [sflag:s8], $0x2000  }
0x10f: {  	[sflag:s8] =	ssyncset.done $0x0  }
0x110: {  	s6 =	rddreg [dreg:$0x11];
	[sflag:s8] =	ssyncadd.s32 $0xFFFFE000  }
0x111: {  	[hbm4b:s6+s2] =	stream.linear.scatter [tilespmem:s29], [sflag:$0xA], $0x2000, $0x38;
	[tilespmem:$0x16400] =	vst v63  }
0x112: {  	_ =	swait.ge [sflag:s21], $0x2000  }
0x113: {  	[sflag:s21] =	ssyncset.done $0x0  }
0x114: {  	s22 =	simm.s32 $0x6380;
	[sflag:s21] =	ssyncadd.s32 $0xFFFFE000  }
0x115: {  	[tilespmem:s1], [sflag:$0x8] =	stream.indirect.gather [hbm4b:s3+s24], $0x40, s22, s24, $0xb8;
	[tilespmem:$0x16400] =	vst v63  }
0x116: {  	_ =	swait.ge [sflag:s9], $0x2000  }
0x117: {  	[sflag:s9] =	ssyncset.done $0x0  }
0x118: {  	s23 =	rddreg [dreg:$0x12];
	[sflag:s9] =	ssyncadd.s32 $0xFFFFE000  }
0x119: {  	[hbm4b:s23+s2] =	stream.linear.scatter [tilespmem:s31], [sflag:$0xB], $0x2000, $0x38;
	[tilespmem:$0x16400] =	vst v63  }
0x11a: {  	_ =	swait.ge [sflag:s11], $0x2000  }
0x11b: {  	[sflag:s11] =	ssyncset.done $0x0  }
0x11c: {  	s26 =	rddreg [dreg:$0x13];
	[sflag:s11] =	ssyncadd.s32 $0xFFFFE000  }
0x11d: {  	[hbm4b:s26+s2] =	stream.linear.scatter [tilespmem:s0], [sflag:$0xC], $0x2000, $0x38;
	[tilespmem:$0x16400] =	vst v63  }
0x11e: {  	_ =	swait.ge [sflag:s13], $0x2000  }
0x11f: {  	[sflag:s13] =	ssyncset.done $0x0  }
0x120: {  	s0 =	rddreg [dreg:$0x14];
	[sflag:s13] =	ssyncadd.s32 $0xFFFFE000  }
0x121: {  	[hbm4b:s0+s2] =	stream.linear.scatter [tilespmem:s30], [sflag:$0xD], $0x2000, $0x38;
	[tilespmem:$0x16400] =	vst v63  }
0x122: {  	_ =	swait.ge [sflag:s15], $0x2000  }
0x123: {  	[sflag:s15] =	ssyncset.done $0x0  }
0x124: {  	s6 =	rddreg [dreg:$0x15];
	[sflag:s15] =	ssyncadd.s32 $0xFFFFE000  }
0x125: {  	[hbm4b:s6+s2] =	stream.linear.scatter [tilespmem:s28], [sflag:$0xE], $0x2000, $0x38;
	[tilespmem:$0x16400] =	vst v63  }
0x126: {  	_ =	swait.ge [sflag:s17], $0x2000  }
0x127: {  	[sflag:s17] =	ssyncset.done $0x0  }
0x128: {  	s22 =	rddreg [dreg:$0x16];
	[sflag:s17] =	ssyncadd.s32 $0xFFFFE000  }
0x129: {  	[hbm4b:s22+s2] =	stream.linear.scatter [tilespmem:s7], [sflag:$0xF], $0x2000, $0x38;
	[tilespmem:$0x16400] =	vst v63  }
0x12a: {  	_ =	swait.ge [sflag:s25], $0x2000  }
0x12b: {  	[sflag:s25] =	ssyncset.done $0x0  }
0x12c: {  	s23 =	rddreg [dreg:$0x17];
	[sflag:s25] =	ssyncadd.s32 $0xFFFFE000  }
0x12d: {  	[hbm4b:s23+s2] =	stream.linear.scatter [tilespmem:s1], [sflag:$0x10], $0x2000, $0x38;
	[tilespmem:$0x16400] =	vst v63  }
0x12e: {  	_ =	swait.ge [sflag:s10], $0x2000  }
0x12f: {  	[sflag:s10] =	ssyncset.done $0x0  }
0x130: {  	[sflag:s10] =	ssyncadd.s32 $0xFFFFE000  }
0x131: {  	_ =	swait.ge [sflag:s12], $0x2000  }
0x132: {  	[sflag:s12] =	ssyncset.done $0x0  }
0x133: {  	[sflag:s12] =	ssyncadd.s32 $0xFFFFE000  }
0x134: {  	_ =	swait.ge [sflag:s14], $0x2000  }
0x135: {  	[sflag:s14] =	ssyncset.done $0x0  }
0x136: {  	[sflag:s14] =	ssyncadd.s32 $0xFFFFE000  }
0x137: {  	_ =	swait.ge [sflag:s16], $0x2000  }
0x138: {  	[sflag:s16] =	ssyncset.done $0x0  }
0x139: {  	[sflag:s16] =	ssyncadd.s32 $0xFFFFE000  }
0x13a: {  	_ =	swait.ge [sflag:s18], $0x2000  }
0x13b: {  	[sflag:s18] =	ssyncset.done $0x0  }
0x13c: {  	[sflag:s18] =	ssyncadd.s32 $0xFFFFE000  }
0x13d: {  	_ =	swait.ge [sflag:s19], $0x2000  }
0x13e: {  	[sflag:s19] =	ssyncset.done $0x0  }
0x13f: {  	[sflag:s19] =	ssyncadd.s32 $0xFFFFE000  }
0x140: {  	_ =	swait.ge [sflag:s20], $0x2000  }
0x141: {  	[sflag:s20] =	ssyncset.done $0x0  }
0x142: {  	[sflag:s20] =	ssyncadd.s32 $0xFFFFE000  }
0x143: {  	_ =	swait.ge [sflag:s21], $0x2000  }
0x144: {  	s25 =	rddreg [dreg:$0x19]  }
0x145: {  	s26 =	rddreg [dreg:$0x18];
	s0 =	sadd.s32 $0x1, s25  }
0x146: {  	s29 =	simm.s32 $0xC400;
	p0 =	sne.s32 s0, s26  }
.Ltmp2:
0x147: {  	s31 =	simm.s32 $0xE400;
	s30 =	simm.s32 $0x10400;
	(pc) =	sbr.rel @p0 .LBB2_1-.Ltmp2, $4  }
0x148: {  	s28 =	simm.s32 $0x12400;
	s7 =	simm.s32 $0x14400;
	s23 =	simm.s32 $0x6400  }
0x149: {  	s1 =	simm.s32 $0x9;
	s10 =	simm.s32 $0xA;
	s12 =	simm.s32 $0xB  }
0x14a: {  	s14 =	simm.s32 $0xC;
	s16 =	simm.s32 $0xD;
	[sflag:s21] =	ssyncset.done $0x0  }
0x14b: {  	[sflag:s21] =	ssyncadd.s32 $0xFFFFE000;
	s25 =	simm.s32 $0x8400;
	s26 =	simm.s32 $0xA400  }
0x14c: {  	_ =	sfence.sel $0x180000  }
0x14d: {  	[bflag:$0x0] =	sbarrier.arrive $0xFFFF  }
0x14e: {  	_ =	strace $0x9000004D  }
0x14f: {  	s0 =	stileid.u32;
	[bflag:$0x2] =	sbarrier.arrive $0xFFFF  }
0x150: {  	p0 =	sne.s32 s0, $0x0;
	s0 =	rddreg [dreg:$0x1]  }
0x151: {  	s0 =	sadd.s32 @!p0 $0x100000, s0  }
0x152: {  	[sflag:s0] =	ssyncadd.tile.s32 @!p0 $0x1;
	_ =	shalt  }
.Lfunc_end2:
_tile_overlayer_lowered:
.L_overlay_start_2:
0x153: {  	(tag) =	ssettag $0x2  }
0x154: {  	s0 =	rddreg [dreg:$0x0];
	s2 =	stileid.u32  }
0x155: {  	s1 =	rddreg [dreg:$0x1];
	p0 =	sne.s32 s2, $0x0  }
0x156: {  	s3 =	rddreg [dreg:$0x2];
	[bflag:$0x3] =	sbarrier.arrive $0xFFFF;
	s2 =	simm.s32 @!p0 $0x1C11  }
0x157: {  	[timem:s3], [sflag:s2] =	dma.local @!p0 [hbm:s0], s1  }
0x158: {  	s0 =	simm.s32 @!p0 $0x11  }
0x159: {  	_ =	swait.ge @!p0 [sflag:s0], s1  }
0x15a: {  	s1 =	ssub.s32 @!p0 $0x0, s1;
	[sflag:s0] =	ssyncset.done @!p0 $0x0  }
0x15b: {  	[sflag:s0] =	ssyncadd.s32 @!p0 s1  }
0x15c: {  	[bflag:$0x3] =	sbarrier.arrive $0xFFFF  }
0x15d: {  	_ =	shalt  }

// kernel: kernel.9.cloned.1.call-start
scs
__scs_entry_jumppad:
0x0: {  	(pc) =	sbr.rel $0x88, $3  }
0x1: {  	(tag) =	ssettag $0x0;
	lr =	simm.s32 $0x1  }
0x2: {  	[smem:$0x3F9E] =	sst lr;
	_ =	strace $0xD0000000  }
0x3: {  	_ = 	snop  }
0x4: {  	_ = 	snop  }
0x5: {  	_ = 	snop  }
0x6: {  	_ = 	snop  }
0x7: {  	_ = 	snop  }
__scs_overlays_trampoline_lowered:
0x8: {  	[smem:$0x3FAD] =	sst s0  }
0x9: {  	[smem:$0x3FAE] =	sst s1  }
0xa: {  	[smem:$0x3FAF] =	sst s2  }
0xb: {  	[smem:$0x3FB0] =	sst s3  }
0xc: {  	[smem:$0x3FB1] =	sst s4  }
0xd: {  	[smem:$0x3FB2] =	sst s5  }
0xe: {  	[smem:$0x3FB3] =	sst s6  }
0xf: {  	[smem:$0x3FB4] =	sst s7  }
0x10: {  	[smem:$0x3FB5] =	sst s8  }
0x11: {  	[smem:$0x3FB6] =	sst s9;
	s0 =	simm.s32 @!p0 $0x0  }
0x12: {  	s1 =	sld [smem:$0x3F9C];
	s0 =	simm.s32 @p0 $0x1  }
0x13: {  	[smem:$0x3FB7] =	sst s0;
	s0 =	simm.s32 @!p1 $0x0  }
0x14: {  	s2 =	sld [smem:$0x3F9B];
	s0 =	simm.s32 @p1 $0x1  }
0x15: {  	[smem:$0x3FB8] =	sst s0;
	s0 =	simm.s32 @!p2 $0x0  }
0x16: {  	s3 =	sld [smem:$0x3FDB];
	s0 =	simm.s32 @p2 $0x1  }
0x17: {  	s4 =	simm.s32 $0x1BF5;
	[smem:$0x3FBA] =	sst s0  }
0x18: {  	s0 =	sld [smem:$0x3F9D];
	_ =	swait.ge [sflag:s4], $0x0  }
0x19: {  	s7 =	sld [smem:$0x3F9E]  }
0x1a: {  	s8 =	sadd.s32 $0xFFFFE003, lr  }
0x1b: {  	s9 =	sadd.s32 $0xFFFFFEF7, lr;
	s5 =	simm.s32 $0xFFFFFFFF;
	p2 =	slt.u32 s8, $0xFFFFF086  }
0x1c: {  	p1 =	slt.u32 s9, $0xF7A;
	s5 =	simm.s32 @!p2 $0x0  }
0x1d: {  	s5 =	simm.s32 @p1 $0x1;
	p0 =	seq.s32 s7, s2  }
0x1e: {  	s7 =	smul.u32 @!p0 $0xF7A, s2;
	p2 =	seq.s32 @!p0 s5, $0x0  }
0x1f: {  	s9 =	smul.u32 $0xF7A, s1;
	s8 =	simm.s32 @!p0 $0x1BF5;
	p2 =	por !p2, p0  }
0x20: {  	[sflag:s8] =	ssyncset.s32 @!p0 $0xFFFFF086;
	s6 =	sadd.s32 @!p0 s3, s7;
	s7 =	simm.s32 @!p0 $0x108  }
0x21: {  	s3 =	sadd.s32 s3, s9;
	s6 =	sadd.s32 @!p0 $0x88, s6;
	s7 =	simm.s32 @p2 $0x1082  }
0x22: {  	[simem:s7], [sflag:s8] =	dma.local @!p0 [hbm:s6], $0xF7A  }
0x23: {  	s9 =	sor.u32 $0xD0000000, s2;
	s6 =	simm.s32 $0x108;
	_ =	swait.ge @!p0 [sflag:s8], $0x0  }
0x24: {  	s3 =	sadd.s32 $0x88, s3;
	s6 =	simm.s32 @!p1 $0x1082;
	[sflag:s4] =	ssyncset.s32 $0xFFFFF086  }
0x25: {  	[simem:s6], [sflag:s4] =	dma.local [hbm:s3], $0xF7A  }
0x26: {  	[smem:$0x3F9E] =	sst s1;
	(tag) =	ssettag s2;
	_ =	strace s9  }
0x27: {  	s1 =	sld [smem:$0x3FAE]  }
0x28: {  	s2 =	sld [smem:$0x3FAF]  }
0x29: {  	s4 =	sld [smem:$0x3FB1]  }
0x2a: {  	p0 =	seq.s32 s5, $0x0;
	s5 =	sld [smem:$0x3FB2]  }
0x2b: {  	s6 =	sld [smem:$0x3FB3]  }
0x2c: {  	s7 =	sld [smem:$0x3FB4]  }
0x2d: {  	s3 =	simm.s32 $0x108;
	s8 =	sld [smem:$0x3FB5]  }
0x2e: {  	s3 =	simm.s32 @!p0 $0x1082;
	s9 =	sld [smem:$0x3FB6]  }
0x2f: {  	lr =	sadd.s32 s0, s3;
	s0 =	sld [smem:$0x3FAD]  }
0x30: {  	s3 =	sld [smem:$0x3FB0]  }
0x31: {  	[smem:$0x3FB9] =	sst s10  }
0x32: {  	s10 =	sld [smem:$0x3FB7];
	_ =	sdelay $0x3  }
0x33: {  	p0 =	seq.s32 s10, $0x1;
	s10 =	sld [smem:$0x3FB9];
	_ =	sdelay $0x3  }
0x34: {  	[smem:$0x3FB9] =	sst s10  }
0x35: {  	s10 =	sld [smem:$0x3FB8];
	_ =	sdelay $0x3  }
0x36: {  	p1 =	seq.s32 s10, $0x1;
	s10 =	sld [smem:$0x3FB9];
	_ =	sdelay $0x3  }
0x37: {  	[smem:$0x3FB9] =	sst s10  }
0x38: {  	s10 =	sld [smem:$0x3FBA]  }
0x39: {  	_ = 	snop;
	(pc) =	sbr.ind lr, $3  }
0x3a: {  	_ = 	snop  }
0x3b: {  	_ = 	snop  }
0x3c: {  	p2 =	seq.s32 s10, $0x1;
	s10 =	sld [smem:$0x3FB9]  }
0x3d: {  	_ =	shalt  }
0x3e: {  	_ =	shalt  }
0x3f: {  	_ =	shalt  }
0x40: {  	_ =	shalt  }
0x41: {  	_ =	shalt  }
0x42: {  	_ =	shalt  }
0x43: {  	_ =	shalt  }
0x44: {  	_ =	shalt  }
0x45: {  	_ =	shalt  }
0x46: {  	_ =	shalt  }
0x47: {  	_ =	shalt  }
0x48: {  	_ =	shalt  }
0x49: {  	_ =	shalt  }
0x4a: {  	_ =	shalt  }
0x4b: {  	_ =	shalt  }
0x4c: {  	_ =	shalt  }
0x4d: {  	_ =	shalt  }
0x4e: {  	_ =	shalt  }
0x4f: {  	_ =	shalt  }
0x50: {  	_ =	shalt  }
0x51: {  	_ =	shalt  }
0x52: {  	_ =	shalt  }
0x53: {  	_ =	shalt  }
0x54: {  	_ =	shalt  }
0x55: {  	_ =	shalt  }
0x56: {  	_ =	shalt  }
0x57: {  	_ =	shalt  }
0x58: {  	_ =	shalt  }
0x59: {  	_ =	shalt  }
0x5a: {  	_ =	shalt  }
0x5b: {  	_ =	shalt  }
0x5c: {  	_ =	shalt  }
0x5d: {  	_ =	shalt  }
0x5e: {  	_ =	shalt  }
0x5f: {  	_ =	shalt  }
0x60: {  	_ =	shalt  }
0x61: {  	_ =	shalt  }
0x62: {  	_ =	shalt  }
0x63: {  	_ =	shalt  }
0x64: {  	_ =	shalt  }
0x65: {  	_ =	shalt  }
0x66: {  	_ =	shalt  }
0x67: {  	_ =	shalt  }
0x68: {  	_ =	shalt  }
0x69: {  	_ =	shalt  }
0x6a: {  	_ =	shalt  }
0x6b: {  	_ =	shalt  }
0x6c: {  	_ =	shalt  }
0x6d: {  	_ =	shalt  }
0x6e: {  	_ =	shalt  }
0x6f: {  	_ =	shalt  }
0x70: {  	_ =	shalt  }
0x71: {  	_ =	shalt  }
0x72: {  	_ =	shalt  }
0x73: {  	_ =	shalt  }
0x74: {  	_ =	shalt  }
0x75: {  	_ =	shalt  }
0x76: {  	_ =	shalt  }
0x77: {  	_ =	shalt  }
0x78: {  	_ =	shalt  }
0x79: {  	_ =	shalt  }
0x7a: {  	_ =	shalt  }
0x7b: {  	_ =	shalt  }
0x7c: {  	_ =	shalt  }
0x7d: {  	_ =	shalt  }
0x7e: {  	_ =	shalt  }
0x7f: {  	_ =	shalt  }
0x80: {  	_ =	shalt  }
0x81: {  	_ =	shalt  }
0x82: {  	_ =	shalt  }
0x83: {  	_ =	shalt  }
0x84: {  	_ =	shalt  }
0x85: {  	_ =	shalt  }
0x86: {  	_ =	shalt  }
0x87: {  	_ =	shalt  }
.Lfunc_end0:
.L_simem_size_0:
called_computation.2_lowered:
.L_overlay_start_0:
0x88: {  	s2 =	sld [smem:$0x3FD9]  }
0x89: {  	s3 =	sld [smem:$0x3FFE];
	_ =	sdelay $0x1  }
0x8a: {  	s1 =	srdreg.scid  }
0x8b: {  	s0 =	sand.u32 $0x1, s1  }
0x8c: {  	s14 =	sshll.u32 s0, $0xA;
	s2 =	sadd.s32 s3, s2  }
0x8d: {  	s2 =	sadd.s32 s2, s14  }
0x8e: {  	[smem:$0x3FC5] =	sst s2  }
0x8f: {  	_ = 	snop  }
0x90: {  	s2 =	sld [smem:$0x3FD0];
	_ =	sdelay $0x2  }
0x91: {  	s15 =	simm.s32 $0xB;
	s4 =	simm.s32 $0x10  }
0x92: {  	[smem:s4], [sflag:s15] =	dma.local [hbm:s2], $0x1  }
0x93: {  	_ =	swait.eq [sflag:s15], $0x1  }
0x94: {  	[sflag:s15] =	ssyncset.done $0x0  }
0x95: {  	s16 =	sld [smem:$0x10];
	[sflag:s15] =	ssyncadd.s32 $0xFFFFFFFF  }
0x96: {  	s17 =	sld [smem:$0x11];
	(tm) =	ssettm $0x1  }
0x97: {  	s18 =	sld [smem:$0x3FFB];
	_ =	sdelay $0x3  }
0x98: {  	_ =	strace s18  }
0x99: {  	s4 =	sld [smem:$0x3FFC];
	_ =	sdelay $0x3  }
0x9a: {  	_ =	strace s4  }
0x9b: {  	s4 =	sld [smem:$0x3FFD];
	_ =	sdelay $0x3  }
0x9c: {  	_ =	strace s4  }
0x9d: {  	_ =	strace $0x8FFFFFFF  }
0x9e: {  	s19 =	sld [smem:$0x3FDB];
	_ =	sdelay $0x1  }
0x9f: {  	s5 =	simm.s32 $_scs_section_size  }
0xa0: {  	s6 =	simm.s32 $_size__tile_overlayer_lowered;
	s7 =	simm.s32 $_tile_overlayer_lowered  }
0xa1: {  	s22 =	simm.s32 $0x1BFF;
	s21 =	sshll.u32 s7, $0x1;
	s4 =	sadd.s32 s5, s19  }
0xa2: {  	s8 =	simm.s32 $0x0;
	s20 =	sshll.u32 s6, $0x1;
	s6 =	sadd.s32 s21, s4  }
0xa3: {  	[timem:s8], [sflag:s22] =	dma.local [hbm:s6], s20  }
0xa4: {  	_ =	swait.ge [sflag:s22], s20  }
0xa5: {  	s5 =	ssub.s32 $0x0, s20;
	[sflag:s22] =	ssyncset.done $0x0  }
0xa6: {  	[sflag:s22] =	ssyncadd.s32 s5;
	_ =	sdelay $0x1  }
0xa7: {  	s23 =	simm.s32 $0x1B8B  }
0xa8: {  	_ =	swait.ge [sflag:s23], $0x1  }
0xa9: {  	[sflag:s23] =	ssyncset.done $0x0  }
0xaa: {  	s25 =	simm.s32 $0x1B8E;
	s24 =	sld [smem:$0x3FFE];
	[sflag:s23] =	ssyncadd.s32 $0xFFFFFFFF  }
0xab: {  	s26 =	simm.s32 $execute0_lowered;
	[smem:$0x3FD2] =	sst s25  }
0xac: {  	s6 =	sshll.u32 s26, $0x1;
	_ =	strace $0x80000049;
	[dreg:$0x1] =	wrdreg $0xFFFFFFFF  }
0xad: {  	s28 =	simm.s32 $_size_execute0_lowered;
	s4 =	sadd.s32 s4, s6;
	[dreg:$0x0] =	wrdreg $0x0  }
0xae: {  	s6 =	sshll.u32 s28, $0x1;
	[dreg:$0x2] =	wrdreg s4  }
0xaf: {  	[dreg:$0x3] =	wrdreg s6  }
0xb0: {  	[dreg:$0x4] =	wrdreg $0xC0  }
0xb1: {  	_ =	task [dreg:s8], $0x5FFFF  }
0xb2: {  	[dreg:$0x1] =	wrdreg $0xFFFFFFFF  }
0xb3: {  	[dreg:$0x0] =	wrdreg $0x60  }
0xb4: {  	[dreg:$0x2] =	wrdreg s17  }
0xb5: {  	[dreg:$0x3] =	wrdreg s24  }
0xb6: {  	[dreg:$0x4] =	wrdreg s16  }
0xb7: {  	[dreg:$0x5] =	wrdreg $0xA  }
0xb8: {  	_ =	task.clear_ibuf [dreg:s8], $0x6FFFF;
	_ =	strace $0x90000049  }
0xb9: {  	s29 =	simm.s32 $0xA;
	_ =	strace $0x8000004B  }
0xba: {  	_ =	swait.ge [sflag:s29], $0x1  }
0xbb: {  	[sflag:s29] =	ssyncadd.s32 $0xFFFFFFFF  }
0xbc: {  	_ =	strace $0x9000004B  }
0xbd: {  	_ =	sfence  }
0xbe: {  	s30 =	sld [smem:$0x0];
	_ =	sdelay $0x2  }
0xbf: {  	s31 =	sshll.u32 s1, $0xD;
	s1 =	sshrl.u32 s1, $0x2  }
0xc0: {  	s3 =	sand.u32 $0x4000, s31;
	s1 =	sadd.s32 s1, s30  }
0xc1: {  	s0 =	sor.u32 s3, s0;
	s1 =	sshll.u32 s1, $0x11  }
0xc2: {  	s0 =	sor.u32 s1, s0  }
0xc3: {  	s0 =	sadd.s32 $0x8F2B, s0  }
0xc4: {  	[sflag:s0] =	ssyncadd.remote.s32 $0x1  }
0xc5: {  	_ =	sfence.sel $0xFFFF  }
0xc6: {  	[dreg:$0x0] =	wrdreg $0xFFFFFFFF;
	(pc) =	sbr.abs _section_cstart, $3  }
0xc7: {  	[dreg:$0x1] =	wrdreg $0xFFFFFFFF  }
0xc8: {  	_ =	task.clear_ibuf [dreg:s8], $0x2FFFF;
	_ =	strace $0x9FFFFFFF  }
0xc9: {  	(tm) =	ssettm $0x7FFFFFFF  }
tec
execute0_lowered:
.L_overlay_start_1:
0x0: {  	(tag) =	ssettag $0x1  }
0x1: {  	s0 =	rddreg [dreg:$0x0];
	s1 =	srdreg.scid  }
0x2: {  	s9 =	stileid.u32;
	s2 =	rddreg [dreg:$0x1]  }
0x3: {  	s10 =	rddreg [dreg:$0x2];
	s1 =	sand.u32 $0x1, s1;
	s3 =	sshll.u32 s9, $0x1  }
0x4: {  	s29 =	simm.s32 $0xC400;
	s31 =	simm.s32 $0xE400;
	s5 =	sor.u32 s1, s3  }
0x5: {  	s4 =	sadd.s32 $0xF5C400, s2;
	s3 =	simm.s32 $0x0;
	s6 =	smul.u32 $0xC80, s5  }
0x6: {  	s7 =	ssub.s32 $0x2, s1;
	[smem:$0x7FF] =	sst s3;
	s8 =	smul.u32 $0x32000, s5  }
0x7: {  	s24 =	sshrl.u32 s7, $0x1;
	_ =	strace $0x8000004A;
	s0 =	sadd.s32 s0, s6  }
0x8: {  	s2 =	ssub.s32 s7, s24;
	s25 =	sadd.s32 s10, s8;
	[dreg:$0x8] =	wrdreg s0  }
0x9: {  	s30 =	simm.s32 $0x10400;
	s2 =	smax.u32 s2, $0x1;
	[dreg:$0x9] =	wrdreg s25  }
0xa: {  	s28 =	simm.s32 $0x12400;
	s26 =	sadd.s32 $0x400, s25;
	[dreg:$0x19] =	wrdreg s2  }
0xb: {  	s13 =	smul.u32 $0x190, s9;
	s7 =	sadd.s32 $0x800, s25;
	[dreg:$0xa] =	wrdreg s26  }
0xc: {  	s1 =	smul.u32 $0xC8, s1;
	s11 =	sadd.s32 $0xC00, s25;
	[dreg:$0xb] =	wrdreg s7  }
0xd: {  	s9 =	simm.s32 $0x3;
	s12 =	sadd.s32 $0x1000, s25;
	[dreg:$0xc] =	wrdreg s11  }
0xe: {  	s1 =	sadd.s32 s1, s13;
	s14 =	sadd.s32 $0x1400, s25;
	[dreg:$0xd] =	wrdreg s12  }
0xf: {  	s13 =	simm.s32 $0x5;
	s15 =	sadd.s32 $0x1800, s25;
	[dreg:$0xe] =	wrdreg s14  }
0x10: {  	s1 =	sshll.u32 s1, $0xA;
	s6 =	sadd.s32 $0x1C00, s25;
	[dreg:$0xf] =	wrdreg s15  }
0x11: {  	s8 =	smul.u32 $0x190000, s5;
	s22 =	sadd.s32 $0x2000, s1;
	[dreg:$0x10] =	wrdreg s6  }
0x12: {  	s5 =	simm.s32 $0x1;
	s24 =	sadd.s32 $0x3000, s1;
	[dreg:$0x4] =	wrdreg s22  }
0x13: {  	s25 =	sadd.s32 $0x2800, s1;
	s0 =	sshrl.u32 s8, $0x3;
	[dreg:$0x5] =	wrdreg s24  }
0x14: {  	[dreg:$0x6] =	wrdreg s25;
	s26 =	sadd.s32 $0x3800, s1;
	s24 =	simm.s32 $0x80  }
0x15: {  	s25 =	simm.s32 $0x8400;
	s7 =	simm.s32 $0x14400;
	s0 =	sadd.s32 s10, s0  }
0x16: {  	s1 =	simm.s32 $0x9;
	[dreg:$0x7] =	wrdreg s26;
	s16 =	sadd.s32 $0x30000, s0  }
0x17: {  	s12 =	simm.s32 $0xB;
	s17 =	sadd.s32 $0x30400, s0;
	[dreg:$0x11] =	wrdreg s16  }
0x18: {  	s14 =	simm.s32 $0xC;
	s18 =	sadd.s32 $0x30800, s0;
	[dreg:$0x12] =	wrdreg s17  }
0x19: {  	s8 =	simm.s32 $0x2;
	s19 =	sadd.s32 $0x30C00, s0;
	[dreg:$0x13] =	wrdreg s18  }
0x1a: {  	s11 =	simm.s32 $0x4;
	s20 =	sadd.s32 $0x31000, s0;
	[dreg:$0x14] =	wrdreg s19  }
0x1b: {  	s15 =	simm.s32 $0x6;
	s21 =	sadd.s32 $0x31400, s0;
	[dreg:$0x15] =	wrdreg s20  }
0x1c: {  	s26 =	simm.s32 $0xA400;
	s23 =	sadd.s32 $0x31800, s0;
	[dreg:$0x16] =	wrdreg s21  }
0x1d: {  	s10 =	simm.s32 $0xA;
	s0 =	sadd.s32 $0x31C00, s0;
	[dreg:$0x17] =	wrdreg s23  }
0x1e: {  	[dreg:$0x18] =	wrdreg s0;
	s23 =	simm.s32 $0x6400;
	s16 =	simm.s32 $0xD  }
0x1f: {  	s19 =	simm.s32 $0xE;
	s20 =	simm.s32 $0xF;
	s21 =	simm.s32 $0x10  }
0x20: {  	s0 =	simm.s32 $0x0;
	s17 =	simm.s32 $0x7;
	s18 =	simm.s32 $0xD  }
.LBB2_1:
0x21: {  	[dreg:$0x1a] =	wrdreg s0  }
0x22: {  	s2 =	rddreg [dreg:$0x8];
	s22 =	simm.s32 $0x11  }
0x23: {  	[tilespmem:s3], [sflag:$0x11] =	stream.linear.gather [hbm4b:s2+s3], $0x6400, $0x38;
	[tilespmem:$0x16400] =	vst v63  }
0x24: {  	_ =	swait.ge [sflag:s22], $0x6400  }
0x25: {  	[sflag:s22] =	ssyncset.done $0x0  }
0x26: {  	s2 =	simm.s32 $0x0;
	[sflag:s22] =	ssyncadd.s32 $0xFFFF9C00  }
0x27: {  	v2 =	vld [tilespmem:s2+$0x0]  }
0x28: {  	v4 =	vld [tilespmem:s2+$0x10]  }
0x29: {  	v3 =	vld [tilespmem:s2+$0x20]  }
0x2a: {  	v1 =	vld [tilespmem:s2+$0x30]  }
0x2b: {  	v0 =	vld [tilespmem:s2+$0x40]  }
0x2c: {  	v5 =	vshll.u32 v2, $0x1;
	v2 =	vld [tilespmem:s2+$0x50]  }
0x2d: {  	s6 =	simm.s32 $0x200;
	[tilespmem:s2+$0x0] =	vst v5;
	v5 =	vshll.u32 v4, $0x1;
	v4 =	vld [tilespmem:s2+$0x60]  }
.LBB2_2:
0x2e: {  	s22 =	sshra.s32 s6, $0x2;
	p0 =	sne.s32 s6, $0x18E00;
	[tilespmem:s2+$0x10] =	vst v5;
	v3 =	vshll.u32 v3, $0x1;
	v5 =	vld [tilespmem:s2+$0x70]  }
0x2f: {  	v6 =	vld [tilespmem:s22+$0x0];
	[tilespmem:s2+$0x20] =	vst v3;
	v1 =	vshll.u32 v1, $0x1  }
0x30: {  	v7 =	vld [tilespmem:s22+$0x10];
	[tilespmem:s2+$0x30] =	vst v1;
	v0 =	vshll.u32 v0, $0x1  }
.Ltmp0:
0x31: {  	v3 =	vld [tilespmem:s22+$0x20];
	[tilespmem:s2+$0x40] =	vst v0;
	v0 =	vshll.u32 v2, $0x1;
	(pc) =	sbr.rel @p0 .LBB2_2-.Ltmp0, $4  }
0x32: {  	v1 =	vld [tilespmem:s22+$0x30];
	[tilespmem:s2+$0x50] =	vst v0;
	v2 =	vshll.u32 v4, $0x1  }
0x33: {  	v0 =	vld [tilespmem:s22+$0x40];
	[tilespmem:s2+$0x60] =	vst v2;
	v4 =	vshll.u32 v5, $0x1  }
0x34: {  	v5 =	vshll.u32 v6, $0x1;
	v2 =	vld [tilespmem:s22+$0x50];
	[tilespmem:s2+$0x70] =	vst v4;
	s2 =	smov.u32 s22  }
0x35: {  	s6 =	sadd.s32 $0x200, s6;
	[tilespmem:s2+$0x0] =	vst v5;
	v5 =	vshll.u32 v7, $0x1;
	v4 =	vld [tilespmem:s2+$0x60]  }
0x36: {  	[tilespmem:s2+$0x10] =	vst v5;
	v3 =	vshll.u32 v3, $0x1;
	v60 =	vld [tilespmem:s2+$0x70]  }
0x37: {  	[tilespmem:s2+$0x20] =	vst v3;
	v1 =	vshll.u32 v1, $0x1  }
0x38: {  	[tilespmem:s2+$0x30] =	vst v1;
	v0 =	vshll.u32 v0, $0x1  }
0x39: {  	[tilespmem:s2+$0x40] =	vst v0;
	v61 =	vshll.u32 v2, $0x1  }
0x3a: {  	[tilespmem:s2+$0x50] =	vst v61;
	v62 =	vshll.u32 v4, $0x1  }
0x3b: {  	[tilespmem:s2+$0x60] =	vst v62;
	v63 =	vshll.u32 v60, $0x1  }
0x3c: {  	[tilespmem:s2+$0x70] =	vst v63;
	s2 =	simm.s32 $0x0  }
0x3d: {  	[tilespmem:s23], [sflag:$0x1] =	stream.indirect.gather [hbm4b:s4+s24], $0x40, s2, s24, $0xb8;
	[tilespmem:$0x16400] =	vst v63  }
0x3e: {  	_ = 	snop  }
0x3f: {  	[tilespmem:s25], [sflag:$0x2] =	stream.indirect.gather [hbm4b:s4+s24], $0x40, s24, s24, $0xb8;
	[tilespmem:$0x16400] =	vst v63  }
0x40: {  	s6 =	simm.s32 $0x100  }
0x41: {  	[tilespmem:s26], [sflag:$0x3] =	stream.indirect.gather [hbm4b:s4+s24], $0x40, s6, s24, $0xb8;
	[tilespmem:$0x16400] =	vst v63  }
0x42: {  	s0 =	simm.s32 $0x180  }
0x43: {  	[tilespmem:s29], [sflag:$0x4] =	stream.indirect.gather [hbm4b:s4+s24], $0x40, s0, s24, $0xb8;
	[tilespmem:$0x16400] =	vst v63  }
0x44: {  	s0 =	simm.s32 $0x200  }
0x45: {  	[tilespmem:s31], [sflag:$0x5] =	stream.indirect.gather [hbm4b:s4+s24], $0x40, s0, s24, $0xb8;
	[tilespmem:$0x16400] =	vst v63  }
0x46: {  	s22 =	simm.s32 $0x280  }
0x47: {  	[tilespmem:s30], [sflag:$0x6] =	stream.indirect.gather [hbm4b:s4+s24], $0x40, s22, s24, $0xb8;
	[tilespmem:$0x16400] =	vst v63  }
0x48: {  	_ =	swait.ge [sflag:s5], $0x2000  }
0x49: {  	[sflag:s5] =	ssyncset.done $0x0  }
0x4a: {  	s0 =	rddreg [dreg:$0x9];
	[sflag:s5] =	ssyncadd.s32 $0xFFFFE000  }
0x4b: {  	[hbm4b:s0+s2] =	stream.linear.scatter [tilespmem:s23], [sflag:$0x9], $0x2000, $0x38;
	[tilespmem:$0x16400] =	vst v63  }
0x4c: {  	s22 =	simm.s32 $0x300  }
0x4d: {  	[tilespmem:s28], [sflag:$0x7] =	stream.indirect.gather [hbm4b:s4+s24], $0x40, s22, s24, $0xb8;
	[tilespmem:$0x16400] =	vst v63  }
0x4e: {  	_ =	swait.ge [sflag:s8], $0x2000  }
0x4f: {  	[sflag:s8] =	ssyncset.done $0x0  }
0x50: {  	s0 =	rddreg [dreg:$0xa];
	[sflag:s8] =	ssyncadd.s32 $0xFFFFE000  }
0x51: {  	[hbm4b:s0+s2] =	stream.linear.scatter [tilespmem:s25], [sflag:$0xA], $0x2000, $0x38;
	[tilespmem:$0x16400] =	vst v63  }
0x52: {  	s22 =	simm.s32 $0x380  }
0x53: {  	[tilespmem:s7], [sflag:$0x8] =	stream.indirect.gather [hbm4b:s4+s24], $0x40, s22, s24, $0xb8;
	[tilespmem:$0x16400] =	vst v63  }
0x54: {  	_ =	swait.ge [sflag:s9], $0x2000  }
0x55: {  	[sflag:s9] =	ssyncset.done $0x0  }
0x56: {  	s0 =	rddreg [dreg:$0xb];
	[sflag:s9] =	ssyncadd.s32 $0xFFFFE000  }
0x57: {  	[hbm4b:s0+s2] =	stream.linear.scatter [tilespmem:s26], [sflag:$0xB], $0x2000, $0x38;
	[tilespmem:$0x16400] =	vst v63  }
0x58: {  	_ =	swait.ge [sflag:s1], $0x2000  }
0x59: {  	[sflag:s1] =	ssyncset.done $0x0  }
0x5a: {  	s22 =	simm.s32 $0x400;
	[sflag:s1] =	ssyncadd.s32 $0xFFFFE000  }
0x5b: {  	[tilespmem:s23], [sflag:$0x1] =	stream.indirect.gather [hbm4b:s4+s24], $0x40, s22, s24, $0xb8;
	[tilespmem:$0x16400] =	vst v63  }
0x5c: {  	_ =	swait.ge [sflag:s11], $0x2000  }
0x5d: {  	[sflag:s11] =	ssyncset.done $0x0  }
0x5e: {  	s0 =	rddreg [dreg:$0xc];
	[sflag:s11] =	ssyncadd.s32 $0xFFFFE000  }
0x5f: {  	[hbm4b:s0+s2] =	stream.linear.scatter [tilespmem:s29], [sflag:$0xC], $0x2000, $0x38;
	[tilespmem:$0x16400] =	vst v63  }
0x60: {  	_ =	swait.ge [sflag:s10], $0x2000  }
0x61: {  	[sflag:s10] =	ssyncset.done $0x0  }
0x62: {  	s22 =	simm.s32 $0x480;
	[sflag:s10] =	ssyncadd.s32 $0xFFFFE000  }
0x63: {  	[tilespmem:s25], [sflag:$0x2] =	stream.indirect.gather [hbm4b:s4+s24], $0x40, s22, s24, $0xb8;
	[tilespmem:$0x16400] =	vst v63  }
0x64: {  	_ =	swait.ge [sflag:s13], $0x2000  }
0x65: {  	[sflag:s13] =	ssyncset.done $0x0  }
0x66: {  	s0 =	rddreg [dreg:$0xd];
	[sflag:s13] =	ssyncadd.s32 $0xFFFFE000  }
0x67: {  	[hbm4b:s0+s2] =	stream.linear.scatter [tilespmem:s31], [sflag:$0xD], $0x2000, $0x38;
	[tilespmem:$0x16400] =	vst v63  }
0x68: {  	_ =	swait.ge [sflag:s12], $0x2000  }
0x69: {  	[sflag:s12] =	ssyncset.done $0x0  }
0x6a: {  	s22 =	simm.s32 $0x500;
	[sflag:s12] =	ssyncadd.s32 $0xFFFFE000  }
0x6b: {  	[tilespmem:s26], [sflag:$0x3] =	stream.indirect.gather [hbm4b:s4+s24], $0x40, s22, s24, $0xb8;
	[tilespmem:$0x16400] =	vst v63  }
0x6c: {  	_ =	swait.ge [sflag:s15], $0x2000  }
0x6d: {  	[sflag:s15] =	ssyncset.done $0x0  }
0x6e: {  	s0 =	rddreg [dreg:$0xe];
	[sflag:s15] =	ssyncadd.s32 $0xFFFFE000  }
0x6f: {  	[hbm4b:s0+s2] =	stream.linear.scatter [tilespmem:s30], [sflag:$0xE], $0x2000, $0x38;
	[tilespmem:$0x16400] =	vst v63  }
0x70: {  	_ =	swait.ge [sflag:s14], $0x2000  }
0x71: {  	[sflag:s14] =	ssyncset.done $0x0  }
0x72: {  	s22 =	simm.s32 $0x580;
	[sflag:s14] =	ssyncadd.s32 $0xFFFFE000  }
0x73: {  	[tilespmem:s29], [sflag:$0x4] =	stream.indirect.gather [hbm4b:s4+s24], $0x40, s22, s24, $0xb8;
	[tilespmem:$0x16400] =	vst v63  }
0x74: {  	_ =	swait.ge [sflag:s17], $0x2000  }
0x75: {  	[sflag:s17] =	ssyncset.done $0x0  }
0x76: {  	s0 =	rddreg [dreg:$0xf];
	[sflag:s17] =	ssyncadd.s32 $0xFFFFE000  }
0x77: {  	[hbm4b:s0+s2] =	stream.linear.scatter [tilespmem:s28], [sflag:$0xF], $0x2000, $0x38;
	[tilespmem:$0x16400] =	vst v63  }
0x78: {  	_ =	swait.ge [sflag:s16], $0x2000  }
0x79: {  	[sflag:s16] =	ssyncset.done $0x0  }
0x7a: {  	s6 =	simm.s32 $0x600;
	s22 =	simm.s32 $0x8;
	[sflag:s16] =	ssyncadd.s32 $0xFFFFE000  }
0x7b: {  	[tilespmem:s31], [sflag:$0x5] =	stream.indirect.gather [hbm4b:s4+s24], $0x40, s6, s24, $0xb8;
	[tilespmem:$0x16400] =	vst v63  }
0x7c: {  	_ =	swait.ge [sflag:s22], $0x2000  }
0x7d: {  	[sflag:s22] =	ssyncset.done $0x0  }
0x7e: {  	s0 =	rddreg [dreg:$0x10];
	[sflag:s22] =	ssyncadd.s32 $0xFFFFE000  }
0x7f: {  	[hbm4b:s0+s2] =	stream.linear.scatter [tilespmem:s7], [sflag:$0x10], $0x2000, $0x38;
	[tilespmem:$0x16400] =	vst v63  }
0x80: {  	_ =	swait.ge [sflag:s19], $0x2000  }
0x81: {  	[sflag:s19] =	ssyncset.done $0x0  }
0x82: {  	s2 =	simm.s32 $0x680;
	[sflag:s19] =	ssyncadd.s32 $0xFFFFE000  }
0x83: {  	[tilespmem:s30], [sflag:$0x6] =	stream.indirect.gather [hbm4b:s4+s24], $0x40, s2, s24, $0xb8;
	[tilespmem:$0x16400] =	vst v63  }
0x84: {  	_ =	swait.ge [sflag:s5], $0x2000  }
0x85: {  	[sflag:s5] =	ssyncset.done $0x0  }
0x86: {  	s6 =	rddreg [dreg:$0x4];
	[sflag:s5] =	ssyncadd.s32 $0xFFFFE000  }
0x87: {  	s22 =	rddreg [dreg:$0x2]  }
0x88: {  	s2 =	sadd.s32 s22, s6  }
0x89: {  	[hbm4b:s2+s3] =	stream.linear.scatter [tilespmem:s23], [sflag:$0x9], $0x2000, $0x38;
	[tilespmem:$0x16400] =	vst v63  }
0x8a: {  	_ =	swait.ge [sflag:s20], $0x2000  }
0x8b: {  	[sflag:s20] =	ssyncset.done $0x0  }
0x8c: {  	s0 =	simm.s32 $0x700;
	[sflag:s20] =	ssyncadd.s32 $0xFFFFE000  }
0x8d: {  	[tilespmem:s28], [sflag:$0x7] =	stream.indirect.gather [hbm4b:s4+s24], $0x40, s0, s24, $0xb8;
	[tilespmem:$0x16400] =	vst v63  }
0x8e: {  	_ =	swait.ge [sflag:s8], $0x2000  }
0x8f: {  	[sflag:s8] =	ssyncset.done $0x0  }
0x90: {  	s0 =	sadd.s32 $0x400, s2;
	[sflag:s8] =	ssyncadd.s32 $0xFFFFE000  }
0x91: {  	[hbm4b:s0+s3] =	stream.linear.scatter [tilespmem:s25], [sflag:$0xA], $0x2000, $0x38;
	[tilespmem:$0x16400] =	vst v63  }
0x92: {  	_ =	swait.ge [sflag:s21], $0x2000  }
0x93: {  	[sflag:s21] =	ssyncset.done $0x0  }
0x94: {  	s0 =	simm.s32 $0x780;
	[sflag:s21] =	ssyncadd.s32 $0xFFFFE000  }
0x95: {  	[tilespmem:s7], [sflag:$0x8] =	stream.indirect.gather [hbm4b:s4+s24], $0x40, s0, s24, $0xb8;
	[tilespmem:$0x16400] =	vst v63  }
0x96: {  	_ =	swait.ge [sflag:s9], $0x2000  }
0x97: {  	s0 =	rddreg [dreg:$0x6];
	[sflag:s9] =	ssyncset.done $0x0  }
0x98: {  	[sflag:s9] =	ssyncadd.s32 $0xFFFFE000;
	s6 =	sadd.s32 s22, s0  }
0x99: {  	[hbm4b:s6+s3] =	stream.linear.scatter [tilespmem:s26], [sflag:$0xB], $0x2000, $0x38;
	[tilespmem:$0x16400] =	vst v63  }
0x9a: {  	_ =	swait.ge [sflag:s1], $0x2000  }
0x9b: {  	[sflag:s1] =	ssyncset.done $0x0  }
0x9c: {  	[sflag:s1] =	ssyncadd.s32 $0xFFFFE000;
	s1 =	simm.s32 $0x800  }
0x9d: {  	[tilespmem:s23], [sflag:$0x1] =	stream.indirect.gather [hbm4b:s4+s24], $0x40, s1, s24, $0xb8;
	[tilespmem:$0x16400] =	vst v63  }
0x9e: {  	_ =	swait.ge [sflag:s11], $0x2000  }
0x9f: {  	[sflag:s11] =	ssyncset.done $0x0  }
0xa0: {  	s23 =	sadd.s32 $0xC00, s2;
	[sflag:s11] =	ssyncadd.s32 $0xFFFFE000  }
0xa1: {  	[hbm4b:s23+s3] =	stream.linear.scatter [tilespmem:s29], [sflag:$0xC], $0x2000, $0x38;
	[tilespmem:$0x16400] =	vst v63  }
0xa2: {  	_ =	swait.ge [sflag:s10], $0x2000  }
0xa3: {  	[sflag:s10] =	ssyncset.done $0x0  }
0xa4: {  	s0 =	simm.s32 $0x880;
	[sflag:s10] =	ssyncadd.s32 $0xFFFFE000  }
0xa5: {  	[tilespmem:s25], [sflag:$0x2] =	stream.indirect.gather [hbm4b:s4+s24], $0x40, s0, s24, $0xb8;
	[tilespmem:$0x16400] =	vst v63  }
0xa6: {  	_ =	swait.ge [sflag:s13], $0x2000  }
0xa7: {  	s1 =	rddreg [dreg:$0x5];
	[sflag:s13] =	ssyncset.done $0x0  }
0xa8: {  	[sflag:s13] =	ssyncadd.s32 $0xFFFFE000;
	s6 =	sadd.s32 s22, s1  }
0xa9: {  	[hbm4b:s6+s3] =	stream.linear.scatter [tilespmem:s31], [sflag:$0xD], $0x2000, $0x38;
	[tilespmem:$0x16400] =	vst v63  }
0xaa: {  	_ =	swait.ge [sflag:s12], $0x2000  }
0xab: {  	[sflag:s12] =	ssyncset.done $0x0  }
0xac: {  	s10 =	simm.s32 $0x900;
	[sflag:s12] =	ssyncadd.s32 $0xFFFFE000  }
0xad: {  	[tilespmem:s26], [sflag:$0x3] =	stream.indirect.gather [hbm4b:s4+s24], $0x40, s10, s24, $0xb8;
	[tilespmem:$0x16400] =	vst v63  }
0xae: {  	_ =	swait.ge [sflag:s15], $0x2000  }
0xaf: {  	[sflag:s15] =	ssyncset.done $0x0  }
0xb0: {  	s12 =	sadd.s32 $0x1400, s2;
	[sflag:s15] =	ssyncadd.s32 $0xFFFFE000  }
0xb1: {  	[hbm4b:s12+s3] =	stream.linear.scatter [tilespmem:s30], [sflag:$0xE], $0x2000, $0x38;
	[tilespmem:$0x16400] =	vst v63  }
0xb2: {  	_ =	swait.ge [sflag:s14], $0x2000  }
0xb3: {  	[sflag:s14] =	ssyncset.done $0x0  }
0xb4: {  	s23 =	simm.s32 $0x980;
	[sflag:s14] =	ssyncadd.s32 $0xFFFFE000  }
0xb5: {  	[tilespmem:s29], [sflag:$0x4] =	stream.indirect.gather [hbm4b:s4+s24], $0x40, s23, s24, $0xb8;
	[tilespmem:$0x16400] =	vst v63  }
0xb6: {  	_ =	swait.ge [sflag:s17], $0x2000  }
0xb7: {  	s25 =	rddreg [dreg:$0x7];
	[sflag:s17] =	ssyncset.done $0x0  }
0xb8: {  	[sflag:s17] =	ssyncadd.s32 $0xFFFFE000;
	s6 =	sadd.s32 s22, s25  }
0xb9: {  	[hbm4b:s6+s3] =	stream.linear.scatter [tilespmem:s28], [sflag:$0xF], $0x2000, $0x38;
	[tilespmem:$0x16400] =	vst v63  }
0xba: {  	s0 =	simm.s32 $0x8;
	s1 =	simm.s32 $0x14400;
	_ =	swait.ge [sflag:s16], $0x2000  }
0xbb: {  	s2 =	sadd.s32 $0x1C00, s2;
	s26 =	simm.s32 $0xA00;
	[sflag:s16] =	ssyncset.done $0x0  }
0xbc: {  	s10 =	simm.s32 $0x9;
	s12 =	simm.s32 $0xA;
	[sflag:s16] =	ssyncadd.s32 $0xFFFFE000  }
0xbd: {  	[tilespmem:s31], [sflag:$0x5] =	stream.indirect.gather [hbm4b:s4+s24], $0x40, s26, s24, $0xb8;
	[tilespmem:$0x16400] =	vst v63  }
0xbe: {  	s30 =	simm.s32 $0xE400;
	s14 =	simm.s32 $0xB;
	_ =	swait.ge [sflag:s0], $0x2000  }
0xbf: {  	s23 =	sadd.s32 $0x2000, s22;
	s29 =	simm.s32 $0x8400;
	[sflag:s0] =	ssyncset.done $0x0  }
0xc0: {  	s6 =	simm.s32 $0x1000;
	s28 =	simm.s32 $0x10400;
	[sflag:s0] =	ssyncadd.s32 $0xFFFFE000  }
0xc1: {  	[hbm4b:s2+s3] =	stream.linear.scatter [tilespmem:s7], [sflag:$0x10], $0x2000, $0x38;
	[tilespmem:$0x16400] =	vst v63  }
0xc2: {  	s16 =	simm.s32 $0xC;
	s31 =	simm.s32 $0xA400;
	_ =	swait.ge [sflag:s19], $0x2000  }
0xc3: {  	s26 =	simm.s32 $0x6400;
	s0 =	simm.s32 $0xC400;
	[sflag:s19] =	ssyncset.done $0x0  }
0xc4: {  	s2 =	simm.s32 $0xA80;
	s7 =	simm.s32 $0x12400;
	[sflag:s19] =	ssyncadd.s32 $0xFFFFE000  }
.LBB2_4:
0xc5: {  	[tilespmem:s28], [sflag:$0x6] =	stream.indirect.gather [hbm4b:s4+s24], $0x40, s2, s24, $0xb8;
	[tilespmem:$0x16400] =	vst v63  }
0xc6: {  	_ =	swait.ge [sflag:s5], $0x2000  }
0xc7: {  	s22 =	rddreg [dreg:$0x4];
	[sflag:s5] =	ssyncset.done $0x0  }
0xc8: {  	[sflag:s5] =	ssyncadd.s32 $0xFFFFE000;
	s22 =	sadd.s32 s23, s22  }
0xc9: {  	[hbm4b:s22+s3] =	stream.linear.scatter [tilespmem:s26], [sflag:$0x9], $0x2000, $0x38;
	[tilespmem:$0x16400] =	vst v63  }
0xca: {  	s25 =	smov.u32 s6;
	_ =	swait.ge [sflag:s20], $0x2000  }
0xcb: {  	s2 =	sshra.s32 s25, $0x2;
	[sflag:s20] =	ssyncset.done $0x0  }
0xcc: {  	s25 =	sadd.s32 $0x700, s2;
	[sflag:s20] =	ssyncadd.s32 $0xFFFFE000  }
0xcd: {  	[tilespmem:s7], [sflag:$0x7] =	stream.indirect.gather [hbm4b:s4+s24], $0x40, s25, s24, $0xb8;
	[tilespmem:$0x16400] =	vst v63  }
0xce: {  	_ =	swait.ge [sflag:s8], $0x2000  }
0xcf: {  	[sflag:s8] =	ssyncset.done $0x0  }
0xd0: {  	s25 =	sadd.s32 $0x400, s22;
	[sflag:s8] =	ssyncadd.s32 $0xFFFFE000  }
0xd1: {  	[hbm4b:s25+s3] =	stream.linear.scatter [tilespmem:s29], [sflag:$0xA], $0x2000, $0x38;
	[tilespmem:$0x16400] =	vst v63  }
0xd2: {  	_ =	swait.ge [sflag:s21], $0x2000  }
0xd3: {  	[sflag:s21] =	ssyncset.done $0x0  }
0xd4: {  	s25 =	sadd.s32 $0x780, s2;
	[sflag:s21] =	ssyncadd.s32 $0xFFFFE000  }
0xd5: {  	[tilespmem:s1], [sflag:$0x8] =	stream.indirect.gather [hbm4b:s4+s24], $0x40, s25, s24, $0xb8;
	[tilespmem:$0x16400] =	vst v63  }
0xd6: {  	_ =	swait.ge [sflag:s9], $0x2000  }
0xd7: {  	s25 =	rddreg [dreg:$0x6];
	[sflag:s9] =	ssyncset.done $0x0  }
0xd8: {  	[sflag:s9] =	ssyncadd.s32 $0xFFFFE000;
	s25 =	sadd.s32 s23, s25  }
0xd9: {  	[hbm4b:s25+s3] =	stream.linear.scatter [tilespmem:s31], [sflag:$0xB], $0x2000, $0x38;
	[tilespmem:$0x16400] =	vst v63  }
0xda: {  	_ =	swait.ge [sflag:s10], $0x2000  }
0xdb: {  	[sflag:s10] =	ssyncset.done $0x0  }
0xdc: {  	s25 =	sadd.s32 $0x800, s2;
	[sflag:s10] =	ssyncadd.s32 $0xFFFFE000  }
0xdd: {  	[tilespmem:s26], [sflag:$0x1] =	stream.indirect.gather [hbm4b:s4+s24], $0x40, s25, s24, $0xb8;
	[tilespmem:$0x16400] =	vst v63  }
0xde: {  	_ =	swait.ge [sflag:s11], $0x2000  }
0xdf: {  	[sflag:s11] =	ssyncset.done $0x0  }
0xe0: {  	s25 =	sadd.s32 $0xC00, s22;
	[sflag:s11] =	ssyncadd.s32 $0xFFFFE000  }
0xe1: {  	[hbm4b:s25+s3] =	stream.linear.scatter [tilespmem:s0], [sflag:$0xC], $0x2000, $0x38;
	[tilespmem:$0x16400] =	vst v63  }
0xe2: {  	_ =	swait.ge [sflag:s12], $0x2000  }
0xe3: {  	[sflag:s12] =	ssyncset.done $0x0  }
0xe4: {  	s25 =	sadd.s32 $0x880, s2;
	[sflag:s12] =	ssyncadd.s32 $0xFFFFE000  }
0xe5: {  	[tilespmem:s29], [sflag:$0x2] =	stream.indirect.gather [hbm4b:s4+s24], $0x40, s25, s24, $0xb8;
	[tilespmem:$0x16400] =	vst v63  }
0xe6: {  	_ =	swait.ge [sflag:s13], $0x2000  }
0xe7: {  	s25 =	rddreg [dreg:$0x5];
	[sflag:s13] =	ssyncset.done $0x0  }
0xe8: {  	[sflag:s13] =	ssyncadd.s32 $0xFFFFE000;
	s25 =	sadd.s32 s23, s25  }
0xe9: {  	[hbm4b:s25+s3] =	stream.linear.scatter [tilespmem:s30], [sflag:$0xD], $0x2000, $0x38;
	[tilespmem:$0x16400] =	vst v63  }
0xea: {  	_ =	swait.ge [sflag:s14], $0x2000  }
0xeb: {  	[sflag:s14] =	ssyncset.done $0x0  }
0xec: {  	s25 =	sadd.s32 $0x900, s2;
	[sflag:s14] =	ssyncadd.s32 $0xFFFFE000  }
0xed: {  	[tilespmem:s31], [sflag:$0x3] =	stream.indirect.gather [hbm4b:s4+s24], $0x40, s25, s24, $0xb8;
	[tilespmem:$0x16400] =	vst v63  }
0xee: {  	_ =	swait.ge [sflag:s15], $0x2000  }
0xef: {  	[sflag:s15] =	ssyncset.done $0x0  }
0xf0: {  	s25 =	sadd.s32 $0x1400, s22;
	[sflag:s15] =	ssyncadd.s32 $0xFFFFE000  }
0xf1: {  	[hbm4b:s25+s3] =	stream.linear.scatter [tilespmem:s28], [sflag:$0xE], $0x2000, $0x38;
	[tilespmem:$0x16400] =	vst v63  }
0xf2: {  	_ =	swait.ge [sflag:s16], $0x2000  }
0xf3: {  	[sflag:s16] =	ssyncset.done $0x0  }
0xf4: {  	s25 =	sadd.s32 $0x980, s2;
	[sflag:s16] =	ssyncadd.s32 $0xFFFFE000  }
0xf5: {  	[tilespmem:s0], [sflag:$0x4] =	stream.indirect.gather [hbm4b:s4+s24], $0x40, s25, s24, $0xb8;
	[tilespmem:$0x16400] =	vst v63  }
0xf6: {  	_ =	swait.ge [sflag:s17], $0x2000  }
0xf7: {  	s25 =	rddreg [dreg:$0x7];
	[sflag:s17] =	ssyncset.done $0x0  }
0xf8: {  	[sflag:s17] =	ssyncadd.s32 $0xFFFFE000;
	s25 =	sadd.s32 s23, s25  }
0xf9: {  	[hbm4b:s25+s3] =	stream.linear.scatter [tilespmem:s7], [sflag:$0xF], $0x2000, $0x38;
	[tilespmem:$0x16400] =	vst v63  }
0xfa: {  	_ =	swait.ge [sflag:s18], $0x2000  }
0xfb: {  	[sflag:s18] =	ssyncset.done $0x0  }
0xfc: {  	s25 =	sadd.s32 $0xA00, s2;
	[sflag:s18] =	ssyncadd.s32 $0xFFFFE000  }
0xfd: {  	[tilespmem:s30], [sflag:$0x5] =	stream.indirect.gather [hbm4b:s4+s24], $0x40, s25, s24, $0xb8;
	[tilespmem:$0x16400] =	vst v63  }
0xfe: {  	s25 =	simm.s32 $0x8  }
0xff: {  	_ =	swait.ge [sflag:s25], $0x2000  }
0x100: {  	p0 =	sne.s32 s6, $0x16000;
	[sflag:s25] =	ssyncset.done $0x0  }
.Ltmp1:
0x101: {  	s22 =	sadd.s32 $0x1C00, s22;
	[sflag:s25] =	ssyncadd.s32 $0xFFFFE000;
	(pc) =	sbr.rel @p0 .LBB2_4-.Ltmp1, $4  }
0x102: {  	[hbm4b:s22+s3] =	stream.linear.scatter [tilespmem:s1], [sflag:$0x10], $0x2000, $0x38;
	[tilespmem:$0x16400] =	vst v63  }
0x103: {  	_ =	swait.ge [sflag:s19], $0x2000  }
0x104: {  	s6 =	sadd.s32 $0x1000, s6;
	[sflag:s19] =	ssyncset.done $0x0  }
0x105: {  	s23 =	sadd.s32 $0x2000, s23;
	s2 =	sadd.s32 $0xA80, s2;
	[sflag:s19] =	ssyncadd.s32 $0xFFFFE000  }
0x106: {  	[tilespmem:s28], [sflag:$0x6] =	stream.indirect.gather [hbm4b:s4+s24], $0x40, s2, s24, $0xb8;
	[tilespmem:$0x16400] =	vst v63  }
0x107: {  	_ =	swait.ge [sflag:s5], $0x2000  }
0x108: {  	[sflag:s5] =	ssyncset.done $0x0  }
0x109: {  	s23 =	rddreg [dreg:$0x11];
	[sflag:s5] =	ssyncadd.s32 $0xFFFFE000  }
0x10a: {  	[hbm4b:s23+s3] =	stream.linear.scatter [tilespmem:s26], [sflag:$0x9], $0x2000, $0x38;
	[tilespmem:$0x16400] =	vst v63  }
0x10b: {  	_ =	swait.ge [sflag:s20], $0x2000  }
0x10c: {  	[sflag:s20] =	ssyncset.done $0x0  }
0x10d: {  	s26 =	simm.s32 $0x6300;
	[sflag:s20] =	ssyncadd.s32 $0xFFFFE000  }
0x10e: {  	[tilespmem:s7], [sflag:$0x7] =	stream.indirect.gather [hbm4b:s4+s24], $0x40, s26, s24, $0xb8;
	[tilespmem:$0x16400] =	vst v63  }
0x10f: {  	_ =	swait.ge [sflag:s8], $0x2000  }
0x110: {  	[sflag:s8] =	ssyncset.done $0x0  }
0x111: {  	s6 =	rddreg [dreg:$0x12];
	[sflag:s8] =	ssyncadd.s32 $0xFFFFE000  }
0x112: {  	[hbm4b:s6+s3] =	stream.linear.scatter [tilespmem:s29], [sflag:$0xA], $0x2000, $0x38;
	[tilespmem:$0x16400] =	vst v63  }
0x113: {  	_ =	swait.ge [sflag:s21], $0x2000  }
0x114: {  	[sflag:s21] =	ssyncset.done $0x0  }
0x115: {  	s22 =	simm.s32 $0x6380;
	[sflag:s21] =	ssyncadd.s32 $0xFFFFE000  }
0x116: {  	[tilespmem:s1], [sflag:$0x8] =	stream.indirect.gather [hbm4b:s4+s24], $0x40, s22, s24, $0xb8;
	[tilespmem:$0x16400] =	vst v63  }
0x117: {  	_ =	swait.ge [sflag:s9], $0x2000  }
0x118: {  	[sflag:s9] =	ssyncset.done $0x0  }
0x119: {  	s23 =	rddreg [dreg:$0x13];
	[sflag:s9] =	ssyncadd.s32 $0xFFFFE000  }
0x11a: {  	[hbm4b:s23+s3] =	stream.linear.scatter [tilespmem:s31], [sflag:$0xB], $0x2000, $0x38;
	[tilespmem:$0x16400] =	vst v63  }
0x11b: {  	_ =	swait.ge [sflag:s11], $0x2000  }
0x11c: {  	[sflag:s11] =	ssyncset.done $0x0  }
0x11d: {  	s26 =	rddreg [dreg:$0x14];
	[sflag:s11] =	ssyncadd.s32 $0xFFFFE000  }
0x11e: {  	[hbm4b:s26+s3] =	stream.linear.scatter [tilespmem:s0], [sflag:$0xC], $0x2000, $0x38;
	[tilespmem:$0x16400] =	vst v63  }
0x11f: {  	_ =	swait.ge [sflag:s13], $0x2000  }
0x120: {  	[sflag:s13] =	ssyncset.done $0x0  }
0x121: {  	s0 =	rddreg [dreg:$0x15];
	[sflag:s13] =	ssyncadd.s32 $0xFFFFE000  }
0x122: {  	[hbm4b:s0+s3] =	stream.linear.scatter [tilespmem:s30], [sflag:$0xD], $0x2000, $0x38;
	[tilespmem:$0x16400] =	vst v63  }
0x123: {  	_ =	swait.ge [sflag:s15], $0x2000  }
0x124: {  	[sflag:s15] =	ssyncset.done $0x0  }
0x125: {  	s6 =	rddreg [dreg:$0x16];
	[sflag:s15] =	ssyncadd.s32 $0xFFFFE000  }
0x126: {  	[hbm4b:s6+s3] =	stream.linear.scatter [tilespmem:s28], [sflag:$0xE], $0x2000, $0x38;
	[tilespmem:$0x16400] =	vst v63  }
0x127: {  	_ =	swait.ge [sflag:s17], $0x2000  }
0x128: {  	[sflag:s17] =	ssyncset.done $0x0  }
0x129: {  	s22 =	rddreg [dreg:$0x17];
	[sflag:s17] =	ssyncadd.s32 $0xFFFFE000  }
0x12a: {  	[hbm4b:s22+s3] =	stream.linear.scatter [tilespmem:s7], [sflag:$0xF], $0x2000, $0x38;
	[tilespmem:$0x16400] =	vst v63  }
0x12b: {  	_ =	swait.ge [sflag:s25], $0x2000  }
0x12c: {  	[sflag:s25] =	ssyncset.done $0x0  }
0x12d: {  	s23 =	rddreg [dreg:$0x18];
	[sflag:s25] =	ssyncadd.s32 $0xFFFFE000  }
0x12e: {  	[hbm4b:s23+s3] =	stream.linear.scatter [tilespmem:s1], [sflag:$0x10], $0x2000, $0x38;
	[tilespmem:$0x16400] =	vst v63  }
0x12f: {  	_ =	swait.ge [sflag:s10], $0x2000  }
0x130: {  	[sflag:s10] =	ssyncset.done $0x0  }
0x131: {  	[sflag:s10] =	ssyncadd.s32 $0xFFFFE000  }
0x132: {  	_ =	swait.ge [sflag:s12], $0x2000  }
0x133: {  	[sflag:s12] =	ssyncset.done $0x0  }
0x134: {  	[sflag:s12] =	ssyncadd.s32 $0xFFFFE000  }
0x135: {  	_ =	swait.ge [sflag:s14], $0x2000  }
0x136: {  	[sflag:s14] =	ssyncset.done $0x0  }
0x137: {  	[sflag:s14] =	ssyncadd.s32 $0xFFFFE000  }
0x138: {  	_ =	swait.ge [sflag:s16], $0x2000  }
0x139: {  	[sflag:s16] =	ssyncset.done $0x0  }
0x13a: {  	[sflag:s16] =	ssyncadd.s32 $0xFFFFE000  }
0x13b: {  	_ =	swait.ge [sflag:s18], $0x2000  }
0x13c: {  	[sflag:s18] =	ssyncset.done $0x0  }
0x13d: {  	[sflag:s18] =	ssyncadd.s32 $0xFFFFE000  }
0x13e: {  	_ =	swait.ge [sflag:s19], $0x2000  }
0x13f: {  	[sflag:s19] =	ssyncset.done $0x0  }
0x140: {  	[sflag:s19] =	ssyncadd.s32 $0xFFFFE000  }
0x141: {  	_ =	swait.ge [sflag:s20], $0x2000  }
0x142: {  	[sflag:s20] =	ssyncset.done $0x0  }
0x143: {  	[sflag:s20] =	ssyncadd.s32 $0xFFFFE000  }
0x144: {  	_ =	swait.ge [sflag:s21], $0x2000  }
0x145: {  	s25 =	rddreg [dreg:$0x1a]  }
0x146: {  	s26 =	rddreg [dreg:$0x19];
	s0 =	sadd.s32 $0x1, s25  }
0x147: {  	s29 =	simm.s32 $0xC400;
	p0 =	sne.s32 s0, s26  }
.Ltmp2:
0x148: {  	s31 =	simm.s32 $0xE400;
	s30 =	simm.s32 $0x10400;
	(pc) =	sbr.rel @p0 .LBB2_1-.Ltmp2, $4  }
0x149: {  	s28 =	simm.s32 $0x12400;
	s7 =	simm.s32 $0x14400;
	s23 =	simm.s32 $0x6400  }
0x14a: {  	s1 =	simm.s32 $0x9;
	s10 =	simm.s32 $0xA;
	s12 =	simm.s32 $0xB  }
0x14b: {  	s14 =	simm.s32 $0xC;
	s16 =	simm.s32 $0xD;
	[sflag:s21] =	ssyncset.done $0x0  }
0x14c: {  	[sflag:s21] =	ssyncadd.s32 $0xFFFFE000;
	s25 =	simm.s32 $0x8400;
	s26 =	simm.s32 $0xA400  }
0x14d: {  	_ =	sfence.sel $0x180000  }
0x14e: {  	[bflag:$0x0] =	sbarrier.arrive $0xFFFF  }
0x14f: {  	_ =	strace $0x9000004A  }
0x150: {  	s0 =	stileid.u32;
	[bflag:$0x2] =	sbarrier.arrive $0xFFFF  }
0x151: {  	p0 =	sne.s32 s0, $0x0;
	s0 =	rddreg [dreg:$0x3]  }
0x152: {  	s0 =	sadd.s32 @!p0 $0x100000, s0  }
0x153: {  	[sflag:s0] =	ssyncadd.tile.s32 @!p0 $0x1;
	_ =	shalt  }
.Lfunc_end2:
_tile_overlayer_lowered:
.L_overlay_start_2:
0x154: {  	(tag) =	ssettag $0x2  }
0x155: {  	s0 =	rddreg [dreg:$0x0];
	s2 =	stileid.u32  }
0x156: {  	s1 =	rddreg [dreg:$0x1];
	p0 =	sne.s32 s2, $0x0  }
0x157: {  	s3 =	rddreg [dreg:$0x2];
	[bflag:$0x3] =	sbarrier.arrive $0xFFFF;
	s2 =	simm.s32 @!p0 $0x1C11  }
0x158: {  	[timem:s3], [sflag:s2] =	dma.local @!p0 [hbm:s0], s1  }
0x159: {  	s0 =	simm.s32 @!p0 $0x11  }
0x15a: {  	_ =	swait.ge @!p0 [sflag:s0], s1  }
0x15b: {  	s1 =	ssub.s32 @!p0 $0x0, s1;
	[sflag:s0] =	ssyncset.done @!p0 $0x0  }
0x15c: {  	[sflag:s0] =	ssyncadd.s32 @!p0 s1  }
0x15d: {  	[bflag:$0x3] =	sbarrier.arrive $0xFFFF  }
0x15e: {  	_ =	shalt  }

// kernel: sparse-core-data-format-call.cloned.1.call-start
scs
called_computation_lowered:
.L_overlay_start_0:
0x0: {  	s2 =	sld [smem:$0x3FD9]  }
0x1: {  	s3 =	sld [smem:$0x3FFE];
	_ =	sdelay $0x1  }
0x2: {  	s1 =	srdreg.scid  }
0x3: {  	s0 =	sand.u32 $0x1, s1  }
0x4: {  	s18 =	sshll.u32 s0, $0xA;
	s2 =	sadd.s32 s3, s2  }
0x5: {  	s2 =	sadd.s32 s2, s18  }
0x6: {  	[smem:$0x3FC5] =	sst s2  }
0x7: {  	_ = 	snop  }
0x8: {  	s2 =	sld [smem:$0x3FC7];
	(tm) =	ssettm $0x1  }
0x9: {  	s19 =	sld [smem:$0x3FFB];
	_ =	sdelay $0x3  }
0xa: {  	_ =	strace s19  }
0xb: {  	s3 =	sld [smem:$0x3FFC];
	_ =	sdelay $0x3  }
0xc: {  	_ =	strace s3  }
0xd: {  	s3 =	sld [smem:$0x3FFD];
	_ =	sdelay $0x3  }
0xe: {  	_ =	strace s3  }
0xf: {  	_ =	strace $0x8FFFFFFF  }
0x10: {  	s20 =	sld [smem:$0x3FDB];
	_ =	sdelay $0x1  }
0x11: {  	s4 =	simm.s32 $_scs_section_size  }
0x12: {  	s5 =	simm.s32 $_size__tile_overlayer_lowered;
	s6 =	simm.s32 $_tile_overlayer_lowered  }
0x13: {  	s23 =	simm.s32 $0x1BFF;
	s22 =	sshll.u32 s6, $0x1;
	s3 =	sadd.s32 s4, s20  }
0x14: {  	s7 =	simm.s32 $0x0;
	s21 =	sshll.u32 s5, $0x1;
	s5 =	sadd.s32 s22, s3  }
0x15: {  	[timem:s7], [sflag:s23] =	dma.local [hbm:s5], s21  }
0x16: {  	_ =	swait.ge [sflag:s23], s21  }
0x17: {  	s4 =	ssub.s32 $0x0, s21;
	[sflag:s23] =	ssyncset.done $0x0  }
0x18: {  	[sflag:s23] =	ssyncadd.s32 s4;
	_ =	sdelay $0x1  }
0x19: {  	s24 =	simm.s32 $0x1B8B  }
0x1a: {  	_ =	swait.ge [sflag:s24], $0x1  }
0x1b: {  	[sflag:s24] =	ssyncset.done $0x0  }
0x1c: {  	s26 =	simm.s32 $0x1B8E;
	s25 =	sld [smem:$0x3FFE];
	[sflag:s24] =	ssyncadd.s32 $0xFFFFFFFF  }
0x1d: {  	s27 =	simm.s32 $execute0_lowered;
	[smem:$0x3FD2] =	sst s26  }
0x1e: {  	s5 =	sshll.u32 s27, $0x1;
	_ =	strace $0x80000046;
	[dreg:$0x1] =	wrdreg $0xFFFFFFFF  }
0x1f: {  	s28 =	simm.s32 $_size_execute0_lowered;
	s3 =	sadd.s32 s3, s5;
	[dreg:$0x0] =	wrdreg $0x0  }
0x20: {  	s5 =	sshll.u32 s28, $0x1;
	[dreg:$0x2] =	wrdreg s3  }
0x21: {  	[dreg:$0x3] =	wrdreg s5  }
0x22: {  	[dreg:$0x4] =	wrdreg $0xC0  }
0x23: {  	_ =	task [dreg:s7], $0x5FFFF  }
0x24: {  	[dreg:$0x1] =	wrdreg $0xFFFFFFFF  }
0x25: {  	[dreg:$0x0] =	wrdreg $0x60  }
0x26: {  	[dreg:$0x2] =	wrdreg s2  }
0x27: {  	[dreg:$0x3] =	wrdreg s25  }
0x28: {  	[dreg:$0x4] =	wrdreg $0x9  }
0x29: {  	_ =	task.clear_ibuf [dreg:s7], $0x5FFFF;
	_ =	strace $0x90000046  }
0x2a: {  	s29 =	simm.s32 $0x9;
	_ =	strace $0x80000048  }
0x2b: {  	_ =	swait.ge [sflag:s29], $0x1  }
0x2c: {  	[sflag:s29] =	ssyncadd.s32 $0xFFFFFFFF  }
0x2d: {  	_ =	strace $0x90000048  }
0x2e: {  	_ =	sfence  }
0x2f: {  	s30 =	sld [smem:$0x0];
	_ =	sdelay $0x2  }
0x30: {  	s31 =	sshll.u32 s1, $0xD;
	s1 =	sshrl.u32 s1, $0x2  }
0x31: {  	s3 =	sand.u32 $0x4000, s31;
	s1 =	sadd.s32 s1, s30  }
0x32: {  	s0 =	sor.u32 s3, s0;
	s1 =	sshll.u32 s1, $0x11  }
0x33: {  	s0 =	sor.u32 s1, s0  }
0x34: {  	s0 =	sadd.s32 $0x8F2B, s0  }
0x35: {  	[sflag:s0] =	ssyncadd.remote.s32 $0x1  }
0x36: {  	_ =	sfence.sel $0xFFFF  }
0x37: {  	[dreg:$0x0] =	wrdreg $0xFFFFFFFF;
	(pc) =	sbr.abs _section_cstart, $3  }
0x38: {  	[dreg:$0x1] =	wrdreg $0xFFFFFFFF  }
0x39: {  	_ =	task.clear_ibuf [dreg:s7], $0x2FFFF;
	_ =	strace $0x9FFFFFFF  }
0x3a: {  	(tm) =	ssettm $0x7FFFFFFF  }
0x3b: {  	_ =	shalt  }
tec
execute0_lowered:
.L_overlay_start_1:
0x0: {  	(tag) =	ssettag $0x1  }
0x1: {  	s0 =	srdreg.scid;
	s2 =	rddreg [dreg:$0x0]  }
0x2: {  	s5 =	rddreg [dreg:$0x1];
	s1 =	stileid.u32  }
0x3: {  	s4 =	simm.s32 $0x1;
	s6 =	simm.s32 $0x2;
	s15 =	simm.s32 $0x0  }
0x4: {  	p0 =	por $0x0, $0x0;
	s8 =	simm.s32 $0x80;
	s0 =	sshll.u32 s0, $0x4  }
0x5: {  	s14 =	simm.s32 $0x0;
	s9 =	simm.s32 $0x0;
	s3 =	sand.u32 $0x10, s0  }
.Ltmp0:
0x6: {  	s10 =	simm.s32 $0x0;
	s3 =	sor.u32 s1, s3;
	(pc) =	sbr.rel .LBB1_1-.Ltmp0, $4  }
0x7: {  	s0 =	rddreg [dreg:$0x2];
	_ =	strace $0x80000047;
	s3 =	sshll.u32 s3, $0x7  }
0x8: {  	s12 =	simm.s32 $0x0;
	[sflag:s4] =	ssyncpa.u1 $0x0;
	s7 =	ssub.s32 $0xF4200, s3  }
0x9: {  	s13 =	simm.s32 $0x0;
	[sflag:s6] =	ssyncpa.u1 $0x0;
	s6 =	sshrl.u32 s7, $0xC  }
0xa: {  	s5 =	sadd.s32 $0x1000, s5;
	s11 =	smov.u32 s3;
	s7 =	sadd.s32 $0x2, s6  }
.LBB1_5:
0xb: {  	p1 =	slt.u32 s13, $0x2  }
0xc: {  	s17 =	smov.u32 s15;
	p2 =	sgt.s32 @!p1 s15, $0xF41C0;
	s16 =	sshra.s32 @!p1 s15, $0x1F  }
0xd: {  	p3 =	sgt.s32 @!p1 s14, $0x40;
	s18 =	sshra.s32 @!p1 s14, $0x1F;
	p2 =	por !p2, p1  }
0xe: {  	s15 =	sand.u32 @!p1 s16, s15;
	p3 =	por !p3, p1;
	s16 =	smov.u32 s14  }
0xf: {  	s14 =	sand.u32 @!p1 s18, s14;
	s17 =	simm.s32 @p2 $0xF41C0;
	s16 =	simm.s32 @p3 $0x40  }
0x10: {  	s15 =	ssub.s32 @!p1 s17, s15;
	s14 =	ssub.s32 @!p1 s16, s14  }
0x11: {  	s18 =	smov.u32 s12;
	s16 =	sadd.s32 @!p1 $0xFFF0BE40, s15;
	s17 =	sadd.s32 @!p1 $0xFFFFFFC0, s14  }
0x12: {  	s15 =	ssub.s32 @!p1 $0xF4240, s15;
	p2 =	sgt.s32 @!p1 s16, $0x7F;
	p3 =	sgt.s32 @!p1 s17, $0x3F  }
0x13: {  	s14 =	ssub.s32 @!p1 $0x80, s14;
	p2 =	por !p2, p1;
	p3 =	por !p3, p1  }
0x14: {  	s16 =	sadd.s32 $0x1000, s11;
	s15 =	simm.s32 @!p2 $0x0;
	s14 =	simm.s32 @!p3 $0x0  }
0x15: {  	p2 =	sgt.s32 s16, $0xF423F;
	s14 =	smul.u32 @!p1 s14, s15;
	s15 =	sadd.s32 $0x40, s12  }
0x16: {  	s18 =	smov.u32 @p2 s15  }
0x17: {  	s16 =	smov.u32 @p2 s3;
	p2 =	sgt.s32 s18, $0x3F  }
0x18: {  	s18 =	simm.s32 @p2 $0x0;
	p2 =	sne.s32 s13, s7  }
.Ltmp1:
0x19: {  	p0 =	por !p0, !p0;
	s17 =	simm.s32 @!p1 $0x2;
	(pc) =	sbr.rel @!p2 .LBB1_6-.Ltmp1, $4  }
0x1a: {  	s15 =	smov.u32 s9;
	s9 =	smov.u32 s11;
	s14 =	sand.u32 @!p1 $0x3FFFFFFF, s14  }
0x1b: {  	s11 =	smov.u32 s16;
	_ =	swait.ge @!p1 [sflag:s17], s14;
	s19 =	ssub.s32 @!p1 $0x0, s14  }
0x1c: {  	s14 =	smov.u32 s10;
	s13 =	sadd.s32 $0x1, s13;
	[sflag:s17] =	ssyncset.done @!p1 $0x0  }
0x1d: {  	s10 =	smov.u32 s12;
	s12 =	smov.u32 s18;
	[sflag:s17] =	ssyncadd.s32 @!p1 s19  }
.LBB1_1:
0x1e: {  	p1 =	sgt.u32 s13, s6  }
0x1f: {  	s16 =	sshrl.u32 @!p1 s12, $0x3  }
0x20: {  	s17 =	sshll.u32 @!p1 s11, $0x3;
	s16 =	smul.u32 @!p1 $0x7A1400, s16  }
0x21: {  	s18 =	sshll.u32 @!p1 s12, $0x7;
	s17 =	sand.u32 @!p1 $0xFFFFFC00, s17  }
0x22: {  	s16 =	sadd.s32 @!p1 s16, s17;
	s17 =	sand.u32 @!p1 $0x380, s18  }
0x23: {  	s18 =	sand.u32 @!p1 $0x7F, s11;
	s16 =	sor.u32 @!p1 s17, s16  }
0x24: {  	s17 =	sor.u32 @!p1 s18, s16  }
0x25: {  	s18 =	smulhi.u32 @!p1 $0x218D6287, s17;
	_ =	sdelay $0x1  }
0x26: {  	s16 =	smulhi.u32 @!p1 $0x218D6287, s16;
	s18 =	sshrl.u32 @!p1 s18, $0x11  }
0x27: {  	s18 =	smul.u32 @!p1 $0xF4280, s18  }
0x28: {  	s19 =	sxor.u32 @!p1 $0xFFFFFFFF, s13;
	s16 =	sshrl.u32 @!p1 s16, $0x11  }
0x29: {  	s19 =	sshll.u32 @!p1 s19, $0xD;
	s16 =	sand.u32 @!p1 $0x3F, s16;
	s17 =	ssub.s32 @!p1 s17, s18  }
0x2a: {  	s16 =	smul.u32 @!p1 $0x1E850, s16;
	s18 =	sshrl.u32 @!p1 s17, $0x3;
	s17 =	sand.u32 @!p1 $0x7, s17  }
0x2b: {  	s19 =	sand.u32 @!p1 $0x2000, s19;
	s18 =	sadd.s32 @!p1 s2, s18;
	s17 =	sshll.u32 @!p1 s17, $0x12  }
0x2c: {  	s16 =	sadd.s32 @!p1 s16, s18;
	s17 =	sor.u32 @!p1 $0x400, s17;
	s18 =	simm.s32 @!p1 $0x7A1400  }
0x2d: {  	[tilespmem:s19], [sflag:$0x1] =	stream.strided.gather @!p1 [hbm4b:s16+s17], $0x2000, s18, s17, $0x38;
	[tilespmem:$0x8100] =	vst v63  }
0x2e: {  	p1 =	seq.s32 s13, $0x0  }
0x2f: {  	p2 =	sge.u32 @!p1 s13, s7  }
0x30: {  	p1 =	por p1, p2  }
.Ltmp2:
0x31: {  	_ = 	snop;
	(pc) =	sbr.rel @p1 .LBB1_5-.Ltmp2, $1  }
0x32: {  	_ =	sdelay $0x3  }
0x33: {  	s16 =	simm.s32 $0x1  }
0x34: {  	_ =	swait.ge [sflag:s4], $0x2000;
	s16 =	simm.s32 @!p0 $0x0  }
0x35: {  	[sflag:s4] =	ssyncset.done $0x0;
	s17 =	sshll.u32 s16, $0xD  }
0x36: {  	[sflag:s4] =	ssyncadd.s32 $0xFFFFE000;
	s17 =	sor.u32 $0x40, s17  }
0x37: {  	s16 =	smul.u32 $0x8200, s16;
	v0 =	vld [tilespmem:s17+$0x30]  }
0x38: {  	v1 =	vld [tilespmem:s17+$0xFFFFFFD0]  }
0x39: {  	s16 =	sshrl.u32 s16, $0x2;
	v5 =	vld [tilespmem:s17+$0xFFFFFFE0]  }
0x3a: {  	v6 =	vld [tilespmem:s17+$0xFFFFFFF0];
	s19 =	sor.u32 $0x4000, s16  }
0x3b: {  	s31 =	sand.u32 $0x1, s13;
	v4 =	vld [tilespmem:s17+$0x0];
	s18 =	sadd.s32 $0x0, s19  }
0x3c: {  	v3 =	vld [tilespmem:s17+$0x10];
	s16 =	smul.u32 $0x8200, s31;
	[tilespmem:s18+$0x1C70 ss:$0x41] =	vst.msk $0xffff, v0  }
0x3d: {  	v2 =	vld [tilespmem:s17+$0x20];
	[tilespmem:s18+$0x410 ss:$0x41] =	vst.msk $0xffff, v1  }
0x3e: {  	s16 =	sshrl.u32 s16, $0x2;
	v1 =	vld [tilespmem:s17+$0xFFFFFFC0];
	[tilespmem:s18+$0x820 ss:$0x41] =	vst.msk $0xffff, v5;
	s17 =	sadd.s32 $0x80, s17  }
0x3f: {  	s20 =	simm.s32 $0x4;
	s21 =	simm.s32 $0x8;
	s16 =	sor.u32 $0x4000, s16;
	[tilespmem:s18+$0xC30 ss:$0x41] =	vst.msk $0xffff, v6;
	v0 =	vld [tilespmem:s17+$0x30]  }
.LBB1_3:
0x40: {  	p1 =	sne.s32 s21, $0xFC;
	v5 =	vld [tilespmem:s17+$0xFFFFFFD0];
	[tilespmem:s18+$0x1040 ss:$0x41] =	vst.msk $0xffff, v4  }
0x41: {  	v6 =	vld [tilespmem:s17+$0xFFFFFFE0];
	[tilespmem:s18+$0x1450 ss:$0x41] =	vst.msk $0xffff, v3  }
0x42: {  	s22 =	sshra.s32 s20, $0x2;
	s20 =	smov.u32 s21;
	v7 =	vld [tilespmem:s17+$0xFFFFFFF0];
	[tilespmem:s18+$0x1860 ss:$0x41] =	vst.msk $0xffff, v2  }
.Ltmp3:
0x43: {  	v4 =	vld [tilespmem:s17+$0x0];
	[tilespmem:s18+$0x0 ss:$0x41] =	vst.msk $0xffff, v1;
	s18 =	sadd.s32 s22, s19;
	(pc) =	sbr.rel @p1 .LBB1_3-.Ltmp3, $4  }
0x44: {  	v3 =	vld [tilespmem:s17+$0x10];
	[tilespmem:s18+$0x1C70 ss:$0x41] =	vst.msk $0xffff, v0  }
0x45: {  	[tilespmem:s18+$0x410 ss:$0x41] =	vst.msk $0xffff, v5;
	v2 =	vld [tilespmem:s17+$0x20]  }
0x46: {  	v1 =	vld [tilespmem:s17+$0xFFFFFFC0];
	[tilespmem:s18+$0x820 ss:$0x41] =	vst.msk $0xffff, v6;
	s17 =	sadd.s32 $0x80, s17  }
0x47: {  	s21 =	sadd.s32 $0x4, s21;
	v0 =	vld [tilespmem:s17+$0x30];
	[tilespmem:s18+$0xC30 ss:$0x41] =	vst.msk $0xffff, v7  }
0x48: {  	s21 =	sshll.u32 s9, $0x7;
	s22 =	sshll.u32 s10, $0x3;
	s20 =	sshra.s32 s20, $0x2  }
0x49: {  	p1 =	sgt.s32 s9, $0xF41C0;
	s30 =	sshra.s32 s9, $0x1F;
	s25 =	sshra.s32 s10, $0x1F  }
0x4a: {  	v5 =	vld [tilespmem:s17+$0xFFFFFFD0];
	s28 =	sshrl.u32 s10, $0x3;
	s23 =	sand.u32 $0xFFFFFC00, s21;
	s22 =	sand.u32 $0xFFFFFC00, s22  }
0x4b: {  	[tilespmem:s18+$0x1040 ss:$0x41] =	vst.msk $0xffff, v4;
	v58 =	vld [tilespmem:s17+$0xFFFFFFE0];
	s21 =	sand.u32 $0x380, s21;
	s19 =	sadd.s32 s20, s19;
	s22 =	sadd.s32 s22, s23  }
0x4c: {  	v59 =	vld [tilespmem:s17+$0xFFFFFFF0];
	[tilespmem:s18+$0x1450 ss:$0x41] =	vst.msk $0xffff, v3;
	s29 =	sor.u32 s21, s22;
	s21 =	smov.u32 s9;
	s22 =	sand.u32 s30, s9  }
0x4d: {  	v60 =	vld [tilespmem:s17+$0x0];
	[tilespmem:s18+$0x1860 ss:$0x41] =	vst.msk $0xffff, v2;
	s30 =	sand.u32 $0x7, s10;
	s20 =	sshrl.u32 s29, $0x7;
	s21 =	simm.s32 @!p1 $0xF41C0  }
0x4e: {  	v61 =	vld [tilespmem:s17+$0x10];
	[tilespmem:s18+$0x0 ss:$0x41] =	vst.msk $0xffff, v1;
	p1 =	sgt.s32 s10, $0x40;
	s24 =	ssub.s32 s21, s22;
	s21 =	smov.u32 s10  }
0x4f: {  	v62 =	vld [tilespmem:s17+$0x20];
	[tilespmem:s19+$0x1C70 ss:$0x41] =	vst.msk $0xffff, v0;
	s31 =	smulhi.u32 $0x218DEF5, s20;
	s22 =	sand.u32 s25, s10;
	s21 =	simm.s32 @!p1 $0x40  }
0x50: {  	v63 =	vld [tilespmem:s17+$0xFFFFFFC0];
	[tilespmem:s19+$0x410 ss:$0x41] =	vst.msk $0xffff, v5;
	s26 =	sadd.s32 $0xFFF0BE40, s24;
	s17 =	ssub.s32 $0xF4240, s24;
	s21 =	ssub.s32 s21, s22  }
0x51: {  	[tilespmem:s19+$0x820 ss:$0x41] =	vst.msk $0xffff, v58;
	s23 =	sshrl.u32 s31, $0xD;
	p1 =	sgt.s32 s26, $0x7F;
	s27 =	sadd.s32 $0xFFFFFFC0, s21  }
0x52: {  	[tilespmem:s19+$0xC30 ss:$0x41] =	vst.msk $0xffff, v59;
	s23 =	smul.u32 $0xF4240, s23;
	s18 =	ssub.s32 $0x80, s21;
	p2 =	sgt.s32 s27, $0x3F  }
.Ltmp4:
0x53: {  	[tilespmem:s19+$0x1040 ss:$0x41] =	vst.msk $0xffff, v60;
	s17 =	simm.s32 @p1 $0x0;
	s18 =	simm.s32 @p2 $0x0;
	(pc) =	sbr.rel .LBB1_5-.Ltmp4, $4  }
0x54: {  	s29 =	sand.u32 $0xF, s28;
	[tilespmem:s19+$0x1450 ss:$0x41] =	vst.msk $0xffff, v61;
	s20 =	ssub.s32 s20, s23;
	s17 =	smul.u32 s18, s17  }
0x55: {  	[tilespmem:s19+$0x1860 ss:$0x41] =	vst.msk $0xffff, v62;
	s21 =	sshll.u32 s30, $0x12;
	s20 =	sshll.u32 s20, $0x4;
	s18 =	sadd.s32 s5, s29  }
0x56: {  	[tilespmem:s19+$0x0 ss:$0x41] =	vst.msk $0xffff, v63;
	s31 =	sor.u32 $0x40, s21;
	s18 =	sadd.s32 s20, s18;
	s17 =	sand.u32 $0x3FFFFFFF, s17  }
0x57: {  	[hbm4b:s18+s31] =	stream.strided.scatter [tilespmem:s16], [sflag:$0x2], s17, s8, s31, $0x18;
	[tilespmem:$0x8100] =	vst v63  }
.LBB1_6:
0x58: {  	_ =	sfence.sel $0x180000  }
0x59: {  	s2 =	simm.s32 $0x1;
	[bflag:$0x0] =	sbarrier.arrive $0xFFFF  }
0x5a: {  	s31 =	simm.s32 $0x2;
	[sflag:s2] =	ssyncpa.u1 $0x1  }
0x5b: {  	[sflag:s31] =	ssyncpa.u1 $0x1  }
0x5c: {  	p0 =	sne.s32 s1, $0x0;
	_ =	strace $0x90000047  }
0x5d: {  	s0 =	sadd.s32 @!p0 $0x100000, s0;
	[bflag:$0x2] =	sbarrier.arrive $0xFFFF  }
0x5e: {  	[sflag:s0] =	ssyncadd.tile.s32 @!p0 $0x1;
	_ =	shalt  }
.Lfunc_end1:
_tile_overlayer_lowered:
.L_overlay_start_2:
0x5f: {  	(tag) =	ssettag $0x2  }
0x60: {  	s0 =	rddreg [dreg:$0x0];
	s2 =	stileid.u32  }
0x61: {  	s1 =	rddreg [dreg:$0x1];
	p0 =	sne.s32 s2, $0x0  }
0x62: {  	s3 =	rddreg [dreg:$0x2];
	[bflag:$0x3] =	sbarrier.arrive $0xFFFF;
	s2 =	simm.s32 @!p0 $0x1C01  }
0x63: {  	[timem:s3], [sflag:s2] =	dma.local @!p0 [hbm:s0], s1  }
0x64: {  	s0 =	simm.s32 @!p0 $0x1  }
0x65: {  	_ =	swait.ge @!p0 [sflag:s0], s1  }
0x66: {  	s1 =	ssub.s32 @!p0 $0x0, s1;
	[sflag:s0] =	ssyncset.done @!p0 $0x0  }
0x67: {  	[sflag:s0] =	ssyncadd.s32 @!p0 s1  }
0x68: {  	[bflag:$0x3] =	sbarrier.arrive $0xFFFF  }
0x69: {  	_ =	shalt  }

</sc_bundles>
